<compile_context>
chip_gen: v7x
topology: tpu7x:2x2x1
jax: 0.10.2.dev20260603
libtpu: 0.0.44.dev20260713+nightly
codegen_flags: <defaults>
</compile_context>

<pallas_src>
import functools

import jax
import jax.numpy as jnp
from jax import lax
from jax.experimental import pallas as pl
from jax.experimental.pallas import tpu as pltpu
from jax.experimental.pallas import tpu_sc as plsc

B, S, D = 4, 4096, 1024
L = 16
PPR = D // L

_info = plsc.get_sparse_core_info()
NC, NS = _info.num_cores, _info.num_subcores
NW = NC * NS
S_PER_W = S // NW
CHUNK = 8
N_CHUNKS = S_PER_W // CHUNK
DEPTH = 3

_mesh = plsc.VectorSubcoreMesh(core_axis_name="c", subcore_axis_name="s")


@functools.partial(
    pl.kernel,
    mesh=_mesh,
    out_type=jax.ShapeDtypeStruct((B * S, D), jnp.float32),
    scratch_types=(
        [pltpu.VMEM((CHUNK, D), jnp.float32) for _ in range(DEPTH)]
        + [pltpu.VMEM((CHUNK, D), jnp.float32) for _ in range(DEPTH * B)]
        + [pltpu.SemaphoreType.DMA for _ in range(DEPTH * (1 + 2 * B))]
    ),
)
def _sc_add(x_hbm, pos_hbm, out_hbm, *scr):
    pos_bufs = list(scr[0:DEPTH])
    x_bufs = [list(scr[DEPTH + p * B:DEPTH + (p + 1) * B])
              for p in range(DEPTH)]
    sems = scr[DEPTH + DEPTH * B:]
    pos_sems = list(sems[0:DEPTH])
    in_sems = [list(sems[DEPTH + p * B:DEPTH + (p + 1) * B])
               for p in range(DEPTH)]
    off = DEPTH + DEPTH * B
    out_sems = [list(sems[off + p * B:off + (p + 1) * B])
                for p in range(DEPTH)]

    wid = lax.axis_index("s") * NC + lax.axis_index("c")
    s_base = wid * S_PER_W

    def start_pos(c):
        p = c % DEPTH
        return pltpu.async_copy(
            pos_hbm.at[pl.ds(s_base + c * CHUNK, CHUNK)], pos_bufs[p],
            pos_sems[p])

    def start_in(c, b):
        p = c % DEPTH
        row = b * S + s_base + c * CHUNK
        return pltpu.async_copy(
            x_hbm.at[pl.ds(row, CHUNK)], x_bufs[p][b], in_sems[p][b])

    def start_out(c, b):
        p = c % DEPTH
        row = b * S + s_base + c * CHUNK
        return pltpu.async_copy(
            x_bufs[p][b], out_hbm.at[pl.ds(row, CHUNK)], out_sems[p][b])

    pos_h = [None] * DEPTH
    in_h = [[None] * B for _ in range(DEPTH)]
    out_h = [[None] * B for _ in range(DEPTH)]
    for c in range(DEPTH - 1):
        pos_h[c] = start_pos(c)
        for b in range(B):
            in_h[c][b] = start_in(c, b)

    for c in range(N_CHUNKS):
        par = c % DEPTH
        nc = c + DEPTH - 1
        if nc < N_CHUNKS:
            npar = nc % DEPTH
            for b in range(B):
                if out_h[npar][b] is not None:
                    out_h[npar][b].wait()
                in_h[npar][b] = start_in(nc, b)
            pos_h[npar] = start_pos(nc)
        pos_h[par].wait()
        for b in range(B):
            in_h[par][b].wait()

        xb, pos_v = x_bufs[par], pos_bufs[par]

        @plsc.parallel_loop(0, CHUNK * PPR, step=1, unroll=4)
        def _add(i):
            r = i // PPR
            col = (i % PPR) * L
            p = pos_v[r, pl.ds(col, L)]
            for b in range(B):
                plsc.addupdate(xb[b].at[r, pl.ds(col, L)], p)

        for b in range(B):
            out_h[par][b] = start_out(c, b)

    for hs in out_h:
        for h in hs:
            if h is not None:
                h.wait()


def kernel(x, pos_table):
    out = _sc_add(x.reshape(B * S, D), pos_table)
    return out.reshape(x.shape)

# --- scband reference (transcript-rebuilt; emitter-appended) ---
"""Pipeline reference for scband-position-embedding-88957362635319 (READ-ONLY COPY).

The authoritative reference and input builder live on the scoring server;
editing this copy changes nothing except your own understanding.
"""

import jax, jax.numpy as jnp
import numpy as np

SEQ_LEN = 4096
OUT_DIM = 1024

def _get_position_embedding_matrix(sequence_length, output_dim, n=10000):
    i = np.arange(output_dim // 2)
    denominator = np.power(float(n), 2.0 * i / output_dim)
    k = np.arange(sequence_length, dtype=np.float32)[:, None]
    angles = k / denominator[None, :]
    result = np.zeros((sequence_length, output_dim), dtype=np.float32)
    result[:, 0::2] = np.sin(angles)
    result[:, 1::2] = np.cos(angles)
    return result

def setup_inputs(seed: int = 0) -> dict:
    key = jax.random.key(seed)
    x = jax.random.normal(key, (4, SEQ_LEN, OUT_DIM), dtype=jnp.float32)
    pos_table = jnp.asarray(_get_position_embedding_matrix(SEQ_LEN, OUT_DIM))
    return {"x": x, "pos_table": pos_table}

def reference(x, pos_table):
    # sequence = range(0, seq_len); embedding lookup of all positions
    sequence = jnp.arange(SEQ_LEN)
    position_embedding = jnp.take(pos_table, sequence, axis=0)  # [S, D]
    position_embedding = position_embedding[None, :, :]          # [1, S, D]
    position_embedding = jnp.tile(position_embedding, (x.shape[0], 1, 1))
    return x + position_embedding

if __name__ == "__main__":
    import jax
    _d = setup_inputs()
    print(jax.jit(kernel)(*tuple(_d.values())))

</pallas_src>

<mosaic_0001>
#map = affine_map<(d0, d1) -> (0, 0)>
module attributes {stable_mosaic.version = 14 : i64} {
  func.func @_sc_add(%arg0: i32, %arg1: i32, %arg2: memref<16384x1024xf32, #tpu.memory_space<hbm>>, %arg3: memref<4096x1024xf32, #tpu.memory_space<hbm>>, %arg4: memref<16384x1024xf32, #tpu.memory_space<hbm>>, %arg5: memref<8x1024xf32, #tpu.memory_space<vmem>>, %arg6: memref<8x1024xf32, #tpu.memory_space<vmem>>, %arg7: memref<8x1024xf32, #tpu.memory_space<vmem>>, %arg8: memref<8x1024xf32, #tpu.memory_space<vmem>>, %arg9: memref<8x1024xf32, #tpu.memory_space<vmem>>, %arg10: memref<8x1024xf32, #tpu.memory_space<vmem>>, %arg11: memref<8x1024xf32, #tpu.memory_space<vmem>>, %arg12: memref<8x1024xf32, #tpu.memory_space<vmem>>, %arg13: memref<8x1024xf32, #tpu.memory_space<vmem>>, %arg14: memref<8x1024xf32, #tpu.memory_space<vmem>>, %arg15: memref<8x1024xf32, #tpu.memory_space<vmem>>, %arg16: memref<8x1024xf32, #tpu.memory_space<vmem>>, %arg17: memref<8x1024xf32, #tpu.memory_space<vmem>>, %arg18: memref<8x1024xf32, #tpu.memory_space<vmem>>, %arg19: memref<8x1024xf32, #tpu.memory_space<vmem>>, %arg20: memref<!tpu.dma_semaphore, #tpu.memory_space<semaphore_mem>>, %arg21: memref<!tpu.dma_semaphore, #tpu.memory_space<semaphore_mem>>, %arg22: memref<!tpu.dma_semaphore, #tpu.memory_space<semaphore_mem>>, %arg23: memref<!tpu.dma_semaphore, #tpu.memory_space<semaphore_mem>>, %arg24: memref<!tpu.dma_semaphore, #tpu.memory_space<semaphore_mem>>, %arg25: memref<!tpu.dma_semaphore, #tpu.memory_space<semaphore_mem>>, %arg26: memref<!tpu.dma_semaphore, #tpu.memory_space<semaphore_mem>>, %arg27: memref<!tpu.dma_semaphore, #tpu.memory_space<semaphore_mem>>, %arg28: memref<!tpu.dma_semaphore, #tpu.memory_space<semaphore_mem>>, %arg29: memref<!tpu.dma_semaphore, #tpu.memory_space<semaphore_mem>>, %arg30: memref<!tpu.dma_semaphore, #tpu.memory_space<semaphore_mem>>, %arg31: memref<!tpu.dma_semaphore, #tpu.memory_space<semaphore_mem>>, %arg32: memref<!tpu.dma_semaphore, #tpu.memory_space<semaphore_mem>>, %arg33: memref<!tpu.dma_semaphore, #tpu.memory_space<semaphore_mem>>, %arg34: memref<!tpu.dma_semaphore, #tpu.memory_space<semaphore_mem>>, %arg35: memref<!tpu.dma_semaphore, #tpu.memory_space<semaphore_mem>>, %arg36: memref<!tpu.dma_semaphore, #tpu.memory_space<semaphore_mem>>, %arg37: memref<!tpu.dma_semaphore, #tpu.memory_space<semaphore_mem>>, %arg38: memref<!tpu.dma_semaphore, #tpu.memory_space<semaphore_mem>>, %arg39: memref<!tpu.dma_semaphore, #tpu.memory_space<semaphore_mem>>, %arg40: memref<!tpu.dma_semaphore, #tpu.memory_space<semaphore_mem>>, %arg41: memref<!tpu.dma_semaphore, #tpu.memory_space<semaphore_mem>>, %arg42: memref<!tpu.dma_semaphore, #tpu.memory_space<semaphore_mem>>, %arg43: memref<!tpu.dma_semaphore, #tpu.memory_space<semaphore_mem>>, %arg44: memref<!tpu.dma_semaphore, #tpu.memory_space<semaphore_mem>>, %arg45: memref<!tpu.dma_semaphore, #tpu.memory_space<semaphore_mem>>, %arg46: memref<!tpu.dma_semaphore, #tpu.memory_space<semaphore_mem>>) attributes {dimension_semantics = [#tpu.dimension_semantics<core_parallel>, #tpu.dimension_semantics<subcore_parallel>], iteration_bounds = array<i64: 2, 16>, scalar_prefetch = 0 : i64, scratch_operands = 42 : i64, tpu.core_type = #tpu.core_type<sc_vector_subcore>, window_params = [{transform_indices = #map}, {transform_indices = #map}, {transform_indices = #map}]} {
    %mul3A = arith.constant 2 : i32
    %mul3A_0 = arith.muli %arg1, %mul3A : i32
    %add3A = arith.addi %mul3A_0, %arg0 : i32
    %mul3A_1 = arith.constant 128 : i32
    %mul3A_2 = arith.muli %add3A, %mul3A_1 : i32
    %add3A_3 = arith.constant 0 : i32
    %add3A_4 = arith.addi %mul3A_2, %add3A_3 : i32
    %dma_start3A = arith.constant 0 : i32
    %dma_start3A_5 = tpu.memref_slice %arg3[%add3A_4, %dma_start3A] : memref<4096x1024xf32, #tpu.memory_space<hbm>> -> memref<8x1024xf32, #tpu.memory_space<hbm>>
    %dma_start3A_6 = arith.constant 0 : i32
    %dma_start3A_7 = tpu.memref_slice %arg3[%add3A_4, %dma_start3A_6] : memref<4096x1024xf32, #tpu.memory_space<hbm>> -> memref<8x1024xf32, #tpu.memory_space<hbm>>
    tpu.enqueue_dma source(%dma_start3A_7 : memref<8x1024xf32, #tpu.memory_space<hbm>>) target(%arg5 : memref<8x1024xf32, #tpu.memory_space<vmem>>) target_semaphore(%arg20 : memref<!tpu.dma_semaphore, #tpu.memory_space<semaphore_mem>>)
    %add3A_8 = arith.constant 0 : i32
    %add3A_9 = arith.addi %add3A_8, %mul3A_2 : i32
    %add3A_10 = arith.constant 0 : i32
    %add3A_11 = arith.addi %add3A_9, %add3A_10 : i32
    %dma_start3A_12 = arith.constant 0 : i32
    %dma_start3A_13 = tpu.memref_slice %arg2[%add3A_11, %dma_start3A_12] : memref<16384x1024xf32, #tpu.memory_space<hbm>> -> memref<8x1024xf32, #tpu.memory_space<hbm>>
    %dma_start3A_14 = arith.constant 0 : i32
    %dma_start3A_15 = tpu.memref_slice %arg2[%add3A_11, %dma_start3A_14] : memref<16384x1024xf32, #tpu.memory_space<hbm>> -> memref<8x1024xf32, #tpu.memory_space<hbm>>
    tpu.enqueue_dma source(%dma_start3A_15 : memref<8x1024xf32, #tpu.memory_space<hbm>>) target(%arg8 : memref<8x1024xf32, #tpu.memory_space<vmem>>) target_semaphore(%arg23 : memref<!tpu.dma_semaphore, #tpu.memory_space<semaphore_mem>>)
    %add3A_16 = arith.constant 4096 : i32
    %add3A_17 = arith.addi %add3A_16, %mul3A_2 : i32
    %add3A_18 = arith.constant 0 : i32
    %add3A_19 = arith.addi %add3A_17, %add3A_18 : i32
    %dma_start3A_20 = arith.constant 0 : i32
    %dma_start3A_21 = tpu.memref_slice %arg2[%add3A_19, %dma_start3A_20] : memref<16384x1024xf32, #tpu.memory_space<hbm>> -> memref<8x1024xf32, #tpu.memory_space<hbm>>
    %dma_start3A_22 = arith.constant 0 : i32
    %dma_start3A_23 = tpu.memref_slice %arg2[%add3A_19, %dma_start3A_22] : memref<16384x1024xf32, #tpu.memory_space<hbm>> -> memref<8x1024xf32, #tpu.memory_space<hbm>>
    tpu.enqueue_dma source(%dma_start3A_23 : memref<8x1024xf32, #tpu.memory_space<hbm>>) target(%arg9 : memref<8x1024xf32, #tpu.memory_space<vmem>>) target_semaphore(%arg24 : memref<!tpu.dma_semaphore, #tpu.memory_space<semaphore_mem>>)
    %add3A_24 = arith.constant 8192 : i32
    %add3A_25 = arith.addi %add3A_24, %mul3A_2 : i32
    %add3A_26 = arith.constant 0 : i32
    %add3A_27 = arith.addi %add3A_25, %add3A_26 : i32
    %dma_start3A_28 = arith.constant 0 : i32
    %dma_start3A_29 = tpu.memref_slice %arg2[%add3A_27, %dma_start3A_28] : memref<16384x1024xf32, #tpu.memory_space<hbm>> -> memref<8x1024xf32, #tpu.memory_space<hbm>>
    %dma_start3A_30 = arith.constant 0 : i32
    %dma_start3A_31 = tpu.memref_slice %arg2[%add3A_27, %dma_start3A_30] : memref<16384x1024xf32, #tpu.memory_space<hbm>> -> memref<8x1024xf32, #tpu.memory_space<hbm>>
    tpu.enqueue_dma source(%dma_start3A_31 : memref<8x1024xf32, #tpu.memory_space<hbm>>) target(%arg10 : memref<8x1024xf32, #tpu.memory_space<vmem>>) target_semaphore(%arg25 : memref<!tpu.dma_semaphore, #tpu.memory_space<semaphore_mem>>)
    %add3A_32 = arith.constant 12288 : i32
    %add3A_33 = arith.addi %add3A_32, %mul3A_2 : i32
    %add3A_34 = arith.constant 0 : i32
    %add3A_35 = arith.addi %add3A_33, %add3A_34 : i32
    %dma_start3A_36 = arith.constant 0 : i32
    %dma_start3A_37 = tpu.memref_slice %arg2[%add3A_35, %dma_start3A_36] : memref<16384x1024xf32, #tpu.memory_space<hbm>> -> memref<8x1024xf32, #tpu.memory_space<hbm>>
    %dma_start3A_38 = arith.constant 0 : i32
    %dma_start3A_39 = tpu.memref_slice %arg2[%add3A_35, %dma_start3A_38] : memref<16384x1024xf32, #tpu.memory_space<hbm>> -> memref<8x1024xf32, #tpu.memory_space<hbm>>
    tpu.enqueue_dma source(%dma_start3A_39 : memref<8x1024xf32, #tpu.memory_space<hbm>>) target(%arg11 : memref<8x1024xf32, #tpu.memory_space<vmem>>) target_semaphore(%arg26 : memref<!tpu.dma_semaphore, #tpu.memory_space<semaphore_mem>>)
    %add3A_40 = arith.constant 8 : i32
    %add3A_41 = arith.addi %mul3A_2, %add3A_40 : i32
    %dma_start3A_42 = arith.constant 0 : i32
    %dma_start3A_43 = tpu.memref_slice %arg3[%add3A_41, %dma_start3A_42] : memref<4096x1024xf32, #tpu.memory_space<hbm>> -> memref<8x1024xf32, #tpu.memory_space<hbm>>
    %dma_start3A_44 = arith.constant 0 : i32
    %dma_start3A_45 = tpu.memref_slice %arg3[%add3A_41, %dma_start3A_44] : memref<4096x1024xf32, #tpu.memory_space<hbm>> -> memref<8x1024xf32, #tpu.memory_space<hbm>>
    tpu.enqueue_dma source(%dma_start3A_45 : memref<8x1024xf32, #tpu.memory_space<hbm>>) target(%arg6 : memref<8x1024xf32, #tpu.memory_space<vmem>>) target_semaphore(%arg21 : memref<!tpu.dma_semaphore, #tpu.memory_space<semaphore_mem>>)
    %add3A_46 = arith.constant 0 : i32
    %add3A_47 = arith.addi %add3A_46, %mul3A_2 : i32
    %add3A_48 = arith.constant 8 : i32
    %add3A_49 = arith.addi %add3A_47, %add3A_48 : i32
    %dma_start3A_50 = arith.constant 0 : i32
    %dma_start3A_51 = tpu.memref_slice %arg2[%add3A_49, %dma_start3A_50] : memref<16384x1024xf32, #tpu.memory_space<hbm>> -> memref<8x1024xf32, #tpu.memory_space<hbm>>
    %dma_start3A_52 = arith.constant 0 : i32
    %dma_start3A_53 = tpu.memref_slice %arg2[%add3A_49, %dma_start3A_52] : memref<16384x1024xf32, #tpu.memory_space<hbm>> -> memref<8x1024xf32, #tpu.memory_space<hbm>>
    tpu.enqueue_dma source(%dma_start3A_53 : memref<8x1024xf32, #tpu.memory_space<hbm>>) target(%arg12 : memref<8x1024xf32, #tpu.memory_space<vmem>>) target_semaphore(%arg27 : memref<!tpu.dma_semaphore, #tpu.memory_space<semaphore_mem>>)
    %add3A_54 = arith.constant 4096 : i32
    %add3A_55 = arith.addi %add3A_54, %mul3A_2 : i32
    %add3A_56 = arith.constant 8 : i32
    %add3A_57 = arith.addi %add3A_55, %add3A_56 : i32
    %dma_start3A_58 = arith.constant 0 : i32
    %dma_start3A_59 = tpu.memref_slice %arg2[%add3A_57, %dma_start3A_58] : memref<16384x1024xf32, #tpu.memory_space<hbm>> -> memref<8x1024xf32, #tpu.memory_space<hbm>>
    %dma_start3A_60 = arith.constant 0 : i32
    %dma_start3A_61 = tpu.memref_slice %arg2[%add3A_57, %dma_start3A_60] : memref<16384x1024xf32, #tpu.memory_space<hbm>> -> memref<8x1024xf32, #tpu.memory_space<hbm>>
    tpu.enqueue_dma source(%dma_start3A_61 : memref<8x1024xf32, #tpu.memory_space<hbm>>) target(%arg13 : memref<8x1024xf32, #tpu.memory_space<vmem>>) target_semaphore(%arg28 : memref<!tpu.dma_semaphore, #tpu.memory_space<semaphore_mem>>)
    %add3A_62 = arith.constant 8192 : i32
    %add3A_63 = arith.addi %add3A_62, %mul3A_2 : i32
    %add3A_64 = arith.constant 8 : i32
    %add3A_65 = arith.addi %add3A_63, %add3A_64 : i32
    %dma_start3A_66 = arith.constant 0 : i32
    %dma_start3A_67 = tpu.memref_slice %arg2[%add3A_65, %dma_start3A_66] : memref<16384x1024xf32, #tpu.memory_space<hbm>> -> memref<8x1024xf32, #tpu.memory_space<hbm>>
    %dma_start3A_68 = arith.constant 0 : i32
    %dma_start3A_69 = tpu.memref_slice %arg2[%add3A_65, %dma_start3A_68] : memref<16384x1024xf32, #tpu.memory_space<hbm>> -> memref<8x1024xf32, #tpu.memory_space<hbm>>
    tpu.enqueue_dma source(%dma_start3A_69 : memref<8x1024xf32, #tpu.memory_space<hbm>>) target(%arg14 : memref<8x1024xf32, #tpu.memory_space<vmem>>) target_semaphore(%arg29 : memref<!tpu.dma_semaphore, #tpu.memory_space<semaphore_mem>>)
    %add3A_70 = arith.constant 12288 : i32
    %add3A_71 = arith.addi %add3A_70, %mul3A_2 : i32
    %add3A_72 = arith.constant 8 : i32
    %add3A_73 = arith.addi %add3A_71, %add3A_72 : i32
    %dma_start3A_74 = arith.constant 0 : i32
    %dma_start3A_75 = tpu.memref_slice %arg2[%add3A_73, %dma_start3A_74] : memref<16384x1024xf32, #tpu.memory_space<hbm>> -> memref<8x1024xf32, #tpu.memory_space<hbm>>
    %dma_start3A_76 = arith.constant 0 : i32
    %dma_start3A_77 = tpu.memref_slice %arg2[%add3A_73, %dma_start3A_76] : memref<16384x1024xf32, #tpu.memory_space<hbm>> -> memref<8x1024xf32, #tpu.memory_space<hbm>>
    tpu.enqueue_dma source(%dma_start3A_77 : memref<8x1024xf32, #tpu.memory_space<hbm>>) target(%arg15 : memref<8x1024xf32, #tpu.memory_space<vmem>>) target_semaphore(%arg30 : memref<!tpu.dma_semaphore, #tpu.memory_space<semaphore_mem>>)
    %add3A_78 = arith.constant 0 : i32
    %add3A_79 = arith.addi %add3A_78, %mul3A_2 : i32
    %add3A_80 = arith.constant 16 : i32
    %add3A_81 = arith.addi %add3A_79, %add3A_80 : i32
    %dma_start3A_82 = arith.constant 0 : i32
    %dma_start3A_83 = tpu.memref_slice %arg2[%add3A_81, %dma_start3A_82] : memref<16384x1024xf32, #tpu.memory_space<hbm>> -> memref<8x1024xf32, #tpu.memory_space<hbm>>
    %dma_start3A_84 = arith.constant 0 : i32
    %dma_start3A_85 = tpu.memref_slice %arg2[%add3A_81, %dma_start3A_84] : memref<16384x1024xf32, #tpu.memory_space<hbm>> -> memref<8x1024xf32, #tpu.memory_space<hbm>>
    tpu.enqueue_dma source(%dma_start3A_85 : memref<8x1024xf32, #tpu.memory_space<hbm>>) target(%arg16 : memref<8x1024xf32, #tpu.memory_space<vmem>>) target_semaphore(%arg31 : memref<!tpu.dma_semaphore, #tpu.memory_space<semaphore_mem>>)
    %add3A_86 = arith.constant 4096 : i32
    %add3A_87 = arith.addi %add3A_86, %mul3A_2 : i32
    %add3A_88 = arith.constant 16 : i32
    %add3A_89 = arith.addi %add3A_87, %add3A_88 : i32
    %dma_start3A_90 = arith.constant 0 : i32
    %dma_start3A_91 = tpu.memref_slice %arg2[%add3A_89, %dma_start3A_90] : memref<16384x1024xf32, #tpu.memory_space<hbm>> -> memref<8x1024xf32, #tpu.memory_space<hbm>>
    %dma_start3A_92 = arith.constant 0 : i32
    %dma_start3A_93 = tpu.memref_slice %arg2[%add3A_89, %dma_start3A_92] : memref<16384x1024xf32, #tpu.memory_space<hbm>> -> memref<8x1024xf32, #tpu.memory_space<hbm>>
    tpu.enqueue_dma source(%dma_start3A_93 : memref<8x1024xf32, #tpu.memory_space<hbm>>) target(%arg17 : memref<8x1024xf32, #tpu.memory_space<vmem>>) target_semaphore(%arg32 : memref<!tpu.dma_semaphore, #tpu.memory_space<semaphore_mem>>)
    %add3A_94 = arith.constant 8192 : i32
    %add3A_95 = arith.addi %add3A_94, %mul3A_2 : i32
    %add3A_96 = arith.constant 16 : i32
    %add3A_97 = arith.addi %add3A_95, %add3A_96 : i32
    %dma_start3A_98 = arith.constant 0 : i32
    %dma_start3A_99 = tpu.memref_slice %arg2[%add3A_97, %dma_start3A_98] : memref<16384x1024xf32, #tpu.memory_space<hbm>> -> memref<8x1024xf32, #tpu.memory_space<hbm>>
    %dma_start3A_100 = arith.constant 0 : i32
    %dma_start3A_101 = tpu.memref_slice %arg2[%add3A_97, %dma_start3A_100] : memref<16384x1024xf32, #tpu.memory_space<hbm>> -> memref<8x1024xf32, #tpu.memory_space<hbm>>
    tpu.enqueue_dma source(%dma_start3A_101 : memref<8x1024xf32, #tpu.memory_space<hbm>>) target(%arg18 : memref<8x1024xf32, #tpu.memory_space<vmem>>) target_semaphore(%arg33 : memref<!tpu.dma_semaphore, #tpu.memory_space<semaphore_mem>>)
    %add3A_102 = arith.constant 12288 : i32
    %add3A_103 = arith.addi %add3A_102, %mul3A_2 : i32
    %add3A_104 = arith.constant 16 : i32
    %add3A_105 = arith.addi %add3A_103, %add3A_104 : i32
    %dma_start3A_106 = arith.constant 0 : i32
    %dma_start3A_107 = tpu.memref_slice %arg2[%add3A_105, %dma_start3A_106] : memref<16384x1024xf32, #tpu.memory_space<hbm>> -> memref<8x1024xf32, #tpu.memory_space<hbm>>
    %dma_start3A_108 = arith.constant 0 : i32
    %dma_start3A_109 = tpu.memref_slice %arg2[%add3A_105, %dma_start3A_108] : memref<16384x1024xf32, #tpu.memory_space<hbm>> -> memref<8x1024xf32, #tpu.memory_space<hbm>>
    tpu.enqueue_dma source(%dma_start3A_109 : memref<8x1024xf32, #tpu.memory_space<hbm>>) target(%arg19 : memref<8x1024xf32, #tpu.memory_space<vmem>>) target_semaphore(%arg34 : memref<!tpu.dma_semaphore, #tpu.memory_space<semaphore_mem>>)
    %add3A_110 = arith.constant 16 : i32
    %add3A_111 = arith.addi %mul3A_2, %add3A_110 : i32
    %dma_start3A_112 = arith.constant 0 : i32
    %dma_start3A_113 = tpu.memref_slice %arg3[%add3A_111, %dma_start3A_112] : memref<4096x1024xf32, #tpu.memory_space<hbm>> -> memref<8x1024xf32, #tpu.memory_space<hbm>>
    %dma_start3A_114 = arith.constant 0 : i32
    %dma_start3A_115 = tpu.memref_slice %arg3[%add3A_111, %dma_start3A_114] : memref<4096x1024xf32, #tpu.memory_space<hbm>> -> memref<8x1024xf32, #tpu.memory_space<hbm>>
    tpu.enqueue_dma source(%dma_start3A_115 : memref<8x1024xf32, #tpu.memory_space<hbm>>) target(%arg7 : memref<8x1024xf32, #tpu.memory_space<vmem>>) target_semaphore(%arg22 : memref<!tpu.dma_semaphore, #tpu.memory_space<semaphore_mem>>)
    %dma_wait3A = arith.constant 0 : i32
    %dma_wait3A_116 = tpu.memref_slice %arg3[%add3A_4, %dma_wait3A] : memref<4096x1024xf32, #tpu.memory_space<hbm>> -> memref<8x1024xf32, #tpu.memory_space<hbm>>
    %dma_wait3A_117 = arith.constant 0 : i32
    %dma_wait3A_118 = tpu.memref_slice %arg3[%add3A_4, %dma_wait3A_117] : memref<4096x1024xf32, #tpu.memory_space<hbm>> -> memref<8x1024xf32, #tpu.memory_space<hbm>>
    tpu.wait_dma2 semaphore(%arg20 : memref<!tpu.dma_semaphore, #tpu.memory_space<semaphore_mem>>) src(%dma_wait3A_118 : memref<8x1024xf32, #tpu.memory_space<hbm>>) dst(%arg5 : memref<8x1024xf32, #tpu.memory_space<vmem>>)
    %dma_wait3A_119 = arith.constant 0 : i32
    %dma_wait3A_120 = tpu.memref_slice %arg2[%add3A_11, %dma_wait3A_119] : memref<16384x1024xf32, #tpu.memory_space<hbm>> -> memref<8x1024xf32, #tpu.memory_space<hbm>>
    %dma_wait3A_121 = arith.constant 0 : i32
    %dma_wait3A_122 = tpu.memref_slice %arg2[%add3A_11, %dma_wait3A_121] : memref<16384x1024xf32, #tpu.memory_space<hbm>> -> memref<8x1024xf32, #tpu.memory_space<hbm>>
    tpu.wait_dma2 semaphore(%arg23 : memref<!tpu.dma_semaphore, #tpu.memory_space<semaphore_mem>>) src(%dma_wait3A_122 : memref<8x1024xf32, #tpu.memory_space<hbm>>) dst(%arg8 : memref<8x1024xf32, #tpu.memory_space<vmem>>)
    %dma_wait3A_123 = arith.constant 0 : i32
    %dma_wait3A_124 = tpu.memref_slice %arg2[%add3A_19, %dma_wait3A_123] : memref<16384x1024xf32, #tpu.memory_space<hbm>> -> memref<8x1024xf32, #tpu.memory_space<hbm>>
    %dma_wait3A_125 = arith.constant 0 : i32
    %dma_wait3A_126 = tpu.memref_slice %arg2[%add3A_19, %dma_wait3A_125] : memref<16384x1024xf32, #tpu.memory_space<hbm>> -> memref<8x1024xf32, #tpu.memory_space<hbm>>
    tpu.wait_dma2 semaphore(%arg24 : memref<!tpu.dma_semaphore, #tpu.memory_space<semaphore_mem>>) src(%dma_wait3A_126 : memref<8x1024xf32, #tpu.memory_space<hbm>>) dst(%arg9 : memref<8x1024xf32, #tpu.memory_space<vmem>>)
    %dma_wait3A_127 = arith.constant 0 : i32
    %dma_wait3A_128 = tpu.memref_slice %arg2[%add3A_27, %dma_wait3A_127] : memref<16384x1024xf32, #tpu.memory_space<hbm>> -> memref<8x1024xf32, #tpu.memory_space<hbm>>
    %dma_wait3A_129 = arith.constant 0 : i32
    %dma_wait3A_130 = tpu.memref_slice %arg2[%add3A_27, %dma_wait3A_129] : memref<16384x1024xf32, #tpu.memory_space<hbm>> -> memref<8x1024xf32, #tpu.memory_space<hbm>>
    tpu.wait_dma2 semaphore(%arg25 : memref<!tpu.dma_semaphore, #tpu.memory_space<semaphore_mem>>) src(%dma_wait3A_130 : memref<8x1024xf32, #tpu.memory_space<hbm>>) dst(%arg10 : memref<8x1024xf32, #tpu.memory_space<vmem>>)
    %dma_wait3A_131 = arith.constant 0 : i32
    %dma_wait3A_132 = tpu.memref_slice %arg2[%add3A_35, %dma_wait3A_131] : memref<16384x1024xf32, #tpu.memory_space<hbm>> -> memref<8x1024xf32, #tpu.memory_space<hbm>>
    %dma_wait3A_133 = arith.constant 0 : i32
    %dma_wait3A_134 = tpu.memref_slice %arg2[%add3A_35, %dma_wait3A_133] : memref<16384x1024xf32, #tpu.memory_space<hbm>> -> memref<8x1024xf32, #tpu.memory_space<hbm>>
    tpu.wait_dma2 semaphore(%arg26 : memref<!tpu.dma_semaphore, #tpu.memory_space<semaphore_mem>>) src(%dma_wait3A_134 : memref<8x1024xf32, #tpu.memory_space<hbm>>) dst(%arg11 : memref<8x1024xf32, #tpu.memory_space<vmem>>)
    %parallel_loop3A = arith.constant 0 : i32
    %parallel_loop3A_135 = arith.constant 512 : i32
    %parallel_loop3A_136 = arith.constant 1 : i32
    scf.for %parallel_loop3A_1744 = %parallel_loop3A to %parallel_loop3A_135 step %parallel_loop3A_136  : i32 {
      %parallel_loop3A_1745 = arith.constant 64 : i32
      %parallel_loop3A_1746 = arith.divsi %parallel_loop3A_1744, %parallel_loop3A_1745 : i32
      %parallel_loop3A_1747 = arith.constant 0 : i32
      %parallel_loop3A_1748 = arith.cmpi sgt, %parallel_loop3A_1744, %parallel_loop3A_1747 : i32
      %parallel_loop3A_1749 = arith.extui %parallel_loop3A_1748 : i1 to i32
      %parallel_loop3A_1750 = arith.constant 0 : i32
      %parallel_loop3A_1751 = arith.cmpi slt, %parallel_loop3A_1744, %parallel_loop3A_1750 : i32
      %parallel_loop3A_1752 = arith.extui %parallel_loop3A_1751 : i1 to i32
      %parallel_loop3A_1753 = arith.subi %parallel_loop3A_1749, %parallel_loop3A_1752 : i32
      %parallel_loop3A_1754 = arith.constant 0 : i32
      %parallel_loop3A_1755 = arith.cmpi sgt, %parallel_loop3A_1745, %parallel_loop3A_1754 : i32
      %parallel_loop3A_1756 = arith.extui %parallel_loop3A_1755 : i1 to i32
      %parallel_loop3A_1757 = arith.constant 0 : i32
      %parallel_loop3A_1758 = arith.cmpi slt, %parallel_loop3A_1745, %parallel_loop3A_1757 : i32
      %parallel_loop3A_1759 = arith.extui %parallel_loop3A_1758 : i1 to i32
      %parallel_loop3A_1760 = arith.subi %parallel_loop3A_1756, %parallel_loop3A_1759 : i32
      %parallel_loop3A_1761 = arith.cmpi ne, %parallel_loop3A_1753, %parallel_loop3A_1760 : i32
      %parallel_loop3A_1762 = arith.remsi %parallel_loop3A_1744, %parallel_loop3A_1745 : i32
      %parallel_loop3A_1763 = arith.constant 0 : i32
      %parallel_loop3A_1764 = arith.cmpi ne, %parallel_loop3A_1762, %parallel_loop3A_1763 : i32
      %parallel_loop3A_1765 = arith.andi %parallel_loop3A_1761, %parallel_loop3A_1764 : i1
      %parallel_loop3A_1766 = arith.constant 1 : i32
      %parallel_loop3A_1767 = arith.subi %parallel_loop3A_1746, %parallel_loop3A_1766 : i32
      %parallel_loop3A_1768 = arith.select %parallel_loop3A_1765, %parallel_loop3A_1767, %parallel_loop3A_1746 : i32
      %parallel_loop3A_1769 = arith.constant 64 : i32
      %parallel_loop3A_1770 = arith.constant 0 : i32
      %parallel_loop3A_1771 = arith.cmpi eq, %parallel_loop3A_1769, %parallel_loop3A_1770 : i32
      %parallel_loop3A_1772 = arith.constant 1 : i32
      %parallel_loop3A_1773 = arith.select %parallel_loop3A_1771, %parallel_loop3A_1772, %parallel_loop3A_1769 : i32
      %parallel_loop3A_1774 = arith.remsi %parallel_loop3A_1744, %parallel_loop3A_1773 : i32
      %parallel_loop3A_1775 = arith.constant 0 : i32
      %parallel_loop3A_1776 = arith.cmpi ne, %parallel_loop3A_1774, %parallel_loop3A_1775 : i32
      %parallel_loop3A_1777 = arith.constant 0 : i32
      %parallel_loop3A_1778 = arith.cmpi slt, %parallel_loop3A_1774, %parallel_loop3A_1777 : i32
      %parallel_loop3A_1779 = arith.constant 0 : i32
      %parallel_loop3A_1780 = arith.cmpi slt, %parallel_loop3A_1773, %parallel_loop3A_1779 : i32
      %parallel_loop3A_1781 = arith.xori %parallel_loop3A_1778, %parallel_loop3A_1780 : i1
      %parallel_loop3A_1782 = arith.andi %parallel_loop3A_1781, %parallel_loop3A_1776 : i1
      %parallel_loop3A_1783 = arith.addi %parallel_loop3A_1774, %parallel_loop3A_1773 : i32
      %parallel_loop3A_1784 = arith.select %parallel_loop3A_1782, %parallel_loop3A_1783, %parallel_loop3A_1774 : i32
      %parallel_loop3A_1785 = arith.constant 16 : i32
      %parallel_loop3A_1786 = arith.muli %parallel_loop3A_1784, %parallel_loop3A_1785 : i32
      %parallel_loop3A_1787 = arith.index_cast %parallel_loop3A_1768 : i32 to index
      %parallel_loop3A_1788 = arith.index_cast %parallel_loop3A_1786 : i32 to index
      %parallel_loop3A_1789 = tpu.vector_load %arg5[%parallel_loop3A_1787, %parallel_loop3A_1788] {strides = array<i32>} : memref<8x1024xf32, #tpu.memory_space<vmem>>, vector<1x16xf32>,
      %parallel_loop3A_1790 = vector.shape_cast %parallel_loop3A_1789 : vector<1x16xf32> to vector<16xf32>
      %parallel_loop3A_1791 = arith.index_cast %parallel_loop3A_1768 : i32 to index
      %parallel_loop3A_1792 = arith.index_cast %parallel_loop3A_1786 : i32 to index
      %parallel_loop3A_1793 = tpu.vector_load %arg8[%parallel_loop3A_1791, %parallel_loop3A_1792] {strides = array<i32>} : memref<8x1024xf32, #tpu.memory_space<vmem>>, vector<1x16xf32>,
      %parallel_loop3A_1794 = vector.shape_cast %parallel_loop3A_1793 : vector<1x16xf32> to vector<16xf32>
      %parallel_loop3A_1795 = vector.shape_cast %parallel_loop3A_1790 : vector<16xf32> to vector<1x16xf32>
      tpu.vector_store %arg8[%parallel_loop3A_1791, %parallel_loop3A_1792], %parallel_loop3A_1795 {add = true, strides = array<i32>} : memref<8x1024xf32, #tpu.memory_space<vmem>>, vector<1x16xf32>,
      %parallel_loop3A_1796 = arith.index_cast %parallel_loop3A_1768 : i32 to index
      %parallel_loop3A_1797 = arith.index_cast %parallel_loop3A_1786 : i32 to index
      %parallel_loop3A_1798 = tpu.vector_load %arg9[%parallel_loop3A_1796, %parallel_loop3A_1797] {strides = array<i32>} : memref<8x1024xf32, #tpu.memory_space<vmem>>, vector<1x16xf32>,
      %parallel_loop3A_1799 = vector.shape_cast %parallel_loop3A_1798 : vector<1x16xf32> to vector<16xf32>
      %parallel_loop3A_1800 = vector.shape_cast %parallel_loop3A_1790 : vector<16xf32> to vector<1x16xf32>
      tpu.vector_store %arg9[%parallel_loop3A_1796, %parallel_loop3A_1797], %parallel_loop3A_1800 {add = true, strides = array<i32>} : memref<8x1024xf32, #tpu.memory_space<vmem>>, vector<1x16xf32>,
      %parallel_loop3A_1801 = arith.index_cast %parallel_loop3A_1768 : i32 to index
      %parallel_loop3A_1802 = arith.index_cast %parallel_loop3A_1786 : i32 to index
      %parallel_loop3A_1803 = tpu.vector_load %arg10[%parallel_loop3A_1801, %parallel_loop3A_1802] {strides = array<i32>} : memref<8x1024xf32, #tpu.memory_space<vmem>>, vector<1x16xf32>,
      %parallel_loop3A_1804 = vector.shape_cast %parallel_loop3A_1803 : vector<1x16xf32> to vector<16xf32>
      %parallel_loop3A_1805 = vector.shape_cast %parallel_loop3A_1790 : vector<16xf32> to vector<1x16xf32>
      tpu.vector_store %arg10[%parallel_loop3A_1801, %parallel_loop3A_1802], %parallel_loop3A_1805 {add = true, strides = array<i32>} : memref<8x1024xf32, #tpu.memory_space<vmem>>, vector<1x16xf32>,
      %parallel_loop3A_1806 = arith.index_cast %parallel_loop3A_1768 : i32 to index
      %parallel_loop3A_1807 = arith.index_cast %parallel_loop3A_1786 : i32 to index
      %parallel_loop3A_1808 = tpu.vector_load %arg11[%parallel_loop3A_1806, %parallel_loop3A_1807] {strides = array<i32>} : memref<8x1024xf32, #tpu.memory_space<vmem>>, vector<1x16xf32>,
      %parallel_loop3A_1809 = vector.shape_cast %parallel_loop3A_1808 : vector<1x16xf32> to vector<16xf32>
      %parallel_loop3A_1810 = vector.shape_cast %parallel_loop3A_1790 : vector<16xf32> to vector<1x16xf32>
      tpu.vector_store %arg11[%parallel_loop3A_1806, %parallel_loop3A_1807], %parallel_loop3A_1810 {add = true, strides = array<i32>} : memref<8x1024xf32, #tpu.memory_space<vmem>>, vector<1x16xf32>,
    } {sc.loop_unroll_factor = 4 : i64, sc.parallel_access}
    %add3A_137 = arith.constant 0 : i32
    %add3A_138 = arith.addi %add3A_137, %mul3A_2 : i32
    %add3A_139 = arith.constant 0 : i32
    %add3A_140 = arith.addi %add3A_138, %add3A_139 : i32
    %dma_start3A_141 = arith.constant 0 : i32
    %dma_start3A_142 = tpu.memref_slice %arg4[%add3A_140, %dma_start3A_141] : memref<16384x1024xf32, #tpu.memory_space<hbm>> -> memref<8x1024xf32, #tpu.memory_space<hbm>>
    %dma_start3A_143 = arith.constant 0 : i32
    %dma_start3A_144 = tpu.memref_slice %arg4[%add3A_140, %dma_start3A_143] : memref<16384x1024xf32, #tpu.memory_space<hbm>> -> memref<8x1024xf32, #tpu.memory_space<hbm>>
    tpu.enqueue_dma source(%arg8 : memref<8x1024xf32, #tpu.memory_space<vmem>>) target(%dma_start3A_144 : memref<8x1024xf32, #tpu.memory_space<hbm>>) target_semaphore(%arg35 : memref<!tpu.dma_semaphore, #tpu.memory_space<semaphore_mem>>)
    %add3A_145 = arith.constant 4096 : i32
    %add3A_146 = arith.addi %add3A_145, %mul3A_2 : i32
    %add3A_147 = arith.constant 0 : i32
    %add3A_148 = arith.addi %add3A_146, %add3A_147 : i32
    %dma_start3A_149 = arith.constant 0 : i32
    %dma_start3A_150 = tpu.memref_slice %arg4[%add3A_148, %dma_start3A_149] : memref<16384x1024xf32, #tpu.memory_space<hbm>> -> memref<8x1024xf32, #tpu.memory_space<hbm>>
    %dma_start3A_151 = arith.constant 0 : i32
    %dma_start3A_152 = tpu.memref_slice %arg4[%add3A_148, %dma_start3A_151] : memref<16384x1024xf32, #tpu.memory_space<hbm>> -> memref<8x1024xf32, #tpu.memory_space<hbm>>
    tpu.enqueue_dma source(%arg9 : memref<8x1024xf32, #tpu.memory_space<vmem>>) target(%dma_start3A_152 : memref<8x1024xf32, #tpu.memory_space<hbm>>) target_semaphore(%arg36 : memref<!tpu.dma_semaphore, #tpu.memory_space<semaphore_mem>>)
    %add3A_153 = arith.constant 8192 : i32
    %add3A_154 = arith.addi %add3A_153, %mul3A_2 : i32
    %add3A_155 = arith.constant 0 : i32
    %add3A_156 = arith.addi %add3A_154, %add3A_155 : i32
    %dma_start3A_157 = arith.constant 0 : i32
    %dma_start3A_158 = tpu.memref_slice %arg4[%add3A_156, %dma_start3A_157] : memref<16384x1024xf32, #tpu.memory_space<hbm>> -> memref<8x1024xf32, #tpu.memory_space<hbm>>
    %dma_start3A_159 = arith.constant 0 : i32
    %dma_start3A_160 = tpu.memref_slice %arg4[%add3A_156, %dma_start3A_159] : memref<16384x1024xf32, #tpu.memory_space<hbm>> -> memref<8x1024xf32, #tpu.memory_space<hbm>>
    tpu.enqueue_dma source(%arg10 : memref<8x1024xf32, #tpu.memory_space<vmem>>) target(%dma_start3A_160 : memref<8x1024xf32, #tpu.memory_space<hbm>>) target_semaphore(%arg37 : memref<!tpu.dma_semaphore, #tpu.memory_space<semaphore_mem>>)
    %add3A_161 = arith.constant 12288 : i32
    %add3A_162 = arith.addi %add3A_161, %mul3A_2 : i32
    %add3A_163 = arith.constant 0 : i32
    %add3A_164 = arith.addi %add3A_162, %add3A_163 : i32
    %dma_start3A_165 = arith.constant 0 : i32
    %dma_start3A_166 = tpu.memref_slice %arg4[%add3A_164, %dma_start3A_165] : memref<16384x1024xf32, #tpu.memory_space<hbm>> -> memref<8x1024xf32, #tpu.memory_space<hbm>>
    %dma_start3A_167 = arith.constant 0 : i32
    %dma_start3A_168 = tpu.memref_slice %arg4[%add3A_164, %dma_start3A_167] : memref<16384x1024xf32, #tpu.memory_space<hbm>> -> memref<8x1024xf32, #tpu.memory_space<hbm>>
    tpu.enqueue_dma source(%arg11 : memref<8x1024xf32, #tpu.memory_space<vmem>>) target(%dma_start3A_168 : memref<8x1024xf32, #tpu.memory_space<hbm>>) target_semaphore(%arg38 : memref<!tpu.dma_semaphore, #tpu.memory_space<semaphore_mem>>)
    %dma_wait3A_169 = arith.constant 0 : i32
    %dma_wait3A_170 = tpu.memref_slice %arg4[%add3A_140, %dma_wait3A_169] : memref<16384x1024xf32, #tpu.memory_space<hbm>> -> memref<8x1024xf32, #tpu.memory_space<hbm>>
    %dma_wait3A_171 = arith.constant 0 : i32
    %dma_wait3A_172 = tpu.memref_slice %arg4[%add3A_140, %dma_wait3A_171] : memref<16384x1024xf32, #tpu.memory_space<hbm>> -> memref<8x1024xf32, #tpu.memory_space<hbm>>
    tpu.wait_dma2 semaphore(%arg35 : memref<!tpu.dma_semaphore, #tpu.memory_space<semaphore_mem>>) src(%arg8 : memref<8x1024xf32, #tpu.memory_space<vmem>>) dst(%dma_wait3A_172 : memref<8x1024xf32, #tpu.memory_space<hbm>>)
    %add3A_173 = arith.constant 0 : i32
    %add3A_174 = arith.addi %add3A_173, %mul3A_2 : i32
    %add3A_175 = arith.constant 24 : i32
    %add3A_176 = arith.addi %add3A_174, %add3A_175 : i32
    %dma_start3A_177 = arith.constant 0 : i32
    %dma_start3A_178 = tpu.memref_slice %arg2[%add3A_176, %dma_start3A_177] : memref<16384x1024xf32, #tpu.memory_space<hbm>> -> memref<8x1024xf32, #tpu.memory_space<hbm>>
    %dma_start3A_179 = arith.constant 0 : i32
    %dma_start3A_180 = tpu.memref_slice %arg2[%add3A_176, %dma_start3A_179] : memref<16384x1024xf32, #tpu.memory_space<hbm>> -> memref<8x1024xf32, #tpu.memory_space<hbm>>
    tpu.enqueue_dma source(%dma_start3A_180 : memref<8x1024xf32, #tpu.memory_space<hbm>>) target(%arg8 : memref<8x1024xf32, #tpu.memory_space<vmem>>) target_semaphore(%arg23 : memref<!tpu.dma_semaphore, #tpu.memory_space<semaphore_mem>>)
    %dma_wait3A_181 = arith.constant 0 : i32
    %dma_wait3A_182 = tpu.memref_slice %arg4[%add3A_148, %dma_wait3A_181] : memref<16384x1024xf32, #tpu.memory_space<hbm>> -> memref<8x1024xf32, #tpu.memory_space<hbm>>
    %dma_wait3A_183 = arith.constant 0 : i32
    %dma_wait3A_184 = tpu.memref_slice %arg4[%add3A_148, %dma_wait3A_183] : memref<16384x1024xf32, #tpu.memory_space<hbm>> -> memref<8x1024xf32, #tpu.memory_space<hbm>>
    tpu.wait_dma2 semaphore(%arg36 : memref<!tpu.dma_semaphore, #tpu.memory_space<semaphore_mem>>) src(%arg9 : memref<8x1024xf32, #tpu.memory_space<vmem>>) dst(%dma_wait3A_184 : memref<8x1024xf32, #tpu.memory_space<hbm>>)
    %add3A_185 = arith.constant 4096 : i32
    %add3A_186 = arith.addi %add3A_185, %mul3A_2 : i32
    %add3A_187 = arith.constant 24 : i32
    %add3A_188 = arith.addi %add3A_186, %add3A_187 : i32
    %dma_start3A_189 = arith.constant 0 : i32
    %dma_start3A_190 = tpu.memref_slice %arg2[%add3A_188, %dma_start3A_189] : memref<16384x1024xf32, #tpu.memory_space<hbm>> -> memref<8x1024xf32, #tpu.memory_space<hbm>>
    %dma_start3A_191 = arith.constant 0 : i32
    %dma_start3A_192 = tpu.memref_slice %arg2[%add3A_188, %dma_start3A_191] : memref<16384x1024xf32, #tpu.memory_space<hbm>> -> memref<8x1024xf32, #tpu.memory_space<hbm>>
    tpu.enqueue_dma source(%dma_start3A_192 : memref<8x1024xf32, #tpu.memory_space<hbm>>) target(%arg9 : memref<8x1024xf32, #tpu.memory_space<vmem>>) target_semaphore(%arg24 : memref<!tpu.dma_semaphore, #tpu.memory_space<semaphore_mem>>)
    %dma_wait3A_193 = arith.constant 0 : i32
    %dma_wait3A_194 = tpu.memref_slice %arg4[%add3A_156, %dma_wait3A_193] : memref<16384x1024xf32, #tpu.memory_space<hbm>> -> memref<8x1024xf32, #tpu.memory_space<hbm>>
    %dma_wait3A_195 = arith.constant 0 : i32
    %dma_wait3A_196 = tpu.memref_slice %arg4[%add3A_156, %dma_wait3A_195] : memref<16384x1024xf32, #tpu.memory_space<hbm>> -> memref<8x1024xf32, #tpu.memory_space<hbm>>
    tpu.wait_dma2 semaphore(%arg37 : memref<!tpu.dma_semaphore, #tpu.memory_space<semaphore_mem>>) src(%arg10 : memref<8x1024xf32, #tpu.memory_space<vmem>>) dst(%dma_wait3A_196 : memref<8x1024xf32, #tpu.memory_space<hbm>>)
    %add3A_197 = arith.constant 8192 : i32
    %add3A_198 = arith.addi %add3A_197, %mul3A_2 : i32
    %add3A_199 = arith.constant 24 : i32
    %add3A_200 = arith.addi %add3A_198, %add3A_199 : i32
    %dma_start3A_201 = arith.constant 0 : i32
    %dma_start3A_202 = tpu.memref_slice %arg2[%add3A_200, %dma_start3A_201] : memref<16384x1024xf32, #tpu.memory_space<hbm>> -> memref<8x1024xf32, #tpu.memory_space<hbm>>
    %dma_start3A_203 = arith.constant 0 : i32
    %dma_start3A_204 = tpu.memref_slice %arg2[%add3A_200, %dma_start3A_203] : memref<16384x1024xf32, #tpu.memory_space<hbm>> -> memref<8x1024xf32, #tpu.memory_space<hbm>>
    tpu.enqueue_dma source(%dma_start3A_204 : memref<8x1024xf32, #tpu.memory_space<hbm>>) target(%arg10 : memref<8x1024xf32, #tpu.memory_space<vmem>>) target_semaphore(%arg25 : memref<!tpu.dma_semaphore, #tpu.memory_space<semaphore_mem>>)
    %dma_wait3A_205 = arith.constant 0 : i32
    %dma_wait3A_206 = tpu.memref_slice %arg4[%add3A_164, %dma_wait3A_205] : memref<16384x1024xf32, #tpu.memory_space<hbm>> -> memref<8x1024xf32, #tpu.memory_space<hbm>>
    %dma_wait3A_207 = arith.constant 0 : i32
    %dma_wait3A_208 = tpu.memref_slice %arg4[%add3A_164, %dma_wait3A_207] : memref<16384x1024xf32, #tpu.memory_space<hbm>> -> memref<8x1024xf32, #tpu.memory_space<hbm>>
    tpu.wait_dma2 semaphore(%arg38 : memref<!tpu.dma_semaphore, #tpu.memory_space<semaphore_mem>>) src(%arg11 : memref<8x1024xf32, #tpu.memory_space<vmem>>) dst(%dma_wait3A_208 : memref<8x1024xf32, #tpu.memory_space<hbm>>)
    %add3A_209 = arith.constant 12288 : i32
    %add3A_210 = arith.addi %add3A_209, %mul3A_2 : i32
    %add3A_211 = arith.constant 24 : i32
    %add3A_212 = arith.addi %add3A_210, %add3A_211 : i32
    %dma_start3A_213 = arith.constant 0 : i32
    %dma_start3A_214 = tpu.memref_slice %arg2[%add3A_212, %dma_start3A_213] : memref<16384x1024xf32, #tpu.memory_space<hbm>> -> memref<8x1024xf32, #tpu.memory_space<hbm>>
    %dma_start3A_215 = arith.constant 0 : i32
    %dma_start3A_216 = tpu.memref_slice %arg2[%add3A_212, %dma_start3A_215] : memref<16384x1024xf32, #tpu.memory_space<hbm>> -> memref<8x1024xf32, #tpu.memory_space<hbm>>
    tpu.enqueue_dma source(%dma_start3A_216 : memref<8x1024xf32, #tpu.memory_space<hbm>>) target(%arg11 : memref<8x1024xf32, #tpu.memory_space<vmem>>) target_semaphore(%arg26 : memref<!tpu.dma_semaphore, #tpu.memory_space<semaphore_mem>>)
    %add3A_217 = arith.constant 24 : i32
    %add3A_218 = arith.addi %mul3A_2, %add3A_217 : i32
    %dma_start3A_219 = arith.constant 0 : i32
    %dma_start3A_220 = tpu.memref_slice %arg3[%add3A_218, %dma_start3A_219] : memref<4096x1024xf32, #tpu.memory_space<hbm>> -> memref<8x1024xf32, #tpu.memory_space<hbm>>
    %dma_start3A_221 = arith.constant 0 : i32
    %dma_start3A_222 = tpu.memref_slice %arg3[%add3A_218, %dma_start3A_221] : memref<4096x1024xf32, #tpu.memory_space<hbm>> -> memref<8x1024xf32, #tpu.memory_space<hbm>>
    tpu.enqueue_dma source(%dma_start3A_222 : memref<8x1024xf32, #tpu.memory_space<hbm>>) target(%arg5 : memref<8x1024xf32, #tpu.memory_space<vmem>>) target_semaphore(%arg20 : memref<!tpu.dma_semaphore, #tpu.memory_space<semaphore_mem>>)
    %dma_wait3A_223 = arith.constant 0 : i32
    %dma_wait3A_224 = tpu.memref_slice %arg3[%add3A_41, %dma_wait3A_223] : memref<4096x1024xf32, #tpu.memory_space<hbm>> -> memref<8x1024xf32, #tpu.memory_space<hbm>>
    %dma_wait3A_225 = arith.constant 0 : i32
    %dma_wait3A_226 = tpu.memref_slice %arg3[%add3A_41, %dma_wait3A_225] : memref<4096x1024xf32, #tpu.memory_space<hbm>> -> memref<8x1024xf32, #tpu.memory_space<hbm>>
    tpu.wait_dma2 semaphore(%arg21 : memref<!tpu.dma_semaphore, #tpu.memory_space<semaphore_mem>>) src(%dma_wait3A_226 : memref<8x1024xf32, #tpu.memory_space<hbm>>) dst(%arg6 : memref<8x1024xf32, #tpu.memory_space<vmem>>)
    %dma_wait3A_227 = arith.constant 0 : i32
    %dma_wait3A_228 = tpu.memref_slice %arg2[%add3A_49, %dma_wait3A_227] : memref<16384x1024xf32, #tpu.memory_space<hbm>> -> memref<8x1024xf32, #tpu.memory_space<hbm>>
    %dma_wait3A_229 = arith.constant 0 : i32
    %dma_wait3A_230 = tpu.memref_slice %arg2[%add3A_49, %dma_wait3A_229] : memref<16384x1024xf32, #tpu.memory_space<hbm>> -> memref<8x1024xf32, #tpu.memory_space<hbm>>
    tpu.wait_dma2 semaphore(%arg27 : memref<!tpu.dma_semaphore, #tpu.memory_space<semaphore_mem>>) src(%dma_wait3A_230 : memref<8x1024xf32, #tpu.memory_space<hbm>>) dst(%arg12 : memref<8x1024xf32, #tpu.memory_space<vmem>>)
    %dma_wait3A_231 = arith.constant 0 : i32
    %dma_wait3A_232 = tpu.memref_slice %arg2[%add3A_57, %dma_wait3A_231] : memref<16384x1024xf32, #tpu.memory_space<hbm>> -> memref<8x1024xf32, #tpu.memory_space<hbm>>
    %dma_wait3A_233 = arith.constant 0 : i32
    %dma_wait3A_234 = tpu.memref_slice %arg2[%add3A_57, %dma_wait3A_233] : memref<16384x1024xf32, #tpu.memory_space<hbm>> -> memref<8x1024xf32, #tpu.memory_space<hbm>>
    tpu.wait_dma2 semaphore(%arg28 : memref<!tpu.dma_semaphore, #tpu.memory_space<semaphore_mem>>) src(%dma_wait3A_234 : memref<8x1024xf32, #tpu.memory_space<hbm>>) dst(%arg13 : memref<8x1024xf32, #tpu.memory_space<vmem>>)
    %dma_wait3A_235 = arith.constant 0 : i32
    %dma_wait3A_236 = tpu.memref_slice %arg2[%add3A_65, %dma_wait3A_235] : memref<16384x1024xf32, #tpu.memory_space<hbm>> -> memref<8x1024xf32, #tpu.memory_space<hbm>>
    %dma_wait3A_237 = arith.constant 0 : i32
    %dma_wait3A_238 = tpu.memref_slice %arg2[%add3A_65, %dma_wait3A_237] : memref<16384x1024xf32, #tpu.memory_space<hbm>> -> memref<8x1024xf32, #tpu.memory_space<hbm>>
    tpu.wait_dma2 semaphore(%arg29 : memref<!tpu.dma_semaphore, #tpu.memory_space<semaphore_mem>>) src(%dma_wait3A_238 : memref<8x1024xf32, #tpu.memory_space<hbm>>) dst(%arg14 : memref<8x1024xf32, #tpu.memory_space<vmem>>)
    %dma_wait3A_239 = arith.constant 0 : i32
    %dma_wait3A_240 = tpu.memref_slice %arg2[%add3A_73, %dma_wait3A_239] : memref<16384x1024xf32, #tpu.memory_space<hbm>> -> memref<8x1024xf32, #tpu.memory_space<hbm>>
    %dma_wait3A_241 = arith.constant 0 : i32
    %dma_wait3A_242 = tpu.memref_slice %arg2[%add3A_73, %dma_wait3A_241] : memref<16384x1024xf32, #tpu.memory_space<hbm>> -> memref<8x1024xf32, #tpu.memory_space<hbm>>
    tpu.wait_dma2 semaphore(%arg30 : memref<!tpu.dma_semaphore, #tpu.memory_space<semaphore_mem>>) src(%dma_wait3A_242 : memref<8x1024xf32, #tpu.memory_space<hbm>>) dst(%arg15 : memref<8x1024xf32, #tpu.memory_space<vmem>>)
    %parallel_loop3A_243 = arith.constant 0 : i32
    %parallel_loop3A_244 = arith.constant 512 : i32
    %parallel_loop3A_245 = arith.constant 1 : i32
    scf.for %parallel_loop3A_1744 = %parallel_loop3A_243 to %parallel_loop3A_244 step %parallel_loop3A_245  : i32 {
      %parallel_loop3A_1745 = arith.constant 64 : i32
      %parallel_loop3A_1746 = arith.divsi %parallel_loop3A_1744, %parallel_loop3A_1745 : i32
      %parallel_loop3A_1747 = arith.constant 0 : i32
      %parallel_loop3A_1748 = arith.cmpi sgt, %parallel_loop3A_1744, %parallel_loop3A_1747 : i32
      %parallel_loop3A_1749 = arith.extui %parallel_loop3A_1748 : i1 to i32
      %parallel_loop3A_1750 = arith.constant 0 : i32
      %parallel_loop3A_1751 = arith.cmpi slt, %parallel_loop3A_1744, %parallel_loop3A_1750 : i32
      %parallel_loop3A_1752 = arith.extui %parallel_loop3A_1751 : i1 to i32
      %parallel_loop3A_1753 = arith.subi %parallel_loop3A_1749, %parallel_loop3A_1752 : i32
      %parallel_loop3A_1754 = arith.constant 0 : i32
      %parallel_loop3A_1755 = arith.cmpi sgt, %parallel_loop3A_1745, %parallel_loop3A_1754 : i32
      %parallel_loop3A_1756 = arith.extui %parallel_loop3A_1755 : i1 to i32
      %parallel_loop3A_1757 = arith.constant 0 : i32
      %parallel_loop3A_1758 = arith.cmpi slt, %parallel_loop3A_1745, %parallel_loop3A_1757 : i32
      %parallel_loop3A_1759 = arith.extui %parallel_loop3A_1758 : i1 to i32
      %parallel_loop3A_1760 = arith.subi %parallel_loop3A_1756, %parallel_loop3A_1759 : i32
      %parallel_loop3A_1761 = arith.cmpi ne, %parallel_loop3A_1753, %parallel_loop3A_1760 : i32
      %parallel_loop3A_1762 = arith.remsi %parallel_loop3A_1744, %parallel_loop3A_1745 : i32
      %parallel_loop3A_1763 = arith.constant 0 : i32
      %parallel_loop3A_1764 = arith.cmpi ne, %parallel_loop3A_1762, %parallel_loop3A_1763 : i32
      %parallel_loop3A_1765 = arith.andi %parallel_loop3A_1761, %parallel_loop3A_1764 : i1
      %parallel_loop3A_1766 = arith.constant 1 : i32
      %parallel_loop3A_1767 = arith.subi %parallel_loop3A_1746, %parallel_loop3A_1766 : i32
      %parallel_loop3A_1768 = arith.select %parallel_loop3A_1765, %parallel_loop3A_1767, %parallel_loop3A_1746 : i32
      %parallel_loop3A_1769 = arith.constant 64 : i32
      %parallel_loop3A_1770 = arith.constant 0 : i32
      %parallel_loop3A_1771 = arith.cmpi eq, %parallel_loop3A_1769, %parallel_loop3A_1770 : i32
      %parallel_loop3A_1772 = arith.constant 1 : i32
      %parallel_loop3A_1773 = arith.select %parallel_loop3A_1771, %parallel_loop3A_1772, %parallel_loop3A_1769 : i32
      %parallel_loop3A_1774 = arith.remsi %parallel_loop3A_1744, %parallel_loop3A_1773 : i32
      %parallel_loop3A_1775 = arith.constant 0 : i32
      %parallel_loop3A_1776 = arith.cmpi ne, %parallel_loop3A_1774, %parallel_loop3A_1775 : i32
      %parallel_loop3A_1777 = arith.constant 0 : i32
      %parallel_loop3A_1778 = arith.cmpi slt, %parallel_loop3A_1774, %parallel_loop3A_1777 : i32
      %parallel_loop3A_1779 = arith.constant 0 : i32
      %parallel_loop3A_1780 = arith.cmpi slt, %parallel_loop3A_1773, %parallel_loop3A_1779 : i32
      %parallel_loop3A_1781 = arith.xori %parallel_loop3A_1778, %parallel_loop3A_1780 : i1
      %parallel_loop3A_1782 = arith.andi %parallel_loop3A_1781, %parallel_loop3A_1776 : i1
      %parallel_loop3A_1783 = arith.addi %parallel_loop3A_1774, %parallel_loop3A_1773 : i32
      %parallel_loop3A_1784 = arith.select %parallel_loop3A_1782, %parallel_loop3A_1783, %parallel_loop3A_1774 : i32
      %parallel_loop3A_1785 = arith.constant 16 : i32
      %parallel_loop3A_1786 = arith.muli %parallel_loop3A_1784, %parallel_loop3A_1785 : i32
      %parallel_loop3A_1787 = arith.index_cast %parallel_loop3A_1768 : i32 to index
      %parallel_loop3A_1788 = arith.index_cast %parallel_loop3A_1786 : i32 to index
      %parallel_loop3A_1789 = tpu.vector_load %arg6[%parallel_loop3A_1787, %parallel_loop3A_1788] {strides = array<i32>} : memref<8x1024xf32, #tpu.memory_space<vmem>>, vector<1x16xf32>,
      %parallel_loop3A_1790 = vector.shape_cast %parallel_loop3A_1789 : vector<1x16xf32> to vector<16xf32>
      %parallel_loop3A_1791 = arith.index_cast %parallel_loop3A_1768 : i32 to index
      %parallel_loop3A_1792 = arith.index_cast %parallel_loop3A_1786 : i32 to index
      %parallel_loop3A_1793 = tpu.vector_load %arg12[%parallel_loop3A_1791, %parallel_loop3A_1792] {strides = array<i32>} : memref<8x1024xf32, #tpu.memory_space<vmem>>, vector<1x16xf32>,
      %parallel_loop3A_1794 = vector.shape_cast %parallel_loop3A_1793 : vector<1x16xf32> to vector<16xf32>
      %parallel_loop3A_1795 = vector.shape_cast %parallel_loop3A_1790 : vector<16xf32> to vector<1x16xf32>
      tpu.vector_store %arg12[%parallel_loop3A_1791, %parallel_loop3A_1792], %parallel_loop3A_1795 {add = true, strides = array<i32>} : memref<8x1024xf32, #tpu.memory_space<vmem>>, vector<1x16xf32>,
      %parallel_loop3A_1796 = arith.index_cast %parallel_loop3A_1768 : i32 to index
      %parallel_loop3A_1797 = arith.index_cast %parallel_loop3A_1786 : i32 to index
      %parallel_loop3A_1798 = tpu.vector_load %arg13[%parallel_loop3A_1796, %parallel_loop3A_1797] {strides = array<i32>} : memref<8x1024xf32, #tpu.memory_space<vmem>>, vector<1x16xf32>,
      %parallel_loop3A_1799 = vector.shape_cast %parallel_loop3A_1798 : vector<1x16xf32> to vector<16xf32>
      %parallel_loop3A_1800 = vector.shape_cast %parallel_loop3A_1790 : vector<16xf32> to vector<1x16xf32>
      tpu.vector_store %arg13[%parallel_loop3A_1796, %parallel_loop3A_1797], %parallel_loop3A_1800 {add = true, strides = array<i32>} : memref<8x1024xf32, #tpu.memory_space<vmem>>, vector<1x16xf32>,
      %parallel_loop3A_1801 = arith.index_cast %parallel_loop3A_1768 : i32 to index
      %parallel_loop3A_1802 = arith.index_cast %parallel_loop3A_1786 : i32 to index
      %parallel_loop3A_1803 = tpu.vector_load %arg14[%parallel_loop3A_1801, %parallel_loop3A_1802] {strides = array<i32>} : memref<8x1024xf32, #tpu.memory_space<vmem>>, vector<1x16xf32>,
      %parallel_loop3A_1804 = vector.shape_cast %parallel_loop3A_1803 : vector<1x16xf32> to vector<16xf32>
      %parallel_loop3A_1805 = vector.shape_cast %parallel_loop3A_1790 : vector<16xf32> to vector<1x16xf32>
      tpu.vector_store %arg14[%parallel_loop3A_1801, %parallel_loop3A_1802], %parallel_loop3A_1805 {add = true, strides = array<i32>} : memref<8x1024xf32, #tpu.memory_space<vmem>>, vector<1x16xf32>,
      %parallel_loop3A_1806 = arith.index_cast %parallel_loop3A_1768 : i32 to index
      %parallel_loop3A_1807 = arith.index_cast %parallel_loop3A_1786 : i32 to index
      %parallel_loop3A_1808 = tpu.vector_load %arg15[%parallel_loop3A_1806, %parallel_loop3A_1807] {strides = array<i32>} : memref<8x1024xf32, #tpu.memory_space<vmem>>, vector<1x16xf32>,
      %parallel_loop3A_1809 = vector.shape_cast %parallel_loop3A_1808 : vector<1x16xf32> to vector<16xf32>
      %parallel_loop3A_1810 = vector.shape_cast %parallel_loop3A_1790 : vector<16xf32> to vector<1x16xf32>
      tpu.vector_store %arg15[%parallel_loop3A_1806, %parallel_loop3A_1807], %parallel_loop3A_1810 {add = true, strides = array<i32>} : memref<8x1024xf32, #tpu.memory_space<vmem>>, vector<1x16xf32>,
    } {sc.loop_unroll_factor = 4 : i64, sc.parallel_access}
    %add3A_246 = arith.constant 0 : i32
    %add3A_247 = arith.addi %add3A_246, %mul3A_2 : i32
    %add3A_248 = arith.constant 8 : i32
    %add3A_249 = arith.addi %add3A_247, %add3A_248 : i32
    %dma_start3A_250 = arith.constant 0 : i32
    %dma_start3A_251 = tpu.memref_slice %arg4[%add3A_249, %dma_start3A_250] : memref<16384x1024xf32, #tpu.memory_space<hbm>> -> memref<8x1024xf32, #tpu.memory_space<hbm>>
    %dma_start3A_252 = arith.constant 0 : i32
    %dma_start3A_253 = tpu.memref_slice %arg4[%add3A_249, %dma_start3A_252] : memref<16384x1024xf32, #tpu.memory_space<hbm>> -> memref<8x1024xf32, #tpu.memory_space<hbm>>
    tpu.enqueue_dma source(%arg12 : memref<8x1024xf32, #tpu.memory_space<vmem>>) target(%dma_start3A_253 : memref<8x1024xf32, #tpu.memory_space<hbm>>) target_semaphore(%arg39 : memref<!tpu.dma_semaphore, #tpu.memory_space<semaphore_mem>>)
    %add3A_254 = arith.constant 4096 : i32
    %add3A_255 = arith.addi %add3A_254, %mul3A_2 : i32
    %add3A_256 = arith.constant 8 : i32
    %add3A_257 = arith.addi %add3A_255, %add3A_256 : i32
    %dma_start3A_258 = arith.constant 0 : i32
    %dma_start3A_259 = tpu.memref_slice %arg4[%add3A_257, %dma_start3A_258] : memref<16384x1024xf32, #tpu.memory_space<hbm>> -> memref<8x1024xf32, #tpu.memory_space<hbm>>
    %dma_start3A_260 = arith.constant 0 : i32
    %dma_start3A_261 = tpu.memref_slice %arg4[%add3A_257, %dma_start3A_260] : memref<16384x1024xf32, #tpu.memory_space<hbm>> -> memref<8x1024xf32, #tpu.memory_space<hbm>>
    tpu.enqueue_dma source(%arg13 : memref<8x1024xf32, #tpu.memory_space<vmem>>) target(%dma_start3A_261 : memref<8x1024xf32, #tpu.memory_space<hbm>>) target_semaphore(%arg40 : memref<!tpu.dma_semaphore, #tpu.memory_space<semaphore_mem>>)
    %add3A_262 = arith.constant 8192 : i32
    %add3A_263 = arith.addi %add3A_262, %mul3A_2 : i32
    %add3A_264 = arith.constant 8 : i32
    %add3A_265 = arith.addi %add3A_263, %add3A_264 : i32
    %dma_start3A_266 = arith.constant 0 : i32
    %dma_start3A_267 = tpu.memref_slice %arg4[%add3A_265, %dma_start3A_266] : memref<16384x1024xf32, #tpu.memory_space<hbm>> -> memref<8x1024xf32, #tpu.memory_space<hbm>>
    %dma_start3A_268 = arith.constant 0 : i32
    %dma_start3A_269 = tpu.memref_slice %arg4[%add3A_265, %dma_start3A_268] : memref<16384x1024xf32, #tpu.memory_space<hbm>> -> memref<8x1024xf32, #tpu.memory_space<hbm>>
    tpu.enqueue_dma source(%arg14 : memref<8x1024xf32, #tpu.memory_space<vmem>>) target(%dma_start3A_269 : memref<8x1024xf32, #tpu.memory_space<hbm>>) target_semaphore(%arg41 : memref<!tpu.dma_semaphore, #tpu.memory_space<semaphore_mem>>)
    %add3A_270 = arith.constant 12288 : i32
    %add3A_271 = arith.addi %add3A_270, %mul3A_2 : i32
    %add3A_272 = arith.constant 8 : i32
    %add3A_273 = arith.addi %add3A_271, %add3A_272 : i32
    %dma_start3A_274 = arith.constant 0 : i32
    %dma_start3A_275 = tpu.memref_slice %arg4[%add3A_273, %dma_start3A_274] : memref<16384x1024xf32, #tpu.memory_space<hbm>> -> memref<8x1024xf32, #tpu.memory_space<hbm>>
    %dma_start3A_276 = arith.constant 0 : i32
    %dma_start3A_277 = tpu.memref_slice %arg4[%add3A_273, %dma_start3A_276] : memref<16384x1024xf32, #tpu.memory_space<hbm>> -> memref<8x1024xf32, #tpu.memory_space<hbm>>
    tpu.enqueue_dma source(%arg15 : memref<8x1024xf32, #tpu.memory_space<vmem>>) target(%dma_start3A_277 : memref<8x1024xf32, #tpu.memory_space<hbm>>) target_semaphore(%arg42 : memref<!tpu.dma_semaphore, #tpu.memory_space<semaphore_mem>>)
    %dma_wait3A_278 = arith.constant 0 : i32
    %dma_wait3A_279 = tpu.memref_slice %arg4[%add3A_249, %dma_wait3A_278] : memref<16384x1024xf32, #tpu.memory_space<hbm>> -> memref<8x1024xf32, #tpu.memory_space<hbm>>
    %dma_wait3A_280 = arith.constant 0 : i32
    %dma_wait3A_281 = tpu.memref_slice %arg4[%add3A_249, %dma_wait3A_280] : memref<16384x1024xf32, #tpu.memory_space<hbm>> -> memref<8x1024xf32, #tpu.memory_space<hbm>>
    tpu.wait_dma2 semaphore(%arg39 : memref<!tpu.dma_semaphore, #tpu.memory_space<semaphore_mem>>) src(%arg12 : memref<8x1024xf32, #tpu.memory_space<vmem>>) dst(%dma_wait3A_281 : memref<8x1024xf32, #tpu.memory_space<hbm>>)
    %add3A_282 = arith.constant 0 : i32
    %add3A_283 = arith.addi %add3A_282, %mul3A_2 : i32
    %add3A_284 = arith.constant 32 : i32
    %add3A_285 = arith.addi %add3A_283, %add3A_284 : i32
    %dma_start3A_286 = arith.constant 0 : i32
    %dma_start3A_287 = tpu.memref_slice %arg2[%add3A_285, %dma_start3A_286] : memref<16384x1024xf32, #tpu.memory_space<hbm>> -> memref<8x1024xf32, #tpu.memory_space<hbm>>
    %dma_start3A_288 = arith.constant 0 : i32
    %dma_start3A_289 = tpu.memref_slice %arg2[%add3A_285, %dma_start3A_288] : memref<16384x1024xf32, #tpu.memory_space<hbm>> -> memref<8x1024xf32, #tpu.memory_space<hbm>>
    tpu.enqueue_dma source(%dma_start3A_289 : memref<8x1024xf32, #tpu.memory_space<hbm>>) target(%arg12 : memref<8x1024xf32, #tpu.memory_space<vmem>>) target_semaphore(%arg27 : memref<!tpu.dma_semaphore, #tpu.memory_space<semaphore_mem>>)
    %dma_wait3A_290 = arith.constant 0 : i32
    %dma_wait3A_291 = tpu.memref_slice %arg4[%add3A_257, %dma_wait3A_290] : memref<16384x1024xf32, #tpu.memory_space<hbm>> -> memref<8x1024xf32, #tpu.memory_space<hbm>>
    %dma_wait3A_292 = arith.constant 0 : i32
    %dma_wait3A_293 = tpu.memref_slice %arg4[%add3A_257, %dma_wait3A_292] : memref<16384x1024xf32, #tpu.memory_space<hbm>> -> memref<8x1024xf32, #tpu.memory_space<hbm>>
    tpu.wait_dma2 semaphore(%arg40 : memref<!tpu.dma_semaphore, #tpu.memory_space<semaphore_mem>>) src(%arg13 : memref<8x1024xf32, #tpu.memory_space<vmem>>) dst(%dma_wait3A_293 : memref<8x1024xf32, #tpu.memory_space<hbm>>)
    %add3A_294 = arith.constant 4096 : i32
    %add3A_295 = arith.addi %add3A_294, %mul3A_2 : i32
    %add3A_296 = arith.constant 32 : i32
    %add3A_297 = arith.addi %add3A_295, %add3A_296 : i32
    %dma_start3A_298 = arith.constant 0 : i32
    %dma_start3A_299 = tpu.memref_slice %arg2[%add3A_297, %dma_start3A_298] : memref<16384x1024xf32, #tpu.memory_space<hbm>> -> memref<8x1024xf32, #tpu.memory_space<hbm>>
    %dma_start3A_300 = arith.constant 0 : i32
    %dma_start3A_301 = tpu.memref_slice %arg2[%add3A_297, %dma_start3A_300] : memref<16384x1024xf32, #tpu.memory_space<hbm>> -> memref<8x1024xf32, #tpu.memory_space<hbm>>
    tpu.enqueue_dma source(%dma_start3A_301 : memref<8x1024xf32, #tpu.memory_space<hbm>>) target(%arg13 : memref<8x1024xf32, #tpu.memory_space<vmem>>) target_semaphore(%arg28 : memref<!tpu.dma_semaphore, #tpu.memory_space<semaphore_mem>>)
    %dma_wait3A_302 = arith.constant 0 : i32
    %dma_wait3A_303 = tpu.memref_slice %arg4[%add3A_265, %dma_wait3A_302] : memref<16384x1024xf32, #tpu.memory_space<hbm>> -> memref<8x1024xf32, #tpu.memory_space<hbm>>
    %dma_wait3A_304 = arith.constant 0 : i32
    %dma_wait3A_305 = tpu.memref_slice %arg4[%add3A_265, %dma_wait3A_304] : memref<16384x1024xf32, #tpu.memory_space<hbm>> -> memref<8x1024xf32, #tpu.memory_space<hbm>>
    tpu.wait_dma2 semaphore(%arg41 : memref<!tpu.dma_semaphore, #tpu.memory_space<semaphore_mem>>) src(%arg14 : memref<8x1024xf32, #tpu.memory_space<vmem>>) dst(%dma_wait3A_305 : memref<8x1024xf32, #tpu.memory_space<hbm>>)
    %add3A_306 = arith.constant 8192 : i32
    %add3A_307 = arith.addi %add3A_306, %mul3A_2 : i32
    %add3A_308 = arith.constant 32 : i32
    %add3A_309 = arith.addi %add3A_307, %add3A_308 : i32
    %dma_start3A_310 = arith.constant 0 : i32
    %dma_start3A_311 = tpu.memref_slice %arg2[%add3A_309, %dma_start3A_310] : memref<16384x1024xf32, #tpu.memory_space<hbm>> -> memref<8x1024xf32, #tpu.memory_space<hbm>>
    %dma_start3A_312 = arith.constant 0 : i32
    %dma_start3A_313 = tpu.memref_slice %arg2[%add3A_309, %dma_start3A_312] : memref<16384x1024xf32, #tpu.memory_space<hbm>> -> memref<8x1024xf32, #tpu.memory_space<hbm>>
    tpu.enqueue_dma source(%dma_start3A_313 : memref<8x1024xf32, #tpu.memory_space<hbm>>) target(%arg14 : memref<8x1024xf32, #tpu.memory_space<vmem>>) target_semaphore(%arg29 : memref<!tpu.dma_semaphore, #tpu.memory_space<semaphore_mem>>)
    %dma_wait3A_314 = arith.constant 0 : i32
    %dma_wait3A_315 = tpu.memref_slice %arg4[%add3A_273, %dma_wait3A_314] : memref<16384x1024xf32, #tpu.memory_space<hbm>> -> memref<8x1024xf32, #tpu.memory_space<hbm>>
    %dma_wait3A_316 = arith.constant 0 : i32
    %dma_wait3A_317 = tpu.memref_slice %arg4[%add3A_273, %dma_wait3A_316] : memref<16384x1024xf32, #tpu.memory_space<hbm>> -> memref<8x1024xf32, #tpu.memory_space<hbm>>
    tpu.wait_dma2 semaphore(%arg42 : memref<!tpu.dma_semaphore, #tpu.memory_space<semaphore_mem>>) src(%arg15 : memref<8x1024xf32, #tpu.memory_space<vmem>>) dst(%dma_wait3A_317 : memref<8x1024xf32, #tpu.memory_space<hbm>>)
    %add3A_318 = arith.constant 12288 : i32
    %add3A_319 = arith.addi %add3A_318, %mul3A_2 : i32
    %add3A_320 = arith.constant 32 : i32
    %add3A_321 = arith.addi %add3A_319, %add3A_320 : i32
    %dma_start3A_322 = arith.constant 0 : i32
    %dma_start3A_323 = tpu.memref_slice %arg2[%add3A_321, %dma_start3A_322] : memref<16384x1024xf32, #tpu.memory_space<hbm>> -> memref<8x1024xf32, #tpu.memory_space<hbm>>
    %dma_start3A_324 = arith.constant 0 : i32
    %dma_start3A_325 = tpu.memref_slice %arg2[%add3A_321, %dma_start3A_324] : memref<16384x1024xf32, #tpu.memory_space<hbm>> -> memref<8x1024xf32, #tpu.memory_space<hbm>>
    tpu.enqueue_dma source(%dma_start3A_325 : memref<8x1024xf32, #tpu.memory_space<hbm>>) target(%arg15 : memref<8x1024xf32, #tpu.memory_space<vmem>>) target_semaphore(%arg30 : memref<!tpu.dma_semaphore, #tpu.memory_space<semaphore_mem>>)
    %add3A_326 = arith.constant 32 : i32
    %add3A_327 = arith.addi %mul3A_2, %add3A_326 : i32
    %dma_start3A_328 = arith.constant 0 : i32
    %dma_start3A_329 = tpu.memref_slice %arg3[%add3A_327, %dma_start3A_328] : memref<4096x1024xf32, #tpu.memory_space<hbm>> -> memref<8x1024xf32, #tpu.memory_space<hbm>>
    %dma_start3A_330 = arith.constant 0 : i32
    %dma_start3A_331 = tpu.memref_slice %arg3[%add3A_327, %dma_start3A_330] : memref<4096x1024xf32, #tpu.memory_space<hbm>> -> memref<8x1024xf32, #tpu.memory_space<hbm>>
    tpu.enqueue_dma source(%dma_start3A_331 : memref<8x1024xf32, #tpu.memory_space<hbm>>) target(%arg6 : memref<8x1024xf32, #tpu.memory_space<vmem>>) target_semaphore(%arg21 : memref<!tpu.dma_semaphore, #tpu.memory_space<semaphore_mem>>)
    %dma_wait3A_332 = arith.constant 0 : i32
    %dma_wait3A_333 = tpu.memref_slice %arg3[%add3A_111, %dma_wait3A_332] : memref<4096x1024xf32, #tpu.memory_space<hbm>> -> memref<8x1024xf32, #tpu.memory_space<hbm>>
    %dma_wait3A_334 = arith.constant 0 : i32
    %dma_wait3A_335 = tpu.memref_slice %arg3[%add3A_111, %dma_wait3A_334] : memref<4096x1024xf32, #tpu.memory_space<hbm>> -> memref<8x1024xf32, #tpu.memory_space<hbm>>
    tpu.wait_dma2 semaphore(%arg22 : memref<!tpu.dma_semaphore, #tpu.memory_space<semaphore_mem>>) src(%dma_wait3A_335 : memref<8x1024xf32, #tpu.memory_space<hbm>>) dst(%arg7 : memref<8x1024xf32, #tpu.memory_space<vmem>>)
    %dma_wait3A_336 = arith.constant 0 : i32
    %dma_wait3A_337 = tpu.memref_slice %arg2[%add3A_81, %dma_wait3A_336] : memref<16384x1024xf32, #tpu.memory_space<hbm>> -> memref<8x1024xf32, #tpu.memory_space<hbm>>
    %dma_wait3A_338 = arith.constant 0 : i32
    %dma_wait3A_339 = tpu.memref_slice %arg2[%add3A_81, %dma_wait3A_338] : memref<16384x1024xf32, #tpu.memory_space<hbm>> -> memref<8x1024xf32, #tpu.memory_space<hbm>>
    tpu.wait_dma2 semaphore(%arg31 : memref<!tpu.dma_semaphore, #tpu.memory_space<semaphore_mem>>) src(%dma_wait3A_339 : memref<8x1024xf32, #tpu.memory_space<hbm>>) dst(%arg16 : memref<8x1024xf32, #tpu.memory_space<vmem>>)
    %dma_wait3A_340 = arith.constant 0 : i32
    %dma_wait3A_341 = tpu.memref_slice %arg2[%add3A_89, %dma_wait3A_340] : memref<16384x1024xf32, #tpu.memory_space<hbm>> -> memref<8x1024xf32, #tpu.memory_space<hbm>>
    %dma_wait3A_342 = arith.constant 0 : i32
    %dma_wait3A_343 = tpu.memref_slice %arg2[%add3A_89, %dma_wait3A_342] : memref<16384x1024xf32, #tpu.memory_space<hbm>> -> memref<8x1024xf32, #tpu.memory_space<hbm>>
    tpu.wait_dma2 semaphore(%arg32 : memref<!tpu.dma_semaphore, #tpu.memory_space<semaphore_mem>>) src(%dma_wait3A_343 : memref<8x1024xf32, #tpu.memory_space<hbm>>) dst(%arg17 : memref<8x1024xf32, #tpu.memory_space<vmem>>)
    %dma_wait3A_344 = arith.constant 0 : i32
    %dma_wait3A_345 = tpu.memref_slice %arg2[%add3A_97, %dma_wait3A_344] : memref<16384x1024xf32, #tpu.memory_space<hbm>> -> memref<8x1024xf32, #tpu.memory_space<hbm>>
    %dma_wait3A_346 = arith.constant 0 : i32
    %dma_wait3A_347 = tpu.memref_slice %arg2[%add3A_97, %dma_wait3A_346] : memref<16384x1024xf32, #tpu.memory_space<hbm>> -> memref<8x1024xf32, #tpu.memory_space<hbm>>
    tpu.wait_dma2 semaphore(%arg33 : memref<!tpu.dma_semaphore, #tpu.memory_space<semaphore_mem>>) src(%dma_wait3A_347 : memref<8x1024xf32, #tpu.memory_space<hbm>>) dst(%arg18 : memref<8x1024xf32, #tpu.memory_space<vmem>>)
    %dma_wait3A_348 = arith.constant 0 : i32
    %dma_wait3A_349 = tpu.memref_slice %arg2[%add3A_105, %dma_wait3A_348] : memref<16384x1024xf32, #tpu.memory_space<hbm>> -> memref<8x1024xf32, #tpu.memory_space<hbm>>
    %dma_wait3A_350 = arith.constant 0 : i32
    %dma_wait3A_351 = tpu.memref_slice %arg2[%add3A_105, %dma_wait3A_350] : memref<16384x1024xf32, #tpu.memory_space<hbm>> -> memref<8x1024xf32, #tpu.memory_space<hbm>>
    tpu.wait_dma2 semaphore(%arg34 : memref<!tpu.dma_semaphore, #tpu.memory_space<semaphore_mem>>) src(%dma_wait3A_351 : memref<8x1024xf32, #tpu.memory_space<hbm>>) dst(%arg19 : memref<8x1024xf32, #tpu.memory_space<vmem>>)
    %parallel_loop3A_352 = arith.constant 0 : i32
    %parallel_loop3A_353 = arith.constant 512 : i32
    %parallel_loop3A_354 = arith.constant 1 : i32
    scf.for %parallel_loop3A_1744 = %parallel_loop3A_352 to %parallel_loop3A_353 step %parallel_loop3A_354  : i32 {
      %parallel_loop3A_1745 = arith.constant 64 : i32
      %parallel_loop3A_1746 = arith.divsi %parallel_loop3A_1744, %parallel_loop3A_1745 : i32
      %parallel_loop3A_1747 = arith.constant 0 : i32
      %parallel_loop3A_1748 = arith.cmpi sgt, %parallel_loop3A_1744, %parallel_loop3A_1747 : i32
      %parallel_loop3A_1749 = arith.extui %parallel_loop3A_1748 : i1 to i32
      %parallel_loop3A_1750 = arith.constant 0 : i32
      %parallel_loop3A_1751 = arith.cmpi slt, %parallel_loop3A_1744, %parallel_loop3A_1750 : i32
      %parallel_loop3A_1752 = arith.extui %parallel_loop3A_1751 : i1 to i32
      %parallel_loop3A_1753 = arith.subi %parallel_loop3A_1749, %parallel_loop3A_1752 : i32
      %parallel_loop3A_1754 = arith.constant 0 : i32
      %parallel_loop3A_1755 = arith.cmpi sgt, %parallel_loop3A_1745, %parallel_loop3A_1754 : i32
      %parallel_loop3A_1756 = arith.extui %parallel_loop3A_1755 : i1 to i32
      %parallel_loop3A_1757 = arith.constant 0 : i32
      %parallel_loop3A_1758 = arith.cmpi slt, %parallel_loop3A_1745, %parallel_loop3A_1757 : i32
      %parallel_loop3A_1759 = arith.extui %parallel_loop3A_1758 : i1 to i32
      %parallel_loop3A_1760 = arith.subi %parallel_loop3A_1756, %parallel_loop3A_1759 : i32
      %parallel_loop3A_1761 = arith.cmpi ne, %parallel_loop3A_1753, %parallel_loop3A_1760 : i32
      %parallel_loop3A_1762 = arith.remsi %parallel_loop3A_1744, %parallel_loop3A_1745 : i32
      %parallel_loop3A_1763 = arith.constant 0 : i32
      %parallel_loop3A_1764 = arith.cmpi ne, %parallel_loop3A_1762, %parallel_loop3A_1763 : i32
      %parallel_loop3A_1765 = arith.andi %parallel_loop3A_1761, %parallel_loop3A_1764 : i1
      %parallel_loop3A_1766 = arith.constant 1 : i32
      %parallel_loop3A_1767 = arith.subi %parallel_loop3A_1746, %parallel_loop3A_1766 : i32
      %parallel_loop3A_1768 = arith.select %parallel_loop3A_1765, %parallel_loop3A_1767, %parallel_loop3A_1746 : i32
      %parallel_loop3A_1769 = arith.constant 64 : i32
      %parallel_loop3A_1770 = arith.constant 0 : i32
      %parallel_loop3A_1771 = arith.cmpi eq, %parallel_loop3A_1769, %parallel_loop3A_1770 : i32
      %parallel_loop3A_1772 = arith.constant 1 : i32
      %parallel_loop3A_1773 = arith.select %parallel_loop3A_1771, %parallel_loop3A_1772, %parallel_loop3A_1769 : i32
      %parallel_loop3A_1774 = arith.remsi %parallel_loop3A_1744, %parallel_loop3A_1773 : i32
      %parallel_loop3A_1775 = arith.constant 0 : i32
      %parallel_loop3A_1776 = arith.cmpi ne, %parallel_loop3A_1774, %parallel_loop3A_1775 : i32
      %parallel_loop3A_1777 = arith.constant 0 : i32
      %parallel_loop3A_1778 = arith.cmpi slt, %parallel_loop3A_1774, %parallel_loop3A_1777 : i32
      %parallel_loop3A_1779 = arith.constant 0 : i32
      %parallel_loop3A_1780 = arith.cmpi slt, %parallel_loop3A_1773, %parallel_loop3A_1779 : i32
      %parallel_loop3A_1781 = arith.xori %parallel_loop3A_1778, %parallel_loop3A_1780 : i1
      %parallel_loop3A_1782 = arith.andi %parallel_loop3A_1781, %parallel_loop3A_1776 : i1
      %parallel_loop3A_1783 = arith.addi %parallel_loop3A_1774, %parallel_loop3A_1773 : i32
      %parallel_loop3A_1784 = arith.select %parallel_loop3A_1782, %parallel_loop3A_1783, %parallel_loop3A_1774 : i32
      %parallel_loop3A_1785 = arith.constant 16 : i32
      %parallel_loop3A_1786 = arith.muli %parallel_loop3A_1784, %parallel_loop3A_1785 : i32
      %parallel_loop3A_1787 = arith.index_cast %parallel_loop3A_1768 : i32 to index
      %parallel_loop3A_1788 = arith.index_cast %parallel_loop3A_1786 : i32 to index
      %parallel_loop3A_1789 = tpu.vector_load %arg7[%parallel_loop3A_1787, %parallel_loop3A_1788] {strides = array<i32>} : memref<8x1024xf32, #tpu.memory_space<vmem>>, vector<1x16xf32>,
      %parallel_loop3A_1790 = vector.shape_cast %parallel_loop3A_1789 : vector<1x16xf32> to vector<16xf32>
      %parallel_loop3A_1791 = arith.index_cast %parallel_loop3A_1768 : i32 to index
      %parallel_loop3A_1792 = arith.index_cast %parallel_loop3A_1786 : i32 to index
      %parallel_loop3A_1793 = tpu.vector_load %arg16[%parallel_loop3A_1791, %parallel_loop3A_1792] {strides = array<i32>} : memref<8x1024xf32, #tpu.memory_space<vmem>>, vector<1x16xf32>,
      %parallel_loop3A_1794 = vector.shape_cast %parallel_loop3A_1793 : vector<1x16xf32> to vector<16xf32>
      %parallel_loop3A_1795 = vector.shape_cast %parallel_loop3A_1790 : vector<16xf32> to vector<1x16xf32>
      tpu.vector_store %arg16[%parallel_loop3A_1791, %parallel_loop3A_1792], %parallel_loop3A_1795 {add = true, strides = array<i32>} : memref<8x1024xf32, #tpu.memory_space<vmem>>, vector<1x16xf32>,
      %parallel_loop3A_1796 = arith.index_cast %parallel_loop3A_1768 : i32 to index
      %parallel_loop3A_1797 = arith.index_cast %parallel_loop3A_1786 : i32 to index
      %parallel_loop3A_1798 = tpu.vector_load %arg17[%parallel_loop3A_1796, %parallel_loop3A_1797] {strides = array<i32>} : memref<8x1024xf32, #tpu.memory_space<vmem>>, vector<1x16xf32>,
      %parallel_loop3A_1799 = vector.shape_cast %parallel_loop3A_1798 : vector<1x16xf32> to vector<16xf32>
      %parallel_loop3A_1800 = vector.shape_cast %parallel_loop3A_1790 : vector<16xf32> to vector<1x16xf32>
      tpu.vector_store %arg17[%parallel_loop3A_1796, %parallel_loop3A_1797], %parallel_loop3A_1800 {add = true, strides = array<i32>} : memref<8x1024xf32, #tpu.memory_space<vmem>>, vector<1x16xf32>,
      %parallel_loop3A_1801 = arith.index_cast %parallel_loop3A_1768 : i32 to index
      %parallel_loop3A_1802 = arith.index_cast %parallel_loop3A_1786 : i32 to index
      %parallel_loop3A_1803 = tpu.vector_load %arg18[%parallel_loop3A_1801, %parallel_loop3A_1802] {strides = array<i32>} : memref<8x1024xf32, #tpu.memory_space<vmem>>, vector<1x16xf32>,
      %parallel_loop3A_1804 = vector.shape_cast %parallel_loop3A_1803 : vector<1x16xf32> to vector<16xf32>
      %parallel_loop3A_1805 = vector.shape_cast %parallel_loop3A_1790 : vector<16xf32> to vector<1x16xf32>
      tpu.vector_store %arg18[%parallel_loop3A_1801, %parallel_loop3A_1802], %parallel_loop3A_1805 {add = true, strides = array<i32>} : memref<8x1024xf32, #tpu.memory_space<vmem>>, vector<1x16xf32>,
      %parallel_loop3A_1806 = arith.index_cast %parallel_loop3A_1768 : i32 to index
      %parallel_loop3A_1807 = arith.index_cast %parallel_loop3A_1786 : i32 to index
      %parallel_loop3A_1808 = tpu.vector_load %arg19[%parallel_loop3A_1806, %parallel_loop3A_1807] {strides = array<i32>} : memref<8x1024xf32, #tpu.memory_space<vmem>>, vector<1x16xf32>,
      %parallel_loop3A_1809 = vector.shape_cast %parallel_loop3A_1808 : vector<1x16xf32> to vector<16xf32>
      %parallel_loop3A_1810 = vector.shape_cast %parallel_loop3A_1790 : vector<16xf32> to vector<1x16xf32>
      tpu.vector_store %arg19[%parallel_loop3A_1806, %parallel_loop3A_1807], %parallel_loop3A_1810 {add = true, strides = array<i32>} : memref<8x1024xf32, #tpu.memory_space<vmem>>, vector<1x16xf32>,
    } {sc.loop_unroll_factor = 4 : i64, sc.parallel_access}
    %add3A_355 = arith.constant 0 : i32
    %add3A_356 = arith.addi %add3A_355, %mul3A_2 : i32
    %add3A_357 = arith.constant 16 : i32
    %add3A_358 = arith.addi %add3A_356, %add3A_357 : i32
    %dma_start3A_359 = arith.constant 0 : i32
    %dma_start3A_360 = tpu.memref_slice %arg4[%add3A_358, %dma_start3A_359] : memref<16384x1024xf32, #tpu.memory_space<hbm>> -> memref<8x1024xf32, #tpu.memory_space<hbm>>
    %dma_start3A_361 = arith.constant 0 : i32
    %dma_start3A_362 = tpu.memref_slice %arg4[%add3A_358, %dma_start3A_361] : memref<16384x1024xf32, #tpu.memory_space<hbm>> -> memref<8x1024xf32, #tpu.memory_space<hbm>>
    tpu.enqueue_dma source(%arg16 : memref<8x1024xf32, #tpu.memory_space<vmem>>) target(%dma_start3A_362 : memref<8x1024xf32, #tpu.memory_space<hbm>>) target_semaphore(%arg43 : memref<!tpu.dma_semaphore, #tpu.memory_space<semaphore_mem>>)
    %add3A_363 = arith.constant 4096 : i32
    %add3A_364 = arith.addi %add3A_363, %mul3A_2 : i32
    %add3A_365 = arith.constant 16 : i32
    %add3A_366 = arith.addi %add3A_364, %add3A_365 : i32
    %dma_start3A_367 = arith.constant 0 : i32
    %dma_start3A_368 = tpu.memref_slice %arg4[%add3A_366, %dma_start3A_367] : memref<16384x1024xf32, #tpu.memory_space<hbm>> -> memref<8x1024xf32, #tpu.memory_space<hbm>>
    %dma_start3A_369 = arith.constant 0 : i32
    %dma_start3A_370 = tpu.memref_slice %arg4[%add3A_366, %dma_start3A_369] : memref<16384x1024xf32, #tpu.memory_space<hbm>> -> memref<8x1024xf32, #tpu.memory_space<hbm>>
    tpu.enqueue_dma source(%arg17 : memref<8x1024xf32, #tpu.memory_space<vmem>>) target(%dma_start3A_370 : memref<8x1024xf32, #tpu.memory_space<hbm>>) target_semaphore(%arg44 : memref<!tpu.dma_semaphore, #tpu.memory_space<semaphore_mem>>)
    %add3A_371 = arith.constant 8192 : i32
    %add3A_372 = arith.addi %add3A_371, %mul3A_2 : i32
    %add3A_373 = arith.constant 16 : i32
    %add3A_374 = arith.addi %add3A_372, %add3A_373 : i32
    %dma_start3A_375 = arith.constant 0 : i32
    %dma_start3A_376 = tpu.memref_slice %arg4[%add3A_374, %dma_start3A_375] : memref<16384x1024xf32, #tpu.memory_space<hbm>> -> memref<8x1024xf32, #tpu.memory_space<hbm>>
    %dma_start3A_377 = arith.constant 0 : i32
    %dma_start3A_378 = tpu.memref_slice %arg4[%add3A_374, %dma_start3A_377] : memref<16384x1024xf32, #tpu.memory_space<hbm>> -> memref<8x1024xf32, #tpu.memory_space<hbm>>
    tpu.enqueue_dma source(%arg18 : memref<8x1024xf32, #tpu.memory_space<vmem>>) target(%dma_start3A_378 : memref<8x1024xf32, #tpu.memory_space<hbm>>) target_semaphore(%arg45 : memref<!tpu.dma_semaphore, #tpu.memory_space<semaphore_mem>>)
    %add3A_379 = arith.constant 12288 : i32
    %add3A_380 = arith.addi %add3A_379, %mul3A_2 : i32
    %add3A_381 = arith.constant 16 : i32
    %add3A_382 = arith.addi %add3A_380, %add3A_381 : i32
    %dma_start3A_383 = arith.constant 0 : i32
    %dma_start3A_384 = tpu.memref_slice %arg4[%add3A_382, %dma_start3A_383] : memref<16384x1024xf32, #tpu.memory_space<hbm>> -> memref<8x1024xf32, #tpu.memory_space<hbm>>
    %dma_start3A_385 = arith.constant 0 : i32
    %dma_start3A_386 = tpu.memref_slice %arg4[%add3A_382, %dma_start3A_385] : memref<16384x1024xf32, #tpu.memory_space<hbm>> -> memref<8x1024xf32, #tpu.memory_space<hbm>>
    tpu.enqueue_dma source(%arg19 : memref<8x1024xf32, #tpu.memory_space<vmem>>) target(%dma_start3A_386 : memref<8x1024xf32, #tpu.memory_space<hbm>>) target_semaphore(%arg46 : memref<!tpu.dma_semaphore, #tpu.memory_space<semaphore_mem>>)
    %dma_wait3A_387 = arith.constant 0 : i32
    %dma_wait3A_388 = tpu.memref_slice %arg4[%add3A_358, %dma_wait3A_387] : memref<16384x1024xf32, #tpu.memory_space<hbm>> -> memref<8x1024xf32, #tpu.memory_space<hbm>>
    %dma_wait3A_389 = arith.constant 0 : i32
    %dma_wait3A_390 = tpu.memref_slice %arg4[%add3A_358, %dma_wait3A_389] : memref<16384x1024xf32, #tpu.memory_space<hbm>> -> memref<8x1024xf32, #tpu.memory_space<hbm>>
    tpu.wait_dma2 semaphore(%arg43 : memref<!tpu.dma_semaphore, #tpu.memory_space<semaphore_mem>>) src(%arg16 : memref<8x1024xf32, #tpu.memory_space<vmem>>) dst(%dma_wait3A_390 : memref<8x1024xf32, #tpu.memory_space<hbm>>)
    %add3A_391 = arith.constant 0 : i32
    %add3A_392 = arith.addi %add3A_391, %mul3A_2 : i32
    %add3A_393 = arith.constant 40 : i32
    %add3A_394 = arith.addi %add3A_392, %add3A_393 : i32
    %dma_start3A_395 = arith.constant 0 : i32
    %dma_start3A_396 = tpu.memref_slice %arg2[%add3A_394, %dma_start3A_395] : memref<16384x1024xf32, #tpu.memory_space<hbm>> -> memref<8x1024xf32, #tpu.memory_space<hbm>>
    %dma_start3A_397 = arith.constant 0 : i32
    %dma_start3A_398 = tpu.memref_slice %arg2[%add3A_394, %dma_start3A_397] : memref<16384x1024xf32, #tpu.memory_space<hbm>> -> memref<8x1024xf32, #tpu.memory_space<hbm>>
    tpu.enqueue_dma source(%dma_start3A_398 : memref<8x1024xf32, #tpu.memory_space<hbm>>) target(%arg16 : memref<8x1024xf32, #tpu.memory_space<vmem>>) target_semaphore(%arg31 : memref<!tpu.dma_semaphore, #tpu.memory_space<semaphore_mem>>)
    %dma_wait3A_399 = arith.constant 0 : i32
    %dma_wait3A_400 = tpu.memref_slice %arg4[%add3A_366, %dma_wait3A_399] : memref<16384x1024xf32, #tpu.memory_space<hbm>> -> memref<8x1024xf32, #tpu.memory_space<hbm>>
    %dma_wait3A_401 = arith.constant 0 : i32
    %dma_wait3A_402 = tpu.memref_slice %arg4[%add3A_366, %dma_wait3A_401] : memref<16384x1024xf32, #tpu.memory_space<hbm>> -> memref<8x1024xf32, #tpu.memory_space<hbm>>
    tpu.wait_dma2 semaphore(%arg44 : memref<!tpu.dma_semaphore, #tpu.memory_space<semaphore_mem>>) src(%arg17 : memref<8x1024xf32, #tpu.memory_space<vmem>>) dst(%dma_wait3A_402 : memref<8x1024xf32, #tpu.memory_space<hbm>>)
    %add3A_403 = arith.constant 4096 : i32
    %add3A_404 = arith.addi %add3A_403, %mul3A_2 : i32
    %add3A_405 = arith.constant 40 : i32
    %add3A_406 = arith.addi %add3A_404, %add3A_405 : i32
    %dma_start3A_407 = arith.constant 0 : i32
    %dma_start3A_408 = tpu.memref_slice %arg2[%add3A_406, %dma_start3A_407] : memref<16384x1024xf32, #tpu.memory_space<hbm>> -> memref<8x1024xf32, #tpu.memory_space<hbm>>
    %dma_start3A_409 = arith.constant 0 : i32
    %dma_start3A_410 = tpu.memref_slice %arg2[%add3A_406, %dma_start3A_409] : memref<16384x1024xf32, #tpu.memory_space<hbm>> -> memref<8x1024xf32, #tpu.memory_space<hbm>>
    tpu.enqueue_dma source(%dma_start3A_410 : memref<8x1024xf32, #tpu.memory_space<hbm>>) target(%arg17 : memref<8x1024xf32, #tpu.memory_space<vmem>>) target_semaphore(%arg32 : memref<!tpu.dma_semaphore, #tpu.memory_space<semaphore_mem>>)
    %dma_wait3A_411 = arith.constant 0 : i32
    %dma_wait3A_412 = tpu.memref_slice %arg4[%add3A_374, %dma_wait3A_411] : memref<16384x1024xf32, #tpu.memory_space<hbm>> -> memref<8x1024xf32, #tpu.memory_space<hbm>>
    %dma_wait3A_413 = arith.constant 0 : i32
    %dma_wait3A_414 = tpu.memref_slice %arg4[%add3A_374, %dma_wait3A_413] : memref<16384x1024xf32, #tpu.memory_space<hbm>> -> memref<8x1024xf32, #tpu.memory_space<hbm>>
    tpu.wait_dma2 semaphore(%arg45 : memref<!tpu.dma_semaphore, #tpu.memory_space<semaphore_mem>>) src(%arg18 : memref<8x1024xf32, #tpu.memory_space<vmem>>) dst(%dma_wait3A_414 : memref<8x1024xf32, #tpu.memory_space<hbm>>)
    %add3A_415 = arith.constant 8192 : i32
    %add3A_416 = arith.addi %add3A_415, %mul3A_2 : i32
    %add3A_417 = arith.constant 40 : i32
    %add3A_418 = arith.addi %add3A_416, %add3A_417 : i32
    %dma_start3A_419 = arith.constant 0 : i32
    %dma_start3A_420 = tpu.memref_slice %arg2[%add3A_418, %dma_start3A_419] : memref<16384x1024xf32, #tpu.memory_space<hbm>> -> memref<8x1024xf32, #tpu.memory_space<hbm>>
    %dma_start3A_421 = arith.constant 0 : i32
    %dma_start3A_422 = tpu.memref_slice %arg2[%add3A_418, %dma_start3A_421] : memref<16384x1024xf32, #tpu.memory_space<hbm>> -> memref<8x1024xf32, #tpu.memory_space<hbm>>
    tpu.enqueue_dma source(%dma_start3A_422 : memref<8x1024xf32, #tpu.memory_space<hbm>>) target(%arg18 : memref<8x1024xf32, #tpu.memory_space<vmem>>) target_semaphore(%arg33 : memref<!tpu.dma_semaphore, #tpu.memory_space<semaphore_mem>>)
    %dma_wait3A_423 = arith.constant 0 : i32
    %dma_wait3A_424 = tpu.memref_slice %arg4[%add3A_382, %dma_wait3A_423] : memref<16384x1024xf32, #tpu.memory_space<hbm>> -> memref<8x1024xf32, #tpu.memory_space<hbm>>
    %dma_wait3A_425 = arith.constant 0 : i32
    %dma_wait3A_426 = tpu.memref_slice %arg4[%add3A_382, %dma_wait3A_425] : memref<16384x1024xf32, #tpu.memory_space<hbm>> -> memref<8x1024xf32, #tpu.memory_space<hbm>>
    tpu.wait_dma2 semaphore(%arg46 : memref<!tpu.dma_semaphore, #tpu.memory_space<semaphore_mem>>) src(%arg19 : memref<8x1024xf32, #tpu.memory_space<vmem>>) dst(%dma_wait3A_426 : memref<8x1024xf32, #tpu.memory_space<hbm>>)
    %add3A_427 = arith.constant 12288 : i32
    %add3A_428 = arith.addi %add3A_427, %mul3A_2 : i32
    %add3A_429 = arith.constant 40 : i32
    %add3A_430 = arith.addi %add3A_428, %add3A_429 : i32
    %dma_start3A_431 = arith.constant 0 : i32
    %dma_start3A_432 = tpu.memref_slice %arg2[%add3A_430, %dma_start3A_431] : memref<16384x1024xf32, #tpu.memory_space<hbm>> -> memref<8x1024xf32, #tpu.memory_space<hbm>>
    %dma_start3A_433 = arith.constant 0 : i32
    %dma_start3A_434 = tpu.memref_slice %arg2[%add3A_430, %dma_start3A_433] : memref<16384x1024xf32, #tpu.memory_space<hbm>> -> memref<8x1024xf32, #tpu.memory_space<hbm>>
    tpu.enqueue_dma source(%dma_start3A_434 : memref<8x1024xf32, #tpu.memory_space<hbm>>) target(%arg19 : memref<8x1024xf32, #tpu.memory_space<vmem>>) target_semaphore(%arg34 : memref<!tpu.dma_semaphore, #tpu.memory_space<semaphore_mem>>)
    %add3A_435 = arith.constant 40 : i32
    %add3A_436 = arith.addi %mul3A_2, %add3A_435 : i32
    %dma_start3A_437 = arith.constant 0 : i32
    %dma_start3A_438 = tpu.memref_slice %arg3[%add3A_436, %dma_start3A_437] : memref<4096x1024xf32, #tpu.memory_space<hbm>> -> memref<8x1024xf32, #tpu.memory_space<hbm>>
    %dma_start3A_439 = arith.constant 0 : i32
    %dma_start3A_440 = tpu.memref_slice %arg3[%add3A_436, %dma_start3A_439] : memref<4096x1024xf32, #tpu.memory_space<hbm>> -> memref<8x1024xf32, #tpu.memory_space<hbm>>
    tpu.enqueue_dma source(%dma_start3A_440 : memref<8x1024xf32, #tpu.memory_space<hbm>>) target(%arg7 : memref<8x1024xf32, #tpu.memory_space<vmem>>) target_semaphore(%arg22 : memref<!tpu.dma_semaphore, #tpu.memory_space<semaphore_mem>>)
    %dma_wait3A_441 = arith.constant 0 : i32
    %dma_wait3A_442 = tpu.memref_slice %arg3[%add3A_218, %dma_wait3A_441] : memref<4096x1024xf32, #tpu.memory_space<hbm>> -> memref<8x1024xf32, #tpu.memory_space<hbm>>
    %dma_wait3A_443 = arith.constant 0 : i32
    %dma_wait3A_444 = tpu.memref_slice %arg3[%add3A_218, %dma_wait3A_443] : memref<4096x1024xf32, #tpu.memory_space<hbm>> -> memref<8x1024xf32, #tpu.memory_space<hbm>>
    tpu.wait_dma2 semaphore(%arg20 : memref<!tpu.dma_semaphore, #tpu.memory_space<semaphore_mem>>) src(%dma_wait3A_444 : memref<8x1024xf32, #tpu.memory_space<hbm>>) dst(%arg5 : memref<8x1024xf32, #tpu.memory_space<vmem>>)
    %dma_wait3A_445 = arith.constant 0 : i32
    %dma_wait3A_446 = tpu.memref_slice %arg2[%add3A_176, %dma_wait3A_445] : memref<16384x1024xf32, #tpu.memory_space<hbm>> -> memref<8x1024xf32, #tpu.memory_space<hbm>>
    %dma_wait3A_447 = arith.constant 0 : i32
    %dma_wait3A_448 = tpu.memref_slice %arg2[%add3A_176, %dma_wait3A_447] : memref<16384x1024xf32, #tpu.memory_space<hbm>> -> memref<8x1024xf32, #tpu.memory_space<hbm>>
    tpu.wait_dma2 semaphore(%arg23 : memref<!tpu.dma_semaphore, #tpu.memory_space<semaphore_mem>>) src(%dma_wait3A_448 : memref<8x1024xf32, #tpu.memory_space<hbm>>) dst(%arg8 : memref<8x1024xf32, #tpu.memory_space<vmem>>)
    %dma_wait3A_449 = arith.constant 0 : i32
    %dma_wait3A_450 = tpu.memref_slice %arg2[%add3A_188, %dma_wait3A_449] : memref<16384x1024xf32, #tpu.memory_space<hbm>> -> memref<8x1024xf32, #tpu.memory_space<hbm>>
    %dma_wait3A_451 = arith.constant 0 : i32
    %dma_wait3A_452 = tpu.memref_slice %arg2[%add3A_188, %dma_wait3A_451] : memref<16384x1024xf32, #tpu.memory_space<hbm>> -> memref<8x1024xf32, #tpu.memory_space<hbm>>
    tpu.wait_dma2 semaphore(%arg24 : memref<!tpu.dma_semaphore, #tpu.memory_space<semaphore_mem>>) src(%dma_wait3A_452 : memref<8x1024xf32, #tpu.memory_space<hbm>>) dst(%arg9 : memref<8x1024xf32, #tpu.memory_space<vmem>>)
    %dma_wait3A_453 = arith.constant 0 : i32
    %dma_wait3A_454 = tpu.memref_slice %arg2[%add3A_200, %dma_wait3A_453] : memref<16384x1024xf32, #tpu.memory_space<hbm>> -> memref<8x1024xf32, #tpu.memory_space<hbm>>
    %dma_wait3A_455 = arith.constant 0 : i32
    %dma_wait3A_456 = tpu.memref_slice %arg2[%add3A_200, %dma_wait3A_455] : memref<16384x1024xf32, #tpu.memory_space<hbm>> -> memref<8x1024xf32, #tpu.memory_space<hbm>>
    tpu.wait_dma2 semaphore(%arg25 : memref<!tpu.dma_semaphore, #tpu.memory_space<semaphore_mem>>) src(%dma_wait3A_456 : memref<8x1024xf32, #tpu.memory_space<hbm>>) dst(%arg10 : memref<8x1024xf32, #tpu.memory_space<vmem>>)
    %dma_wait3A_457 = arith.constant 0 : i32
    %dma_wait3A_458 = tpu.memref_slice %arg2[%add3A_212, %dma_wait3A_457] : memref<16384x1024xf32, #tpu.memory_space<hbm>> -> memref<8x1024xf32, #tpu.memory_space<hbm>>
    %dma_wait3A_459 = arith.constant 0 : i32
    %dma_wait3A_460 = tpu.memref_slice %arg2[%add3A_212, %dma_wait3A_459] : memref<16384x1024xf32, #tpu.memory_space<hbm>> -> memref<8x1024xf32, #tpu.memory_space<hbm>>
    tpu.wait_dma2 semaphore(%arg26 : memref<!tpu.dma_semaphore, #tpu.memory_space<semaphore_mem>>) src(%dma_wait3A_460 : memref<8x1024xf32, #tpu.memory_space<hbm>>) dst(%arg11 : memref<8x1024xf32, #tpu.memory_space<vmem>>)
    %parallel_loop3A_461 = arith.constant 0 : i32
    %parallel_loop3A_462 = arith.constant 512 : i32
    %parallel_loop3A_463 = arith.constant 1 : i32
    scf.for %parallel_loop3A_1744 = %parallel_loop3A_461 to %parallel_loop3A_462 step %parallel_loop3A_463  : i32 {
      %parallel_loop3A_1745 = arith.constant 64 : i32
      %parallel_loop3A_1746 = arith.divsi %parallel_loop3A_1744, %parallel_loop3A_1745 : i32
      %parallel_loop3A_1747 = arith.constant 0 : i32
      %parallel_loop3A_1748 = arith.cmpi sgt, %parallel_loop3A_1744, %parallel_loop3A_1747 : i32
      %parallel_loop3A_1749 = arith.extui %parallel_loop3A_1748 : i1 to i32
      %parallel_loop3A_1750 = arith.constant 0 : i32
      %parallel_loop3A_1751 = arith.cmpi slt, %parallel_loop3A_1744, %parallel_loop3A_1750 : i32
      %parallel_loop3A_1752 = arith.extui %parallel_loop3A_1751 : i1 to i32
      %parallel_loop3A_1753 = arith.subi %parallel_loop3A_1749, %parallel_loop3A_1752 : i32
      %parallel_loop3A_1754 = arith.constant 0 : i32
      %parallel_loop3A_1755 = arith.cmpi sgt, %parallel_loop3A_1745, %parallel_loop3A_1754 : i32
      %parallel_loop3A_1756 = arith.extui %parallel_loop3A_1755 : i1 to i32
      %parallel_loop3A_1757 = arith.constant 0 : i32
      %parallel_loop3A_1758 = arith.cmpi slt, %parallel_loop3A_1745, %parallel_loop3A_1757 : i32
      %parallel_loop3A_1759 = arith.extui %parallel_loop3A_1758 : i1 to i32
      %parallel_loop3A_1760 = arith.subi %parallel_loop3A_1756, %parallel_loop3A_1759 : i32
      %parallel_loop3A_1761 = arith.cmpi ne, %parallel_loop3A_1753, %parallel_loop3A_1760 : i32
      %parallel_loop3A_1762 = arith.remsi %parallel_loop3A_1744, %parallel_loop3A_1745 : i32
      %parallel_loop3A_1763 = arith.constant 0 : i32
      %parallel_loop3A_1764 = arith.cmpi ne, %parallel_loop3A_1762, %parallel_loop3A_1763 : i32
      %parallel_loop3A_1765 = arith.andi %parallel_loop3A_1761, %parallel_loop3A_1764 : i1
      %parallel_loop3A_1766 = arith.constant 1 : i32
      %parallel_loop3A_1767 = arith.subi %parallel_loop3A_1746, %parallel_loop3A_1766 : i32
      %parallel_loop3A_1768 = arith.select %parallel_loop3A_1765, %parallel_loop3A_1767, %parallel_loop3A_1746 : i32
      %parallel_loop3A_1769 = arith.constant 64 : i32
      %parallel_loop3A_1770 = arith.constant 0 : i32
      %parallel_loop3A_1771 = arith.cmpi eq, %parallel_loop3A_1769, %parallel_loop3A_1770 : i32
      %parallel_loop3A_1772 = arith.constant 1 : i32
      %parallel_loop3A_1773 = arith.select %parallel_loop3A_1771, %parallel_loop3A_1772, %parallel_loop3A_1769 : i32
      %parallel_loop3A_1774 = arith.remsi %parallel_loop3A_1744, %parallel_loop3A_1773 : i32
      %parallel_loop3A_1775 = arith.constant 0 : i32
      %parallel_loop3A_1776 = arith.cmpi ne, %parallel_loop3A_1774, %parallel_loop3A_1775 : i32
      %parallel_loop3A_1777 = arith.constant 0 : i32
      %parallel_loop3A_1778 = arith.cmpi slt, %parallel_loop3A_1774, %parallel_loop3A_1777 : i32
      %parallel_loop3A_1779 = arith.constant 0 : i32
      %parallel_loop3A_1780 = arith.cmpi slt, %parallel_loop3A_1773, %parallel_loop3A_1779 : i32
      %parallel_loop3A_1781 = arith.xori %parallel_loop3A_1778, %parallel_loop3A_1780 : i1
      %parallel_loop3A_1782 = arith.andi %parallel_loop3A_1781, %parallel_loop3A_1776 : i1
      %parallel_loop3A_1783 = arith.addi %parallel_loop3A_1774, %parallel_loop3A_1773 : i32
      %parallel_loop3A_1784 = arith.select %parallel_loop3A_1782, %parallel_loop3A_1783, %parallel_loop3A_1774 : i32
      %parallel_loop3A_1785 = arith.constant 16 : i32
      %parallel_loop3A_1786 = arith.muli %parallel_loop3A_1784, %parallel_loop3A_1785 : i32
      %parallel_loop3A_1787 = arith.index_cast %parallel_loop3A_1768 : i32 to index
      %parallel_loop3A_1788 = arith.index_cast %parallel_loop3A_1786 : i32 to index
      %parallel_loop3A_1789 = tpu.vector_load %arg5[%parallel_loop3A_1787, %parallel_loop3A_1788] {strides = array<i32>} : memref<8x1024xf32, #tpu.memory_space<vmem>>, vector<1x16xf32>,
      %parallel_loop3A_1790 = vector.shape_cast %parallel_loop3A_1789 : vector<1x16xf32> to vector<16xf32>
      %parallel_loop3A_1791 = arith.index_cast %parallel_loop3A_1768 : i32 to index
      %parallel_loop3A_1792 = arith.index_cast %parallel_loop3A_1786 : i32 to index
      %parallel_loop3A_1793 = tpu.vector_load %arg8[%parallel_loop3A_1791, %parallel_loop3A_1792] {strides = array<i32>} : memref<8x1024xf32, #tpu.memory_space<vmem>>, vector<1x16xf32>,
      %parallel_loop3A_1794 = vector.shape_cast %parallel_loop3A_1793 : vector<1x16xf32> to vector<16xf32>
      %parallel_loop3A_1795 = vector.shape_cast %parallel_loop3A_1790 : vector<16xf32> to vector<1x16xf32>
      tpu.vector_store %arg8[%parallel_loop3A_1791, %parallel_loop3A_1792], %parallel_loop3A_1795 {add = true, strides = array<i32>} : memref<8x1024xf32, #tpu.memory_space<vmem>>, vector<1x16xf32>,
      %parallel_loop3A_1796 = arith.index_cast %parallel_loop3A_1768 : i32 to index
      %parallel_loop3A_1797 = arith.index_cast %parallel_loop3A_1786 : i32 to index
      %parallel_loop3A_1798 = tpu.vector_load %arg9[%parallel_loop3A_1796, %parallel_loop3A_1797] {strides = array<i32>} : memref<8x1024xf32, #tpu.memory_space<vmem>>, vector<1x16xf32>,
      %parallel_loop3A_1799 = vector.shape_cast %parallel_loop3A_1798 : vector<1x16xf32> to vector<16xf32>
      %parallel_loop3A_1800 = vector.shape_cast %parallel_loop3A_1790 : vector<16xf32> to vector<1x16xf32>
      tpu.vector_store %arg9[%parallel_loop3A_1796, %parallel_loop3A_1797], %parallel_loop3A_1800 {add = true, strides = array<i32>} : memref<8x1024xf32, #tpu.memory_space<vmem>>, vector<1x16xf32>,
      %parallel_loop3A_1801 = arith.index_cast %parallel_loop3A_1768 : i32 to index
      %parallel_loop3A_1802 = arith.index_cast %parallel_loop3A_1786 : i32 to index
      %parallel_loop3A_1803 = tpu.vector_load %arg10[%parallel_loop3A_1801, %parallel_loop3A_1802] {strides = array<i32>} : memref<8x1024xf32, #tpu.memory_space<vmem>>, vector<1x16xf32>,
      %parallel_loop3A_1804 = vector.shape_cast %parallel_loop3A_1803 : vector<1x16xf32> to vector<16xf32>
      %parallel_loop3A_1805 = vector.shape_cast %parallel_loop3A_1790 : vector<16xf32> to vector<1x16xf32>
      tpu.vector_store %arg10[%parallel_loop3A_1801, %parallel_loop3A_1802], %parallel_loop3A_1805 {add = true, strides = array<i32>} : memref<8x1024xf32, #tpu.memory_space<vmem>>, vector<1x16xf32>,
      %parallel_loop3A_1806 = arith.index_cast %parallel_loop3A_1768 : i32 to index
      %parallel_loop3A_1807 = arith.index_cast %parallel_loop3A_1786 : i32 to index
      %parallel_loop3A_1808 = tpu.vector_load %arg11[%parallel_loop3A_1806, %parallel_loop3A_1807] {strides = array<i32>} : memref<8x1024xf32, #tpu.memory_space<vmem>>, vector<1x16xf32>,
      %parallel_loop3A_1809 = vector.shape_cast %parallel_loop3A_1808 : vector<1x16xf32> to vector<16xf32>
      %parallel_loop3A_1810 = vector.shape_cast %parallel_loop3A_1790 : vector<16xf32> to vector<1x16xf32>
      tpu.vector_store %arg11[%parallel_loop3A_1806, %parallel_loop3A_1807], %parallel_loop3A_1810 {add = true, strides = array<i32>} : memref<8x1024xf32, #tpu.memory_space<vmem>>, vector<1x16xf32>,
    } {sc.loop_unroll_factor = 4 : i64, sc.parallel_access}
    %add3A_464 = arith.constant 0 : i32
    %add3A_465 = arith.addi %add3A_464, %mul3A_2 : i32
    %add3A_466 = arith.constant 24 : i32
    %add3A_467 = arith.addi %add3A_465, %add3A_466 : i32
    %dma_start3A_468 = arith.constant 0 : i32
    %dma_start3A_469 = tpu.memref_slice %arg4[%add3A_467, %dma_start3A_468] : memref<16384x1024xf32, #tpu.memory_space<hbm>> -> memref<8x1024xf32, #tpu.memory_space<hbm>>
    %dma_start3A_470 = arith.constant 0 : i32
    %dma_start3A_471 = tpu.memref_slice %arg4[%add3A_467, %dma_start3A_470] : memref<16384x1024xf32, #tpu.memory_space<hbm>> -> memref<8x1024xf32, #tpu.memory_space<hbm>>
    tpu.enqueue_dma source(%arg8 : memref<8x1024xf32, #tpu.memory_space<vmem>>) target(%dma_start3A_471 : memref<8x1024xf32, #tpu.memory_space<hbm>>) target_semaphore(%arg35 : memref<!tpu.dma_semaphore, #tpu.memory_space<semaphore_mem>>)
    %add3A_472 = arith.constant 4096 : i32
    %add3A_473 = arith.addi %add3A_472, %mul3A_2 : i32
    %add3A_474 = arith.constant 24 : i32
    %add3A_475 = arith.addi %add3A_473, %add3A_474 : i32
    %dma_start3A_476 = arith.constant 0 : i32
    %dma_start3A_477 = tpu.memref_slice %arg4[%add3A_475, %dma_start3A_476] : memref<16384x1024xf32, #tpu.memory_space<hbm>> -> memref<8x1024xf32, #tpu.memory_space<hbm>>
    %dma_start3A_478 = arith.constant 0 : i32
    %dma_start3A_479 = tpu.memref_slice %arg4[%add3A_475, %dma_start3A_478] : memref<16384x1024xf32, #tpu.memory_space<hbm>> -> memref<8x1024xf32, #tpu.memory_space<hbm>>
    tpu.enqueue_dma source(%arg9 : memref<8x1024xf32, #tpu.memory_space<vmem>>) target(%dma_start3A_479 : memref<8x1024xf32, #tpu.memory_space<hbm>>) target_semaphore(%arg36 : memref<!tpu.dma_semaphore, #tpu.memory_space<semaphore_mem>>)
    %add3A_480 = arith.constant 8192 : i32
    %add3A_481 = arith.addi %add3A_480, %mul3A_2 : i32
    %add3A_482 = arith.constant 24 : i32
    %add3A_483 = arith.addi %add3A_481, %add3A_482 : i32
    %dma_start3A_484 = arith.constant 0 : i32
    %dma_start3A_485 = tpu.memref_slice %arg4[%add3A_483, %dma_start3A_484] : memref<16384x1024xf32, #tpu.memory_space<hbm>> -> memref<8x1024xf32, #tpu.memory_space<hbm>>
    %dma_start3A_486 = arith.constant 0 : i32
    %dma_start3A_487 = tpu.memref_slice %arg4[%add3A_483, %dma_start3A_486] : memref<16384x1024xf32, #tpu.memory_space<hbm>> -> memref<8x1024xf32, #tpu.memory_space<hbm>>
    tpu.enqueue_dma source(%arg10 : memref<8x1024xf32, #tpu.memory_space<vmem>>) target(%dma_start3A_487 : memref<8x1024xf32, #tpu.memory_space<hbm>>) target_semaphore(%arg37 : memref<!tpu.dma_semaphore, #tpu.memory_space<semaphore_mem>>)
    %add3A_488 = arith.constant 12288 : i32
    %add3A_489 = arith.addi %add3A_488, %mul3A_2 : i32
    %add3A_490 = arith.constant 24 : i32
    %add3A_491 = arith.addi %add3A_489, %add3A_490 : i32
    %dma_start3A_492 = arith.constant 0 : i32
    %dma_start3A_493 = tpu.memref_slice %arg4[%add3A_491, %dma_start3A_492] : memref<16384x1024xf32, #tpu.memory_space<hbm>> -> memref<8x1024xf32, #tpu.memory_space<hbm>>
    %dma_start3A_494 = arith.constant 0 : i32
    %dma_start3A_495 = tpu.memref_slice %arg4[%add3A_491, %dma_start3A_494] : memref<16384x1024xf32, #tpu.memory_space<hbm>> -> memref<8x1024xf32, #tpu.memory_space<hbm>>
    tpu.enqueue_dma source(%arg11 : memref<8x1024xf32, #tpu.memory_space<vmem>>) target(%dma_start3A_495 : memref<8x1024xf32, #tpu.memory_space<hbm>>) target_semaphore(%arg38 : memref<!tpu.dma_semaphore, #tpu.memory_space<semaphore_mem>>)
    %dma_wait3A_496 = arith.constant 0 : i32
    %dma_wait3A_497 = tpu.memref_slice %arg4[%add3A_467, %dma_wait3A_496] : memref<16384x1024xf32, #tpu.memory_space<hbm>> -> memref<8x1024xf32, #tpu.memory_space<hbm>>
    %dma_wait3A_498 = arith.constant 0 : i32
    %dma_wait3A_499 = tpu.memref_slice %arg4[%add3A_467, %dma_wait3A_498] : memref<16384x1024xf32, #tpu.memory_space<hbm>> -> memref<8x1024xf32, #tpu.memory_space<hbm>>
    tpu.wait_dma2 semaphore(%arg35 : memref<!tpu.dma_semaphore, #tpu.memory_space<semaphore_mem>>) src(%arg8 : memref<8x1024xf32, #tpu.memory_space<vmem>>) dst(%dma_wait3A_499 : memref<8x1024xf32, #tpu.memory_space<hbm>>)
    %add3A_500 = arith.constant 0 : i32
    %add3A_501 = arith.addi %add3A_500, %mul3A_2 : i32
    %add3A_502 = arith.constant 48 : i32
    %add3A_503 = arith.addi %add3A_501, %add3A_502 : i32
    %dma_start3A_504 = arith.constant 0 : i32
    %dma_start3A_505 = tpu.memref_slice %arg2[%add3A_503, %dma_start3A_504] : memref<16384x1024xf32, #tpu.memory_space<hbm>> -> memref<8x1024xf32, #tpu.memory_space<hbm>>
    %dma_start3A_506 = arith.constant 0 : i32
    %dma_start3A_507 = tpu.memref_slice %arg2[%add3A_503, %dma_start3A_506] : memref<16384x1024xf32, #tpu.memory_space<hbm>> -> memref<8x1024xf32, #tpu.memory_space<hbm>>
    tpu.enqueue_dma source(%dma_start3A_507 : memref<8x1024xf32, #tpu.memory_space<hbm>>) target(%arg8 : memref<8x1024xf32, #tpu.memory_space<vmem>>) target_semaphore(%arg23 : memref<!tpu.dma_semaphore, #tpu.memory_space<semaphore_mem>>)
    %dma_wait3A_508 = arith.constant 0 : i32
    %dma_wait3A_509 = tpu.memref_slice %arg4[%add3A_475, %dma_wait3A_508] : memref<16384x1024xf32, #tpu.memory_space<hbm>> -> memref<8x1024xf32, #tpu.memory_space<hbm>>
    %dma_wait3A_510 = arith.constant 0 : i32
    %dma_wait3A_511 = tpu.memref_slice %arg4[%add3A_475, %dma_wait3A_510] : memref<16384x1024xf32, #tpu.memory_space<hbm>> -> memref<8x1024xf32, #tpu.memory_space<hbm>>
    tpu.wait_dma2 semaphore(%arg36 : memref<!tpu.dma_semaphore, #tpu.memory_space<semaphore_mem>>) src(%arg9 : memref<8x1024xf32, #tpu.memory_space<vmem>>) dst(%dma_wait3A_511 : memref<8x1024xf32, #tpu.memory_space<hbm>>)
    %add3A_512 = arith.constant 4096 : i32
    %add3A_513 = arith.addi %add3A_512, %mul3A_2 : i32
    %add3A_514 = arith.constant 48 : i32
    %add3A_515 = arith.addi %add3A_513, %add3A_514 : i32
    %dma_start3A_516 = arith.constant 0 : i32
    %dma_start3A_517 = tpu.memref_slice %arg2[%add3A_515, %dma_start3A_516] : memref<16384x1024xf32, #tpu.memory_space<hbm>> -> memref<8x1024xf32, #tpu.memory_space<hbm>>
    %dma_start3A_518 = arith.constant 0 : i32
    %dma_start3A_519 = tpu.memref_slice %arg2[%add3A_515, %dma_start3A_518] : memref<16384x1024xf32, #tpu.memory_space<hbm>> -> memref<8x1024xf32, #tpu.memory_space<hbm>>
    tpu.enqueue_dma source(%dma_start3A_519 : memref<8x1024xf32, #tpu.memory_space<hbm>>) target(%arg9 : memref<8x1024xf32, #tpu.memory_space<vmem>>) target_semaphore(%arg24 : memref<!tpu.dma_semaphore, #tpu.memory_space<semaphore_mem>>)
    %dma_wait3A_520 = arith.constant 0 : i32
    %dma_wait3A_521 = tpu.memref_slice %arg4[%add3A_483, %dma_wait3A_520] : memref<16384x1024xf32, #tpu.memory_space<hbm>> -> memref<8x1024xf32, #tpu.memory_space<hbm>>
    %dma_wait3A_522 = arith.constant 0 : i32
    %dma_wait3A_523 = tpu.memref_slice %arg4[%add3A_483, %dma_wait3A_522] : memref<16384x1024xf32, #tpu.memory_space<hbm>> -> memref<8x1024xf32, #tpu.memory_space<hbm>>
    tpu.wait_dma2 semaphore(%arg37 : memref<!tpu.dma_semaphore, #tpu.memory_space<semaphore_mem>>) src(%arg10 : memref<8x1024xf32, #tpu.memory_space<vmem>>) dst(%dma_wait3A_523 : memref<8x1024xf32, #tpu.memory_space<hbm>>)
    %add3A_524 = arith.constant 8192 : i32
    %add3A_525 = arith.addi %add3A_524, %mul3A_2 : i32
    %add3A_526 = arith.constant 48 : i32
    %add3A_527 = arith.addi %add3A_525, %add3A_526 : i32
    %dma_start3A_528 = arith.constant 0 : i32
    %dma_start3A_529 = tpu.memref_slice %arg2[%add3A_527, %dma_start3A_528] : memref<16384x1024xf32, #tpu.memory_space<hbm>> -> memref<8x1024xf32, #tpu.memory_space<hbm>>
    %dma_start3A_530 = arith.constant 0 : i32
    %dma_start3A_531 = tpu.memref_slice %arg2[%add3A_527, %dma_start3A_530] : memref<16384x1024xf32, #tpu.memory_space<hbm>> -> memref<8x1024xf32, #tpu.memory_space<hbm>>
    tpu.enqueue_dma source(%dma_start3A_531 : memref<8x1024xf32, #tpu.memory_space<hbm>>) target(%arg10 : memref<8x1024xf32, #tpu.memory_space<vmem>>) target_semaphore(%arg25 : memref<!tpu.dma_semaphore, #tpu.memory_space<semaphore_mem>>)
    %dma_wait3A_532 = arith.constant 0 : i32
    %dma_wait3A_533 = tpu.memref_slice %arg4[%add3A_491, %dma_wait3A_532] : memref<16384x1024xf32, #tpu.memory_space<hbm>> -> memref<8x1024xf32, #tpu.memory_space<hbm>>
    %dma_wait3A_534 = arith.constant 0 : i32
    %dma_wait3A_535 = tpu.memref_slice %arg4[%add3A_491, %dma_wait3A_534] : memref<16384x1024xf32, #tpu.memory_space<hbm>> -> memref<8x1024xf32, #tpu.memory_space<hbm>>
    tpu.wait_dma2 semaphore(%arg38 : memref<!tpu.dma_semaphore, #tpu.memory_space<semaphore_mem>>) src(%arg11 : memref<8x1024xf32, #tpu.memory_space<vmem>>) dst(%dma_wait3A_535 : memref<8x1024xf32, #tpu.memory_space<hbm>>)
    %add3A_536 = arith.constant 12288 : i32
    %add3A_537 = arith.addi %add3A_536, %mul3A_2 : i32
    %add3A_538 = arith.constant 48 : i32
    %add3A_539 = arith.addi %add3A_537, %add3A_538 : i32
    %dma_start3A_540 = arith.constant 0 : i32
    %dma_start3A_541 = tpu.memref_slice %arg2[%add3A_539, %dma_start3A_540] : memref<16384x1024xf32, #tpu.memory_space<hbm>> -> memref<8x1024xf32, #tpu.memory_space<hbm>>
    %dma_start3A_542 = arith.constant 0 : i32
    %dma_start3A_543 = tpu.memref_slice %arg2[%add3A_539, %dma_start3A_542] : memref<16384x1024xf32, #tpu.memory_space<hbm>> -> memref<8x1024xf32, #tpu.memory_space<hbm>>
    tpu.enqueue_dma source(%dma_start3A_543 : memref<8x1024xf32, #tpu.memory_space<hbm>>) target(%arg11 : memref<8x1024xf32, #tpu.memory_space<vmem>>) target_semaphore(%arg26 : memref<!tpu.dma_semaphore, #tpu.memory_space<semaphore_mem>>)
    %add3A_544 = arith.constant 48 : i32
    %add3A_545 = arith.addi %mul3A_2, %add3A_544 : i32
    %dma_start3A_546 = arith.constant 0 : i32
    %dma_start3A_547 = tpu.memref_slice %arg3[%add3A_545, %dma_start3A_546] : memref<4096x1024xf32, #tpu.memory_space<hbm>> -> memref<8x1024xf32, #tpu.memory_space<hbm>>
    %dma_start3A_548 = arith.constant 0 : i32
    %dma_start3A_549 = tpu.memref_slice %arg3[%add3A_545, %dma_start3A_548] : memref<4096x1024xf32, #tpu.memory_space<hbm>> -> memref<8x1024xf32, #tpu.memory_space<hbm>>
    tpu.enqueue_dma source(%dma_start3A_549 : memref<8x1024xf32, #tpu.memory_space<hbm>>) target(%arg5 : memref<8x1024xf32, #tpu.memory_space<vmem>>) target_semaphore(%arg20 : memref<!tpu.dma_semaphore, #tpu.memory_space<semaphore_mem>>)
    %dma_wait3A_550 = arith.constant 0 : i32
    %dma_wait3A_551 = tpu.memref_slice %arg3[%add3A_327, %dma_wait3A_550] : memref<4096x1024xf32, #tpu.memory_space<hbm>> -> memref<8x1024xf32, #tpu.memory_space<hbm>>
    %dma_wait3A_552 = arith.constant 0 : i32
    %dma_wait3A_553 = tpu.memref_slice %arg3[%add3A_327, %dma_wait3A_552] : memref<4096x1024xf32, #tpu.memory_space<hbm>> -> memref<8x1024xf32, #tpu.memory_space<hbm>>
    tpu.wait_dma2 semaphore(%arg21 : memref<!tpu.dma_semaphore, #tpu.memory_space<semaphore_mem>>) src(%dma_wait3A_553 : memref<8x1024xf32, #tpu.memory_space<hbm>>) dst(%arg6 : memref<8x1024xf32, #tpu.memory_space<vmem>>)
    %dma_wait3A_554 = arith.constant 0 : i32
    %dma_wait3A_555 = tpu.memref_slice %arg2[%add3A_285, %dma_wait3A_554] : memref<16384x1024xf32, #tpu.memory_space<hbm>> -> memref<8x1024xf32, #tpu.memory_space<hbm>>
    %dma_wait3A_556 = arith.constant 0 : i32
    %dma_wait3A_557 = tpu.memref_slice %arg2[%add3A_285, %dma_wait3A_556] : memref<16384x1024xf32, #tpu.memory_space<hbm>> -> memref<8x1024xf32, #tpu.memory_space<hbm>>
    tpu.wait_dma2 semaphore(%arg27 : memref<!tpu.dma_semaphore, #tpu.memory_space<semaphore_mem>>) src(%dma_wait3A_557 : memref<8x1024xf32, #tpu.memory_space<hbm>>) dst(%arg12 : memref<8x1024xf32, #tpu.memory_space<vmem>>)
    %dma_wait3A_558 = arith.constant 0 : i32
    %dma_wait3A_559 = tpu.memref_slice %arg2[%add3A_297, %dma_wait3A_558] : memref<16384x1024xf32, #tpu.memory_space<hbm>> -> memref<8x1024xf32, #tpu.memory_space<hbm>>
    %dma_wait3A_560 = arith.constant 0 : i32
    %dma_wait3A_561 = tpu.memref_slice %arg2[%add3A_297, %dma_wait3A_560] : memref<16384x1024xf32, #tpu.memory_space<hbm>> -> memref<8x1024xf32, #tpu.memory_space<hbm>>
    tpu.wait_dma2 semaphore(%arg28 : memref<!tpu.dma_semaphore, #tpu.memory_space<semaphore_mem>>) src(%dma_wait3A_561 : memref<8x1024xf32, #tpu.memory_space<hbm>>) dst(%arg13 : memref<8x1024xf32, #tpu.memory_space<vmem>>)
    %dma_wait3A_562 = arith.constant 0 : i32
    %dma_wait3A_563 = tpu.memref_slice %arg2[%add3A_309, %dma_wait3A_562] : memref<16384x1024xf32, #tpu.memory_space<hbm>> -> memref<8x1024xf32, #tpu.memory_space<hbm>>
    %dma_wait3A_564 = arith.constant 0 : i32
    %dma_wait3A_565 = tpu.memref_slice %arg2[%add3A_309, %dma_wait3A_564] : memref<16384x1024xf32, #tpu.memory_space<hbm>> -> memref<8x1024xf32, #tpu.memory_space<hbm>>
    tpu.wait_dma2 semaphore(%arg29 : memref<!tpu.dma_semaphore, #tpu.memory_space<semaphore_mem>>) src(%dma_wait3A_565 : memref<8x1024xf32, #tpu.memory_space<hbm>>) dst(%arg14 : memref<8x1024xf32, #tpu.memory_space<vmem>>)
    %dma_wait3A_566 = arith.constant 0 : i32
    %dma_wait3A_567 = tpu.memref_slice %arg2[%add3A_321, %dma_wait3A_566] : memref<16384x1024xf32, #tpu.memory_space<hbm>> -> memref<8x1024xf32, #tpu.memory_space<hbm>>
    %dma_wait3A_568 = arith.constant 0 : i32
    %dma_wait3A_569 = tpu.memref_slice %arg2[%add3A_321, %dma_wait3A_568] : memref<16384x1024xf32, #tpu.memory_space<hbm>> -> memref<8x1024xf32, #tpu.memory_space<hbm>>
    tpu.wait_dma2 semaphore(%arg30 : memref<!tpu.dma_semaphore, #tpu.memory_space<semaphore_mem>>) src(%dma_wait3A_569 : memref<8x1024xf32, #tpu.memory_space<hbm>>) dst(%arg15 : memref<8x1024xf32, #tpu.memory_space<vmem>>)
    %parallel_loop3A_570 = arith.constant 0 : i32
    %parallel_loop3A_571 = arith.constant 512 : i32
    %parallel_loop3A_572 = arith.constant 1 : i32
    scf.for %parallel_loop3A_1744 = %parallel_loop3A_570 to %parallel_loop3A_571 step %parallel_loop3A_572  : i32 {
      %parallel_loop3A_1745 = arith.constant 64 : i32
      %parallel_loop3A_1746 = arith.divsi %parallel_loop3A_1744, %parallel_loop3A_1745 : i32
      %parallel_loop3A_1747 = arith.constant 0 : i32
      %parallel_loop3A_1748 = arith.cmpi sgt, %parallel_loop3A_1744, %parallel_loop3A_1747 : i32
      %parallel_loop3A_1749 = arith.extui %parallel_loop3A_1748 : i1 to i32
      %parallel_loop3A_1750 = arith.constant 0 : i32
      %parallel_loop3A_1751 = arith.cmpi slt, %parallel_loop3A_1744, %parallel_loop3A_1750 : i32
      %parallel_loop3A_1752 = arith.extui %parallel_loop3A_1751 : i1 to i32
      %parallel_loop3A_1753 = arith.subi %parallel_loop3A_1749, %parallel_loop3A_1752 : i32
      %parallel_loop3A_1754 = arith.constant 0 : i32
      %parallel_loop3A_1755 = arith.cmpi sgt, %parallel_loop3A_1745, %parallel_loop3A_1754 : i32
      %parallel_loop3A_1756 = arith.extui %parallel_loop3A_1755 : i1 to i32
      %parallel_loop3A_1757 = arith.constant 0 : i32
      %parallel_loop3A_1758 = arith.cmpi slt, %parallel_loop3A_1745, %parallel_loop3A_1757 : i32
      %parallel_loop3A_1759 = arith.extui %parallel_loop3A_1758 : i1 to i32
      %parallel_loop3A_1760 = arith.subi %parallel_loop3A_1756, %parallel_loop3A_1759 : i32
      %parallel_loop3A_1761 = arith.cmpi ne, %parallel_loop3A_1753, %parallel_loop3A_1760 : i32
      %parallel_loop3A_1762 = arith.remsi %parallel_loop3A_1744, %parallel_loop3A_1745 : i32
      %parallel_loop3A_1763 = arith.constant 0 : i32
      %parallel_loop3A_1764 = arith.cmpi ne, %parallel_loop3A_1762, %parallel_loop3A_1763 : i32
      %parallel_loop3A_1765 = arith.andi %parallel_loop3A_1761, %parallel_loop3A_1764 : i1
      %parallel_loop3A_1766 = arith.constant 1 : i32
      %parallel_loop3A_1767 = arith.subi %parallel_loop3A_1746, %parallel_loop3A_1766 : i32
      %parallel_loop3A_1768 = arith.select %parallel_loop3A_1765, %parallel_loop3A_1767, %parallel_loop3A_1746 : i32
      %parallel_loop3A_1769 = arith.constant 64 : i32
      %parallel_loop3A_1770 = arith.constant 0 : i32
      %parallel_loop3A_1771 = arith.cmpi eq, %parallel_loop3A_1769, %parallel_loop3A_1770 : i32
      %parallel_loop3A_1772 = arith.constant 1 : i32
      %parallel_loop3A_1773 = arith.select %parallel_loop3A_1771, %parallel_loop3A_1772, %parallel_loop3A_1769 : i32
      %parallel_loop3A_1774 = arith.remsi %parallel_loop3A_1744, %parallel_loop3A_1773 : i32
      %parallel_loop3A_1775 = arith.constant 0 : i32
      %parallel_loop3A_1776 = arith.cmpi ne, %parallel_loop3A_1774, %parallel_loop3A_1775 : i32
      %parallel_loop3A_1777 = arith.constant 0 : i32
      %parallel_loop3A_1778 = arith.cmpi slt, %parallel_loop3A_1774, %parallel_loop3A_1777 : i32
      %parallel_loop3A_1779 = arith.constant 0 : i32
      %parallel_loop3A_1780 = arith.cmpi slt, %parallel_loop3A_1773, %parallel_loop3A_1779 : i32
      %parallel_loop3A_1781 = arith.xori %parallel_loop3A_1778, %parallel_loop3A_1780 : i1
      %parallel_loop3A_1782 = arith.andi %parallel_loop3A_1781, %parallel_loop3A_1776 : i1
      %parallel_loop3A_1783 = arith.addi %parallel_loop3A_1774, %parallel_loop3A_1773 : i32
      %parallel_loop3A_1784 = arith.select %parallel_loop3A_1782, %parallel_loop3A_1783, %parallel_loop3A_1774 : i32
      %parallel_loop3A_1785 = arith.constant 16 : i32
      %parallel_loop3A_1786 = arith.muli %parallel_loop3A_1784, %parallel_loop3A_1785 : i32
      %parallel_loop3A_1787 = arith.index_cast %parallel_loop3A_1768 : i32 to index
      %parallel_loop3A_1788 = arith.index_cast %parallel_loop3A_1786 : i32 to index
      %parallel_loop3A_1789 = tpu.vector_load %arg6[%parallel_loop3A_1787, %parallel_loop3A_1788] {strides = array<i32>} : memref<8x1024xf32, #tpu.memory_space<vmem>>, vector<1x16xf32>,
      %parallel_loop3A_1790 = vector.shape_cast %parallel_loop3A_1789 : vector<1x16xf32> to vector<16xf32>
      %parallel_loop3A_1791 = arith.index_cast %parallel_loop3A_1768 : i32 to index
      %parallel_loop3A_1792 = arith.index_cast %parallel_loop3A_1786 : i32 to index
      %parallel_loop3A_1793 = tpu.vector_load %arg12[%parallel_loop3A_1791, %parallel_loop3A_1792] {strides = array<i32>} : memref<8x1024xf32, #tpu.memory_space<vmem>>, vector<1x16xf32>,
      %parallel_loop3A_1794 = vector.shape_cast %parallel_loop3A_1793 : vector<1x16xf32> to vector<16xf32>
      %parallel_loop3A_1795 = vector.shape_cast %parallel_loop3A_1790 : vector<16xf32> to vector<1x16xf32>
      tpu.vector_store %arg12[%parallel_loop3A_1791, %parallel_loop3A_1792], %parallel_loop3A_1795 {add = true, strides = array<i32>} : memref<8x1024xf32, #tpu.memory_space<vmem>>, vector<1x16xf32>,
      %parallel_loop3A_1796 = arith.index_cast %parallel_loop3A_1768 : i32 to index
      %parallel_loop3A_1797 = arith.index_cast %parallel_loop3A_1786 : i32 to index
      %parallel_loop3A_1798 = tpu.vector_load %arg13[%parallel_loop3A_1796, %parallel_loop3A_1797] {strides = array<i32>} : memref<8x1024xf32, #tpu.memory_space<vmem>>, vector<1x16xf32>,
      %parallel_loop3A_1799 = vector.shape_cast %parallel_loop3A_1798 : vector<1x16xf32> to vector<16xf32>
      %parallel_loop3A_1800 = vector.shape_cast %parallel_loop3A_1790 : vector<16xf32> to vector<1x16xf32>
      tpu.vector_store %arg13[%parallel_loop3A_1796, %parallel_loop3A_1797], %parallel_loop3A_1800 {add = true, strides = array<i32>} : memref<8x1024xf32, #tpu.memory_space<vmem>>, vector<1x16xf32>,
      %parallel_loop3A_1801 = arith.index_cast %parallel_loop3A_1768 : i32 to index
      %parallel_loop3A_1802 = arith.index_cast %parallel_loop3A_1786 : i32 to index
      %parallel_loop3A_1803 = tpu.vector_load %arg14[%parallel_loop3A_1801, %parallel_loop3A_1802] {strides = array<i32>} : memref<8x1024xf32, #tpu.memory_space<vmem>>, vector<1x16xf32>,
      %parallel_loop3A_1804 = vector.shape_cast %parallel_loop3A_1803 : vector<1x16xf32> to vector<16xf32>
      %parallel_loop3A_1805 = vector.shape_cast %parallel_loop3A_1790 : vector<16xf32> to vector<1x16xf32>
      tpu.vector_store %arg14[%parallel_loop3A_1801, %parallel_loop3A_1802], %parallel_loop3A_1805 {add = true, strides = array<i32>} : memref<8x1024xf32, #tpu.memory_space<vmem>>, vector<1x16xf32>,
      %parallel_loop3A_1806 = arith.index_cast %parallel_loop3A_1768 : i32 to index
      %parallel_loop3A_1807 = arith.index_cast %parallel_loop3A_1786 : i32 to index
      %parallel_loop3A_1808 = tpu.vector_load %arg15[%parallel_loop3A_1806, %parallel_loop3A_1807] {strides = array<i32>} : memref<8x1024xf32, #tpu.memory_space<vmem>>, vector<1x16xf32>,
      %parallel_loop3A_1809 = vector.shape_cast %parallel_loop3A_1808 : vector<1x16xf32> to vector<16xf32>
      %parallel_loop3A_1810 = vector.shape_cast %parallel_loop3A_1790 : vector<16xf32> to vector<1x16xf32>
      tpu.vector_store %arg15[%parallel_loop3A_1806, %parallel_loop3A_1807], %parallel_loop3A_1810 {add = true, strides = array<i32>} : memref<8x1024xf32, #tpu.memory_space<vmem>>, vector<1x16xf32>,
    } {sc.loop_unroll_factor = 4 : i64, sc.parallel_access}
    %add3A_573 = arith.constant 0 : i32
    %add3A_574 = arith.addi %add3A_573, %mul3A_2 : i32
    %add3A_575 = arith.constant 32 : i32
    %add3A_576 = arith.addi %add3A_574, %add3A_575 : i32
    %dma_start3A_577 = arith.constant 0 : i32
    %dma_start3A_578 = tpu.memref_slice %arg4[%add3A_576, %dma_start3A_577] : memref<16384x1024xf32, #tpu.memory_space<hbm>> -> memref<8x1024xf32, #tpu.memory_space<hbm>>
    %dma_start3A_579 = arith.constant 0 : i32
    %dma_start3A_580 = tpu.memref_slice %arg4[%add3A_576, %dma_start3A_579] : memref<16384x1024xf32, #tpu.memory_space<hbm>> -> memref<8x1024xf32, #tpu.memory_space<hbm>>
    tpu.enqueue_dma source(%arg12 : memref<8x1024xf32, #tpu.memory_space<vmem>>) target(%dma_start3A_580 : memref<8x1024xf32, #tpu.memory_space<hbm>>) target_semaphore(%arg39 : memref<!tpu.dma_semaphore, #tpu.memory_space<semaphore_mem>>)
    %add3A_581 = arith.constant 4096 : i32
    %add3A_582 = arith.addi %add3A_581, %mul3A_2 : i32
    %add3A_583 = arith.constant 32 : i32
    %add3A_584 = arith.addi %add3A_582, %add3A_583 : i32
    %dma_start3A_585 = arith.constant 0 : i32
    %dma_start3A_586 = tpu.memref_slice %arg4[%add3A_584, %dma_start3A_585] : memref<16384x1024xf32, #tpu.memory_space<hbm>> -> memref<8x1024xf32, #tpu.memory_space<hbm>>
    %dma_start3A_587 = arith.constant 0 : i32
    %dma_start3A_588 = tpu.memref_slice %arg4[%add3A_584, %dma_start3A_587] : memref<16384x1024xf32, #tpu.memory_space<hbm>> -> memref<8x1024xf32, #tpu.memory_space<hbm>>
    tpu.enqueue_dma source(%arg13 : memref<8x1024xf32, #tpu.memory_space<vmem>>) target(%dma_start3A_588 : memref<8x1024xf32, #tpu.memory_space<hbm>>) target_semaphore(%arg40 : memref<!tpu.dma_semaphore, #tpu.memory_space<semaphore_mem>>)
    %add3A_589 = arith.constant 8192 : i32
    %add3A_590 = arith.addi %add3A_589, %mul3A_2 : i32
    %add3A_591 = arith.constant 32 : i32
    %add3A_592 = arith.addi %add3A_590, %add3A_591 : i32
    %dma_start3A_593 = arith.constant 0 : i32
    %dma_start3A_594 = tpu.memref_slice %arg4[%add3A_592, %dma_start3A_593] : memref<16384x1024xf32, #tpu.memory_space<hbm>> -> memref<8x1024xf32, #tpu.memory_space<hbm>>
    %dma_start3A_595 = arith.constant 0 : i32
    %dma_start3A_596 = tpu.memref_slice %arg4[%add3A_592, %dma_start3A_595] : memref<16384x1024xf32, #tpu.memory_space<hbm>> -> memref<8x1024xf32, #tpu.memory_space<hbm>>
    tpu.enqueue_dma source(%arg14 : memref<8x1024xf32, #tpu.memory_space<vmem>>) target(%dma_start3A_596 : memref<8x1024xf32, #tpu.memory_space<hbm>>) target_semaphore(%arg41 : memref<!tpu.dma_semaphore, #tpu.memory_space<semaphore_mem>>)
    %add3A_597 = arith.constant 12288 : i32
    %add3A_598 = arith.addi %add3A_597, %mul3A_2 : i32
    %add3A_599 = arith.constant 32 : i32
    %add3A_600 = arith.addi %add3A_598, %add3A_599 : i32
    %dma_start3A_601 = arith.constant 0 : i32
    %dma_start3A_602 = tpu.memref_slice %arg4[%add3A_600, %dma_start3A_601] : memref<16384x1024xf32, #tpu.memory_space<hbm>> -> memref<8x1024xf32, #tpu.memory_space<hbm>>
    %dma_start3A_603 = arith.constant 0 : i32
    %dma_start3A_604 = tpu.memref_slice %arg4[%add3A_600, %dma_start3A_603] : memref<16384x1024xf32, #tpu.memory_space<hbm>> -> memref<8x1024xf32, #tpu.memory_space<hbm>>
    tpu.enqueue_dma source(%arg15 : memref<8x1024xf32, #tpu.memory_space<vmem>>) target(%dma_start3A_604 : memref<8x1024xf32, #tpu.memory_space<hbm>>) target_semaphore(%arg42 : memref<!tpu.dma_semaphore, #tpu.memory_space<semaphore_mem>>)
    %dma_wait3A_605 = arith.constant 0 : i32
    %dma_wait3A_606 = tpu.memref_slice %arg4[%add3A_576, %dma_wait3A_605] : memref<16384x1024xf32, #tpu.memory_space<hbm>> -> memref<8x1024xf32, #tpu.memory_space<hbm>>
    %dma_wait3A_607 = arith.constant 0 : i32
    %dma_wait3A_608 = tpu.memref_slice %arg4[%add3A_576, %dma_wait3A_607] : memref<16384x1024xf32, #tpu.memory_space<hbm>> -> memref<8x1024xf32, #tpu.memory_space<hbm>>
    tpu.wait_dma2 semaphore(%arg39 : memref<!tpu.dma_semaphore, #tpu.memory_space<semaphore_mem>>) src(%arg12 : memref<8x1024xf32, #tpu.memory_space<vmem>>) dst(%dma_wait3A_608 : memref<8x1024xf32, #tpu.memory_space<hbm>>)
    %add3A_609 = arith.constant 0 : i32
    %add3A_610 = arith.addi %add3A_609, %mul3A_2 : i32
    %add3A_611 = arith.constant 56 : i32
    %add3A_612 = arith.addi %add3A_610, %add3A_611 : i32
    %dma_start3A_613 = arith.constant 0 : i32
    %dma_start3A_614 = tpu.memref_slice %arg2[%add3A_612, %dma_start3A_613] : memref<16384x1024xf32, #tpu.memory_space<hbm>> -> memref<8x1024xf32, #tpu.memory_space<hbm>>
    %dma_start3A_615 = arith.constant 0 : i32
    %dma_start3A_616 = tpu.memref_slice %arg2[%add3A_612, %dma_start3A_615] : memref<16384x1024xf32, #tpu.memory_space<hbm>> -> memref<8x1024xf32, #tpu.memory_space<hbm>>
    tpu.enqueue_dma source(%dma_start3A_616 : memref<8x1024xf32, #tpu.memory_space<hbm>>) target(%arg12 : memref<8x1024xf32, #tpu.memory_space<vmem>>) target_semaphore(%arg27 : memref<!tpu.dma_semaphore, #tpu.memory_space<semaphore_mem>>)
    %dma_wait3A_617 = arith.constant 0 : i32
    %dma_wait3A_618 = tpu.memref_slice %arg4[%add3A_584, %dma_wait3A_617] : memref<16384x1024xf32, #tpu.memory_space<hbm>> -> memref<8x1024xf32, #tpu.memory_space<hbm>>
    %dma_wait3A_619 = arith.constant 0 : i32
    %dma_wait3A_620 = tpu.memref_slice %arg4[%add3A_584, %dma_wait3A_619] : memref<16384x1024xf32, #tpu.memory_space<hbm>> -> memref<8x1024xf32, #tpu.memory_space<hbm>>
    tpu.wait_dma2 semaphore(%arg40 : memref<!tpu.dma_semaphore, #tpu.memory_space<semaphore_mem>>) src(%arg13 : memref<8x1024xf32, #tpu.memory_space<vmem>>) dst(%dma_wait3A_620 : memref<8x1024xf32, #tpu.memory_space<hbm>>)
    %add3A_621 = arith.constant 4096 : i32
    %add3A_622 = arith.addi %add3A_621, %mul3A_2 : i32
    %add3A_623 = arith.constant 56 : i32
    %add3A_624 = arith.addi %add3A_622, %add3A_623 : i32
    %dma_start3A_625 = arith.constant 0 : i32
    %dma_start3A_626 = tpu.memref_slice %arg2[%add3A_624, %dma_start3A_625] : memref<16384x1024xf32, #tpu.memory_space<hbm>> -> memref<8x1024xf32, #tpu.memory_space<hbm>>
    %dma_start3A_627 = arith.constant 0 : i32
    %dma_start3A_628 = tpu.memref_slice %arg2[%add3A_624, %dma_start3A_627] : memref<16384x1024xf32, #tpu.memory_space<hbm>> -> memref<8x1024xf32, #tpu.memory_space<hbm>>
    tpu.enqueue_dma source(%dma_start3A_628 : memref<8x1024xf32, #tpu.memory_space<hbm>>) target(%arg13 : memref<8x1024xf32, #tpu.memory_space<vmem>>) target_semaphore(%arg28 : memref<!tpu.dma_semaphore, #tpu.memory_space<semaphore_mem>>)
    %dma_wait3A_629 = arith.constant 0 : i32
    %dma_wait3A_630 = tpu.memref_slice %arg4[%add3A_592, %dma_wait3A_629] : memref<16384x1024xf32, #tpu.memory_space<hbm>> -> memref<8x1024xf32, #tpu.memory_space<hbm>>
    %dma_wait3A_631 = arith.constant 0 : i32
    %dma_wait3A_632 = tpu.memref_slice %arg4[%add3A_592, %dma_wait3A_631] : memref<16384x1024xf32, #tpu.memory_space<hbm>> -> memref<8x1024xf32, #tpu.memory_space<hbm>>
    tpu.wait_dma2 semaphore(%arg41 : memref<!tpu.dma_semaphore, #tpu.memory_space<semaphore_mem>>) src(%arg14 : memref<8x1024xf32, #tpu.memory_space<vmem>>) dst(%dma_wait3A_632 : memref<8x1024xf32, #tpu.memory_space<hbm>>)
    %add3A_633 = arith.constant 8192 : i32
    %add3A_634 = arith.addi %add3A_633, %mul3A_2 : i32
    %add3A_635 = arith.constant 56 : i32
    %add3A_636 = arith.addi %add3A_634, %add3A_635 : i32
    %dma_start3A_637 = arith.constant 0 : i32
    %dma_start3A_638 = tpu.memref_slice %arg2[%add3A_636, %dma_start3A_637] : memref<16384x1024xf32, #tpu.memory_space<hbm>> -> memref<8x1024xf32, #tpu.memory_space<hbm>>
    %dma_start3A_639 = arith.constant 0 : i32
    %dma_start3A_640 = tpu.memref_slice %arg2[%add3A_636, %dma_start3A_639] : memref<16384x1024xf32, #tpu.memory_space<hbm>> -> memref<8x1024xf32, #tpu.memory_space<hbm>>
    tpu.enqueue_dma source(%dma_start3A_640 : memref<8x1024xf32, #tpu.memory_space<hbm>>) target(%arg14 : memref<8x1024xf32, #tpu.memory_space<vmem>>) target_semaphore(%arg29 : memref<!tpu.dma_semaphore, #tpu.memory_space<semaphore_mem>>)
    %dma_wait3A_641 = arith.constant 0 : i32
    %dma_wait3A_642 = tpu.memref_slice %arg4[%add3A_600, %dma_wait3A_641] : memref<16384x1024xf32, #tpu.memory_space<hbm>> -> memref<8x1024xf32, #tpu.memory_space<hbm>>
    %dma_wait3A_643 = arith.constant 0 : i32
    %dma_wait3A_644 = tpu.memref_slice %arg4[%add3A_600, %dma_wait3A_643] : memref<16384x1024xf32, #tpu.memory_space<hbm>> -> memref<8x1024xf32, #tpu.memory_space<hbm>>
    tpu.wait_dma2 semaphore(%arg42 : memref<!tpu.dma_semaphore, #tpu.memory_space<semaphore_mem>>) src(%arg15 : memref<8x1024xf32, #tpu.memory_space<vmem>>) dst(%dma_wait3A_644 : memref<8x1024xf32, #tpu.memory_space<hbm>>)
    %add3A_645 = arith.constant 12288 : i32
    %add3A_646 = arith.addi %add3A_645, %mul3A_2 : i32
    %add3A_647 = arith.constant 56 : i32
    %add3A_648 = arith.addi %add3A_646, %add3A_647 : i32
    %dma_start3A_649 = arith.constant 0 : i32
    %dma_start3A_650 = tpu.memref_slice %arg2[%add3A_648, %dma_start3A_649] : memref<16384x1024xf32, #tpu.memory_space<hbm>> -> memref<8x1024xf32, #tpu.memory_space<hbm>>
    %dma_start3A_651 = arith.constant 0 : i32
    %dma_start3A_652 = tpu.memref_slice %arg2[%add3A_648, %dma_start3A_651] : memref<16384x1024xf32, #tpu.memory_space<hbm>> -> memref<8x1024xf32, #tpu.memory_space<hbm>>
    tpu.enqueue_dma source(%dma_start3A_652 : memref<8x1024xf32, #tpu.memory_space<hbm>>) target(%arg15 : memref<8x1024xf32, #tpu.memory_space<vmem>>) target_semaphore(%arg30 : memref<!tpu.dma_semaphore, #tpu.memory_space<semaphore_mem>>)
    %add3A_653 = arith.constant 56 : i32
    %add3A_654 = arith.addi %mul3A_2, %add3A_653 : i32
    %dma_start3A_655 = arith.constant 0 : i32
    %dma_start3A_656 = tpu.memref_slice %arg3[%add3A_654, %dma_start3A_655] : memref<4096x1024xf32, #tpu.memory_space<hbm>> -> memref<8x1024xf32, #tpu.memory_space<hbm>>
    %dma_start3A_657 = arith.constant 0 : i32
    %dma_start3A_658 = tpu.memref_slice %arg3[%add3A_654, %dma_start3A_657] : memref<4096x1024xf32, #tpu.memory_space<hbm>> -> memref<8x1024xf32, #tpu.memory_space<hbm>>
    tpu.enqueue_dma source(%dma_start3A_658 : memref<8x1024xf32, #tpu.memory_space<hbm>>) target(%arg6 : memref<8x1024xf32, #tpu.memory_space<vmem>>) target_semaphore(%arg21 : memref<!tpu.dma_semaphore, #tpu.memory_space<semaphore_mem>>)
    %dma_wait3A_659 = arith.constant 0 : i32
    %dma_wait3A_660 = tpu.memref_slice %arg3[%add3A_436, %dma_wait3A_659] : memref<4096x1024xf32, #tpu.memory_space<hbm>> -> memref<8x1024xf32, #tpu.memory_space<hbm>>
    %dma_wait3A_661 = arith.constant 0 : i32
    %dma_wait3A_662 = tpu.memref_slice %arg3[%add3A_436, %dma_wait3A_661] : memref<4096x1024xf32, #tpu.memory_space<hbm>> -> memref<8x1024xf32, #tpu.memory_space<hbm>>
    tpu.wait_dma2 semaphore(%arg22 : memref<!tpu.dma_semaphore, #tpu.memory_space<semaphore_mem>>) src(%dma_wait3A_662 : memref<8x1024xf32, #tpu.memory_space<hbm>>) dst(%arg7 : memref<8x1024xf32, #tpu.memory_space<vmem>>)
    %dma_wait3A_663 = arith.constant 0 : i32
    %dma_wait3A_664 = tpu.memref_slice %arg2[%add3A_394, %dma_wait3A_663] : memref<16384x1024xf32, #tpu.memory_space<hbm>> -> memref<8x1024xf32, #tpu.memory_space<hbm>>
    %dma_wait3A_665 = arith.constant 0 : i32
    %dma_wait3A_666 = tpu.memref_slice %arg2[%add3A_394, %dma_wait3A_665] : memref<16384x1024xf32, #tpu.memory_space<hbm>> -> memref<8x1024xf32, #tpu.memory_space<hbm>>
    tpu.wait_dma2 semaphore(%arg31 : memref<!tpu.dma_semaphore, #tpu.memory_space<semaphore_mem>>) src(%dma_wait3A_666 : memref<8x1024xf32, #tpu.memory_space<hbm>>) dst(%arg16 : memref<8x1024xf32, #tpu.memory_space<vmem>>)
    %dma_wait3A_667 = arith.constant 0 : i32
    %dma_wait3A_668 = tpu.memref_slice %arg2[%add3A_406, %dma_wait3A_667] : memref<16384x1024xf32, #tpu.memory_space<hbm>> -> memref<8x1024xf32, #tpu.memory_space<hbm>>
    %dma_wait3A_669 = arith.constant 0 : i32
    %dma_wait3A_670 = tpu.memref_slice %arg2[%add3A_406, %dma_wait3A_669] : memref<16384x1024xf32, #tpu.memory_space<hbm>> -> memref<8x1024xf32, #tpu.memory_space<hbm>>
    tpu.wait_dma2 semaphore(%arg32 : memref<!tpu.dma_semaphore, #tpu.memory_space<semaphore_mem>>) src(%dma_wait3A_670 : memref<8x1024xf32, #tpu.memory_space<hbm>>) dst(%arg17 : memref<8x1024xf32, #tpu.memory_space<vmem>>)
    %dma_wait3A_671 = arith.constant 0 : i32
    %dma_wait3A_672 = tpu.memref_slice %arg2[%add3A_418, %dma_wait3A_671] : memref<16384x1024xf32, #tpu.memory_space<hbm>> -> memref<8x1024xf32, #tpu.memory_space<hbm>>
    %dma_wait3A_673 = arith.constant 0 : i32
    %dma_wait3A_674 = tpu.memref_slice %arg2[%add3A_418, %dma_wait3A_673] : memref<16384x1024xf32, #tpu.memory_space<hbm>> -> memref<8x1024xf32, #tpu.memory_space<hbm>>
    tpu.wait_dma2 semaphore(%arg33 : memref<!tpu.dma_semaphore, #tpu.memory_space<semaphore_mem>>) src(%dma_wait3A_674 : memref<8x1024xf32, #tpu.memory_space<hbm>>) dst(%arg18 : memref<8x1024xf32, #tpu.memory_space<vmem>>)
    %dma_wait3A_675 = arith.constant 0 : i32
    %dma_wait3A_676 = tpu.memref_slice %arg2[%add3A_430, %dma_wait3A_675] : memref<16384x1024xf32, #tpu.memory_space<hbm>> -> memref<8x1024xf32, #tpu.memory_space<hbm>>
    %dma_wait3A_677 = arith.constant 0 : i32
    %dma_wait3A_678 = tpu.memref_slice %arg2[%add3A_430, %dma_wait3A_677] : memref<16384x1024xf32, #tpu.memory_space<hbm>> -> memref<8x1024xf32, #tpu.memory_space<hbm>>
    tpu.wait_dma2 semaphore(%arg34 : memref<!tpu.dma_semaphore, #tpu.memory_space<semaphore_mem>>) src(%dma_wait3A_678 : memref<8x1024xf32, #tpu.memory_space<hbm>>) dst(%arg19 : memref<8x1024xf32, #tpu.memory_space<vmem>>)
    %parallel_loop3A_679 = arith.constant 0 : i32
    %parallel_loop3A_680 = arith.constant 512 : i32
    %parallel_loop3A_681 = arith.constant 1 : i32
    scf.for %parallel_loop3A_1744 = %parallel_loop3A_679 to %parallel_loop3A_680 step %parallel_loop3A_681  : i32 {
      %parallel_loop3A_1745 = arith.constant 64 : i32
      %parallel_loop3A_1746 = arith.divsi %parallel_loop3A_1744, %parallel_loop3A_1745 : i32
      %parallel_loop3A_1747 = arith.constant 0 : i32
      %parallel_loop3A_1748 = arith.cmpi sgt, %parallel_loop3A_1744, %parallel_loop3A_1747 : i32
      %parallel_loop3A_1749 = arith.extui %parallel_loop3A_1748 : i1 to i32
      %parallel_loop3A_1750 = arith.constant 0 : i32
      %parallel_loop3A_1751 = arith.cmpi slt, %parallel_loop3A_1744, %parallel_loop3A_1750 : i32
      %parallel_loop3A_1752 = arith.extui %parallel_loop3A_1751 : i1 to i32
      %parallel_loop3A_1753 = arith.subi %parallel_loop3A_1749, %parallel_loop3A_1752 : i32
      %parallel_loop3A_1754 = arith.constant 0 : i32
      %parallel_loop3A_1755 = arith.cmpi sgt, %parallel_loop3A_1745, %parallel_loop3A_1754 : i32
      %parallel_loop3A_1756 = arith.extui %parallel_loop3A_1755 : i1 to i32
      %parallel_loop3A_1757 = arith.constant 0 : i32
      %parallel_loop3A_1758 = arith.cmpi slt, %parallel_loop3A_1745, %parallel_loop3A_1757 : i32
      %parallel_loop3A_1759 = arith.extui %parallel_loop3A_1758 : i1 to i32
      %parallel_loop3A_1760 = arith.subi %parallel_loop3A_1756, %parallel_loop3A_1759 : i32
      %parallel_loop3A_1761 = arith.cmpi ne, %parallel_loop3A_1753, %parallel_loop3A_1760 : i32
      %parallel_loop3A_1762 = arith.remsi %parallel_loop3A_1744, %parallel_loop3A_1745 : i32
      %parallel_loop3A_1763 = arith.constant 0 : i32
      %parallel_loop3A_1764 = arith.cmpi ne, %parallel_loop3A_1762, %parallel_loop3A_1763 : i32
      %parallel_loop3A_1765 = arith.andi %parallel_loop3A_1761, %parallel_loop3A_1764 : i1
      %parallel_loop3A_1766 = arith.constant 1 : i32
      %parallel_loop3A_1767 = arith.subi %parallel_loop3A_1746, %parallel_loop3A_1766 : i32
      %parallel_loop3A_1768 = arith.select %parallel_loop3A_1765, %parallel_loop3A_1767, %parallel_loop3A_1746 : i32
      %parallel_loop3A_1769 = arith.constant 64 : i32
      %parallel_loop3A_1770 = arith.constant 0 : i32
      %parallel_loop3A_1771 = arith.cmpi eq, %parallel_loop3A_1769, %parallel_loop3A_1770 : i32
      %parallel_loop3A_1772 = arith.constant 1 : i32
      %parallel_loop3A_1773 = arith.select %parallel_loop3A_1771, %parallel_loop3A_1772, %parallel_loop3A_1769 : i32
      %parallel_loop3A_1774 = arith.remsi %parallel_loop3A_1744, %parallel_loop3A_1773 : i32
      %parallel_loop3A_1775 = arith.constant 0 : i32
      %parallel_loop3A_1776 = arith.cmpi ne, %parallel_loop3A_1774, %parallel_loop3A_1775 : i32
      %parallel_loop3A_1777 = arith.constant 0 : i32
      %parallel_loop3A_1778 = arith.cmpi slt, %parallel_loop3A_1774, %parallel_loop3A_1777 : i32
      %parallel_loop3A_1779 = arith.constant 0 : i32
      %parallel_loop3A_1780 = arith.cmpi slt, %parallel_loop3A_1773, %parallel_loop3A_1779 : i32
      %parallel_loop3A_1781 = arith.xori %parallel_loop3A_1778, %parallel_loop3A_1780 : i1
      %parallel_loop3A_1782 = arith.andi %parallel_loop3A_1781, %parallel_loop3A_1776 : i1
      %parallel_loop3A_1783 = arith.addi %parallel_loop3A_1774, %parallel_loop3A_1773 : i32
      %parallel_loop3A_1784 = arith.select %parallel_loop3A_1782, %parallel_loop3A_1783, %parallel_loop3A_1774 : i32
      %parallel_loop3A_1785 = arith.constant 16 : i32
      %parallel_loop3A_1786 = arith.muli %parallel_loop3A_1784, %parallel_loop3A_1785 : i32
      %parallel_loop3A_1787 = arith.index_cast %parallel_loop3A_1768 : i32 to index
      %parallel_loop3A_1788 = arith.index_cast %parallel_loop3A_1786 : i32 to index
      %parallel_loop3A_1789 = tpu.vector_load %arg7[%parallel_loop3A_1787, %parallel_loop3A_1788] {strides = array<i32>} : memref<8x1024xf32, #tpu.memory_space<vmem>>, vector<1x16xf32>,
      %parallel_loop3A_1790 = vector.shape_cast %parallel_loop3A_1789 : vector<1x16xf32> to vector<16xf32>
      %parallel_loop3A_1791 = arith.index_cast %parallel_loop3A_1768 : i32 to index
      %parallel_loop3A_1792 = arith.index_cast %parallel_loop3A_1786 : i32 to index
      %parallel_loop3A_1793 = tpu.vector_load %arg16[%parallel_loop3A_1791, %parallel_loop3A_1792] {strides = array<i32>} : memref<8x1024xf32, #tpu.memory_space<vmem>>, vector<1x16xf32>,
      %parallel_loop3A_1794 = vector.shape_cast %parallel_loop3A_1793 : vector<1x16xf32> to vector<16xf32>
      %parallel_loop3A_1795 = vector.shape_cast %parallel_loop3A_1790 : vector<16xf32> to vector<1x16xf32>
      tpu.vector_store %arg16[%parallel_loop3A_1791, %parallel_loop3A_1792], %parallel_loop3A_1795 {add = true, strides = array<i32>} : memref<8x1024xf32, #tpu.memory_space<vmem>>, vector<1x16xf32>,
      %parallel_loop3A_1796 = arith.index_cast %parallel_loop3A_1768 : i32 to index
      %parallel_loop3A_1797 = arith.index_cast %parallel_loop3A_1786 : i32 to index
      %parallel_loop3A_1798 = tpu.vector_load %arg17[%parallel_loop3A_1796, %parallel_loop3A_1797] {strides = array<i32>} : memref<8x1024xf32, #tpu.memory_space<vmem>>, vector<1x16xf32>,
      %parallel_loop3A_1799 = vector.shape_cast %parallel_loop3A_1798 : vector<1x16xf32> to vector<16xf32>
      %parallel_loop3A_1800 = vector.shape_cast %parallel_loop3A_1790 : vector<16xf32> to vector<1x16xf32>
      tpu.vector_store %arg17[%parallel_loop3A_1796, %parallel_loop3A_1797], %parallel_loop3A_1800 {add = true, strides = array<i32>} : memref<8x1024xf32, #tpu.memory_space<vmem>>, vector<1x16xf32>,
      %parallel_loop3A_1801 = arith.index_cast %parallel_loop3A_1768 : i32 to index
      %parallel_loop3A_1802 = arith.index_cast %parallel_loop3A_1786 : i32 to index
      %parallel_loop3A_1803 = tpu.vector_load %arg18[%parallel_loop3A_1801, %parallel_loop3A_1802] {strides = array<i32>} : memref<8x1024xf32, #tpu.memory_space<vmem>>, vector<1x16xf32>,
      %parallel_loop3A_1804 = vector.shape_cast %parallel_loop3A_1803 : vector<1x16xf32> to vector<16xf32>
      %parallel_loop3A_1805 = vector.shape_cast %parallel_loop3A_1790 : vector<16xf32> to vector<1x16xf32>
      tpu.vector_store %arg18[%parallel_loop3A_1801, %parallel_loop3A_1802], %parallel_loop3A_1805 {add = true, strides = array<i32>} : memref<8x1024xf32, #tpu.memory_space<vmem>>, vector<1x16xf32>,
      %parallel_loop3A_1806 = arith.index_cast %parallel_loop3A_1768 : i32 to index
      %parallel_loop3A_1807 = arith.index_cast %parallel_loop3A_1786 : i32 to index
      %parallel_loop3A_1808 = tpu.vector_load %arg19[%parallel_loop3A_1806, %parallel_loop3A_1807] {strides = array<i32>} : memref<8x1024xf32, #tpu.memory_space<vmem>>, vector<1x16xf32>,
      %parallel_loop3A_1809 = vector.shape_cast %parallel_loop3A_1808 : vector<1x16xf32> to vector<16xf32>
      %parallel_loop3A_1810 = vector.shape_cast %parallel_loop3A_1790 : vector<16xf32> to vector<1x16xf32>
      tpu.vector_store %arg19[%parallel_loop3A_1806, %parallel_loop3A_1807], %parallel_loop3A_1810 {add = true, strides = array<i32>} : memref<8x1024xf32, #tpu.memory_space<vmem>>, vector<1x16xf32>,
    } {sc.loop_unroll_factor = 4 : i64, sc.parallel_access}
    %add3A_682 = arith.constant 0 : i32
    %add3A_683 = arith.addi %add3A_682, %mul3A_2 : i32
    %add3A_684 = arith.constant 40 : i32
    %add3A_685 = arith.addi %add3A_683, %add3A_684 : i32
    %dma_start3A_686 = arith.constant 0 : i32
    %dma_start3A_687 = tpu.memref_slice %arg4[%add3A_685, %dma_start3A_686] : memref<16384x1024xf32, #tpu.memory_space<hbm>> -> memref<8x1024xf32, #tpu.memory_space<hbm>>
    %dma_start3A_688 = arith.constant 0 : i32
    %dma_start3A_689 = tpu.memref_slice %arg4[%add3A_685, %dma_start3A_688] : memref<16384x1024xf32, #tpu.memory_space<hbm>> -> memref<8x1024xf32, #tpu.memory_space<hbm>>
    tpu.enqueue_dma source(%arg16 : memref<8x1024xf32, #tpu.memory_space<vmem>>) target(%dma_start3A_689 : memref<8x1024xf32, #tpu.memory_space<hbm>>) target_semaphore(%arg43 : memref<!tpu.dma_semaphore, #tpu.memory_space<semaphore_mem>>)
    %add3A_690 = arith.constant 4096 : i32
    %add3A_691 = arith.addi %add3A_690, %mul3A_2 : i32
    %add3A_692 = arith.constant 40 : i32
    %add3A_693 = arith.addi %add3A_691, %add3A_692 : i32
    %dma_start3A_694 = arith.constant 0 : i32
    %dma_start3A_695 = tpu.memref_slice %arg4[%add3A_693, %dma_start3A_694] : memref<16384x1024xf32, #tpu.memory_space<hbm>> -> memref<8x1024xf32, #tpu.memory_space<hbm>>
    %dma_start3A_696 = arith.constant 0 : i32
    %dma_start3A_697 = tpu.memref_slice %arg4[%add3A_693, %dma_start3A_696] : memref<16384x1024xf32, #tpu.memory_space<hbm>> -> memref<8x1024xf32, #tpu.memory_space<hbm>>
    tpu.enqueue_dma source(%arg17 : memref<8x1024xf32, #tpu.memory_space<vmem>>) target(%dma_start3A_697 : memref<8x1024xf32, #tpu.memory_space<hbm>>) target_semaphore(%arg44 : memref<!tpu.dma_semaphore, #tpu.memory_space<semaphore_mem>>)
    %add3A_698 = arith.constant 8192 : i32
    %add3A_699 = arith.addi %add3A_698, %mul3A_2 : i32
    %add3A_700 = arith.constant 40 : i32
    %add3A_701 = arith.addi %add3A_699, %add3A_700 : i32
    %dma_start3A_702 = arith.constant 0 : i32
    %dma_start3A_703 = tpu.memref_slice %arg4[%add3A_701, %dma_start3A_702] : memref<16384x1024xf32, #tpu.memory_space<hbm>> -> memref<8x1024xf32, #tpu.memory_space<hbm>>
    %dma_start3A_704 = arith.constant 0 : i32
    %dma_start3A_705 = tpu.memref_slice %arg4[%add3A_701, %dma_start3A_704] : memref<16384x1024xf32, #tpu.memory_space<hbm>> -> memref<8x1024xf32, #tpu.memory_space<hbm>>
    tpu.enqueue_dma source(%arg18 : memref<8x1024xf32, #tpu.memory_space<vmem>>) target(%dma_start3A_705 : memref<8x1024xf32, #tpu.memory_space<hbm>>) target_semaphore(%arg45 : memref<!tpu.dma_semaphore, #tpu.memory_space<semaphore_mem>>)
    %add3A_706 = arith.constant 12288 : i32
    %add3A_707 = arith.addi %add3A_706, %mul3A_2 : i32
    %add3A_708 = arith.constant 40 : i32
    %add3A_709 = arith.addi %add3A_707, %add3A_708 : i32
    %dma_start3A_710 = arith.constant 0 : i32
    %dma_start3A_711 = tpu.memref_slice %arg4[%add3A_709, %dma_start3A_710] : memref<16384x1024xf32, #tpu.memory_space<hbm>> -> memref<8x1024xf32, #tpu.memory_space<hbm>>
    %dma_start3A_712 = arith.constant 0 : i32
    %dma_start3A_713 = tpu.memref_slice %arg4[%add3A_709, %dma_start3A_712] : memref<16384x1024xf32, #tpu.memory_space<hbm>> -> memref<8x1024xf32, #tpu.memory_space<hbm>>
    tpu.enqueue_dma source(%arg19 : memref<8x1024xf32, #tpu.memory_space<vmem>>) target(%dma_start3A_713 : memref<8x1024xf32, #tpu.memory_space<hbm>>) target_semaphore(%arg46 : memref<!tpu.dma_semaphore, #tpu.memory_space<semaphore_mem>>)
    %dma_wait3A_714 = arith.constant 0 : i32
    %dma_wait3A_715 = tpu.memref_slice %arg4[%add3A_685, %dma_wait3A_714] : memref<16384x1024xf32, #tpu.memory_space<hbm>> -> memref<8x1024xf32, #tpu.memory_space<hbm>>
    %dma_wait3A_716 = arith.constant 0 : i32
    %dma_wait3A_717 = tpu.memref_slice %arg4[%add3A_685, %dma_wait3A_716] : memref<16384x1024xf32, #tpu.memory_space<hbm>> -> memref<8x1024xf32, #tpu.memory_space<hbm>>
    tpu.wait_dma2 semaphore(%arg43 : memref<!tpu.dma_semaphore, #tpu.memory_space<semaphore_mem>>) src(%arg16 : memref<8x1024xf32, #tpu.memory_space<vmem>>) dst(%dma_wait3A_717 : memref<8x1024xf32, #tpu.memory_space<hbm>>)
    %add3A_718 = arith.constant 0 : i32
    %add3A_719 = arith.addi %add3A_718, %mul3A_2 : i32
    %add3A_720 = arith.constant 64 : i32
    %add3A_721 = arith.addi %add3A_719, %add3A_720 : i32
    %dma_start3A_722 = arith.constant 0 : i32
    %dma_start3A_723 = tpu.memref_slice %arg2[%add3A_721, %dma_start3A_722] : memref<16384x1024xf32, #tpu.memory_space<hbm>> -> memref<8x1024xf32, #tpu.memory_space<hbm>>
    %dma_start3A_724 = arith.constant 0 : i32
    %dma_start3A_725 = tpu.memref_slice %arg2[%add3A_721, %dma_start3A_724] : memref<16384x1024xf32, #tpu.memory_space<hbm>> -> memref<8x1024xf32, #tpu.memory_space<hbm>>
    tpu.enqueue_dma source(%dma_start3A_725 : memref<8x1024xf32, #tpu.memory_space<hbm>>) target(%arg16 : memref<8x1024xf32, #tpu.memory_space<vmem>>) target_semaphore(%arg31 : memref<!tpu.dma_semaphore, #tpu.memory_space<semaphore_mem>>)
    %dma_wait3A_726 = arith.constant 0 : i32
    %dma_wait3A_727 = tpu.memref_slice %arg4[%add3A_693, %dma_wait3A_726] : memref<16384x1024xf32, #tpu.memory_space<hbm>> -> memref<8x1024xf32, #tpu.memory_space<hbm>>
    %dma_wait3A_728 = arith.constant 0 : i32
    %dma_wait3A_729 = tpu.memref_slice %arg4[%add3A_693, %dma_wait3A_728] : memref<16384x1024xf32, #tpu.memory_space<hbm>> -> memref<8x1024xf32, #tpu.memory_space<hbm>>
    tpu.wait_dma2 semaphore(%arg44 : memref<!tpu.dma_semaphore, #tpu.memory_space<semaphore_mem>>) src(%arg17 : memref<8x1024xf32, #tpu.memory_space<vmem>>) dst(%dma_wait3A_729 : memref<8x1024xf32, #tpu.memory_space<hbm>>)
    %add3A_730 = arith.constant 4096 : i32
    %add3A_731 = arith.addi %add3A_730, %mul3A_2 : i32
    %add3A_732 = arith.constant 64 : i32
    %add3A_733 = arith.addi %add3A_731, %add3A_732 : i32
    %dma_start3A_734 = arith.constant 0 : i32
    %dma_start3A_735 = tpu.memref_slice %arg2[%add3A_733, %dma_start3A_734] : memref<16384x1024xf32, #tpu.memory_space<hbm>> -> memref<8x1024xf32, #tpu.memory_space<hbm>>
    %dma_start3A_736 = arith.constant 0 : i32
    %dma_start3A_737 = tpu.memref_slice %arg2[%add3A_733, %dma_start3A_736] : memref<16384x1024xf32, #tpu.memory_space<hbm>> -> memref<8x1024xf32, #tpu.memory_space<hbm>>
    tpu.enqueue_dma source(%dma_start3A_737 : memref<8x1024xf32, #tpu.memory_space<hbm>>) target(%arg17 : memref<8x1024xf32, #tpu.memory_space<vmem>>) target_semaphore(%arg32 : memref<!tpu.dma_semaphore, #tpu.memory_space<semaphore_mem>>)
    %dma_wait3A_738 = arith.constant 0 : i32
    %dma_wait3A_739 = tpu.memref_slice %arg4[%add3A_701, %dma_wait3A_738] : memref<16384x1024xf32, #tpu.memory_space<hbm>> -> memref<8x1024xf32, #tpu.memory_space<hbm>>
    %dma_wait3A_740 = arith.constant 0 : i32
    %dma_wait3A_741 = tpu.memref_slice %arg4[%add3A_701, %dma_wait3A_740] : memref<16384x1024xf32, #tpu.memory_space<hbm>> -> memref<8x1024xf32, #tpu.memory_space<hbm>>
    tpu.wait_dma2 semaphore(%arg45 : memref<!tpu.dma_semaphore, #tpu.memory_space<semaphore_mem>>) src(%arg18 : memref<8x1024xf32, #tpu.memory_space<vmem>>) dst(%dma_wait3A_741 : memref<8x1024xf32, #tpu.memory_space<hbm>>)
    %add3A_742 = arith.constant 8192 : i32
    %add3A_743 = arith.addi %add3A_742, %mul3A_2 : i32
    %add3A_744 = arith.constant 64 : i32
    %add3A_745 = arith.addi %add3A_743, %add3A_744 : i32
    %dma_start3A_746 = arith.constant 0 : i32
    %dma_start3A_747 = tpu.memref_slice %arg2[%add3A_745, %dma_start3A_746] : memref<16384x1024xf32, #tpu.memory_space<hbm>> -> memref<8x1024xf32, #tpu.memory_space<hbm>>
    %dma_start3A_748 = arith.constant 0 : i32
    %dma_start3A_749 = tpu.memref_slice %arg2[%add3A_745, %dma_start3A_748] : memref<16384x1024xf32, #tpu.memory_space<hbm>> -> memref<8x1024xf32, #tpu.memory_space<hbm>>
    tpu.enqueue_dma source(%dma_start3A_749 : memref<8x1024xf32, #tpu.memory_space<hbm>>) target(%arg18 : memref<8x1024xf32, #tpu.memory_space<vmem>>) target_semaphore(%arg33 : memref<!tpu.dma_semaphore, #tpu.memory_space<semaphore_mem>>)
    %dma_wait3A_750 = arith.constant 0 : i32
    %dma_wait3A_751 = tpu.memref_slice %arg4[%add3A_709, %dma_wait3A_750] : memref<16384x1024xf32, #tpu.memory_space<hbm>> -> memref<8x1024xf32, #tpu.memory_space<hbm>>
    %dma_wait3A_752 = arith.constant 0 : i32
    %dma_wait3A_753 = tpu.memref_slice %arg4[%add3A_709, %dma_wait3A_752] : memref<16384x1024xf32, #tpu.memory_space<hbm>> -> memref<8x1024xf32, #tpu.memory_space<hbm>>
    tpu.wait_dma2 semaphore(%arg46 : memref<!tpu.dma_semaphore, #tpu.memory_space<semaphore_mem>>) src(%arg19 : memref<8x1024xf32, #tpu.memory_space<vmem>>) dst(%dma_wait3A_753 : memref<8x1024xf32, #tpu.memory_space<hbm>>)
    %add3A_754 = arith.constant 12288 : i32
    %add3A_755 = arith.addi %add3A_754, %mul3A_2 : i32
    %add3A_756 = arith.constant 64 : i32
    %add3A_757 = arith.addi %add3A_755, %add3A_756 : i32
    %dma_start3A_758 = arith.constant 0 : i32
    %dma_start3A_759 = tpu.memref_slice %arg2[%add3A_757, %dma_start3A_758] : memref<16384x1024xf32, #tpu.memory_space<hbm>> -> memref<8x1024xf32, #tpu.memory_space<hbm>>
    %dma_start3A_760 = arith.constant 0 : i32
    %dma_start3A_761 = tpu.memref_slice %arg2[%add3A_757, %dma_start3A_760] : memref<16384x1024xf32, #tpu.memory_space<hbm>> -> memref<8x1024xf32, #tpu.memory_space<hbm>>
    tpu.enqueue_dma source(%dma_start3A_761 : memref<8x1024xf32, #tpu.memory_space<hbm>>) target(%arg19 : memref<8x1024xf32, #tpu.memory_space<vmem>>) target_semaphore(%arg34 : memref<!tpu.dma_semaphore, #tpu.memory_space<semaphore_mem>>)
    %add3A_762 = arith.constant 64 : i32
    %add3A_763 = arith.addi %mul3A_2, %add3A_762 : i32
    %dma_start3A_764 = arith.constant 0 : i32
    %dma_start3A_765 = tpu.memref_slice %arg3[%add3A_763, %dma_start3A_764] : memref<4096x1024xf32, #tpu.memory_space<hbm>> -> memref<8x1024xf32, #tpu.memory_space<hbm>>
    %dma_start3A_766 = arith.constant 0 : i32
    %dma_start3A_767 = tpu.memref_slice %arg3[%add3A_763, %dma_start3A_766] : memref<4096x1024xf32, #tpu.memory_space<hbm>> -> memref<8x1024xf32, #tpu.memory_space<hbm>>
    tpu.enqueue_dma source(%dma_start3A_767 : memref<8x1024xf32, #tpu.memory_space<hbm>>) target(%arg7 : memref<8x1024xf32, #tpu.memory_space<vmem>>) target_semaphore(%arg22 : memref<!tpu.dma_semaphore, #tpu.memory_space<semaphore_mem>>)
    %dma_wait3A_768 = arith.constant 0 : i32
    %dma_wait3A_769 = tpu.memref_slice %arg3[%add3A_545, %dma_wait3A_768] : memref<4096x1024xf32, #tpu.memory_space<hbm>> -> memref<8x1024xf32, #tpu.memory_space<hbm>>
    %dma_wait3A_770 = arith.constant 0 : i32
    %dma_wait3A_771 = tpu.memref_slice %arg3[%add3A_545, %dma_wait3A_770] : memref<4096x1024xf32, #tpu.memory_space<hbm>> -> memref<8x1024xf32, #tpu.memory_space<hbm>>
    tpu.wait_dma2 semaphore(%arg20 : memref<!tpu.dma_semaphore, #tpu.memory_space<semaphore_mem>>) src(%dma_wait3A_771 : memref<8x1024xf32, #tpu.memory_space<hbm>>) dst(%arg5 : memref<8x1024xf32, #tpu.memory_space<vmem>>)
    %dma_wait3A_772 = arith.constant 0 : i32
    %dma_wait3A_773 = tpu.memref_slice %arg2[%add3A_503, %dma_wait3A_772] : memref<16384x1024xf32, #tpu.memory_space<hbm>> -> memref<8x1024xf32, #tpu.memory_space<hbm>>
    %dma_wait3A_774 = arith.constant 0 : i32
    %dma_wait3A_775 = tpu.memref_slice %arg2[%add3A_503, %dma_wait3A_774] : memref<16384x1024xf32, #tpu.memory_space<hbm>> -> memref<8x1024xf32, #tpu.memory_space<hbm>>
    tpu.wait_dma2 semaphore(%arg23 : memref<!tpu.dma_semaphore, #tpu.memory_space<semaphore_mem>>) src(%dma_wait3A_775 : memref<8x1024xf32, #tpu.memory_space<hbm>>) dst(%arg8 : memref<8x1024xf32, #tpu.memory_space<vmem>>)
    %dma_wait3A_776 = arith.constant 0 : i32
    %dma_wait3A_777 = tpu.memref_slice %arg2[%add3A_515, %dma_wait3A_776] : memref<16384x1024xf32, #tpu.memory_space<hbm>> -> memref<8x1024xf32, #tpu.memory_space<hbm>>
    %dma_wait3A_778 = arith.constant 0 : i32
    %dma_wait3A_779 = tpu.memref_slice %arg2[%add3A_515, %dma_wait3A_778] : memref<16384x1024xf32, #tpu.memory_space<hbm>> -> memref<8x1024xf32, #tpu.memory_space<hbm>>
    tpu.wait_dma2 semaphore(%arg24 : memref<!tpu.dma_semaphore, #tpu.memory_space<semaphore_mem>>) src(%dma_wait3A_779 : memref<8x1024xf32, #tpu.memory_space<hbm>>) dst(%arg9 : memref<8x1024xf32, #tpu.memory_space<vmem>>)
    %dma_wait3A_780 = arith.constant 0 : i32
    %dma_wait3A_781 = tpu.memref_slice %arg2[%add3A_527, %dma_wait3A_780] : memref<16384x1024xf32, #tpu.memory_space<hbm>> -> memref<8x1024xf32, #tpu.memory_space<hbm>>
    %dma_wait3A_782 = arith.constant 0 : i32
    %dma_wait3A_783 = tpu.memref_slice %arg2[%add3A_527, %dma_wait3A_782] : memref<16384x1024xf32, #tpu.memory_space<hbm>> -> memref<8x1024xf32, #tpu.memory_space<hbm>>
    tpu.wait_dma2 semaphore(%arg25 : memref<!tpu.dma_semaphore, #tpu.memory_space<semaphore_mem>>) src(%dma_wait3A_783 : memref<8x1024xf32, #tpu.memory_space<hbm>>) dst(%arg10 : memref<8x1024xf32, #tpu.memory_space<vmem>>)
    %dma_wait3A_784 = arith.constant 0 : i32
    %dma_wait3A_785 = tpu.memref_slice %arg2[%add3A_539, %dma_wait3A_784] : memref<16384x1024xf32, #tpu.memory_space<hbm>> -> memref<8x1024xf32, #tpu.memory_space<hbm>>
    %dma_wait3A_786 = arith.constant 0 : i32
    %dma_wait3A_787 = tpu.memref_slice %arg2[%add3A_539, %dma_wait3A_786] : memref<16384x1024xf32, #tpu.memory_space<hbm>> -> memref<8x1024xf32, #tpu.memory_space<hbm>>
    tpu.wait_dma2 semaphore(%arg26 : memref<!tpu.dma_semaphore, #tpu.memory_space<semaphore_mem>>) src(%dma_wait3A_787 : memref<8x1024xf32, #tpu.memory_space<hbm>>) dst(%arg11 : memref<8x1024xf32, #tpu.memory_space<vmem>>)
    %parallel_loop3A_788 = arith.constant 0 : i32
    %parallel_loop3A_789 = arith.constant 512 : i32
    %parallel_loop3A_790 = arith.constant 1 : i32
    scf.for %parallel_loop3A_1744 = %parallel_loop3A_788 to %parallel_loop3A_789 step %parallel_loop3A_790  : i32 {
      %parallel_loop3A_1745 = arith.constant 64 : i32
      %parallel_loop3A_1746 = arith.divsi %parallel_loop3A_1744, %parallel_loop3A_1745 : i32
      %parallel_loop3A_1747 = arith.constant 0 : i32
      %parallel_loop3A_1748 = arith.cmpi sgt, %parallel_loop3A_1744, %parallel_loop3A_1747 : i32
      %parallel_loop3A_1749 = arith.extui %parallel_loop3A_1748 : i1 to i32
      %parallel_loop3A_1750 = arith.constant 0 : i32
      %parallel_loop3A_1751 = arith.cmpi slt, %parallel_loop3A_1744, %parallel_loop3A_1750 : i32
      %parallel_loop3A_1752 = arith.extui %parallel_loop3A_1751 : i1 to i32
      %parallel_loop3A_1753 = arith.subi %parallel_loop3A_1749, %parallel_loop3A_1752 : i32
      %parallel_loop3A_1754 = arith.constant 0 : i32
      %parallel_loop3A_1755 = arith.cmpi sgt, %parallel_loop3A_1745, %parallel_loop3A_1754 : i32
      %parallel_loop3A_1756 = arith.extui %parallel_loop3A_1755 : i1 to i32
      %parallel_loop3A_1757 = arith.constant 0 : i32
      %parallel_loop3A_1758 = arith.cmpi slt, %parallel_loop3A_1745, %parallel_loop3A_1757 : i32
      %parallel_loop3A_1759 = arith.extui %parallel_loop3A_1758 : i1 to i32
      %parallel_loop3A_1760 = arith.subi %parallel_loop3A_1756, %parallel_loop3A_1759 : i32
      %parallel_loop3A_1761 = arith.cmpi ne, %parallel_loop3A_1753, %parallel_loop3A_1760 : i32
      %parallel_loop3A_1762 = arith.remsi %parallel_loop3A_1744, %parallel_loop3A_1745 : i32
      %parallel_loop3A_1763 = arith.constant 0 : i32
      %parallel_loop3A_1764 = arith.cmpi ne, %parallel_loop3A_1762, %parallel_loop3A_1763 : i32
      %parallel_loop3A_1765 = arith.andi %parallel_loop3A_1761, %parallel_loop3A_1764 : i1
      %parallel_loop3A_1766 = arith.constant 1 : i32
      %parallel_loop3A_1767 = arith.subi %parallel_loop3A_1746, %parallel_loop3A_1766 : i32
      %parallel_loop3A_1768 = arith.select %parallel_loop3A_1765, %parallel_loop3A_1767, %parallel_loop3A_1746 : i32
      %parallel_loop3A_1769 = arith.constant 64 : i32
      %parallel_loop3A_1770 = arith.constant 0 : i32
      %parallel_loop3A_1771 = arith.cmpi eq, %parallel_loop3A_1769, %parallel_loop3A_1770 : i32
      %parallel_loop3A_1772 = arith.constant 1 : i32
      %parallel_loop3A_1773 = arith.select %parallel_loop3A_1771, %parallel_loop3A_1772, %parallel_loop3A_1769 : i32
      %parallel_loop3A_1774 = arith.remsi %parallel_loop3A_1744, %parallel_loop3A_1773 : i32
      %parallel_loop3A_1775 = arith.constant 0 : i32
      %parallel_loop3A_1776 = arith.cmpi ne, %parallel_loop3A_1774, %parallel_loop3A_1775 : i32
      %parallel_loop3A_1777 = arith.constant 0 : i32
      %parallel_loop3A_1778 = arith.cmpi slt, %parallel_loop3A_1774, %parallel_loop3A_1777 : i32
      %parallel_loop3A_1779 = arith.constant 0 : i32
      %parallel_loop3A_1780 = arith.cmpi slt, %parallel_loop3A_1773, %parallel_loop3A_1779 : i32
      %parallel_loop3A_1781 = arith.xori %parallel_loop3A_1778, %parallel_loop3A_1780 : i1
      %parallel_loop3A_1782 = arith.andi %parallel_loop3A_1781, %parallel_loop3A_1776 : i1
      %parallel_loop3A_1783 = arith.addi %parallel_loop3A_1774, %parallel_loop3A_1773 : i32
      %parallel_loop3A_1784 = arith.select %parallel_loop3A_1782, %parallel_loop3A_1783, %parallel_loop3A_1774 : i32
      %parallel_loop3A_1785 = arith.constant 16 : i32
      %parallel_loop3A_1786 = arith.muli %parallel_loop3A_1784, %parallel_loop3A_1785 : i32
      %parallel_loop3A_1787 = arith.index_cast %parallel_loop3A_1768 : i32 to index
      %parallel_loop3A_1788 = arith.index_cast %parallel_loop3A_1786 : i32 to index
      %parallel_loop3A_1789 = tpu.vector_load %arg5[%parallel_loop3A_1787, %parallel_loop3A_1788] {strides = array<i32>} : memref<8x1024xf32, #tpu.memory_space<vmem>>, vector<1x16xf32>,
      %parallel_loop3A_1790 = vector.shape_cast %parallel_loop3A_1789 : vector<1x16xf32> to vector<16xf32>
      %parallel_loop3A_1791 = arith.index_cast %parallel_loop3A_1768 : i32 to index
      %parallel_loop3A_1792 = arith.index_cast %parallel_loop3A_1786 : i32 to index
      %parallel_loop3A_1793 = tpu.vector_load %arg8[%parallel_loop3A_1791, %parallel_loop3A_1792] {strides = array<i32>} : memref<8x1024xf32, #tpu.memory_space<vmem>>, vector<1x16xf32>,
      %parallel_loop3A_1794 = vector.shape_cast %parallel_loop3A_1793 : vector<1x16xf32> to vector<16xf32>
      %parallel_loop3A_1795 = vector.shape_cast %parallel_loop3A_1790 : vector<16xf32> to vector<1x16xf32>
      tpu.vector_store %arg8[%parallel_loop3A_1791, %parallel_loop3A_1792], %parallel_loop3A_1795 {add = true, strides = array<i32>} : memref<8x1024xf32, #tpu.memory_space<vmem>>, vector<1x16xf32>,
      %parallel_loop3A_1796 = arith.index_cast %parallel_loop3A_1768 : i32 to index
      %parallel_loop3A_1797 = arith.index_cast %parallel_loop3A_1786 : i32 to index
      %parallel_loop3A_1798 = tpu.vector_load %arg9[%parallel_loop3A_1796, %parallel_loop3A_1797] {strides = array<i32>} : memref<8x1024xf32, #tpu.memory_space<vmem>>, vector<1x16xf32>,
      %parallel_loop3A_1799 = vector.shape_cast %parallel_loop3A_1798 : vector<1x16xf32> to vector<16xf32>
      %parallel_loop3A_1800 = vector.shape_cast %parallel_loop3A_1790 : vector<16xf32> to vector<1x16xf32>
      tpu.vector_store %arg9[%parallel_loop3A_1796, %parallel_loop3A_1797], %parallel_loop3A_1800 {add = true, strides = array<i32>} : memref<8x1024xf32, #tpu.memory_space<vmem>>, vector<1x16xf32>,
      %parallel_loop3A_1801 = arith.index_cast %parallel_loop3A_1768 : i32 to index
      %parallel_loop3A_1802 = arith.index_cast %parallel_loop3A_1786 : i32 to index
      %parallel_loop3A_1803 = tpu.vector_load %arg10[%parallel_loop3A_1801, %parallel_loop3A_1802] {strides = array<i32>} : memref<8x1024xf32, #tpu.memory_space<vmem>>, vector<1x16xf32>,
      %parallel_loop3A_1804 = vector.shape_cast %parallel_loop3A_1803 : vector<1x16xf32> to vector<16xf32>
      %parallel_loop3A_1805 = vector.shape_cast %parallel_loop3A_1790 : vector<16xf32> to vector<1x16xf32>
      tpu.vector_store %arg10[%parallel_loop3A_1801, %parallel_loop3A_1802], %parallel_loop3A_1805 {add = true, strides = array<i32>} : memref<8x1024xf32, #tpu.memory_space<vmem>>, vector<1x16xf32>,
      %parallel_loop3A_1806 = arith.index_cast %parallel_loop3A_1768 : i32 to index
      %parallel_loop3A_1807 = arith.index_cast %parallel_loop3A_1786 : i32 to index
      %parallel_loop3A_1808 = tpu.vector_load %arg11[%parallel_loop3A_1806, %parallel_loop3A_1807] {strides = array<i32>} : memref<8x1024xf32, #tpu.memory_space<vmem>>, vector<1x16xf32>,
      %parallel_loop3A_1809 = vector.shape_cast %parallel_loop3A_1808 : vector<1x16xf32> to vector<16xf32>
      %parallel_loop3A_1810 = vector.shape_cast %parallel_loop3A_1790 : vector<16xf32> to vector<1x16xf32>
      tpu.vector_store %arg11[%parallel_loop3A_1806, %parallel_loop3A_1807], %parallel_loop3A_1810 {add = true, strides = array<i32>} : memref<8x1024xf32, #tpu.memory_space<vmem>>, vector<1x16xf32>,
    } {sc.loop_unroll_factor = 4 : i64, sc.parallel_access}
    %add3A_791 = arith.constant 0 : i32
    %add3A_792 = arith.addi %add3A_791, %mul3A_2 : i32
    %add3A_793 = arith.constant 48 : i32
    %add3A_794 = arith.addi %add3A_792, %add3A_793 : i32
    %dma_start3A_795 = arith.constant 0 : i32
    %dma_start3A_796 = tpu.memref_slice %arg4[%add3A_794, %dma_start3A_795] : memref<16384x1024xf32, #tpu.memory_space<hbm>> -> memref<8x1024xf32, #tpu.memory_space<hbm>>
    %dma_start3A_797 = arith.constant 0 : i32
    %dma_start3A_798 = tpu.memref_slice %arg4[%add3A_794, %dma_start3A_797] : memref<16384x1024xf32, #tpu.memory_space<hbm>> -> memref<8x1024xf32, #tpu.memory_space<hbm>>
    tpu.enqueue_dma source(%arg8 : memref<8x1024xf32, #tpu.memory_space<vmem>>) target(%dma_start3A_798 : memref<8x1024xf32, #tpu.memory_space<hbm>>) target_semaphore(%arg35 : memref<!tpu.dma_semaphore, #tpu.memory_space<semaphore_mem>>)
    %add3A_799 = arith.constant 4096 : i32
    %add3A_800 = arith.addi %add3A_799, %mul3A_2 : i32
    %add3A_801 = arith.constant 48 : i32
    %add3A_802 = arith.addi %add3A_800, %add3A_801 : i32
    %dma_start3A_803 = arith.constant 0 : i32
    %dma_start3A_804 = tpu.memref_slice %arg4[%add3A_802, %dma_start3A_803] : memref<16384x1024xf32, #tpu.memory_space<hbm>> -> memref<8x1024xf32, #tpu.memory_space<hbm>>
    %dma_start3A_805 = arith.constant 0 : i32
    %dma_start3A_806 = tpu.memref_slice %arg4[%add3A_802, %dma_start3A_805] : memref<16384x1024xf32, #tpu.memory_space<hbm>> -> memref<8x1024xf32, #tpu.memory_space<hbm>>
    tpu.enqueue_dma source(%arg9 : memref<8x1024xf32, #tpu.memory_space<vmem>>) target(%dma_start3A_806 : memref<8x1024xf32, #tpu.memory_space<hbm>>) target_semaphore(%arg36 : memref<!tpu.dma_semaphore, #tpu.memory_space<semaphore_mem>>)
    %add3A_807 = arith.constant 8192 : i32
    %add3A_808 = arith.addi %add3A_807, %mul3A_2 : i32
    %add3A_809 = arith.constant 48 : i32
    %add3A_810 = arith.addi %add3A_808, %add3A_809 : i32
    %dma_start3A_811 = arith.constant 0 : i32
    %dma_start3A_812 = tpu.memref_slice %arg4[%add3A_810, %dma_start3A_811] : memref<16384x1024xf32, #tpu.memory_space<hbm>> -> memref<8x1024xf32, #tpu.memory_space<hbm>>
    %dma_start3A_813 = arith.constant 0 : i32
    %dma_start3A_814 = tpu.memref_slice %arg4[%add3A_810, %dma_start3A_813] : memref<16384x1024xf32, #tpu.memory_space<hbm>> -> memref<8x1024xf32, #tpu.memory_space<hbm>>
    tpu.enqueue_dma source(%arg10 : memref<8x1024xf32, #tpu.memory_space<vmem>>) target(%dma_start3A_814 : memref<8x1024xf32, #tpu.memory_space<hbm>>) target_semaphore(%arg37 : memref<!tpu.dma_semaphore, #tpu.memory_space<semaphore_mem>>)
    %add3A_815 = arith.constant 12288 : i32
    %add3A_816 = arith.addi %add3A_815, %mul3A_2 : i32
    %add3A_817 = arith.constant 48 : i32
    %add3A_818 = arith.addi %add3A_816, %add3A_817 : i32
    %dma_start3A_819 = arith.constant 0 : i32
    %dma_start3A_820 = tpu.memref_slice %arg4[%add3A_818, %dma_start3A_819] : memref<16384x1024xf32, #tpu.memory_space<hbm>> -> memref<8x1024xf32, #tpu.memory_space<hbm>>
    %dma_start3A_821 = arith.constant 0 : i32
    %dma_start3A_822 = tpu.memref_slice %arg4[%add3A_818, %dma_start3A_821] : memref<16384x1024xf32, #tpu.memory_space<hbm>> -> memref<8x1024xf32, #tpu.memory_space<hbm>>
    tpu.enqueue_dma source(%arg11 : memref<8x1024xf32, #tpu.memory_space<vmem>>) target(%dma_start3A_822 : memref<8x1024xf32, #tpu.memory_space<hbm>>) target_semaphore(%arg38 : memref<!tpu.dma_semaphore, #tpu.memory_space<semaphore_mem>>)
    %dma_wait3A_823 = arith.constant 0 : i32
    %dma_wait3A_824 = tpu.memref_slice %arg4[%add3A_794, %dma_wait3A_823] : memref<16384x1024xf32, #tpu.memory_space<hbm>> -> memref<8x1024xf32, #tpu.memory_space<hbm>>
    %dma_wait3A_825 = arith.constant 0 : i32
    %dma_wait3A_826 = tpu.memref_slice %arg4[%add3A_794, %dma_wait3A_825] : memref<16384x1024xf32, #tpu.memory_space<hbm>> -> memref<8x1024xf32, #tpu.memory_space<hbm>>
    tpu.wait_dma2 semaphore(%arg35 : memref<!tpu.dma_semaphore, #tpu.memory_space<semaphore_mem>>) src(%arg8 : memref<8x1024xf32, #tpu.memory_space<vmem>>) dst(%dma_wait3A_826 : memref<8x1024xf32, #tpu.memory_space<hbm>>)
    %add3A_827 = arith.constant 0 : i32
    %add3A_828 = arith.addi %add3A_827, %mul3A_2 : i32
    %add3A_829 = arith.constant 72 : i32
    %add3A_830 = arith.addi %add3A_828, %add3A_829 : i32
    %dma_start3A_831 = arith.constant 0 : i32
    %dma_start3A_832 = tpu.memref_slice %arg2[%add3A_830, %dma_start3A_831] : memref<16384x1024xf32, #tpu.memory_space<hbm>> -> memref<8x1024xf32, #tpu.memory_space<hbm>>
    %dma_start3A_833 = arith.constant 0 : i32
    %dma_start3A_834 = tpu.memref_slice %arg2[%add3A_830, %dma_start3A_833] : memref<16384x1024xf32, #tpu.memory_space<hbm>> -> memref<8x1024xf32, #tpu.memory_space<hbm>>
    tpu.enqueue_dma source(%dma_start3A_834 : memref<8x1024xf32, #tpu.memory_space<hbm>>) target(%arg8 : memref<8x1024xf32, #tpu.memory_space<vmem>>) target_semaphore(%arg23 : memref<!tpu.dma_semaphore, #tpu.memory_space<semaphore_mem>>)
    %dma_wait3A_835 = arith.constant 0 : i32
    %dma_wait3A_836 = tpu.memref_slice %arg4[%add3A_802, %dma_wait3A_835] : memref<16384x1024xf32, #tpu.memory_space<hbm>> -> memref<8x1024xf32, #tpu.memory_space<hbm>>
    %dma_wait3A_837 = arith.constant 0 : i32
    %dma_wait3A_838 = tpu.memref_slice %arg4[%add3A_802, %dma_wait3A_837] : memref<16384x1024xf32, #tpu.memory_space<hbm>> -> memref<8x1024xf32, #tpu.memory_space<hbm>>
    tpu.wait_dma2 semaphore(%arg36 : memref<!tpu.dma_semaphore, #tpu.memory_space<semaphore_mem>>) src(%arg9 : memref<8x1024xf32, #tpu.memory_space<vmem>>) dst(%dma_wait3A_838 : memref<8x1024xf32, #tpu.memory_space<hbm>>)
    %add3A_839 = arith.constant 4096 : i32
    %add3A_840 = arith.addi %add3A_839, %mul3A_2 : i32
    %add3A_841 = arith.constant 72 : i32
    %add3A_842 = arith.addi %add3A_840, %add3A_841 : i32
    %dma_start3A_843 = arith.constant 0 : i32
    %dma_start3A_844 = tpu.memref_slice %arg2[%add3A_842, %dma_start3A_843] : memref<16384x1024xf32, #tpu.memory_space<hbm>> -> memref<8x1024xf32, #tpu.memory_space<hbm>>
    %dma_start3A_845 = arith.constant 0 : i32
    %dma_start3A_846 = tpu.memref_slice %arg2[%add3A_842, %dma_start3A_845] : memref<16384x1024xf32, #tpu.memory_space<hbm>> -> memref<8x1024xf32, #tpu.memory_space<hbm>>
    tpu.enqueue_dma source(%dma_start3A_846 : memref<8x1024xf32, #tpu.memory_space<hbm>>) target(%arg9 : memref<8x1024xf32, #tpu.memory_space<vmem>>) target_semaphore(%arg24 : memref<!tpu.dma_semaphore, #tpu.memory_space<semaphore_mem>>)
    %dma_wait3A_847 = arith.constant 0 : i32
    %dma_wait3A_848 = tpu.memref_slice %arg4[%add3A_810, %dma_wait3A_847] : memref<16384x1024xf32, #tpu.memory_space<hbm>> -> memref<8x1024xf32, #tpu.memory_space<hbm>>
    %dma_wait3A_849 = arith.constant 0 : i32
    %dma_wait3A_850 = tpu.memref_slice %arg4[%add3A_810, %dma_wait3A_849] : memref<16384x1024xf32, #tpu.memory_space<hbm>> -> memref<8x1024xf32, #tpu.memory_space<hbm>>
    tpu.wait_dma2 semaphore(%arg37 : memref<!tpu.dma_semaphore, #tpu.memory_space<semaphore_mem>>) src(%arg10 : memref<8x1024xf32, #tpu.memory_space<vmem>>) dst(%dma_wait3A_850 : memref<8x1024xf32, #tpu.memory_space<hbm>>)
    %add3A_851 = arith.constant 8192 : i32
    %add3A_852 = arith.addi %add3A_851, %mul3A_2 : i32
    %add3A_853 = arith.constant 72 : i32
    %add3A_854 = arith.addi %add3A_852, %add3A_853 : i32
    %dma_start3A_855 = arith.constant 0 : i32
    %dma_start3A_856 = tpu.memref_slice %arg2[%add3A_854, %dma_start3A_855] : memref<16384x1024xf32, #tpu.memory_space<hbm>> -> memref<8x1024xf32, #tpu.memory_space<hbm>>
    %dma_start3A_857 = arith.constant 0 : i32
    %dma_start3A_858 = tpu.memref_slice %arg2[%add3A_854, %dma_start3A_857] : memref<16384x1024xf32, #tpu.memory_space<hbm>> -> memref<8x1024xf32, #tpu.memory_space<hbm>>
    tpu.enqueue_dma source(%dma_start3A_858 : memref<8x1024xf32, #tpu.memory_space<hbm>>) target(%arg10 : memref<8x1024xf32, #tpu.memory_space<vmem>>) target_semaphore(%arg25 : memref<!tpu.dma_semaphore, #tpu.memory_space<semaphore_mem>>)
    %dma_wait3A_859 = arith.constant 0 : i32
    %dma_wait3A_860 = tpu.memref_slice %arg4[%add3A_818, %dma_wait3A_859] : memref<16384x1024xf32, #tpu.memory_space<hbm>> -> memref<8x1024xf32, #tpu.memory_space<hbm>>
    %dma_wait3A_861 = arith.constant 0 : i32
    %dma_wait3A_862 = tpu.memref_slice %arg4[%add3A_818, %dma_wait3A_861] : memref<16384x1024xf32, #tpu.memory_space<hbm>> -> memref<8x1024xf32, #tpu.memory_space<hbm>>
    tpu.wait_dma2 semaphore(%arg38 : memref<!tpu.dma_semaphore, #tpu.memory_space<semaphore_mem>>) src(%arg11 : memref<8x1024xf32, #tpu.memory_space<vmem>>) dst(%dma_wait3A_862 : memref<8x1024xf32, #tpu.memory_space<hbm>>)
    %add3A_863 = arith.constant 12288 : i32
    %add3A_864 = arith.addi %add3A_863, %mul3A_2 : i32
    %add3A_865 = arith.constant 72 : i32
    %add3A_866 = arith.addi %add3A_864, %add3A_865 : i32
    %dma_start3A_867 = arith.constant 0 : i32
    %dma_start3A_868 = tpu.memref_slice %arg2[%add3A_866, %dma_start3A_867] : memref<16384x1024xf32, #tpu.memory_space<hbm>> -> memref<8x1024xf32, #tpu.memory_space<hbm>>
    %dma_start3A_869 = arith.constant 0 : i32
    %dma_start3A_870 = tpu.memref_slice %arg2[%add3A_866, %dma_start3A_869] : memref<16384x1024xf32, #tpu.memory_space<hbm>> -> memref<8x1024xf32, #tpu.memory_space<hbm>>
    tpu.enqueue_dma source(%dma_start3A_870 : memref<8x1024xf32, #tpu.memory_space<hbm>>) target(%arg11 : memref<8x1024xf32, #tpu.memory_space<vmem>>) target_semaphore(%arg26 : memref<!tpu.dma_semaphore, #tpu.memory_space<semaphore_mem>>)
    %add3A_871 = arith.constant 72 : i32
    %add3A_872 = arith.addi %mul3A_2, %add3A_871 : i32
    %dma_start3A_873 = arith.constant 0 : i32
    %dma_start3A_874 = tpu.memref_slice %arg3[%add3A_872, %dma_start3A_873] : memref<4096x1024xf32, #tpu.memory_space<hbm>> -> memref<8x1024xf32, #tpu.memory_space<hbm>>
    %dma_start3A_875 = arith.constant 0 : i32
    %dma_start3A_876 = tpu.memref_slice %arg3[%add3A_872, %dma_start3A_875] : memref<4096x1024xf32, #tpu.memory_space<hbm>> -> memref<8x1024xf32, #tpu.memory_space<hbm>>
    tpu.enqueue_dma source(%dma_start3A_876 : memref<8x1024xf32, #tpu.memory_space<hbm>>) target(%arg5 : memref<8x1024xf32, #tpu.memory_space<vmem>>) target_semaphore(%arg20 : memref<!tpu.dma_semaphore, #tpu.memory_space<semaphore_mem>>)
    %dma_wait3A_877 = arith.constant 0 : i32
    %dma_wait3A_878 = tpu.memref_slice %arg3[%add3A_654, %dma_wait3A_877] : memref<4096x1024xf32, #tpu.memory_space<hbm>> -> memref<8x1024xf32, #tpu.memory_space<hbm>>
    %dma_wait3A_879 = arith.constant 0 : i32
    %dma_wait3A_880 = tpu.memref_slice %arg3[%add3A_654, %dma_wait3A_879] : memref<4096x1024xf32, #tpu.memory_space<hbm>> -> memref<8x1024xf32, #tpu.memory_space<hbm>>
    tpu.wait_dma2 semaphore(%arg21 : memref<!tpu.dma_semaphore, #tpu.memory_space<semaphore_mem>>) src(%dma_wait3A_880 : memref<8x1024xf32, #tpu.memory_space<hbm>>) dst(%arg6 : memref<8x1024xf32, #tpu.memory_space<vmem>>)
    %dma_wait3A_881 = arith.constant 0 : i32
    %dma_wait3A_882 = tpu.memref_slice %arg2[%add3A_612, %dma_wait3A_881] : memref<16384x1024xf32, #tpu.memory_space<hbm>> -> memref<8x1024xf32, #tpu.memory_space<hbm>>
    %dma_wait3A_883 = arith.constant 0 : i32
    %dma_wait3A_884 = tpu.memref_slice %arg2[%add3A_612, %dma_wait3A_883] : memref<16384x1024xf32, #tpu.memory_space<hbm>> -> memref<8x1024xf32, #tpu.memory_space<hbm>>
    tpu.wait_dma2 semaphore(%arg27 : memref<!tpu.dma_semaphore, #tpu.memory_space<semaphore_mem>>) src(%dma_wait3A_884 : memref<8x1024xf32, #tpu.memory_space<hbm>>) dst(%arg12 : memref<8x1024xf32, #tpu.memory_space<vmem>>)
    %dma_wait3A_885 = arith.constant 0 : i32
    %dma_wait3A_886 = tpu.memref_slice %arg2[%add3A_624, %dma_wait3A_885] : memref<16384x1024xf32, #tpu.memory_space<hbm>> -> memref<8x1024xf32, #tpu.memory_space<hbm>>
    %dma_wait3A_887 = arith.constant 0 : i32
    %dma_wait3A_888 = tpu.memref_slice %arg2[%add3A_624, %dma_wait3A_887] : memref<16384x1024xf32, #tpu.memory_space<hbm>> -> memref<8x1024xf32, #tpu.memory_space<hbm>>
    tpu.wait_dma2 semaphore(%arg28 : memref<!tpu.dma_semaphore, #tpu.memory_space<semaphore_mem>>) src(%dma_wait3A_888 : memref<8x1024xf32, #tpu.memory_space<hbm>>) dst(%arg13 : memref<8x1024xf32, #tpu.memory_space<vmem>>)
    %dma_wait3A_889 = arith.constant 0 : i32
    %dma_wait3A_890 = tpu.memref_slice %arg2[%add3A_636, %dma_wait3A_889] : memref<16384x1024xf32, #tpu.memory_space<hbm>> -> memref<8x1024xf32, #tpu.memory_space<hbm>>
    %dma_wait3A_891 = arith.constant 0 : i32
    %dma_wait3A_892 = tpu.memref_slice %arg2[%add3A_636, %dma_wait3A_891] : memref<16384x1024xf32, #tpu.memory_space<hbm>> -> memref<8x1024xf32, #tpu.memory_space<hbm>>
    tpu.wait_dma2 semaphore(%arg29 : memref<!tpu.dma_semaphore, #tpu.memory_space<semaphore_mem>>) src(%dma_wait3A_892 : memref<8x1024xf32, #tpu.memory_space<hbm>>) dst(%arg14 : memref<8x1024xf32, #tpu.memory_space<vmem>>)
    %dma_wait3A_893 = arith.constant 0 : i32
    %dma_wait3A_894 = tpu.memref_slice %arg2[%add3A_648, %dma_wait3A_893] : memref<16384x1024xf32, #tpu.memory_space<hbm>> -> memref<8x1024xf32, #tpu.memory_space<hbm>>
    %dma_wait3A_895 = arith.constant 0 : i32
    %dma_wait3A_896 = tpu.memref_slice %arg2[%add3A_648, %dma_wait3A_895] : memref<16384x1024xf32, #tpu.memory_space<hbm>> -> memref<8x1024xf32, #tpu.memory_space<hbm>>
    tpu.wait_dma2 semaphore(%arg30 : memref<!tpu.dma_semaphore, #tpu.memory_space<semaphore_mem>>) src(%dma_wait3A_896 : memref<8x1024xf32, #tpu.memory_space<hbm>>) dst(%arg15 : memref<8x1024xf32, #tpu.memory_space<vmem>>)
    %parallel_loop3A_897 = arith.constant 0 : i32
    %parallel_loop3A_898 = arith.constant 512 : i32
    %parallel_loop3A_899 = arith.constant 1 : i32
    scf.for %parallel_loop3A_1744 = %parallel_loop3A_897 to %parallel_loop3A_898 step %parallel_loop3A_899  : i32 {
      %parallel_loop3A_1745 = arith.constant 64 : i32
      %parallel_loop3A_1746 = arith.divsi %parallel_loop3A_1744, %parallel_loop3A_1745 : i32
      %parallel_loop3A_1747 = arith.constant 0 : i32
      %parallel_loop3A_1748 = arith.cmpi sgt, %parallel_loop3A_1744, %parallel_loop3A_1747 : i32
      %parallel_loop3A_1749 = arith.extui %parallel_loop3A_1748 : i1 to i32
      %parallel_loop3A_1750 = arith.constant 0 : i32
      %parallel_loop3A_1751 = arith.cmpi slt, %parallel_loop3A_1744, %parallel_loop3A_1750 : i32
      %parallel_loop3A_1752 = arith.extui %parallel_loop3A_1751 : i1 to i32
      %parallel_loop3A_1753 = arith.subi %parallel_loop3A_1749, %parallel_loop3A_1752 : i32
      %parallel_loop3A_1754 = arith.constant 0 : i32
      %parallel_loop3A_1755 = arith.cmpi sgt, %parallel_loop3A_1745, %parallel_loop3A_1754 : i32
      %parallel_loop3A_1756 = arith.extui %parallel_loop3A_1755 : i1 to i32
      %parallel_loop3A_1757 = arith.constant 0 : i32
      %parallel_loop3A_1758 = arith.cmpi slt, %parallel_loop3A_1745, %parallel_loop3A_1757 : i32
      %parallel_loop3A_1759 = arith.extui %parallel_loop3A_1758 : i1 to i32
      %parallel_loop3A_1760 = arith.subi %parallel_loop3A_1756, %parallel_loop3A_1759 : i32
      %parallel_loop3A_1761 = arith.cmpi ne, %parallel_loop3A_1753, %parallel_loop3A_1760 : i32
      %parallel_loop3A_1762 = arith.remsi %parallel_loop3A_1744, %parallel_loop3A_1745 : i32
      %parallel_loop3A_1763 = arith.constant 0 : i32
      %parallel_loop3A_1764 = arith.cmpi ne, %parallel_loop3A_1762, %parallel_loop3A_1763 : i32
      %parallel_loop3A_1765 = arith.andi %parallel_loop3A_1761, %parallel_loop3A_1764 : i1
      %parallel_loop3A_1766 = arith.constant 1 : i32
      %parallel_loop3A_1767 = arith.subi %parallel_loop3A_1746, %parallel_loop3A_1766 : i32
      %parallel_loop3A_1768 = arith.select %parallel_loop3A_1765, %parallel_loop3A_1767, %parallel_loop3A_1746 : i32
      %parallel_loop3A_1769 = arith.constant 64 : i32
      %parallel_loop3A_1770 = arith.constant 0 : i32
      %parallel_loop3A_1771 = arith.cmpi eq, %parallel_loop3A_1769, %parallel_loop3A_1770 : i32
      %parallel_loop3A_1772 = arith.constant 1 : i32
      %parallel_loop3A_1773 = arith.select %parallel_loop3A_1771, %parallel_loop3A_1772, %parallel_loop3A_1769 : i32
      %parallel_loop3A_1774 = arith.remsi %parallel_loop3A_1744, %parallel_loop3A_1773 : i32
      %parallel_loop3A_1775 = arith.constant 0 : i32
      %parallel_loop3A_1776 = arith.cmpi ne, %parallel_loop3A_1774, %parallel_loop3A_1775 : i32
      %parallel_loop3A_1777 = arith.constant 0 : i32
      %parallel_loop3A_1778 = arith.cmpi slt, %parallel_loop3A_1774, %parallel_loop3A_1777 : i32
      %parallel_loop3A_1779 = arith.constant 0 : i32
      %parallel_loop3A_1780 = arith.cmpi slt, %parallel_loop3A_1773, %parallel_loop3A_1779 : i32
      %parallel_loop3A_1781 = arith.xori %parallel_loop3A_1778, %parallel_loop3A_1780 : i1
      %parallel_loop3A_1782 = arith.andi %parallel_loop3A_1781, %parallel_loop3A_1776 : i1
      %parallel_loop3A_1783 = arith.addi %parallel_loop3A_1774, %parallel_loop3A_1773 : i32
      %parallel_loop3A_1784 = arith.select %parallel_loop3A_1782, %parallel_loop3A_1783, %parallel_loop3A_1774 : i32
      %parallel_loop3A_1785 = arith.constant 16 : i32
      %parallel_loop3A_1786 = arith.muli %parallel_loop3A_1784, %parallel_loop3A_1785 : i32
      %parallel_loop3A_1787 = arith.index_cast %parallel_loop3A_1768 : i32 to index
      %parallel_loop3A_1788 = arith.index_cast %parallel_loop3A_1786 : i32 to index
      %parallel_loop3A_1789 = tpu.vector_load %arg6[%parallel_loop3A_1787, %parallel_loop3A_1788] {strides = array<i32>} : memref<8x1024xf32, #tpu.memory_space<vmem>>, vector<1x16xf32>,
      %parallel_loop3A_1790 = vector.shape_cast %parallel_loop3A_1789 : vector<1x16xf32> to vector<16xf32>
      %parallel_loop3A_1791 = arith.index_cast %parallel_loop3A_1768 : i32 to index
      %parallel_loop3A_1792 = arith.index_cast %parallel_loop3A_1786 : i32 to index
      %parallel_loop3A_1793 = tpu.vector_load %arg12[%parallel_loop3A_1791, %parallel_loop3A_1792] {strides = array<i32>} : memref<8x1024xf32, #tpu.memory_space<vmem>>, vector<1x16xf32>,
      %parallel_loop3A_1794 = vector.shape_cast %parallel_loop3A_1793 : vector<1x16xf32> to vector<16xf32>
      %parallel_loop3A_1795 = vector.shape_cast %parallel_loop3A_1790 : vector<16xf32> to vector<1x16xf32>
      tpu.vector_store %arg12[%parallel_loop3A_1791, %parallel_loop3A_1792], %parallel_loop3A_1795 {add = true, strides = array<i32>} : memref<8x1024xf32, #tpu.memory_space<vmem>>, vector<1x16xf32>,
      %parallel_loop3A_1796 = arith.index_cast %parallel_loop3A_1768 : i32 to index
      %parallel_loop3A_1797 = arith.index_cast %parallel_loop3A_1786 : i32 to index
      %parallel_loop3A_1798 = tpu.vector_load %arg13[%parallel_loop3A_1796, %parallel_loop3A_1797] {strides = array<i32>} : memref<8x1024xf32, #tpu.memory_space<vmem>>, vector<1x16xf32>,
      %parallel_loop3A_1799 = vector.shape_cast %parallel_loop3A_1798 : vector<1x16xf32> to vector<16xf32>
      %parallel_loop3A_1800 = vector.shape_cast %parallel_loop3A_1790 : vector<16xf32> to vector<1x16xf32>
      tpu.vector_store %arg13[%parallel_loop3A_1796, %parallel_loop3A_1797], %parallel_loop3A_1800 {add = true, strides = array<i32>} : memref<8x1024xf32, #tpu.memory_space<vmem>>, vector<1x16xf32>,
      %parallel_loop3A_1801 = arith.index_cast %parallel_loop3A_1768 : i32 to index
      %parallel_loop3A_1802 = arith.index_cast %parallel_loop3A_1786 : i32 to index
      %parallel_loop3A_1803 = tpu.vector_load %arg14[%parallel_loop3A_1801, %parallel_loop3A_1802] {strides = array<i32>} : memref<8x1024xf32, #tpu.memory_space<vmem>>, vector<1x16xf32>,
      %parallel_loop3A_1804 = vector.shape_cast %parallel_loop3A_1803 : vector<1x16xf32> to vector<16xf32>
      %parallel_loop3A_1805 = vector.shape_cast %parallel_loop3A_1790 : vector<16xf32> to vector<1x16xf32>
      tpu.vector_store %arg14[%parallel_loop3A_1801, %parallel_loop3A_1802], %parallel_loop3A_1805 {add = true, strides = array<i32>} : memref<8x1024xf32, #tpu.memory_space<vmem>>, vector<1x16xf32>,
      %parallel_loop3A_1806 = arith.index_cast %parallel_loop3A_1768 : i32 to index
      %parallel_loop3A_1807 = arith.index_cast %parallel_loop3A_1786 : i32 to index
      %parallel_loop3A_1808 = tpu.vector_load %arg15[%parallel_loop3A_1806, %parallel_loop3A_1807] {strides = array<i32>} : memref<8x1024xf32, #tpu.memory_space<vmem>>, vector<1x16xf32>,
      %parallel_loop3A_1809 = vector.shape_cast %parallel_loop3A_1808 : vector<1x16xf32> to vector<16xf32>
      %parallel_loop3A_1810 = vector.shape_cast %parallel_loop3A_1790 : vector<16xf32> to vector<1x16xf32>
      tpu.vector_store %arg15[%parallel_loop3A_1806, %parallel_loop3A_1807], %parallel_loop3A_1810 {add = true, strides = array<i32>} : memref<8x1024xf32, #tpu.memory_space<vmem>>, vector<1x16xf32>,
    } {sc.loop_unroll_factor = 4 : i64, sc.parallel_access}
    %add3A_900 = arith.constant 0 : i32
    %add3A_901 = arith.addi %add3A_900, %mul3A_2 : i32
    %add3A_902 = arith.constant 56 : i32
    %add3A_903 = arith.addi %add3A_901, %add3A_902 : i32
    %dma_start3A_904 = arith.constant 0 : i32
    %dma_start3A_905 = tpu.memref_slice %arg4[%add3A_903, %dma_start3A_904] : memref<16384x1024xf32, #tpu.memory_space<hbm>> -> memref<8x1024xf32, #tpu.memory_space<hbm>>
    %dma_start3A_906 = arith.constant 0 : i32
    %dma_start3A_907 = tpu.memref_slice %arg4[%add3A_903, %dma_start3A_906] : memref<16384x1024xf32, #tpu.memory_space<hbm>> -> memref<8x1024xf32, #tpu.memory_space<hbm>>
    tpu.enqueue_dma source(%arg12 : memref<8x1024xf32, #tpu.memory_space<vmem>>) target(%dma_start3A_907 : memref<8x1024xf32, #tpu.memory_space<hbm>>) target_semaphore(%arg39 : memref<!tpu.dma_semaphore, #tpu.memory_space<semaphore_mem>>)
    %add3A_908 = arith.constant 4096 : i32
    %add3A_909 = arith.addi %add3A_908, %mul3A_2 : i32
    %add3A_910 = arith.constant 56 : i32
    %add3A_911 = arith.addi %add3A_909, %add3A_910 : i32
    %dma_start3A_912 = arith.constant 0 : i32
    %dma_start3A_913 = tpu.memref_slice %arg4[%add3A_911, %dma_start3A_912] : memref<16384x1024xf32, #tpu.memory_space<hbm>> -> memref<8x1024xf32, #tpu.memory_space<hbm>>
    %dma_start3A_914 = arith.constant 0 : i32
    %dma_start3A_915 = tpu.memref_slice %arg4[%add3A_911, %dma_start3A_914] : memref<16384x1024xf32, #tpu.memory_space<hbm>> -> memref<8x1024xf32, #tpu.memory_space<hbm>>
    tpu.enqueue_dma source(%arg13 : memref<8x1024xf32, #tpu.memory_space<vmem>>) target(%dma_start3A_915 : memref<8x1024xf32, #tpu.memory_space<hbm>>) target_semaphore(%arg40 : memref<!tpu.dma_semaphore, #tpu.memory_space<semaphore_mem>>)
    %add3A_916 = arith.constant 8192 : i32
    %add3A_917 = arith.addi %add3A_916, %mul3A_2 : i32
    %add3A_918 = arith.constant 56 : i32
    %add3A_919 = arith.addi %add3A_917, %add3A_918 : i32
    %dma_start3A_920 = arith.constant 0 : i32
    %dma_start3A_921 = tpu.memref_slice %arg4[%add3A_919, %dma_start3A_920] : memref<16384x1024xf32, #tpu.memory_space<hbm>> -> memref<8x1024xf32, #tpu.memory_space<hbm>>
    %dma_start3A_922 = arith.constant 0 : i32
    %dma_start3A_923 = tpu.memref_slice %arg4[%add3A_919, %dma_start3A_922] : memref<16384x1024xf32, #tpu.memory_space<hbm>> -> memref<8x1024xf32, #tpu.memory_space<hbm>>
    tpu.enqueue_dma source(%arg14 : memref<8x1024xf32, #tpu.memory_space<vmem>>) target(%dma_start3A_923 : memref<8x1024xf32, #tpu.memory_space<hbm>>) target_semaphore(%arg41 : memref<!tpu.dma_semaphore, #tpu.memory_space<semaphore_mem>>)
    %add3A_924 = arith.constant 12288 : i32
    %add3A_925 = arith.addi %add3A_924, %mul3A_2 : i32
    %add3A_926 = arith.constant 56 : i32
    %add3A_927 = arith.addi %add3A_925, %add3A_926 : i32
    %dma_start3A_928 = arith.constant 0 : i32
    %dma_start3A_929 = tpu.memref_slice %arg4[%add3A_927, %dma_start3A_928] : memref<16384x1024xf32, #tpu.memory_space<hbm>> -> memref<8x1024xf32, #tpu.memory_space<hbm>>
    %dma_start3A_930 = arith.constant 0 : i32
    %dma_start3A_931 = tpu.memref_slice %arg4[%add3A_927, %dma_start3A_930] : memref<16384x1024xf32, #tpu.memory_space<hbm>> -> memref<8x1024xf32, #tpu.memory_space<hbm>>
    tpu.enqueue_dma source(%arg15 : memref<8x1024xf32, #tpu.memory_space<vmem>>) target(%dma_start3A_931 : memref<8x1024xf32, #tpu.memory_space<hbm>>) target_semaphore(%arg42 : memref<!tpu.dma_semaphore, #tpu.memory_space<semaphore_mem>>)
    %dma_wait3A_932 = arith.constant 0 : i32
    %dma_wait3A_933 = tpu.memref_slice %arg4[%add3A_903, %dma_wait3A_932] : memref<16384x1024xf32, #tpu.memory_space<hbm>> -> memref<8x1024xf32, #tpu.memory_space<hbm>>
    %dma_wait3A_934 = arith.constant 0 : i32
    %dma_wait3A_935 = tpu.memref_slice %arg4[%add3A_903, %dma_wait3A_934] : memref<16384x1024xf32, #tpu.memory_space<hbm>> -> memref<8x1024xf32, #tpu.memory_space<hbm>>
    tpu.wait_dma2 semaphore(%arg39 : memref<!tpu.dma_semaphore, #tpu.memory_space<semaphore_mem>>) src(%arg12 : memref<8x1024xf32, #tpu.memory_space<vmem>>) dst(%dma_wait3A_935 : memref<8x1024xf32, #tpu.memory_space<hbm>>)
    %add3A_936 = arith.constant 0 : i32
    %add3A_937 = arith.addi %add3A_936, %mul3A_2 : i32
    %add3A_938 = arith.constant 80 : i32
    %add3A_939 = arith.addi %add3A_937, %add3A_938 : i32
    %dma_start3A_940 = arith.constant 0 : i32
    %dma_start3A_941 = tpu.memref_slice %arg2[%add3A_939, %dma_start3A_940] : memref<16384x1024xf32, #tpu.memory_space<hbm>> -> memref<8x1024xf32, #tpu.memory_space<hbm>>
    %dma_start3A_942 = arith.constant 0 : i32
    %dma_start3A_943 = tpu.memref_slice %arg2[%add3A_939, %dma_start3A_942] : memref<16384x1024xf32, #tpu.memory_space<hbm>> -> memref<8x1024xf32, #tpu.memory_space<hbm>>
    tpu.enqueue_dma source(%dma_start3A_943 : memref<8x1024xf32, #tpu.memory_space<hbm>>) target(%arg12 : memref<8x1024xf32, #tpu.memory_space<vmem>>) target_semaphore(%arg27 : memref<!tpu.dma_semaphore, #tpu.memory_space<semaphore_mem>>)
    %dma_wait3A_944 = arith.constant 0 : i32
    %dma_wait3A_945 = tpu.memref_slice %arg4[%add3A_911, %dma_wait3A_944] : memref<16384x1024xf32, #tpu.memory_space<hbm>> -> memref<8x1024xf32, #tpu.memory_space<hbm>>
    %dma_wait3A_946 = arith.constant 0 : i32
    %dma_wait3A_947 = tpu.memref_slice %arg4[%add3A_911, %dma_wait3A_946] : memref<16384x1024xf32, #tpu.memory_space<hbm>> -> memref<8x1024xf32, #tpu.memory_space<hbm>>
    tpu.wait_dma2 semaphore(%arg40 : memref<!tpu.dma_semaphore, #tpu.memory_space<semaphore_mem>>) src(%arg13 : memref<8x1024xf32, #tpu.memory_space<vmem>>) dst(%dma_wait3A_947 : memref<8x1024xf32, #tpu.memory_space<hbm>>)
    %add3A_948 = arith.constant 4096 : i32
    %add3A_949 = arith.addi %add3A_948, %mul3A_2 : i32
    %add3A_950 = arith.constant 80 : i32
    %add3A_951 = arith.addi %add3A_949, %add3A_950 : i32
    %dma_start3A_952 = arith.constant 0 : i32
    %dma_start3A_953 = tpu.memref_slice %arg2[%add3A_951, %dma_start3A_952] : memref<16384x1024xf32, #tpu.memory_space<hbm>> -> memref<8x1024xf32, #tpu.memory_space<hbm>>
    %dma_start3A_954 = arith.constant 0 : i32
    %dma_start3A_955 = tpu.memref_slice %arg2[%add3A_951, %dma_start3A_954] : memref<16384x1024xf32, #tpu.memory_space<hbm>> -> memref<8x1024xf32, #tpu.memory_space<hbm>>
    tpu.enqueue_dma source(%dma_start3A_955 : memref<8x1024xf32, #tpu.memory_space<hbm>>) target(%arg13 : memref<8x1024xf32, #tpu.memory_space<vmem>>) target_semaphore(%arg28 : memref<!tpu.dma_semaphore, #tpu.memory_space<semaphore_mem>>)
    %dma_wait3A_956 = arith.constant 0 : i32
    %dma_wait3A_957 = tpu.memref_slice %arg4[%add3A_919, %dma_wait3A_956] : memref<16384x1024xf32, #tpu.memory_space<hbm>> -> memref<8x1024xf32, #tpu.memory_space<hbm>>
    %dma_wait3A_958 = arith.constant 0 : i32
    %dma_wait3A_959 = tpu.memref_slice %arg4[%add3A_919, %dma_wait3A_958] : memref<16384x1024xf32, #tpu.memory_space<hbm>> -> memref<8x1024xf32, #tpu.memory_space<hbm>>
    tpu.wait_dma2 semaphore(%arg41 : memref<!tpu.dma_semaphore, #tpu.memory_space<semaphore_mem>>) src(%arg14 : memref<8x1024xf32, #tpu.memory_space<vmem>>) dst(%dma_wait3A_959 : memref<8x1024xf32, #tpu.memory_space<hbm>>)
    %add3A_960 = arith.constant 8192 : i32
    %add3A_961 = arith.addi %add3A_960, %mul3A_2 : i32
    %add3A_962 = arith.constant 80 : i32
    %add3A_963 = arith.addi %add3A_961, %add3A_962 : i32
    %dma_start3A_964 = arith.constant 0 : i32
    %dma_start3A_965 = tpu.memref_slice %arg2[%add3A_963, %dma_start3A_964] : memref<16384x1024xf32, #tpu.memory_space<hbm>> -> memref<8x1024xf32, #tpu.memory_space<hbm>>
    %dma_start3A_966 = arith.constant 0 : i32
    %dma_start3A_967 = tpu.memref_slice %arg2[%add3A_963, %dma_start3A_966] : memref<16384x1024xf32, #tpu.memory_space<hbm>> -> memref<8x1024xf32, #tpu.memory_space<hbm>>
    tpu.enqueue_dma source(%dma_start3A_967 : memref<8x1024xf32, #tpu.memory_space<hbm>>) target(%arg14 : memref<8x1024xf32, #tpu.memory_space<vmem>>) target_semaphore(%arg29 : memref<!tpu.dma_semaphore, #tpu.memory_space<semaphore_mem>>)
    %dma_wait3A_968 = arith.constant 0 : i32
    %dma_wait3A_969 = tpu.memref_slice %arg4[%add3A_927, %dma_wait3A_968] : memref<16384x1024xf32, #tpu.memory_space<hbm>> -> memref<8x1024xf32, #tpu.memory_space<hbm>>
    %dma_wait3A_970 = arith.constant 0 : i32
    %dma_wait3A_971 = tpu.memref_slice %arg4[%add3A_927, %dma_wait3A_970] : memref<16384x1024xf32, #tpu.memory_space<hbm>> -> memref<8x1024xf32, #tpu.memory_space<hbm>>
    tpu.wait_dma2 semaphore(%arg42 : memref<!tpu.dma_semaphore, #tpu.memory_space<semaphore_mem>>) src(%arg15 : memref<8x1024xf32, #tpu.memory_space<vmem>>) dst(%dma_wait3A_971 : memref<8x1024xf32, #tpu.memory_space<hbm>>)
    %add3A_972 = arith.constant 12288 : i32
    %add3A_973 = arith.addi %add3A_972, %mul3A_2 : i32
    %add3A_974 = arith.constant 80 : i32
    %add3A_975 = arith.addi %add3A_973, %add3A_974 : i32
    %dma_start3A_976 = arith.constant 0 : i32
    %dma_start3A_977 = tpu.memref_slice %arg2[%add3A_975, %dma_start3A_976] : memref<16384x1024xf32, #tpu.memory_space<hbm>> -> memref<8x1024xf32, #tpu.memory_space<hbm>>
    %dma_start3A_978 = arith.constant 0 : i32
    %dma_start3A_979 = tpu.memref_slice %arg2[%add3A_975, %dma_start3A_978] : memref<16384x1024xf32, #tpu.memory_space<hbm>> -> memref<8x1024xf32, #tpu.memory_space<hbm>>
    tpu.enqueue_dma source(%dma_start3A_979 : memref<8x1024xf32, #tpu.memory_space<hbm>>) target(%arg15 : memref<8x1024xf32, #tpu.memory_space<vmem>>) target_semaphore(%arg30 : memref<!tpu.dma_semaphore, #tpu.memory_space<semaphore_mem>>)
    %add3A_980 = arith.constant 80 : i32
    %add3A_981 = arith.addi %mul3A_2, %add3A_980 : i32
    %dma_start3A_982 = arith.constant 0 : i32
    %dma_start3A_983 = tpu.memref_slice %arg3[%add3A_981, %dma_start3A_982] : memref<4096x1024xf32, #tpu.memory_space<hbm>> -> memref<8x1024xf32, #tpu.memory_space<hbm>>
    %dma_start3A_984 = arith.constant 0 : i32
    %dma_start3A_985 = tpu.memref_slice %arg3[%add3A_981, %dma_start3A_984] : memref<4096x1024xf32, #tpu.memory_space<hbm>> -> memref<8x1024xf32, #tpu.memory_space<hbm>>
    tpu.enqueue_dma source(%dma_start3A_985 : memref<8x1024xf32, #tpu.memory_space<hbm>>) target(%arg6 : memref<8x1024xf32, #tpu.memory_space<vmem>>) target_semaphore(%arg21 : memref<!tpu.dma_semaphore, #tpu.memory_space<semaphore_mem>>)
    %dma_wait3A_986 = arith.constant 0 : i32
    %dma_wait3A_987 = tpu.memref_slice %arg3[%add3A_763, %dma_wait3A_986] : memref<4096x1024xf32, #tpu.memory_space<hbm>> -> memref<8x1024xf32, #tpu.memory_space<hbm>>
    %dma_wait3A_988 = arith.constant 0 : i32
    %dma_wait3A_989 = tpu.memref_slice %arg3[%add3A_763, %dma_wait3A_988] : memref<4096x1024xf32, #tpu.memory_space<hbm>> -> memref<8x1024xf32, #tpu.memory_space<hbm>>
    tpu.wait_dma2 semaphore(%arg22 : memref<!tpu.dma_semaphore, #tpu.memory_space<semaphore_mem>>) src(%dma_wait3A_989 : memref<8x1024xf32, #tpu.memory_space<hbm>>) dst(%arg7 : memref<8x1024xf32, #tpu.memory_space<vmem>>)
    %dma_wait3A_990 = arith.constant 0 : i32
    %dma_wait3A_991 = tpu.memref_slice %arg2[%add3A_721, %dma_wait3A_990] : memref<16384x1024xf32, #tpu.memory_space<hbm>> -> memref<8x1024xf32, #tpu.memory_space<hbm>>
    %dma_wait3A_992 = arith.constant 0 : i32
    %dma_wait3A_993 = tpu.memref_slice %arg2[%add3A_721, %dma_wait3A_992] : memref<16384x1024xf32, #tpu.memory_space<hbm>> -> memref<8x1024xf32, #tpu.memory_space<hbm>>
    tpu.wait_dma2 semaphore(%arg31 : memref<!tpu.dma_semaphore, #tpu.memory_space<semaphore_mem>>) src(%dma_wait3A_993 : memref<8x1024xf32, #tpu.memory_space<hbm>>) dst(%arg16 : memref<8x1024xf32, #tpu.memory_space<vmem>>)
    %dma_wait3A_994 = arith.constant 0 : i32
    %dma_wait3A_995 = tpu.memref_slice %arg2[%add3A_733, %dma_wait3A_994] : memref<16384x1024xf32, #tpu.memory_space<hbm>> -> memref<8x1024xf32, #tpu.memory_space<hbm>>
    %dma_wait3A_996 = arith.constant 0 : i32
    %dma_wait3A_997 = tpu.memref_slice %arg2[%add3A_733, %dma_wait3A_996] : memref<16384x1024xf32, #tpu.memory_space<hbm>> -> memref<8x1024xf32, #tpu.memory_space<hbm>>
    tpu.wait_dma2 semaphore(%arg32 : memref<!tpu.dma_semaphore, #tpu.memory_space<semaphore_mem>>) src(%dma_wait3A_997 : memref<8x1024xf32, #tpu.memory_space<hbm>>) dst(%arg17 : memref<8x1024xf32, #tpu.memory_space<vmem>>)
    %dma_wait3A_998 = arith.constant 0 : i32
    %dma_wait3A_999 = tpu.memref_slice %arg2[%add3A_745, %dma_wait3A_998] : memref<16384x1024xf32, #tpu.memory_space<hbm>> -> memref<8x1024xf32, #tpu.memory_space<hbm>>
    %dma_wait3A_1000 = arith.constant 0 : i32
    %dma_wait3A_1001 = tpu.memref_slice %arg2[%add3A_745, %dma_wait3A_1000] : memref<16384x1024xf32, #tpu.memory_space<hbm>> -> memref<8x1024xf32, #tpu.memory_space<hbm>>
    tpu.wait_dma2 semaphore(%arg33 : memref<!tpu.dma_semaphore, #tpu.memory_space<semaphore_mem>>) src(%dma_wait3A_1001 : memref<8x1024xf32, #tpu.memory_space<hbm>>) dst(%arg18 : memref<8x1024xf32, #tpu.memory_space<vmem>>)
    %dma_wait3A_1002 = arith.constant 0 : i32
    %dma_wait3A_1003 = tpu.memref_slice %arg2[%add3A_757, %dma_wait3A_1002] : memref<16384x1024xf32, #tpu.memory_space<hbm>> -> memref<8x1024xf32, #tpu.memory_space<hbm>>
    %dma_wait3A_1004 = arith.constant 0 : i32
    %dma_wait3A_1005 = tpu.memref_slice %arg2[%add3A_757, %dma_wait3A_1004] : memref<16384x1024xf32, #tpu.memory_space<hbm>> -> memref<8x1024xf32, #tpu.memory_space<hbm>>
    tpu.wait_dma2 semaphore(%arg34 : memref<!tpu.dma_semaphore, #tpu.memory_space<semaphore_mem>>) src(%dma_wait3A_1005 : memref<8x1024xf32, #tpu.memory_space<hbm>>) dst(%arg19 : memref<8x1024xf32, #tpu.memory_space<vmem>>)
    %parallel_loop3A_1006 = arith.constant 0 : i32
    %parallel_loop3A_1007 = arith.constant 512 : i32
    %parallel_loop3A_1008 = arith.constant 1 : i32
    scf.for %parallel_loop3A_1744 = %parallel_loop3A_1006 to %parallel_loop3A_1007 step %parallel_loop3A_1008  : i32 {
      %parallel_loop3A_1745 = arith.constant 64 : i32
      %parallel_loop3A_1746 = arith.divsi %parallel_loop3A_1744, %parallel_loop3A_1745 : i32
      %parallel_loop3A_1747 = arith.constant 0 : i32
      %parallel_loop3A_1748 = arith.cmpi sgt, %parallel_loop3A_1744, %parallel_loop3A_1747 : i32
      %parallel_loop3A_1749 = arith.extui %parallel_loop3A_1748 : i1 to i32
      %parallel_loop3A_1750 = arith.constant 0 : i32
      %parallel_loop3A_1751 = arith.cmpi slt, %parallel_loop3A_1744, %parallel_loop3A_1750 : i32
      %parallel_loop3A_1752 = arith.extui %parallel_loop3A_1751 : i1 to i32
      %parallel_loop3A_1753 = arith.subi %parallel_loop3A_1749, %parallel_loop3A_1752 : i32
      %parallel_loop3A_1754 = arith.constant 0 : i32
      %parallel_loop3A_1755 = arith.cmpi sgt, %parallel_loop3A_1745, %parallel_loop3A_1754 : i32
      %parallel_loop3A_1756 = arith.extui %parallel_loop3A_1755 : i1 to i32
      %parallel_loop3A_1757 = arith.constant 0 : i32
      %parallel_loop3A_1758 = arith.cmpi slt, %parallel_loop3A_1745, %parallel_loop3A_1757 : i32
      %parallel_loop3A_1759 = arith.extui %parallel_loop3A_1758 : i1 to i32
      %parallel_loop3A_1760 = arith.subi %parallel_loop3A_1756, %parallel_loop3A_1759 : i32
      %parallel_loop3A_1761 = arith.cmpi ne, %parallel_loop3A_1753, %parallel_loop3A_1760 : i32
      %parallel_loop3A_1762 = arith.remsi %parallel_loop3A_1744, %parallel_loop3A_1745 : i32
      %parallel_loop3A_1763 = arith.constant 0 : i32
      %parallel_loop3A_1764 = arith.cmpi ne, %parallel_loop3A_1762, %parallel_loop3A_1763 : i32
      %parallel_loop3A_1765 = arith.andi %parallel_loop3A_1761, %parallel_loop3A_1764 : i1
      %parallel_loop3A_1766 = arith.constant 1 : i32
      %parallel_loop3A_1767 = arith.subi %parallel_loop3A_1746, %parallel_loop3A_1766 : i32
      %parallel_loop3A_1768 = arith.select %parallel_loop3A_1765, %parallel_loop3A_1767, %parallel_loop3A_1746 : i32
      %parallel_loop3A_1769 = arith.constant 64 : i32
      %parallel_loop3A_1770 = arith.constant 0 : i32
      %parallel_loop3A_1771 = arith.cmpi eq, %parallel_loop3A_1769, %parallel_loop3A_1770 : i32
      %parallel_loop3A_1772 = arith.constant 1 : i32
      %parallel_loop3A_1773 = arith.select %parallel_loop3A_1771, %parallel_loop3A_1772, %parallel_loop3A_1769 : i32
      %parallel_loop3A_1774 = arith.remsi %parallel_loop3A_1744, %parallel_loop3A_1773 : i32
      %parallel_loop3A_1775 = arith.constant 0 : i32
      %parallel_loop3A_1776 = arith.cmpi ne, %parallel_loop3A_1774, %parallel_loop3A_1775 : i32
      %parallel_loop3A_1777 = arith.constant 0 : i32
      %parallel_loop3A_1778 = arith.cmpi slt, %parallel_loop3A_1774, %parallel_loop3A_1777 : i32
      %parallel_loop3A_1779 = arith.constant 0 : i32
      %parallel_loop3A_1780 = arith.cmpi slt, %parallel_loop3A_1773, %parallel_loop3A_1779 : i32
      %parallel_loop3A_1781 = arith.xori %parallel_loop3A_1778, %parallel_loop3A_1780 : i1
      %parallel_loop3A_1782 = arith.andi %parallel_loop3A_1781, %parallel_loop3A_1776 : i1
      %parallel_loop3A_1783 = arith.addi %parallel_loop3A_1774, %parallel_loop3A_1773 : i32
      %parallel_loop3A_1784 = arith.select %parallel_loop3A_1782, %parallel_loop3A_1783, %parallel_loop3A_1774 : i32
      %parallel_loop3A_1785 = arith.constant 16 : i32
      %parallel_loop3A_1786 = arith.muli %parallel_loop3A_1784, %parallel_loop3A_1785 : i32
      %parallel_loop3A_1787 = arith.index_cast %parallel_loop3A_1768 : i32 to index
      %parallel_loop3A_1788 = arith.index_cast %parallel_loop3A_1786 : i32 to index
      %parallel_loop3A_1789 = tpu.vector_load %arg7[%parallel_loop3A_1787, %parallel_loop3A_1788] {strides = array<i32>} : memref<8x1024xf32, #tpu.memory_space<vmem>>, vector<1x16xf32>,
      %parallel_loop3A_1790 = vector.shape_cast %parallel_loop3A_1789 : vector<1x16xf32> to vector<16xf32>
      %parallel_loop3A_1791 = arith.index_cast %parallel_loop3A_1768 : i32 to index
      %parallel_loop3A_1792 = arith.index_cast %parallel_loop3A_1786 : i32 to index
      %parallel_loop3A_1793 = tpu.vector_load %arg16[%parallel_loop3A_1791, %parallel_loop3A_1792] {strides = array<i32>} : memref<8x1024xf32, #tpu.memory_space<vmem>>, vector<1x16xf32>,
      %parallel_loop3A_1794 = vector.shape_cast %parallel_loop3A_1793 : vector<1x16xf32> to vector<16xf32>
      %parallel_loop3A_1795 = vector.shape_cast %parallel_loop3A_1790 : vector<16xf32> to vector<1x16xf32>
      tpu.vector_store %arg16[%parallel_loop3A_1791, %parallel_loop3A_1792], %parallel_loop3A_1795 {add = true, strides = array<i32>} : memref<8x1024xf32, #tpu.memory_space<vmem>>, vector<1x16xf32>,
      %parallel_loop3A_1796 = arith.index_cast %parallel_loop3A_1768 : i32 to index
      %parallel_loop3A_1797 = arith.index_cast %parallel_loop3A_1786 : i32 to index
      %parallel_loop3A_1798 = tpu.vector_load %arg17[%parallel_loop3A_1796, %parallel_loop3A_1797] {strides = array<i32>} : memref<8x1024xf32, #tpu.memory_space<vmem>>, vector<1x16xf32>,
      %parallel_loop3A_1799 = vector.shape_cast %parallel_loop3A_1798 : vector<1x16xf32> to vector<16xf32>
      %parallel_loop3A_1800 = vector.shape_cast %parallel_loop3A_1790 : vector<16xf32> to vector<1x16xf32>
      tpu.vector_store %arg17[%parallel_loop3A_1796, %parallel_loop3A_1797], %parallel_loop3A_1800 {add = true, strides = array<i32>} : memref<8x1024xf32, #tpu.memory_space<vmem>>, vector<1x16xf32>,
      %parallel_loop3A_1801 = arith.index_cast %parallel_loop3A_1768 : i32 to index
      %parallel_loop3A_1802 = arith.index_cast %parallel_loop3A_1786 : i32 to index
      %parallel_loop3A_1803 = tpu.vector_load %arg18[%parallel_loop3A_1801, %parallel_loop3A_1802] {strides = array<i32>} : memref<8x1024xf32, #tpu.memory_space<vmem>>, vector<1x16xf32>,
      %parallel_loop3A_1804 = vector.shape_cast %parallel_loop3A_1803 : vector<1x16xf32> to vector<16xf32>
      %parallel_loop3A_1805 = vector.shape_cast %parallel_loop3A_1790 : vector<16xf32> to vector<1x16xf32>
      tpu.vector_store %arg18[%parallel_loop3A_1801, %parallel_loop3A_1802], %parallel_loop3A_1805 {add = true, strides = array<i32>} : memref<8x1024xf32, #tpu.memory_space<vmem>>, vector<1x16xf32>,
      %parallel_loop3A_1806 = arith.index_cast %parallel_loop3A_1768 : i32 to index
      %parallel_loop3A_1807 = arith.index_cast %parallel_loop3A_1786 : i32 to index
      %parallel_loop3A_1808 = tpu.vector_load %arg19[%parallel_loop3A_1806, %parallel_loop3A_1807] {strides = array<i32>} : memref<8x1024xf32, #tpu.memory_space<vmem>>, vector<1x16xf32>,
      %parallel_loop3A_1809 = vector.shape_cast %parallel_loop3A_1808 : vector<1x16xf32> to vector<16xf32>
      %parallel_loop3A_1810 = vector.shape_cast %parallel_loop3A_1790 : vector<16xf32> to vector<1x16xf32>
      tpu.vector_store %arg19[%parallel_loop3A_1806, %parallel_loop3A_1807], %parallel_loop3A_1810 {add = true, strides = array<i32>} : memref<8x1024xf32, #tpu.memory_space<vmem>>, vector<1x16xf32>,
    } {sc.loop_unroll_factor = 4 : i64, sc.parallel_access}
    %add3A_1009 = arith.constant 0 : i32
    %add3A_1010 = arith.addi %add3A_1009, %mul3A_2 : i32
    %add3A_1011 = arith.constant 64 : i32
    %add3A_1012 = arith.addi %add3A_1010, %add3A_1011 : i32
    %dma_start3A_1013 = arith.constant 0 : i32
    %dma_start3A_1014 = tpu.memref_slice %arg4[%add3A_1012, %dma_start3A_1013] : memref<16384x1024xf32, #tpu.memory_space<hbm>> -> memref<8x1024xf32, #tpu.memory_space<hbm>>
    %dma_start3A_1015 = arith.constant 0 : i32
    %dma_start3A_1016 = tpu.memref_slice %arg4[%add3A_1012, %dma_start3A_1015] : memref<16384x1024xf32, #tpu.memory_space<hbm>> -> memref<8x1024xf32, #tpu.memory_space<hbm>>
    tpu.enqueue_dma source(%arg16 : memref<8x1024xf32, #tpu.memory_space<vmem>>) target(%dma_start3A_1016 : memref<8x1024xf32, #tpu.memory_space<hbm>>) target_semaphore(%arg43 : memref<!tpu.dma_semaphore, #tpu.memory_space<semaphore_mem>>)
    %add3A_1017 = arith.constant 4096 : i32
    %add3A_1018 = arith.addi %add3A_1017, %mul3A_2 : i32
    %add3A_1019 = arith.constant 64 : i32
    %add3A_1020 = arith.addi %add3A_1018, %add3A_1019 : i32
    %dma_start3A_1021 = arith.constant 0 : i32
    %dma_start3A_1022 = tpu.memref_slice %arg4[%add3A_1020, %dma_start3A_1021] : memref<16384x1024xf32, #tpu.memory_space<hbm>> -> memref<8x1024xf32, #tpu.memory_space<hbm>>
    %dma_start3A_1023 = arith.constant 0 : i32
    %dma_start3A_1024 = tpu.memref_slice %arg4[%add3A_1020, %dma_start3A_1023] : memref<16384x1024xf32, #tpu.memory_space<hbm>> -> memref<8x1024xf32, #tpu.memory_space<hbm>>
    tpu.enqueue_dma source(%arg17 : memref<8x1024xf32, #tpu.memory_space<vmem>>) target(%dma_start3A_1024 : memref<8x1024xf32, #tpu.memory_space<hbm>>) target_semaphore(%arg44 : memref<!tpu.dma_semaphore, #tpu.memory_space<semaphore_mem>>)
    %add3A_1025 = arith.constant 8192 : i32
    %add3A_1026 = arith.addi %add3A_1025, %mul3A_2 : i32
    %add3A_1027 = arith.constant 64 : i32
    %add3A_1028 = arith.addi %add3A_1026, %add3A_1027 : i32
    %dma_start3A_1029 = arith.constant 0 : i32
    %dma_start3A_1030 = tpu.memref_slice %arg4[%add3A_1028, %dma_start3A_1029] : memref<16384x1024xf32, #tpu.memory_space<hbm>> -> memref<8x1024xf32, #tpu.memory_space<hbm>>
    %dma_start3A_1031 = arith.constant 0 : i32
    %dma_start3A_1032 = tpu.memref_slice %arg4[%add3A_1028, %dma_start3A_1031] : memref<16384x1024xf32, #tpu.memory_space<hbm>> -> memref<8x1024xf32, #tpu.memory_space<hbm>>
    tpu.enqueue_dma source(%arg18 : memref<8x1024xf32, #tpu.memory_space<vmem>>) target(%dma_start3A_1032 : memref<8x1024xf32, #tpu.memory_space<hbm>>) target_semaphore(%arg45 : memref<!tpu.dma_semaphore, #tpu.memory_space<semaphore_mem>>)
    %add3A_1033 = arith.constant 12288 : i32
    %add3A_1034 = arith.addi %add3A_1033, %mul3A_2 : i32
    %add3A_1035 = arith.constant 64 : i32
    %add3A_1036 = arith.addi %add3A_1034, %add3A_1035 : i32
    %dma_start3A_1037 = arith.constant 0 : i32
    %dma_start3A_1038 = tpu.memref_slice %arg4[%add3A_1036, %dma_start3A_1037] : memref<16384x1024xf32, #tpu.memory_space<hbm>> -> memref<8x1024xf32, #tpu.memory_space<hbm>>
    %dma_start3A_1039 = arith.constant 0 : i32
    %dma_start3A_1040 = tpu.memref_slice %arg4[%add3A_1036, %dma_start3A_1039] : memref<16384x1024xf32, #tpu.memory_space<hbm>> -> memref<8x1024xf32, #tpu.memory_space<hbm>>
    tpu.enqueue_dma source(%arg19 : memref<8x1024xf32, #tpu.memory_space<vmem>>) target(%dma_start3A_1040 : memref<8x1024xf32, #tpu.memory_space<hbm>>) target_semaphore(%arg46 : memref<!tpu.dma_semaphore, #tpu.memory_space<semaphore_mem>>)
    %dma_wait3A_1041 = arith.constant 0 : i32
    %dma_wait3A_1042 = tpu.memref_slice %arg4[%add3A_1012, %dma_wait3A_1041] : memref<16384x1024xf32, #tpu.memory_space<hbm>> -> memref<8x1024xf32, #tpu.memory_space<hbm>>
    %dma_wait3A_1043 = arith.constant 0 : i32
    %dma_wait3A_1044 = tpu.memref_slice %arg4[%add3A_1012, %dma_wait3A_1043] : memref<16384x1024xf32, #tpu.memory_space<hbm>> -> memref<8x1024xf32, #tpu.memory_space<hbm>>
    tpu.wait_dma2 semaphore(%arg43 : memref<!tpu.dma_semaphore, #tpu.memory_space<semaphore_mem>>) src(%arg16 : memref<8x1024xf32, #tpu.memory_space<vmem>>) dst(%dma_wait3A_1044 : memref<8x1024xf32, #tpu.memory_space<hbm>>)
    %add3A_1045 = arith.constant 0 : i32
    %add3A_1046 = arith.addi %add3A_1045, %mul3A_2 : i32
    %add3A_1047 = arith.constant 88 : i32
    %add3A_1048 = arith.addi %add3A_1046, %add3A_1047 : i32
    %dma_start3A_1049 = arith.constant 0 : i32
    %dma_start3A_1050 = tpu.memref_slice %arg2[%add3A_1048, %dma_start3A_1049] : memref<16384x1024xf32, #tpu.memory_space<hbm>> -> memref<8x1024xf32, #tpu.memory_space<hbm>>
    %dma_start3A_1051 = arith.constant 0 : i32
    %dma_start3A_1052 = tpu.memref_slice %arg2[%add3A_1048, %dma_start3A_1051] : memref<16384x1024xf32, #tpu.memory_space<hbm>> -> memref<8x1024xf32, #tpu.memory_space<hbm>>
    tpu.enqueue_dma source(%dma_start3A_1052 : memref<8x1024xf32, #tpu.memory_space<hbm>>) target(%arg16 : memref<8x1024xf32, #tpu.memory_space<vmem>>) target_semaphore(%arg31 : memref<!tpu.dma_semaphore, #tpu.memory_space<semaphore_mem>>)
    %dma_wait3A_1053 = arith.constant 0 : i32
    %dma_wait3A_1054 = tpu.memref_slice %arg4[%add3A_1020, %dma_wait3A_1053] : memref<16384x1024xf32, #tpu.memory_space<hbm>> -> memref<8x1024xf32, #tpu.memory_space<hbm>>
    %dma_wait3A_1055 = arith.constant 0 : i32
    %dma_wait3A_1056 = tpu.memref_slice %arg4[%add3A_1020, %dma_wait3A_1055] : memref<16384x1024xf32, #tpu.memory_space<hbm>> -> memref<8x1024xf32, #tpu.memory_space<hbm>>
    tpu.wait_dma2 semaphore(%arg44 : memref<!tpu.dma_semaphore, #tpu.memory_space<semaphore_mem>>) src(%arg17 : memref<8x1024xf32, #tpu.memory_space<vmem>>) dst(%dma_wait3A_1056 : memref<8x1024xf32, #tpu.memory_space<hbm>>)
    %add3A_1057 = arith.constant 4096 : i32
    %add3A_1058 = arith.addi %add3A_1057, %mul3A_2 : i32
    %add3A_1059 = arith.constant 88 : i32
    %add3A_1060 = arith.addi %add3A_1058, %add3A_1059 : i32
    %dma_start3A_1061 = arith.constant 0 : i32
    %dma_start3A_1062 = tpu.memref_slice %arg2[%add3A_1060, %dma_start3A_1061] : memref<16384x1024xf32, #tpu.memory_space<hbm>> -> memref<8x1024xf32, #tpu.memory_space<hbm>>
    %dma_start3A_1063 = arith.constant 0 : i32
    %dma_start3A_1064 = tpu.memref_slice %arg2[%add3A_1060, %dma_start3A_1063] : memref<16384x1024xf32, #tpu.memory_space<hbm>> -> memref<8x1024xf32, #tpu.memory_space<hbm>>
    tpu.enqueue_dma source(%dma_start3A_1064 : memref<8x1024xf32, #tpu.memory_space<hbm>>) target(%arg17 : memref<8x1024xf32, #tpu.memory_space<vmem>>) target_semaphore(%arg32 : memref<!tpu.dma_semaphore, #tpu.memory_space<semaphore_mem>>)
    %dma_wait3A_1065 = arith.constant 0 : i32
    %dma_wait3A_1066 = tpu.memref_slice %arg4[%add3A_1028, %dma_wait3A_1065] : memref<16384x1024xf32, #tpu.memory_space<hbm>> -> memref<8x1024xf32, #tpu.memory_space<hbm>>
    %dma_wait3A_1067 = arith.constant 0 : i32
    %dma_wait3A_1068 = tpu.memref_slice %arg4[%add3A_1028, %dma_wait3A_1067] : memref<16384x1024xf32, #tpu.memory_space<hbm>> -> memref<8x1024xf32, #tpu.memory_space<hbm>>
    tpu.wait_dma2 semaphore(%arg45 : memref<!tpu.dma_semaphore, #tpu.memory_space<semaphore_mem>>) src(%arg18 : memref<8x1024xf32, #tpu.memory_space<vmem>>) dst(%dma_wait3A_1068 : memref<8x1024xf32, #tpu.memory_space<hbm>>)
    %add3A_1069 = arith.constant 8192 : i32
    %add3A_1070 = arith.addi %add3A_1069, %mul3A_2 : i32
    %add3A_1071 = arith.constant 88 : i32
    %add3A_1072 = arith.addi %add3A_1070, %add3A_1071 : i32
    %dma_start3A_1073 = arith.constant 0 : i32
    %dma_start3A_1074 = tpu.memref_slice %arg2[%add3A_1072, %dma_start3A_1073] : memref<16384x1024xf32, #tpu.memory_space<hbm>> -> memref<8x1024xf32, #tpu.memory_space<hbm>>
    %dma_start3A_1075 = arith.constant 0 : i32
    %dma_start3A_1076 = tpu.memref_slice %arg2[%add3A_1072, %dma_start3A_1075] : memref<16384x1024xf32, #tpu.memory_space<hbm>> -> memref<8x1024xf32, #tpu.memory_space<hbm>>
    tpu.enqueue_dma source(%dma_start3A_1076 : memref<8x1024xf32, #tpu.memory_space<hbm>>) target(%arg18 : memref<8x1024xf32, #tpu.memory_space<vmem>>) target_semaphore(%arg33 : memref<!tpu.dma_semaphore, #tpu.memory_space<semaphore_mem>>)
    %dma_wait3A_1077 = arith.constant 0 : i32
    %dma_wait3A_1078 = tpu.memref_slice %arg4[%add3A_1036, %dma_wait3A_1077] : memref<16384x1024xf32, #tpu.memory_space<hbm>> -> memref<8x1024xf32, #tpu.memory_space<hbm>>
    %dma_wait3A_1079 = arith.constant 0 : i32
    %dma_wait3A_1080 = tpu.memref_slice %arg4[%add3A_1036, %dma_wait3A_1079] : memref<16384x1024xf32, #tpu.memory_space<hbm>> -> memref<8x1024xf32, #tpu.memory_space<hbm>>
    tpu.wait_dma2 semaphore(%arg46 : memref<!tpu.dma_semaphore, #tpu.memory_space<semaphore_mem>>) src(%arg19 : memref<8x1024xf32, #tpu.memory_space<vmem>>) dst(%dma_wait3A_1080 : memref<8x1024xf32, #tpu.memory_space<hbm>>)
    %add3A_1081 = arith.constant 12288 : i32
    %add3A_1082 = arith.addi %add3A_1081, %mul3A_2 : i32
    %add3A_1083 = arith.constant 88 : i32
    %add3A_1084 = arith.addi %add3A_1082, %add3A_1083 : i32
    %dma_start3A_1085 = arith.constant 0 : i32
    %dma_start3A_1086 = tpu.memref_slice %arg2[%add3A_1084, %dma_start3A_1085] : memref<16384x1024xf32, #tpu.memory_space<hbm>> -> memref<8x1024xf32, #tpu.memory_space<hbm>>
    %dma_start3A_1087 = arith.constant 0 : i32
    %dma_start3A_1088 = tpu.memref_slice %arg2[%add3A_1084, %dma_start3A_1087] : memref<16384x1024xf32, #tpu.memory_space<hbm>> -> memref<8x1024xf32, #tpu.memory_space<hbm>>
    tpu.enqueue_dma source(%dma_start3A_1088 : memref<8x1024xf32, #tpu.memory_space<hbm>>) target(%arg19 : memref<8x1024xf32, #tpu.memory_space<vmem>>) target_semaphore(%arg34 : memref<!tpu.dma_semaphore, #tpu.memory_space<semaphore_mem>>)
    %add3A_1089 = arith.constant 88 : i32
    %add3A_1090 = arith.addi %mul3A_2, %add3A_1089 : i32
    %dma_start3A_1091 = arith.constant 0 : i32
    %dma_start3A_1092 = tpu.memref_slice %arg3[%add3A_1090, %dma_start3A_1091] : memref<4096x1024xf32, #tpu.memory_space<hbm>> -> memref<8x1024xf32, #tpu.memory_space<hbm>>
    %dma_start3A_1093 = arith.constant 0 : i32
    %dma_start3A_1094 = tpu.memref_slice %arg3[%add3A_1090, %dma_start3A_1093] : memref<4096x1024xf32, #tpu.memory_space<hbm>> -> memref<8x1024xf32, #tpu.memory_space<hbm>>
    tpu.enqueue_dma source(%dma_start3A_1094 : memref<8x1024xf32, #tpu.memory_space<hbm>>) target(%arg7 : memref<8x1024xf32, #tpu.memory_space<vmem>>) target_semaphore(%arg22 : memref<!tpu.dma_semaphore, #tpu.memory_space<semaphore_mem>>)
    %dma_wait3A_1095 = arith.constant 0 : i32
    %dma_wait3A_1096 = tpu.memref_slice %arg3[%add3A_872, %dma_wait3A_1095] : memref<4096x1024xf32, #tpu.memory_space<hbm>> -> memref<8x1024xf32, #tpu.memory_space<hbm>>
    %dma_wait3A_1097 = arith.constant 0 : i32
    %dma_wait3A_1098 = tpu.memref_slice %arg3[%add3A_872, %dma_wait3A_1097] : memref<4096x1024xf32, #tpu.memory_space<hbm>> -> memref<8x1024xf32, #tpu.memory_space<hbm>>
    tpu.wait_dma2 semaphore(%arg20 : memref<!tpu.dma_semaphore, #tpu.memory_space<semaphore_mem>>) src(%dma_wait3A_1098 : memref<8x1024xf32, #tpu.memory_space<hbm>>) dst(%arg5 : memref<8x1024xf32, #tpu.memory_space<vmem>>)
    %dma_wait3A_1099 = arith.constant 0 : i32
    %dma_wait3A_1100 = tpu.memref_slice %arg2[%add3A_830, %dma_wait3A_1099] : memref<16384x1024xf32, #tpu.memory_space<hbm>> -> memref<8x1024xf32, #tpu.memory_space<hbm>>
    %dma_wait3A_1101 = arith.constant 0 : i32
    %dma_wait3A_1102 = tpu.memref_slice %arg2[%add3A_830, %dma_wait3A_1101] : memref<16384x1024xf32, #tpu.memory_space<hbm>> -> memref<8x1024xf32, #tpu.memory_space<hbm>>
    tpu.wait_dma2 semaphore(%arg23 : memref<!tpu.dma_semaphore, #tpu.memory_space<semaphore_mem>>) src(%dma_wait3A_1102 : memref<8x1024xf32, #tpu.memory_space<hbm>>) dst(%arg8 : memref<8x1024xf32, #tpu.memory_space<vmem>>)
    %dma_wait3A_1103 = arith.constant 0 : i32
    %dma_wait3A_1104 = tpu.memref_slice %arg2[%add3A_842, %dma_wait3A_1103] : memref<16384x1024xf32, #tpu.memory_space<hbm>> -> memref<8x1024xf32, #tpu.memory_space<hbm>>
    %dma_wait3A_1105 = arith.constant 0 : i32
    %dma_wait3A_1106 = tpu.memref_slice %arg2[%add3A_842, %dma_wait3A_1105] : memref<16384x1024xf32, #tpu.memory_space<hbm>> -> memref<8x1024xf32, #tpu.memory_space<hbm>>
    tpu.wait_dma2 semaphore(%arg24 : memref<!tpu.dma_semaphore, #tpu.memory_space<semaphore_mem>>) src(%dma_wait3A_1106 : memref<8x1024xf32, #tpu.memory_space<hbm>>) dst(%arg9 : memref<8x1024xf32, #tpu.memory_space<vmem>>)
    %dma_wait3A_1107 = arith.constant 0 : i32
    %dma_wait3A_1108 = tpu.memref_slice %arg2[%add3A_854, %dma_wait3A_1107] : memref<16384x1024xf32, #tpu.memory_space<hbm>> -> memref<8x1024xf32, #tpu.memory_space<hbm>>
    %dma_wait3A_1109 = arith.constant 0 : i32
    %dma_wait3A_1110 = tpu.memref_slice %arg2[%add3A_854, %dma_wait3A_1109] : memref<16384x1024xf32, #tpu.memory_space<hbm>> -> memref<8x1024xf32, #tpu.memory_space<hbm>>
    tpu.wait_dma2 semaphore(%arg25 : memref<!tpu.dma_semaphore, #tpu.memory_space<semaphore_mem>>) src(%dma_wait3A_1110 : memref<8x1024xf32, #tpu.memory_space<hbm>>) dst(%arg10 : memref<8x1024xf32, #tpu.memory_space<vmem>>)
    %dma_wait3A_1111 = arith.constant 0 : i32
    %dma_wait3A_1112 = tpu.memref_slice %arg2[%add3A_866, %dma_wait3A_1111] : memref<16384x1024xf32, #tpu.memory_space<hbm>> -> memref<8x1024xf32, #tpu.memory_space<hbm>>
    %dma_wait3A_1113 = arith.constant 0 : i32
    %dma_wait3A_1114 = tpu.memref_slice %arg2[%add3A_866, %dma_wait3A_1113] : memref<16384x1024xf32, #tpu.memory_space<hbm>> -> memref<8x1024xf32, #tpu.memory_space<hbm>>
    tpu.wait_dma2 semaphore(%arg26 : memref<!tpu.dma_semaphore, #tpu.memory_space<semaphore_mem>>) src(%dma_wait3A_1114 : memref<8x1024xf32, #tpu.memory_space<hbm>>) dst(%arg11 : memref<8x1024xf32, #tpu.memory_space<vmem>>)
    %parallel_loop3A_1115 = arith.constant 0 : i32
    %parallel_loop3A_1116 = arith.constant 512 : i32
    %parallel_loop3A_1117 = arith.constant 1 : i32
    scf.for %parallel_loop3A_1744 = %parallel_loop3A_1115 to %parallel_loop3A_1116 step %parallel_loop3A_1117  : i32 {
      %parallel_loop3A_1745 = arith.constant 64 : i32
      %parallel_loop3A_1746 = arith.divsi %parallel_loop3A_1744, %parallel_loop3A_1745 : i32
      %parallel_loop3A_1747 = arith.constant 0 : i32
      %parallel_loop3A_1748 = arith.cmpi sgt, %parallel_loop3A_1744, %parallel_loop3A_1747 : i32
      %parallel_loop3A_1749 = arith.extui %parallel_loop3A_1748 : i1 to i32
      %parallel_loop3A_1750 = arith.constant 0 : i32
      %parallel_loop3A_1751 = arith.cmpi slt, %parallel_loop3A_1744, %parallel_loop3A_1750 : i32
      %parallel_loop3A_1752 = arith.extui %parallel_loop3A_1751 : i1 to i32
      %parallel_loop3A_1753 = arith.subi %parallel_loop3A_1749, %parallel_loop3A_1752 : i32
      %parallel_loop3A_1754 = arith.constant 0 : i32
      %parallel_loop3A_1755 = arith.cmpi sgt, %parallel_loop3A_1745, %parallel_loop3A_1754 : i32
      %parallel_loop3A_1756 = arith.extui %parallel_loop3A_1755 : i1 to i32
      %parallel_loop3A_1757 = arith.constant 0 : i32
      %parallel_loop3A_1758 = arith.cmpi slt, %parallel_loop3A_1745, %parallel_loop3A_1757 : i32
      %parallel_loop3A_1759 = arith.extui %parallel_loop3A_1758 : i1 to i32
      %parallel_loop3A_1760 = arith.subi %parallel_loop3A_1756, %parallel_loop3A_1759 : i32
      %parallel_loop3A_1761 = arith.cmpi ne, %parallel_loop3A_1753, %parallel_loop3A_1760 : i32
      %parallel_loop3A_1762 = arith.remsi %parallel_loop3A_1744, %parallel_loop3A_1745 : i32
      %parallel_loop3A_1763 = arith.constant 0 : i32
      %parallel_loop3A_1764 = arith.cmpi ne, %parallel_loop3A_1762, %parallel_loop3A_1763 : i32
      %parallel_loop3A_1765 = arith.andi %parallel_loop3A_1761, %parallel_loop3A_1764 : i1
      %parallel_loop3A_1766 = arith.constant 1 : i32
      %parallel_loop3A_1767 = arith.subi %parallel_loop3A_1746, %parallel_loop3A_1766 : i32
      %parallel_loop3A_1768 = arith.select %parallel_loop3A_1765, %parallel_loop3A_1767, %parallel_loop3A_1746 : i32
      %parallel_loop3A_1769 = arith.constant 64 : i32
      %parallel_loop3A_1770 = arith.constant 0 : i32
      %parallel_loop3A_1771 = arith.cmpi eq, %parallel_loop3A_1769, %parallel_loop3A_1770 : i32
      %parallel_loop3A_1772 = arith.constant 1 : i32
      %parallel_loop3A_1773 = arith.select %parallel_loop3A_1771, %parallel_loop3A_1772, %parallel_loop3A_1769 : i32
      %parallel_loop3A_1774 = arith.remsi %parallel_loop3A_1744, %parallel_loop3A_1773 : i32
      %parallel_loop3A_1775 = arith.constant 0 : i32
      %parallel_loop3A_1776 = arith.cmpi ne, %parallel_loop3A_1774, %parallel_loop3A_1775 : i32
      %parallel_loop3A_1777 = arith.constant 0 : i32
      %parallel_loop3A_1778 = arith.cmpi slt, %parallel_loop3A_1774, %parallel_loop3A_1777 : i32
      %parallel_loop3A_1779 = arith.constant 0 : i32
      %parallel_loop3A_1780 = arith.cmpi slt, %parallel_loop3A_1773, %parallel_loop3A_1779 : i32
      %parallel_loop3A_1781 = arith.xori %parallel_loop3A_1778, %parallel_loop3A_1780 : i1
      %parallel_loop3A_1782 = arith.andi %parallel_loop3A_1781, %parallel_loop3A_1776 : i1
      %parallel_loop3A_1783 = arith.addi %parallel_loop3A_1774, %parallel_loop3A_1773 : i32
      %parallel_loop3A_1784 = arith.select %parallel_loop3A_1782, %parallel_loop3A_1783, %parallel_loop3A_1774 : i32
      %parallel_loop3A_1785 = arith.constant 16 : i32
      %parallel_loop3A_1786 = arith.muli %parallel_loop3A_1784, %parallel_loop3A_1785 : i32
      %parallel_loop3A_1787 = arith.index_cast %parallel_loop3A_1768 : i32 to index
      %parallel_loop3A_1788 = arith.index_cast %parallel_loop3A_1786 : i32 to index
      %parallel_loop3A_1789 = tpu.vector_load %arg5[%parallel_loop3A_1787, %parallel_loop3A_1788] {strides = array<i32>} : memref<8x1024xf32, #tpu.memory_space<vmem>>, vector<1x16xf32>,
      %parallel_loop3A_1790 = vector.shape_cast %parallel_loop3A_1789 : vector<1x16xf32> to vector<16xf32>
      %parallel_loop3A_1791 = arith.index_cast %parallel_loop3A_1768 : i32 to index
      %parallel_loop3A_1792 = arith.index_cast %parallel_loop3A_1786 : i32 to index
      %parallel_loop3A_1793 = tpu.vector_load %arg8[%parallel_loop3A_1791, %parallel_loop3A_1792] {strides = array<i32>} : memref<8x1024xf32, #tpu.memory_space<vmem>>, vector<1x16xf32>,
      %parallel_loop3A_1794 = vector.shape_cast %parallel_loop3A_1793 : vector<1x16xf32> to vector<16xf32>
      %parallel_loop3A_1795 = vector.shape_cast %parallel_loop3A_1790 : vector<16xf32> to vector<1x16xf32>
      tpu.vector_store %arg8[%parallel_loop3A_1791, %parallel_loop3A_1792], %parallel_loop3A_1795 {add = true, strides = array<i32>} : memref<8x1024xf32, #tpu.memory_space<vmem>>, vector<1x16xf32>,
      %parallel_loop3A_1796 = arith.index_cast %parallel_loop3A_1768 : i32 to index
      %parallel_loop3A_1797 = arith.index_cast %parallel_loop3A_1786 : i32 to index
      %parallel_loop3A_1798 = tpu.vector_load %arg9[%parallel_loop3A_1796, %parallel_loop3A_1797] {strides = array<i32>} : memref<8x1024xf32, #tpu.memory_space<vmem>>, vector<1x16xf32>,
      %parallel_loop3A_1799 = vector.shape_cast %parallel_loop3A_1798 : vector<1x16xf32> to vector<16xf32>
      %parallel_loop3A_1800 = vector.shape_cast %parallel_loop3A_1790 : vector<16xf32> to vector<1x16xf32>
      tpu.vector_store %arg9[%parallel_loop3A_1796, %parallel_loop3A_1797], %parallel_loop3A_1800 {add = true, strides = array<i32>} : memref<8x1024xf32, #tpu.memory_space<vmem>>, vector<1x16xf32>,
      %parallel_loop3A_1801 = arith.index_cast %parallel_loop3A_1768 : i32 to index
      %parallel_loop3A_1802 = arith.index_cast %parallel_loop3A_1786 : i32 to index
      %parallel_loop3A_1803 = tpu.vector_load %arg10[%parallel_loop3A_1801, %parallel_loop3A_1802] {strides = array<i32>} : memref<8x1024xf32, #tpu.memory_space<vmem>>, vector<1x16xf32>,
      %parallel_loop3A_1804 = vector.shape_cast %parallel_loop3A_1803 : vector<1x16xf32> to vector<16xf32>
      %parallel_loop3A_1805 = vector.shape_cast %parallel_loop3A_1790 : vector<16xf32> to vector<1x16xf32>
      tpu.vector_store %arg10[%parallel_loop3A_1801, %parallel_loop3A_1802], %parallel_loop3A_1805 {add = true, strides = array<i32>} : memref<8x1024xf32, #tpu.memory_space<vmem>>, vector<1x16xf32>,
      %parallel_loop3A_1806 = arith.index_cast %parallel_loop3A_1768 : i32 to index
      %parallel_loop3A_1807 = arith.index_cast %parallel_loop3A_1786 : i32 to index
      %parallel_loop3A_1808 = tpu.vector_load %arg11[%parallel_loop3A_1806, %parallel_loop3A_1807] {strides = array<i32>} : memref<8x1024xf32, #tpu.memory_space<vmem>>, vector<1x16xf32>,
      %parallel_loop3A_1809 = vector.shape_cast %parallel_loop3A_1808 : vector<1x16xf32> to vector<16xf32>
      %parallel_loop3A_1810 = vector.shape_cast %parallel_loop3A_1790 : vector<16xf32> to vector<1x16xf32>
      tpu.vector_store %arg11[%parallel_loop3A_1806, %parallel_loop3A_1807], %parallel_loop3A_1810 {add = true, strides = array<i32>} : memref<8x1024xf32, #tpu.memory_space<vmem>>, vector<1x16xf32>,
    } {sc.loop_unroll_factor = 4 : i64, sc.parallel_access}
    %add3A_1118 = arith.constant 0 : i32
    %add3A_1119 = arith.addi %add3A_1118, %mul3A_2 : i32
    %add3A_1120 = arith.constant 72 : i32
    %add3A_1121 = arith.addi %add3A_1119, %add3A_1120 : i32
    %dma_start3A_1122 = arith.constant 0 : i32
    %dma_start3A_1123 = tpu.memref_slice %arg4[%add3A_1121, %dma_start3A_1122] : memref<16384x1024xf32, #tpu.memory_space<hbm>> -> memref<8x1024xf32, #tpu.memory_space<hbm>>
    %dma_start3A_1124 = arith.constant 0 : i32
    %dma_start3A_1125 = tpu.memref_slice %arg4[%add3A_1121, %dma_start3A_1124] : memref<16384x1024xf32, #tpu.memory_space<hbm>> -> memref<8x1024xf32, #tpu.memory_space<hbm>>
    tpu.enqueue_dma source(%arg8 : memref<8x1024xf32, #tpu.memory_space<vmem>>) target(%dma_start3A_1125 : memref<8x1024xf32, #tpu.memory_space<hbm>>) target_semaphore(%arg35 : memref<!tpu.dma_semaphore, #tpu.memory_space<semaphore_mem>>)
    %add3A_1126 = arith.constant 4096 : i32
    %add3A_1127 = arith.addi %add3A_1126, %mul3A_2 : i32
    %add3A_1128 = arith.constant 72 : i32
    %add3A_1129 = arith.addi %add3A_1127, %add3A_1128 : i32
    %dma_start3A_1130 = arith.constant 0 : i32
    %dma_start3A_1131 = tpu.memref_slice %arg4[%add3A_1129, %dma_start3A_1130] : memref<16384x1024xf32, #tpu.memory_space<hbm>> -> memref<8x1024xf32, #tpu.memory_space<hbm>>
    %dma_start3A_1132 = arith.constant 0 : i32
    %dma_start3A_1133 = tpu.memref_slice %arg4[%add3A_1129, %dma_start3A_1132] : memref<16384x1024xf32, #tpu.memory_space<hbm>> -> memref<8x1024xf32, #tpu.memory_space<hbm>>
    tpu.enqueue_dma source(%arg9 : memref<8x1024xf32, #tpu.memory_space<vmem>>) target(%dma_start3A_1133 : memref<8x1024xf32, #tpu.memory_space<hbm>>) target_semaphore(%arg36 : memref<!tpu.dma_semaphore, #tpu.memory_space<semaphore_mem>>)
    %add3A_1134 = arith.constant 8192 : i32
    %add3A_1135 = arith.addi %add3A_1134, %mul3A_2 : i32
    %add3A_1136 = arith.constant 72 : i32
    %add3A_1137 = arith.addi %add3A_1135, %add3A_1136 : i32
    %dma_start3A_1138 = arith.constant 0 : i32
    %dma_start3A_1139 = tpu.memref_slice %arg4[%add3A_1137, %dma_start3A_1138] : memref<16384x1024xf32, #tpu.memory_space<hbm>> -> memref<8x1024xf32, #tpu.memory_space<hbm>>
    %dma_start3A_1140 = arith.constant 0 : i32
    %dma_start3A_1141 = tpu.memref_slice %arg4[%add3A_1137, %dma_start3A_1140] : memref<16384x1024xf32, #tpu.memory_space<hbm>> -> memref<8x1024xf32, #tpu.memory_space<hbm>>
    tpu.enqueue_dma source(%arg10 : memref<8x1024xf32, #tpu.memory_space<vmem>>) target(%dma_start3A_1141 : memref<8x1024xf32, #tpu.memory_space<hbm>>) target_semaphore(%arg37 : memref<!tpu.dma_semaphore, #tpu.memory_space<semaphore_mem>>)
    %add3A_1142 = arith.constant 12288 : i32
    %add3A_1143 = arith.addi %add3A_1142, %mul3A_2 : i32
    %add3A_1144 = arith.constant 72 : i32
    %add3A_1145 = arith.addi %add3A_1143, %add3A_1144 : i32
    %dma_start3A_1146 = arith.constant 0 : i32
    %dma_start3A_1147 = tpu.memref_slice %arg4[%add3A_1145, %dma_start3A_1146] : memref<16384x1024xf32, #tpu.memory_space<hbm>> -> memref<8x1024xf32, #tpu.memory_space<hbm>>
    %dma_start3A_1148 = arith.constant 0 : i32
    %dma_start3A_1149 = tpu.memref_slice %arg4[%add3A_1145, %dma_start3A_1148] : memref<16384x1024xf32, #tpu.memory_space<hbm>> -> memref<8x1024xf32, #tpu.memory_space<hbm>>
    tpu.enqueue_dma source(%arg11 : memref<8x1024xf32, #tpu.memory_space<vmem>>) target(%dma_start3A_1149 : memref<8x1024xf32, #tpu.memory_space<hbm>>) target_semaphore(%arg38 : memref<!tpu.dma_semaphore, #tpu.memory_space<semaphore_mem>>)
    %dma_wait3A_1150 = arith.constant 0 : i32
    %dma_wait3A_1151 = tpu.memref_slice %arg4[%add3A_1121, %dma_wait3A_1150] : memref<16384x1024xf32, #tpu.memory_space<hbm>> -> memref<8x1024xf32, #tpu.memory_space<hbm>>
    %dma_wait3A_1152 = arith.constant 0 : i32
    %dma_wait3A_1153 = tpu.memref_slice %arg4[%add3A_1121, %dma_wait3A_1152] : memref<16384x1024xf32, #tpu.memory_space<hbm>> -> memref<8x1024xf32, #tpu.memory_space<hbm>>
    tpu.wait_dma2 semaphore(%arg35 : memref<!tpu.dma_semaphore, #tpu.memory_space<semaphore_mem>>) src(%arg8 : memref<8x1024xf32, #tpu.memory_space<vmem>>) dst(%dma_wait3A_1153 : memref<8x1024xf32, #tpu.memory_space<hbm>>)
    %add3A_1154 = arith.constant 0 : i32
    %add3A_1155 = arith.addi %add3A_1154, %mul3A_2 : i32
    %add3A_1156 = arith.constant 96 : i32
    %add3A_1157 = arith.addi %add3A_1155, %add3A_1156 : i32
    %dma_start3A_1158 = arith.constant 0 : i32
    %dma_start3A_1159 = tpu.memref_slice %arg2[%add3A_1157, %dma_start3A_1158] : memref<16384x1024xf32, #tpu.memory_space<hbm>> -> memref<8x1024xf32, #tpu.memory_space<hbm>>
    %dma_start3A_1160 = arith.constant 0 : i32
    %dma_start3A_1161 = tpu.memref_slice %arg2[%add3A_1157, %dma_start3A_1160] : memref<16384x1024xf32, #tpu.memory_space<hbm>> -> memref<8x1024xf32, #tpu.memory_space<hbm>>
    tpu.enqueue_dma source(%dma_start3A_1161 : memref<8x1024xf32, #tpu.memory_space<hbm>>) target(%arg8 : memref<8x1024xf32, #tpu.memory_space<vmem>>) target_semaphore(%arg23 : memref<!tpu.dma_semaphore, #tpu.memory_space<semaphore_mem>>)
    %dma_wait3A_1162 = arith.constant 0 : i32
    %dma_wait3A_1163 = tpu.memref_slice %arg4[%add3A_1129, %dma_wait3A_1162] : memref<16384x1024xf32, #tpu.memory_space<hbm>> -> memref<8x1024xf32, #tpu.memory_space<hbm>>
    %dma_wait3A_1164 = arith.constant 0 : i32
    %dma_wait3A_1165 = tpu.memref_slice %arg4[%add3A_1129, %dma_wait3A_1164] : memref<16384x1024xf32, #tpu.memory_space<hbm>> -> memref<8x1024xf32, #tpu.memory_space<hbm>>
    tpu.wait_dma2 semaphore(%arg36 : memref<!tpu.dma_semaphore, #tpu.memory_space<semaphore_mem>>) src(%arg9 : memref<8x1024xf32, #tpu.memory_space<vmem>>) dst(%dma_wait3A_1165 : memref<8x1024xf32, #tpu.memory_space<hbm>>)
    %add3A_1166 = arith.constant 4096 : i32
    %add3A_1167 = arith.addi %add3A_1166, %mul3A_2 : i32
    %add3A_1168 = arith.constant 96 : i32
    %add3A_1169 = arith.addi %add3A_1167, %add3A_1168 : i32
    %dma_start3A_1170 = arith.constant 0 : i32
    %dma_start3A_1171 = tpu.memref_slice %arg2[%add3A_1169, %dma_start3A_1170] : memref<16384x1024xf32, #tpu.memory_space<hbm>> -> memref<8x1024xf32, #tpu.memory_space<hbm>>
    %dma_start3A_1172 = arith.constant 0 : i32
    %dma_start3A_1173 = tpu.memref_slice %arg2[%add3A_1169, %dma_start3A_1172] : memref<16384x1024xf32, #tpu.memory_space<hbm>> -> memref<8x1024xf32, #tpu.memory_space<hbm>>
    tpu.enqueue_dma source(%dma_start3A_1173 : memref<8x1024xf32, #tpu.memory_space<hbm>>) target(%arg9 : memref<8x1024xf32, #tpu.memory_space<vmem>>) target_semaphore(%arg24 : memref<!tpu.dma_semaphore, #tpu.memory_space<semaphore_mem>>)
    %dma_wait3A_1174 = arith.constant 0 : i32
    %dma_wait3A_1175 = tpu.memref_slice %arg4[%add3A_1137, %dma_wait3A_1174] : memref<16384x1024xf32, #tpu.memory_space<hbm>> -> memref<8x1024xf32, #tpu.memory_space<hbm>>
    %dma_wait3A_1176 = arith.constant 0 : i32
    %dma_wait3A_1177 = tpu.memref_slice %arg4[%add3A_1137, %dma_wait3A_1176] : memref<16384x1024xf32, #tpu.memory_space<hbm>> -> memref<8x1024xf32, #tpu.memory_space<hbm>>
    tpu.wait_dma2 semaphore(%arg37 : memref<!tpu.dma_semaphore, #tpu.memory_space<semaphore_mem>>) src(%arg10 : memref<8x1024xf32, #tpu.memory_space<vmem>>) dst(%dma_wait3A_1177 : memref<8x1024xf32, #tpu.memory_space<hbm>>)
    %add3A_1178 = arith.constant 8192 : i32
    %add3A_1179 = arith.addi %add3A_1178, %mul3A_2 : i32
    %add3A_1180 = arith.constant 96 : i32
    %add3A_1181 = arith.addi %add3A_1179, %add3A_1180 : i32
    %dma_start3A_1182 = arith.constant 0 : i32
    %dma_start3A_1183 = tpu.memref_slice %arg2[%add3A_1181, %dma_start3A_1182] : memref<16384x1024xf32, #tpu.memory_space<hbm>> -> memref<8x1024xf32, #tpu.memory_space<hbm>>
    %dma_start3A_1184 = arith.constant 0 : i32
    %dma_start3A_1185 = tpu.memref_slice %arg2[%add3A_1181, %dma_start3A_1184] : memref<16384x1024xf32, #tpu.memory_space<hbm>> -> memref<8x1024xf32, #tpu.memory_space<hbm>>
    tpu.enqueue_dma source(%dma_start3A_1185 : memref<8x1024xf32, #tpu.memory_space<hbm>>) target(%arg10 : memref<8x1024xf32, #tpu.memory_space<vmem>>) target_semaphore(%arg25 : memref<!tpu.dma_semaphore, #tpu.memory_space<semaphore_mem>>)
    %dma_wait3A_1186 = arith.constant 0 : i32
    %dma_wait3A_1187 = tpu.memref_slice %arg4[%add3A_1145, %dma_wait3A_1186] : memref<16384x1024xf32, #tpu.memory_space<hbm>> -> memref<8x1024xf32, #tpu.memory_space<hbm>>
    %dma_wait3A_1188 = arith.constant 0 : i32
    %dma_wait3A_1189 = tpu.memref_slice %arg4[%add3A_1145, %dma_wait3A_1188] : memref<16384x1024xf32, #tpu.memory_space<hbm>> -> memref<8x1024xf32, #tpu.memory_space<hbm>>
    tpu.wait_dma2 semaphore(%arg38 : memref<!tpu.dma_semaphore, #tpu.memory_space<semaphore_mem>>) src(%arg11 : memref<8x1024xf32, #tpu.memory_space<vmem>>) dst(%dma_wait3A_1189 : memref<8x1024xf32, #tpu.memory_space<hbm>>)
    %add3A_1190 = arith.constant 12288 : i32
    %add3A_1191 = arith.addi %add3A_1190, %mul3A_2 : i32
    %add3A_1192 = arith.constant 96 : i32
    %add3A_1193 = arith.addi %add3A_1191, %add3A_1192 : i32
    %dma_start3A_1194 = arith.constant 0 : i32
    %dma_start3A_1195 = tpu.memref_slice %arg2[%add3A_1193, %dma_start3A_1194] : memref<16384x1024xf32, #tpu.memory_space<hbm>> -> memref<8x1024xf32, #tpu.memory_space<hbm>>
    %dma_start3A_1196 = arith.constant 0 : i32
    %dma_start3A_1197 = tpu.memref_slice %arg2[%add3A_1193, %dma_start3A_1196] : memref<16384x1024xf32, #tpu.memory_space<hbm>> -> memref<8x1024xf32, #tpu.memory_space<hbm>>
    tpu.enqueue_dma source(%dma_start3A_1197 : memref<8x1024xf32, #tpu.memory_space<hbm>>) target(%arg11 : memref<8x1024xf32, #tpu.memory_space<vmem>>) target_semaphore(%arg26 : memref<!tpu.dma_semaphore, #tpu.memory_space<semaphore_mem>>)
    %add3A_1198 = arith.constant 96 : i32
    %add3A_1199 = arith.addi %mul3A_2, %add3A_1198 : i32
    %dma_start3A_1200 = arith.constant 0 : i32
    %dma_start3A_1201 = tpu.memref_slice %arg3[%add3A_1199, %dma_start3A_1200] : memref<4096x1024xf32, #tpu.memory_space<hbm>> -> memref<8x1024xf32, #tpu.memory_space<hbm>>
    %dma_start3A_1202 = arith.constant 0 : i32
    %dma_start3A_1203 = tpu.memref_slice %arg3[%add3A_1199, %dma_start3A_1202] : memref<4096x1024xf32, #tpu.memory_space<hbm>> -> memref<8x1024xf32, #tpu.memory_space<hbm>>
    tpu.enqueue_dma source(%dma_start3A_1203 : memref<8x1024xf32, #tpu.memory_space<hbm>>) target(%arg5 : memref<8x1024xf32, #tpu.memory_space<vmem>>) target_semaphore(%arg20 : memref<!tpu.dma_semaphore, #tpu.memory_space<semaphore_mem>>)
    %dma_wait3A_1204 = arith.constant 0 : i32
    %dma_wait3A_1205 = tpu.memref_slice %arg3[%add3A_981, %dma_wait3A_1204] : memref<4096x1024xf32, #tpu.memory_space<hbm>> -> memref<8x1024xf32, #tpu.memory_space<hbm>>
    %dma_wait3A_1206 = arith.constant 0 : i32
    %dma_wait3A_1207 = tpu.memref_slice %arg3[%add3A_981, %dma_wait3A_1206] : memref<4096x1024xf32, #tpu.memory_space<hbm>> -> memref<8x1024xf32, #tpu.memory_space<hbm>>
    tpu.wait_dma2 semaphore(%arg21 : memref<!tpu.dma_semaphore, #tpu.memory_space<semaphore_mem>>) src(%dma_wait3A_1207 : memref<8x1024xf32, #tpu.memory_space<hbm>>) dst(%arg6 : memref<8x1024xf32, #tpu.memory_space<vmem>>)
    %dma_wait3A_1208 = arith.constant 0 : i32
    %dma_wait3A_1209 = tpu.memref_slice %arg2[%add3A_939, %dma_wait3A_1208] : memref<16384x1024xf32, #tpu.memory_space<hbm>> -> memref<8x1024xf32, #tpu.memory_space<hbm>>
    %dma_wait3A_1210 = arith.constant 0 : i32
    %dma_wait3A_1211 = tpu.memref_slice %arg2[%add3A_939, %dma_wait3A_1210] : memref<16384x1024xf32, #tpu.memory_space<hbm>> -> memref<8x1024xf32, #tpu.memory_space<hbm>>
    tpu.wait_dma2 semaphore(%arg27 : memref<!tpu.dma_semaphore, #tpu.memory_space<semaphore_mem>>) src(%dma_wait3A_1211 : memref<8x1024xf32, #tpu.memory_space<hbm>>) dst(%arg12 : memref<8x1024xf32, #tpu.memory_space<vmem>>)
    %dma_wait3A_1212 = arith.constant 0 : i32
    %dma_wait3A_1213 = tpu.memref_slice %arg2[%add3A_951, %dma_wait3A_1212] : memref<16384x1024xf32, #tpu.memory_space<hbm>> -> memref<8x1024xf32, #tpu.memory_space<hbm>>
    %dma_wait3A_1214 = arith.constant 0 : i32
    %dma_wait3A_1215 = tpu.memref_slice %arg2[%add3A_951, %dma_wait3A_1214] : memref<16384x1024xf32, #tpu.memory_space<hbm>> -> memref<8x1024xf32, #tpu.memory_space<hbm>>
    tpu.wait_dma2 semaphore(%arg28 : memref<!tpu.dma_semaphore, #tpu.memory_space<semaphore_mem>>) src(%dma_wait3A_1215 : memref<8x1024xf32, #tpu.memory_space<hbm>>) dst(%arg13 : memref<8x1024xf32, #tpu.memory_space<vmem>>)
    %dma_wait3A_1216 = arith.constant 0 : i32
    %dma_wait3A_1217 = tpu.memref_slice %arg2[%add3A_963, %dma_wait3A_1216] : memref<16384x1024xf32, #tpu.memory_space<hbm>> -> memref<8x1024xf32, #tpu.memory_space<hbm>>
    %dma_wait3A_1218 = arith.constant 0 : i32
    %dma_wait3A_1219 = tpu.memref_slice %arg2[%add3A_963, %dma_wait3A_1218] : memref<16384x1024xf32, #tpu.memory_space<hbm>> -> memref<8x1024xf32, #tpu.memory_space<hbm>>
    tpu.wait_dma2 semaphore(%arg29 : memref<!tpu.dma_semaphore, #tpu.memory_space<semaphore_mem>>) src(%dma_wait3A_1219 : memref<8x1024xf32, #tpu.memory_space<hbm>>) dst(%arg14 : memref<8x1024xf32, #tpu.memory_space<vmem>>)
    %dma_wait3A_1220 = arith.constant 0 : i32
    %dma_wait3A_1221 = tpu.memref_slice %arg2[%add3A_975, %dma_wait3A_1220] : memref<16384x1024xf32, #tpu.memory_space<hbm>> -> memref<8x1024xf32, #tpu.memory_space<hbm>>
    %dma_wait3A_1222 = arith.constant 0 : i32
    %dma_wait3A_1223 = tpu.memref_slice %arg2[%add3A_975, %dma_wait3A_1222] : memref<16384x1024xf32, #tpu.memory_space<hbm>> -> memref<8x1024xf32, #tpu.memory_space<hbm>>
    tpu.wait_dma2 semaphore(%arg30 : memref<!tpu.dma_semaphore, #tpu.memory_space<semaphore_mem>>) src(%dma_wait3A_1223 : memref<8x1024xf32, #tpu.memory_space<hbm>>) dst(%arg15 : memref<8x1024xf32, #tpu.memory_space<vmem>>)
    %parallel_loop3A_1224 = arith.constant 0 : i32
    %parallel_loop3A_1225 = arith.constant 512 : i32
    %parallel_loop3A_1226 = arith.constant 1 : i32
    scf.for %parallel_loop3A_1744 = %parallel_loop3A_1224 to %parallel_loop3A_1225 step %parallel_loop3A_1226  : i32 {
      %parallel_loop3A_1745 = arith.constant 64 : i32
      %parallel_loop3A_1746 = arith.divsi %parallel_loop3A_1744, %parallel_loop3A_1745 : i32
      %parallel_loop3A_1747 = arith.constant 0 : i32
      %parallel_loop3A_1748 = arith.cmpi sgt, %parallel_loop3A_1744, %parallel_loop3A_1747 : i32
      %parallel_loop3A_1749 = arith.extui %parallel_loop3A_1748 : i1 to i32
      %parallel_loop3A_1750 = arith.constant 0 : i32
      %parallel_loop3A_1751 = arith.cmpi slt, %parallel_loop3A_1744, %parallel_loop3A_1750 : i32
      %parallel_loop3A_1752 = arith.extui %parallel_loop3A_1751 : i1 to i32
      %parallel_loop3A_1753 = arith.subi %parallel_loop3A_1749, %parallel_loop3A_1752 : i32
      %parallel_loop3A_1754 = arith.constant 0 : i32
      %parallel_loop3A_1755 = arith.cmpi sgt, %parallel_loop3A_1745, %parallel_loop3A_1754 : i32
      %parallel_loop3A_1756 = arith.extui %parallel_loop3A_1755 : i1 to i32
      %parallel_loop3A_1757 = arith.constant 0 : i32
      %parallel_loop3A_1758 = arith.cmpi slt, %parallel_loop3A_1745, %parallel_loop3A_1757 : i32
      %parallel_loop3A_1759 = arith.extui %parallel_loop3A_1758 : i1 to i32
      %parallel_loop3A_1760 = arith.subi %parallel_loop3A_1756, %parallel_loop3A_1759 : i32
      %parallel_loop3A_1761 = arith.cmpi ne, %parallel_loop3A_1753, %parallel_loop3A_1760 : i32
      %parallel_loop3A_1762 = arith.remsi %parallel_loop3A_1744, %parallel_loop3A_1745 : i32
      %parallel_loop3A_1763 = arith.constant 0 : i32
      %parallel_loop3A_1764 = arith.cmpi ne, %parallel_loop3A_1762, %parallel_loop3A_1763 : i32
      %parallel_loop3A_1765 = arith.andi %parallel_loop3A_1761, %parallel_loop3A_1764 : i1
      %parallel_loop3A_1766 = arith.constant 1 : i32
      %parallel_loop3A_1767 = arith.subi %parallel_loop3A_1746, %parallel_loop3A_1766 : i32
      %parallel_loop3A_1768 = arith.select %parallel_loop3A_1765, %parallel_loop3A_1767, %parallel_loop3A_1746 : i32
      %parallel_loop3A_1769 = arith.constant 64 : i32
      %parallel_loop3A_1770 = arith.constant 0 : i32
      %parallel_loop3A_1771 = arith.cmpi eq, %parallel_loop3A_1769, %parallel_loop3A_1770 : i32
      %parallel_loop3A_1772 = arith.constant 1 : i32
      %parallel_loop3A_1773 = arith.select %parallel_loop3A_1771, %parallel_loop3A_1772, %parallel_loop3A_1769 : i32
      %parallel_loop3A_1774 = arith.remsi %parallel_loop3A_1744, %parallel_loop3A_1773 : i32
      %parallel_loop3A_1775 = arith.constant 0 : i32
      %parallel_loop3A_1776 = arith.cmpi ne, %parallel_loop3A_1774, %parallel_loop3A_1775 : i32
      %parallel_loop3A_1777 = arith.constant 0 : i32
      %parallel_loop3A_1778 = arith.cmpi slt, %parallel_loop3A_1774, %parallel_loop3A_1777 : i32
      %parallel_loop3A_1779 = arith.constant 0 : i32
      %parallel_loop3A_1780 = arith.cmpi slt, %parallel_loop3A_1773, %parallel_loop3A_1779 : i32
      %parallel_loop3A_1781 = arith.xori %parallel_loop3A_1778, %parallel_loop3A_1780 : i1
      %parallel_loop3A_1782 = arith.andi %parallel_loop3A_1781, %parallel_loop3A_1776 : i1
      %parallel_loop3A_1783 = arith.addi %parallel_loop3A_1774, %parallel_loop3A_1773 : i32
      %parallel_loop3A_1784 = arith.select %parallel_loop3A_1782, %parallel_loop3A_1783, %parallel_loop3A_1774 : i32
      %parallel_loop3A_1785 = arith.constant 16 : i32
      %parallel_loop3A_1786 = arith.muli %parallel_loop3A_1784, %parallel_loop3A_1785 : i32
      %parallel_loop3A_1787 = arith.index_cast %parallel_loop3A_1768 : i32 to index
      %parallel_loop3A_1788 = arith.index_cast %parallel_loop3A_1786 : i32 to index
      %parallel_loop3A_1789 = tpu.vector_load %arg6[%parallel_loop3A_1787, %parallel_loop3A_1788] {strides = array<i32>} : memref<8x1024xf32, #tpu.memory_space<vmem>>, vector<1x16xf32>,
      %parallel_loop3A_1790 = vector.shape_cast %parallel_loop3A_1789 : vector<1x16xf32> to vector<16xf32>
      %parallel_loop3A_1791 = arith.index_cast %parallel_loop3A_1768 : i32 to index
      %parallel_loop3A_1792 = arith.index_cast %parallel_loop3A_1786 : i32 to index
      %parallel_loop3A_1793 = tpu.vector_load %arg12[%parallel_loop3A_1791, %parallel_loop3A_1792] {strides = array<i32>} : memref<8x1024xf32, #tpu.memory_space<vmem>>, vector<1x16xf32>,
      %parallel_loop3A_1794 = vector.shape_cast %parallel_loop3A_1793 : vector<1x16xf32> to vector<16xf32>
      %parallel_loop3A_1795 = vector.shape_cast %parallel_loop3A_1790 : vector<16xf32> to vector<1x16xf32>
      tpu.vector_store %arg12[%parallel_loop3A_1791, %parallel_loop3A_1792], %parallel_loop3A_1795 {add = true, strides = array<i32>} : memref<8x1024xf32, #tpu.memory_space<vmem>>, vector<1x16xf32>,
      %parallel_loop3A_1796 = arith.index_cast %parallel_loop3A_1768 : i32 to index
      %parallel_loop3A_1797 = arith.index_cast %parallel_loop3A_1786 : i32 to index
      %parallel_loop3A_1798 = tpu.vector_load %arg13[%parallel_loop3A_1796, %parallel_loop3A_1797] {strides = array<i32>} : memref<8x1024xf32, #tpu.memory_space<vmem>>, vector<1x16xf32>,
      %parallel_loop3A_1799 = vector.shape_cast %parallel_loop3A_1798 : vector<1x16xf32> to vector<16xf32>
      %parallel_loop3A_1800 = vector.shape_cast %parallel_loop3A_1790 : vector<16xf32> to vector<1x16xf32>
      tpu.vector_store %arg13[%parallel_loop3A_1796, %parallel_loop3A_1797], %parallel_loop3A_1800 {add = true, strides = array<i32>} : memref<8x1024xf32, #tpu.memory_space<vmem>>, vector<1x16xf32>,
      %parallel_loop3A_1801 = arith.index_cast %parallel_loop3A_1768 : i32 to index
      %parallel_loop3A_1802 = arith.index_cast %parallel_loop3A_1786 : i32 to index
      %parallel_loop3A_1803 = tpu.vector_load %arg14[%parallel_loop3A_1801, %parallel_loop3A_1802] {strides = array<i32>} : memref<8x1024xf32, #tpu.memory_space<vmem>>, vector<1x16xf32>,
      %parallel_loop3A_1804 = vector.shape_cast %parallel_loop3A_1803 : vector<1x16xf32> to vector<16xf32>
      %parallel_loop3A_1805 = vector.shape_cast %parallel_loop3A_1790 : vector<16xf32> to vector<1x16xf32>
      tpu.vector_store %arg14[%parallel_loop3A_1801, %parallel_loop3A_1802], %parallel_loop3A_1805 {add = true, strides = array<i32>} : memref<8x1024xf32, #tpu.memory_space<vmem>>, vector<1x16xf32>,
      %parallel_loop3A_1806 = arith.index_cast %parallel_loop3A_1768 : i32 to index
      %parallel_loop3A_1807 = arith.index_cast %parallel_loop3A_1786 : i32 to index
      %parallel_loop3A_1808 = tpu.vector_load %arg15[%parallel_loop3A_1806, %parallel_loop3A_1807] {strides = array<i32>} : memref<8x1024xf32, #tpu.memory_space<vmem>>, vector<1x16xf32>,
      %parallel_loop3A_1809 = vector.shape_cast %parallel_loop3A_1808 : vector<1x16xf32> to vector<16xf32>
      %parallel_loop3A_1810 = vector.shape_cast %parallel_loop3A_1790 : vector<16xf32> to vector<1x16xf32>
      tpu.vector_store %arg15[%parallel_loop3A_1806, %parallel_loop3A_1807], %parallel_loop3A_1810 {add = true, strides = array<i32>} : memref<8x1024xf32, #tpu.memory_space<vmem>>, vector<1x16xf32>,
    } {sc.loop_unroll_factor = 4 : i64, sc.parallel_access}
    %add3A_1227 = arith.constant 0 : i32
    %add3A_1228 = arith.addi %add3A_1227, %mul3A_2 : i32
    %add3A_1229 = arith.constant 80 : i32
    %add3A_1230 = arith.addi %add3A_1228, %add3A_1229 : i32
    %dma_start3A_1231 = arith.constant 0 : i32
    %dma_start3A_1232 = tpu.memref_slice %arg4[%add3A_1230, %dma_start3A_1231] : memref<16384x1024xf32, #tpu.memory_space<hbm>> -> memref<8x1024xf32, #tpu.memory_space<hbm>>
    %dma_start3A_1233 = arith.constant 0 : i32
    %dma_start3A_1234 = tpu.memref_slice %arg4[%add3A_1230, %dma_start3A_1233] : memref<16384x1024xf32, #tpu.memory_space<hbm>> -> memref<8x1024xf32, #tpu.memory_space<hbm>>
    tpu.enqueue_dma source(%arg12 : memref<8x1024xf32, #tpu.memory_space<vmem>>) target(%dma_start3A_1234 : memref<8x1024xf32, #tpu.memory_space<hbm>>) target_semaphore(%arg39 : memref<!tpu.dma_semaphore, #tpu.memory_space<semaphore_mem>>)
    %add3A_1235 = arith.constant 4096 : i32
    %add3A_1236 = arith.addi %add3A_1235, %mul3A_2 : i32
    %add3A_1237 = arith.constant 80 : i32
    %add3A_1238 = arith.addi %add3A_1236, %add3A_1237 : i32
    %dma_start3A_1239 = arith.constant 0 : i32
    %dma_start3A_1240 = tpu.memref_slice %arg4[%add3A_1238, %dma_start3A_1239] : memref<16384x1024xf32, #tpu.memory_space<hbm>> -> memref<8x1024xf32, #tpu.memory_space<hbm>>
    %dma_start3A_1241 = arith.constant 0 : i32
    %dma_start3A_1242 = tpu.memref_slice %arg4[%add3A_1238, %dma_start3A_1241] : memref<16384x1024xf32, #tpu.memory_space<hbm>> -> memref<8x1024xf32, #tpu.memory_space<hbm>>
    tpu.enqueue_dma source(%arg13 : memref<8x1024xf32, #tpu.memory_space<vmem>>) target(%dma_start3A_1242 : memref<8x1024xf32, #tpu.memory_space<hbm>>) target_semaphore(%arg40 : memref<!tpu.dma_semaphore, #tpu.memory_space<semaphore_mem>>)
    %add3A_1243 = arith.constant 8192 : i32
    %add3A_1244 = arith.addi %add3A_1243, %mul3A_2 : i32
    %add3A_1245 = arith.constant 80 : i32
    %add3A_1246 = arith.addi %add3A_1244, %add3A_1245 : i32
    %dma_start3A_1247 = arith.constant 0 : i32
    %dma_start3A_1248 = tpu.memref_slice %arg4[%add3A_1246, %dma_start3A_1247] : memref<16384x1024xf32, #tpu.memory_space<hbm>> -> memref<8x1024xf32, #tpu.memory_space<hbm>>
    %dma_start3A_1249 = arith.constant 0 : i32
    %dma_start3A_1250 = tpu.memref_slice %arg4[%add3A_1246, %dma_start3A_1249] : memref<16384x1024xf32, #tpu.memory_space<hbm>> -> memref<8x1024xf32, #tpu.memory_space<hbm>>
    tpu.enqueue_dma source(%arg14 : memref<8x1024xf32, #tpu.memory_space<vmem>>) target(%dma_start3A_1250 : memref<8x1024xf32, #tpu.memory_space<hbm>>) target_semaphore(%arg41 : memref<!tpu.dma_semaphore, #tpu.memory_space<semaphore_mem>>)
    %add3A_1251 = arith.constant 12288 : i32
    %add3A_1252 = arith.addi %add3A_1251, %mul3A_2 : i32
    %add3A_1253 = arith.constant 80 : i32
    %add3A_1254 = arith.addi %add3A_1252, %add3A_1253 : i32
    %dma_start3A_1255 = arith.constant 0 : i32
    %dma_start3A_1256 = tpu.memref_slice %arg4[%add3A_1254, %dma_start3A_1255] : memref<16384x1024xf32, #tpu.memory_space<hbm>> -> memref<8x1024xf32, #tpu.memory_space<hbm>>
    %dma_start3A_1257 = arith.constant 0 : i32
    %dma_start3A_1258 = tpu.memref_slice %arg4[%add3A_1254, %dma_start3A_1257] : memref<16384x1024xf32, #tpu.memory_space<hbm>> -> memref<8x1024xf32, #tpu.memory_space<hbm>>
    tpu.enqueue_dma source(%arg15 : memref<8x1024xf32, #tpu.memory_space<vmem>>) target(%dma_start3A_1258 : memref<8x1024xf32, #tpu.memory_space<hbm>>) target_semaphore(%arg42 : memref<!tpu.dma_semaphore, #tpu.memory_space<semaphore_mem>>)
    %dma_wait3A_1259 = arith.constant 0 : i32
    %dma_wait3A_1260 = tpu.memref_slice %arg4[%add3A_1230, %dma_wait3A_1259] : memref<16384x1024xf32, #tpu.memory_space<hbm>> -> memref<8x1024xf32, #tpu.memory_space<hbm>>
    %dma_wait3A_1261 = arith.constant 0 : i32
    %dma_wait3A_1262 = tpu.memref_slice %arg4[%add3A_1230, %dma_wait3A_1261] : memref<16384x1024xf32, #tpu.memory_space<hbm>> -> memref<8x1024xf32, #tpu.memory_space<hbm>>
    tpu.wait_dma2 semaphore(%arg39 : memref<!tpu.dma_semaphore, #tpu.memory_space<semaphore_mem>>) src(%arg12 : memref<8x1024xf32, #tpu.memory_space<vmem>>) dst(%dma_wait3A_1262 : memref<8x1024xf32, #tpu.memory_space<hbm>>)
    %add3A_1263 = arith.constant 0 : i32
    %add3A_1264 = arith.addi %add3A_1263, %mul3A_2 : i32
    %add3A_1265 = arith.constant 104 : i32
    %add3A_1266 = arith.addi %add3A_1264, %add3A_1265 : i32
    %dma_start3A_1267 = arith.constant 0 : i32
    %dma_start3A_1268 = tpu.memref_slice %arg2[%add3A_1266, %dma_start3A_1267] : memref<16384x1024xf32, #tpu.memory_space<hbm>> -> memref<8x1024xf32, #tpu.memory_space<hbm>>
    %dma_start3A_1269 = arith.constant 0 : i32
    %dma_start3A_1270 = tpu.memref_slice %arg2[%add3A_1266, %dma_start3A_1269] : memref<16384x1024xf32, #tpu.memory_space<hbm>> -> memref<8x1024xf32, #tpu.memory_space<hbm>>
    tpu.enqueue_dma source(%dma_start3A_1270 : memref<8x1024xf32, #tpu.memory_space<hbm>>) target(%arg12 : memref<8x1024xf32, #tpu.memory_space<vmem>>) target_semaphore(%arg27 : memref<!tpu.dma_semaphore, #tpu.memory_space<semaphore_mem>>)
    %dma_wait3A_1271 = arith.constant 0 : i32
    %dma_wait3A_1272 = tpu.memref_slice %arg4[%add3A_1238, %dma_wait3A_1271] : memref<16384x1024xf32, #tpu.memory_space<hbm>> -> memref<8x1024xf32, #tpu.memory_space<hbm>>
    %dma_wait3A_1273 = arith.constant 0 : i32
    %dma_wait3A_1274 = tpu.memref_slice %arg4[%add3A_1238, %dma_wait3A_1273] : memref<16384x1024xf32, #tpu.memory_space<hbm>> -> memref<8x1024xf32, #tpu.memory_space<hbm>>
    tpu.wait_dma2 semaphore(%arg40 : memref<!tpu.dma_semaphore, #tpu.memory_space<semaphore_mem>>) src(%arg13 : memref<8x1024xf32, #tpu.memory_space<vmem>>) dst(%dma_wait3A_1274 : memref<8x1024xf32, #tpu.memory_space<hbm>>)
    %add3A_1275 = arith.constant 4096 : i32
    %add3A_1276 = arith.addi %add3A_1275, %mul3A_2 : i32
    %add3A_1277 = arith.constant 104 : i32
    %add3A_1278 = arith.addi %add3A_1276, %add3A_1277 : i32
    %dma_start3A_1279 = arith.constant 0 : i32
    %dma_start3A_1280 = tpu.memref_slice %arg2[%add3A_1278, %dma_start3A_1279] : memref<16384x1024xf32, #tpu.memory_space<hbm>> -> memref<8x1024xf32, #tpu.memory_space<hbm>>
    %dma_start3A_1281 = arith.constant 0 : i32
    %dma_start3A_1282 = tpu.memref_slice %arg2[%add3A_1278, %dma_start3A_1281] : memref<16384x1024xf32, #tpu.memory_space<hbm>> -> memref<8x1024xf32, #tpu.memory_space<hbm>>
    tpu.enqueue_dma source(%dma_start3A_1282 : memref<8x1024xf32, #tpu.memory_space<hbm>>) target(%arg13 : memref<8x1024xf32, #tpu.memory_space<vmem>>) target_semaphore(%arg28 : memref<!tpu.dma_semaphore, #tpu.memory_space<semaphore_mem>>)
    %dma_wait3A_1283 = arith.constant 0 : i32
    %dma_wait3A_1284 = tpu.memref_slice %arg4[%add3A_1246, %dma_wait3A_1283] : memref<16384x1024xf32, #tpu.memory_space<hbm>> -> memref<8x1024xf32, #tpu.memory_space<hbm>>
    %dma_wait3A_1285 = arith.constant 0 : i32
    %dma_wait3A_1286 = tpu.memref_slice %arg4[%add3A_1246, %dma_wait3A_1285] : memref<16384x1024xf32, #tpu.memory_space<hbm>> -> memref<8x1024xf32, #tpu.memory_space<hbm>>
    tpu.wait_dma2 semaphore(%arg41 : memref<!tpu.dma_semaphore, #tpu.memory_space<semaphore_mem>>) src(%arg14 : memref<8x1024xf32, #tpu.memory_space<vmem>>) dst(%dma_wait3A_1286 : memref<8x1024xf32, #tpu.memory_space<hbm>>)
    %add3A_1287 = arith.constant 8192 : i32
    %add3A_1288 = arith.addi %add3A_1287, %mul3A_2 : i32
    %add3A_1289 = arith.constant 104 : i32
    %add3A_1290 = arith.addi %add3A_1288, %add3A_1289 : i32
    %dma_start3A_1291 = arith.constant 0 : i32
    %dma_start3A_1292 = tpu.memref_slice %arg2[%add3A_1290, %dma_start3A_1291] : memref<16384x1024xf32, #tpu.memory_space<hbm>> -> memref<8x1024xf32, #tpu.memory_space<hbm>>
    %dma_start3A_1293 = arith.constant 0 : i32
    %dma_start3A_1294 = tpu.memref_slice %arg2[%add3A_1290, %dma_start3A_1293] : memref<16384x1024xf32, #tpu.memory_space<hbm>> -> memref<8x1024xf32, #tpu.memory_space<hbm>>
    tpu.enqueue_dma source(%dma_start3A_1294 : memref<8x1024xf32, #tpu.memory_space<hbm>>) target(%arg14 : memref<8x1024xf32, #tpu.memory_space<vmem>>) target_semaphore(%arg29 : memref<!tpu.dma_semaphore, #tpu.memory_space<semaphore_mem>>)
    %dma_wait3A_1295 = arith.constant 0 : i32
    %dma_wait3A_1296 = tpu.memref_slice %arg4[%add3A_1254, %dma_wait3A_1295] : memref<16384x1024xf32, #tpu.memory_space<hbm>> -> memref<8x1024xf32, #tpu.memory_space<hbm>>
    %dma_wait3A_1297 = arith.constant 0 : i32
    %dma_wait3A_1298 = tpu.memref_slice %arg4[%add3A_1254, %dma_wait3A_1297] : memref<16384x1024xf32, #tpu.memory_space<hbm>> -> memref<8x1024xf32, #tpu.memory_space<hbm>>
    tpu.wait_dma2 semaphore(%arg42 : memref<!tpu.dma_semaphore, #tpu.memory_space<semaphore_mem>>) src(%arg15 : memref<8x1024xf32, #tpu.memory_space<vmem>>) dst(%dma_wait3A_1298 : memref<8x1024xf32, #tpu.memory_space<hbm>>)
    %add3A_1299 = arith.constant 12288 : i32
    %add3A_1300 = arith.addi %add3A_1299, %mul3A_2 : i32
    %add3A_1301 = arith.constant 104 : i32
    %add3A_1302 = arith.addi %add3A_1300, %add3A_1301 : i32
    %dma_start3A_1303 = arith.constant 0 : i32
    %dma_start3A_1304 = tpu.memref_slice %arg2[%add3A_1302, %dma_start3A_1303] : memref<16384x1024xf32, #tpu.memory_space<hbm>> -> memref<8x1024xf32, #tpu.memory_space<hbm>>
    %dma_start3A_1305 = arith.constant 0 : i32
    %dma_start3A_1306 = tpu.memref_slice %arg2[%add3A_1302, %dma_start3A_1305] : memref<16384x1024xf32, #tpu.memory_space<hbm>> -> memref<8x1024xf32, #tpu.memory_space<hbm>>
    tpu.enqueue_dma source(%dma_start3A_1306 : memref<8x1024xf32, #tpu.memory_space<hbm>>) target(%arg15 : memref<8x1024xf32, #tpu.memory_space<vmem>>) target_semaphore(%arg30 : memref<!tpu.dma_semaphore, #tpu.memory_space<semaphore_mem>>)
    %add3A_1307 = arith.constant 104 : i32
    %add3A_1308 = arith.addi %mul3A_2, %add3A_1307 : i32
    %dma_start3A_1309 = arith.constant 0 : i32
    %dma_start3A_1310 = tpu.memref_slice %arg3[%add3A_1308, %dma_start3A_1309] : memref<4096x1024xf32, #tpu.memory_space<hbm>> -> memref<8x1024xf32, #tpu.memory_space<hbm>>
    %dma_start3A_1311 = arith.constant 0 : i32
    %dma_start3A_1312 = tpu.memref_slice %arg3[%add3A_1308, %dma_start3A_1311] : memref<4096x1024xf32, #tpu.memory_space<hbm>> -> memref<8x1024xf32, #tpu.memory_space<hbm>>
    tpu.enqueue_dma source(%dma_start3A_1312 : memref<8x1024xf32, #tpu.memory_space<hbm>>) target(%arg6 : memref<8x1024xf32, #tpu.memory_space<vmem>>) target_semaphore(%arg21 : memref<!tpu.dma_semaphore, #tpu.memory_space<semaphore_mem>>)
    %dma_wait3A_1313 = arith.constant 0 : i32
    %dma_wait3A_1314 = tpu.memref_slice %arg3[%add3A_1090, %dma_wait3A_1313] : memref<4096x1024xf32, #tpu.memory_space<hbm>> -> memref<8x1024xf32, #tpu.memory_space<hbm>>
    %dma_wait3A_1315 = arith.constant 0 : i32
    %dma_wait3A_1316 = tpu.memref_slice %arg3[%add3A_1090, %dma_wait3A_1315] : memref<4096x1024xf32, #tpu.memory_space<hbm>> -> memref<8x1024xf32, #tpu.memory_space<hbm>>
    tpu.wait_dma2 semaphore(%arg22 : memref<!tpu.dma_semaphore, #tpu.memory_space<semaphore_mem>>) src(%dma_wait3A_1316 : memref<8x1024xf32, #tpu.memory_space<hbm>>) dst(%arg7 : memref<8x1024xf32, #tpu.memory_space<vmem>>)
    %dma_wait3A_1317 = arith.constant 0 : i32
    %dma_wait3A_1318 = tpu.memref_slice %arg2[%add3A_1048, %dma_wait3A_1317] : memref<16384x1024xf32, #tpu.memory_space<hbm>> -> memref<8x1024xf32, #tpu.memory_space<hbm>>
    %dma_wait3A_1319 = arith.constant 0 : i32
    %dma_wait3A_1320 = tpu.memref_slice %arg2[%add3A_1048, %dma_wait3A_1319] : memref<16384x1024xf32, #tpu.memory_space<hbm>> -> memref<8x1024xf32, #tpu.memory_space<hbm>>
    tpu.wait_dma2 semaphore(%arg31 : memref<!tpu.dma_semaphore, #tpu.memory_space<semaphore_mem>>) src(%dma_wait3A_1320 : memref<8x1024xf32, #tpu.memory_space<hbm>>) dst(%arg16 : memref<8x1024xf32, #tpu.memory_space<vmem>>)
    %dma_wait3A_1321 = arith.constant 0 : i32
    %dma_wait3A_1322 = tpu.memref_slice %arg2[%add3A_1060, %dma_wait3A_1321] : memref<16384x1024xf32, #tpu.memory_space<hbm>> -> memref<8x1024xf32, #tpu.memory_space<hbm>>
    %dma_wait3A_1323 = arith.constant 0 : i32
    %dma_wait3A_1324 = tpu.memref_slice %arg2[%add3A_1060, %dma_wait3A_1323] : memref<16384x1024xf32, #tpu.memory_space<hbm>> -> memref<8x1024xf32, #tpu.memory_space<hbm>>
    tpu.wait_dma2 semaphore(%arg32 : memref<!tpu.dma_semaphore, #tpu.memory_space<semaphore_mem>>) src(%dma_wait3A_1324 : memref<8x1024xf32, #tpu.memory_space<hbm>>) dst(%arg17 : memref<8x1024xf32, #tpu.memory_space<vmem>>)
    %dma_wait3A_1325 = arith.constant 0 : i32
    %dma_wait3A_1326 = tpu.memref_slice %arg2[%add3A_1072, %dma_wait3A_1325] : memref<16384x1024xf32, #tpu.memory_space<hbm>> -> memref<8x1024xf32, #tpu.memory_space<hbm>>
    %dma_wait3A_1327 = arith.constant 0 : i32
    %dma_wait3A_1328 = tpu.memref_slice %arg2[%add3A_1072, %dma_wait3A_1327] : memref<16384x1024xf32, #tpu.memory_space<hbm>> -> memref<8x1024xf32, #tpu.memory_space<hbm>>
    tpu.wait_dma2 semaphore(%arg33 : memref<!tpu.dma_semaphore, #tpu.memory_space<semaphore_mem>>) src(%dma_wait3A_1328 : memref<8x1024xf32, #tpu.memory_space<hbm>>) dst(%arg18 : memref<8x1024xf32, #tpu.memory_space<vmem>>)
    %dma_wait3A_1329 = arith.constant 0 : i32
    %dma_wait3A_1330 = tpu.memref_slice %arg2[%add3A_1084, %dma_wait3A_1329] : memref<16384x1024xf32, #tpu.memory_space<hbm>> -> memref<8x1024xf32, #tpu.memory_space<hbm>>
    %dma_wait3A_1331 = arith.constant 0 : i32
    %dma_wait3A_1332 = tpu.memref_slice %arg2[%add3A_1084, %dma_wait3A_1331] : memref<16384x1024xf32, #tpu.memory_space<hbm>> -> memref<8x1024xf32, #tpu.memory_space<hbm>>
    tpu.wait_dma2 semaphore(%arg34 : memref<!tpu.dma_semaphore, #tpu.memory_space<semaphore_mem>>) src(%dma_wait3A_1332 : memref<8x1024xf32, #tpu.memory_space<hbm>>) dst(%arg19 : memref<8x1024xf32, #tpu.memory_space<vmem>>)
    %parallel_loop3A_1333 = arith.constant 0 : i32
    %parallel_loop3A_1334 = arith.constant 512 : i32
    %parallel_loop3A_1335 = arith.constant 1 : i32
    scf.for %parallel_loop3A_1744 = %parallel_loop3A_1333 to %parallel_loop3A_1334 step %parallel_loop3A_1335  : i32 {
      %parallel_loop3A_1745 = arith.constant 64 : i32
      %parallel_loop3A_1746 = arith.divsi %parallel_loop3A_1744, %parallel_loop3A_1745 : i32
      %parallel_loop3A_1747 = arith.constant 0 : i32
      %parallel_loop3A_1748 = arith.cmpi sgt, %parallel_loop3A_1744, %parallel_loop3A_1747 : i32
      %parallel_loop3A_1749 = arith.extui %parallel_loop3A_1748 : i1 to i32
      %parallel_loop3A_1750 = arith.constant 0 : i32
      %parallel_loop3A_1751 = arith.cmpi slt, %parallel_loop3A_1744, %parallel_loop3A_1750 : i32
      %parallel_loop3A_1752 = arith.extui %parallel_loop3A_1751 : i1 to i32
      %parallel_loop3A_1753 = arith.subi %parallel_loop3A_1749, %parallel_loop3A_1752 : i32
      %parallel_loop3A_1754 = arith.constant 0 : i32
      %parallel_loop3A_1755 = arith.cmpi sgt, %parallel_loop3A_1745, %parallel_loop3A_1754 : i32
      %parallel_loop3A_1756 = arith.extui %parallel_loop3A_1755 : i1 to i32
      %parallel_loop3A_1757 = arith.constant 0 : i32
      %parallel_loop3A_1758 = arith.cmpi slt, %parallel_loop3A_1745, %parallel_loop3A_1757 : i32
      %parallel_loop3A_1759 = arith.extui %parallel_loop3A_1758 : i1 to i32
      %parallel_loop3A_1760 = arith.subi %parallel_loop3A_1756, %parallel_loop3A_1759 : i32
      %parallel_loop3A_1761 = arith.cmpi ne, %parallel_loop3A_1753, %parallel_loop3A_1760 : i32
      %parallel_loop3A_1762 = arith.remsi %parallel_loop3A_1744, %parallel_loop3A_1745 : i32
      %parallel_loop3A_1763 = arith.constant 0 : i32
      %parallel_loop3A_1764 = arith.cmpi ne, %parallel_loop3A_1762, %parallel_loop3A_1763 : i32
      %parallel_loop3A_1765 = arith.andi %parallel_loop3A_1761, %parallel_loop3A_1764 : i1
      %parallel_loop3A_1766 = arith.constant 1 : i32
      %parallel_loop3A_1767 = arith.subi %parallel_loop3A_1746, %parallel_loop3A_1766 : i32
      %parallel_loop3A_1768 = arith.select %parallel_loop3A_1765, %parallel_loop3A_1767, %parallel_loop3A_1746 : i32
      %parallel_loop3A_1769 = arith.constant 64 : i32
      %parallel_loop3A_1770 = arith.constant 0 : i32
      %parallel_loop3A_1771 = arith.cmpi eq, %parallel_loop3A_1769, %parallel_loop3A_1770 : i32
      %parallel_loop3A_1772 = arith.constant 1 : i32
      %parallel_loop3A_1773 = arith.select %parallel_loop3A_1771, %parallel_loop3A_1772, %parallel_loop3A_1769 : i32
      %parallel_loop3A_1774 = arith.remsi %parallel_loop3A_1744, %parallel_loop3A_1773 : i32
      %parallel_loop3A_1775 = arith.constant 0 : i32
      %parallel_loop3A_1776 = arith.cmpi ne, %parallel_loop3A_1774, %parallel_loop3A_1775 : i32
      %parallel_loop3A_1777 = arith.constant 0 : i32
      %parallel_loop3A_1778 = arith.cmpi slt, %parallel_loop3A_1774, %parallel_loop3A_1777 : i32
      %parallel_loop3A_1779 = arith.constant 0 : i32
      %parallel_loop3A_1780 = arith.cmpi slt, %parallel_loop3A_1773, %parallel_loop3A_1779 : i32
      %parallel_loop3A_1781 = arith.xori %parallel_loop3A_1778, %parallel_loop3A_1780 : i1
      %parallel_loop3A_1782 = arith.andi %parallel_loop3A_1781, %parallel_loop3A_1776 : i1
      %parallel_loop3A_1783 = arith.addi %parallel_loop3A_1774, %parallel_loop3A_1773 : i32
      %parallel_loop3A_1784 = arith.select %parallel_loop3A_1782, %parallel_loop3A_1783, %parallel_loop3A_1774 : i32
      %parallel_loop3A_1785 = arith.constant 16 : i32
      %parallel_loop3A_1786 = arith.muli %parallel_loop3A_1784, %parallel_loop3A_1785 : i32
      %parallel_loop3A_1787 = arith.index_cast %parallel_loop3A_1768 : i32 to index
      %parallel_loop3A_1788 = arith.index_cast %parallel_loop3A_1786 : i32 to index
      %parallel_loop3A_1789 = tpu.vector_load %arg7[%parallel_loop3A_1787, %parallel_loop3A_1788] {strides = array<i32>} : memref<8x1024xf32, #tpu.memory_space<vmem>>, vector<1x16xf32>,
      %parallel_loop3A_1790 = vector.shape_cast %parallel_loop3A_1789 : vector<1x16xf32> to vector<16xf32>
      %parallel_loop3A_1791 = arith.index_cast %parallel_loop3A_1768 : i32 to index
      %parallel_loop3A_1792 = arith.index_cast %parallel_loop3A_1786 : i32 to index
      %parallel_loop3A_1793 = tpu.vector_load %arg16[%parallel_loop3A_1791, %parallel_loop3A_1792] {strides = array<i32>} : memref<8x1024xf32, #tpu.memory_space<vmem>>, vector<1x16xf32>,
      %parallel_loop3A_1794 = vector.shape_cast %parallel_loop3A_1793 : vector<1x16xf32> to vector<16xf32>
      %parallel_loop3A_1795 = vector.shape_cast %parallel_loop3A_1790 : vector<16xf32> to vector<1x16xf32>
      tpu.vector_store %arg16[%parallel_loop3A_1791, %parallel_loop3A_1792], %parallel_loop3A_1795 {add = true, strides = array<i32>} : memref<8x1024xf32, #tpu.memory_space<vmem>>, vector<1x16xf32>,
      %parallel_loop3A_1796 = arith.index_cast %parallel_loop3A_1768 : i32 to index
      %parallel_loop3A_1797 = arith.index_cast %parallel_loop3A_1786 : i32 to index
      %parallel_loop3A_1798 = tpu.vector_load %arg17[%parallel_loop3A_1796, %parallel_loop3A_1797] {strides = array<i32>} : memref<8x1024xf32, #tpu.memory_space<vmem>>, vector<1x16xf32>,
      %parallel_loop3A_1799 = vector.shape_cast %parallel_loop3A_1798 : vector<1x16xf32> to vector<16xf32>
      %parallel_loop3A_1800 = vector.shape_cast %parallel_loop3A_1790 : vector<16xf32> to vector<1x16xf32>
      tpu.vector_store %arg17[%parallel_loop3A_1796, %parallel_loop3A_1797], %parallel_loop3A_1800 {add = true, strides = array<i32>} : memref<8x1024xf32, #tpu.memory_space<vmem>>, vector<1x16xf32>,
      %parallel_loop3A_1801 = arith.index_cast %parallel_loop3A_1768 : i32 to index
      %parallel_loop3A_1802 = arith.index_cast %parallel_loop3A_1786 : i32 to index
      %parallel_loop3A_1803 = tpu.vector_load %arg18[%parallel_loop3A_1801, %parallel_loop3A_1802] {strides = array<i32>} : memref<8x1024xf32, #tpu.memory_space<vmem>>, vector<1x16xf32>,
      %parallel_loop3A_1804 = vector.shape_cast %parallel_loop3A_1803 : vector<1x16xf32> to vector<16xf32>
      %parallel_loop3A_1805 = vector.shape_cast %parallel_loop3A_1790 : vector<16xf32> to vector<1x16xf32>
      tpu.vector_store %arg18[%parallel_loop3A_1801, %parallel_loop3A_1802], %parallel_loop3A_1805 {add = true, strides = array<i32>} : memref<8x1024xf32, #tpu.memory_space<vmem>>, vector<1x16xf32>,
      %parallel_loop3A_1806 = arith.index_cast %parallel_loop3A_1768 : i32 to index
      %parallel_loop3A_1807 = arith.index_cast %parallel_loop3A_1786 : i32 to index
      %parallel_loop3A_1808 = tpu.vector_load %arg19[%parallel_loop3A_1806, %parallel_loop3A_1807] {strides = array<i32>} : memref<8x1024xf32, #tpu.memory_space<vmem>>, vector<1x16xf32>,
      %parallel_loop3A_1809 = vector.shape_cast %parallel_loop3A_1808 : vector<1x16xf32> to vector<16xf32>
      %parallel_loop3A_1810 = vector.shape_cast %parallel_loop3A_1790 : vector<16xf32> to vector<1x16xf32>
      tpu.vector_store %arg19[%parallel_loop3A_1806, %parallel_loop3A_1807], %parallel_loop3A_1810 {add = true, strides = array<i32>} : memref<8x1024xf32, #tpu.memory_space<vmem>>, vector<1x16xf32>,
    } {sc.loop_unroll_factor = 4 : i64, sc.parallel_access}
    %add3A_1336 = arith.constant 0 : i32
    %add3A_1337 = arith.addi %add3A_1336, %mul3A_2 : i32
    %add3A_1338 = arith.constant 88 : i32
    %add3A_1339 = arith.addi %add3A_1337, %add3A_1338 : i32
    %dma_start3A_1340 = arith.constant 0 : i32
    %dma_start3A_1341 = tpu.memref_slice %arg4[%add3A_1339, %dma_start3A_1340] : memref<16384x1024xf32, #tpu.memory_space<hbm>> -> memref<8x1024xf32, #tpu.memory_space<hbm>>
    %dma_start3A_1342 = arith.constant 0 : i32
    %dma_start3A_1343 = tpu.memref_slice %arg4[%add3A_1339, %dma_start3A_1342] : memref<16384x1024xf32, #tpu.memory_space<hbm>> -> memref<8x1024xf32, #tpu.memory_space<hbm>>
    tpu.enqueue_dma source(%arg16 : memref<8x1024xf32, #tpu.memory_space<vmem>>) target(%dma_start3A_1343 : memref<8x1024xf32, #tpu.memory_space<hbm>>) target_semaphore(%arg43 : memref<!tpu.dma_semaphore, #tpu.memory_space<semaphore_mem>>)
    %add3A_1344 = arith.constant 4096 : i32
    %add3A_1345 = arith.addi %add3A_1344, %mul3A_2 : i32
    %add3A_1346 = arith.constant 88 : i32
    %add3A_1347 = arith.addi %add3A_1345, %add3A_1346 : i32
    %dma_start3A_1348 = arith.constant 0 : i32
    %dma_start3A_1349 = tpu.memref_slice %arg4[%add3A_1347, %dma_start3A_1348] : memref<16384x1024xf32, #tpu.memory_space<hbm>> -> memref<8x1024xf32, #tpu.memory_space<hbm>>
    %dma_start3A_1350 = arith.constant 0 : i32
    %dma_start3A_1351 = tpu.memref_slice %arg4[%add3A_1347, %dma_start3A_1350] : memref<16384x1024xf32, #tpu.memory_space<hbm>> -> memref<8x1024xf32, #tpu.memory_space<hbm>>
    tpu.enqueue_dma source(%arg17 : memref<8x1024xf32, #tpu.memory_space<vmem>>) target(%dma_start3A_1351 : memref<8x1024xf32, #tpu.memory_space<hbm>>) target_semaphore(%arg44 : memref<!tpu.dma_semaphore, #tpu.memory_space<semaphore_mem>>)
    %add3A_1352 = arith.constant 8192 : i32
    %add3A_1353 = arith.addi %add3A_1352, %mul3A_2 : i32
    %add3A_1354 = arith.constant 88 : i32
    %add3A_1355 = arith.addi %add3A_1353, %add3A_1354 : i32
    %dma_start3A_1356 = arith.constant 0 : i32
    %dma_start3A_1357 = tpu.memref_slice %arg4[%add3A_1355, %dma_start3A_1356] : memref<16384x1024xf32, #tpu.memory_space<hbm>> -> memref<8x1024xf32, #tpu.memory_space<hbm>>
    %dma_start3A_1358 = arith.constant 0 : i32
    %dma_start3A_1359 = tpu.memref_slice %arg4[%add3A_1355, %dma_start3A_1358] : memref<16384x1024xf32, #tpu.memory_space<hbm>> -> memref<8x1024xf32, #tpu.memory_space<hbm>>
    tpu.enqueue_dma source(%arg18 : memref<8x1024xf32, #tpu.memory_space<vmem>>) target(%dma_start3A_1359 : memref<8x1024xf32, #tpu.memory_space<hbm>>) target_semaphore(%arg45 : memref<!tpu.dma_semaphore, #tpu.memory_space<semaphore_mem>>)
    %add3A_1360 = arith.constant 12288 : i32
    %add3A_1361 = arith.addi %add3A_1360, %mul3A_2 : i32
    %add3A_1362 = arith.constant 88 : i32
    %add3A_1363 = arith.addi %add3A_1361, %add3A_1362 : i32
    %dma_start3A_1364 = arith.constant 0 : i32
    %dma_start3A_1365 = tpu.memref_slice %arg4[%add3A_1363, %dma_start3A_1364] : memref<16384x1024xf32, #tpu.memory_space<hbm>> -> memref<8x1024xf32, #tpu.memory_space<hbm>>
    %dma_start3A_1366 = arith.constant 0 : i32
    %dma_start3A_1367 = tpu.memref_slice %arg4[%add3A_1363, %dma_start3A_1366] : memref<16384x1024xf32, #tpu.memory_space<hbm>> -> memref<8x1024xf32, #tpu.memory_space<hbm>>
    tpu.enqueue_dma source(%arg19 : memref<8x1024xf32, #tpu.memory_space<vmem>>) target(%dma_start3A_1367 : memref<8x1024xf32, #tpu.memory_space<hbm>>) target_semaphore(%arg46 : memref<!tpu.dma_semaphore, #tpu.memory_space<semaphore_mem>>)
    %dma_wait3A_1368 = arith.constant 0 : i32
    %dma_wait3A_1369 = tpu.memref_slice %arg4[%add3A_1339, %dma_wait3A_1368] : memref<16384x1024xf32, #tpu.memory_space<hbm>> -> memref<8x1024xf32, #tpu.memory_space<hbm>>
    %dma_wait3A_1370 = arith.constant 0 : i32
    %dma_wait3A_1371 = tpu.memref_slice %arg4[%add3A_1339, %dma_wait3A_1370] : memref<16384x1024xf32, #tpu.memory_space<hbm>> -> memref<8x1024xf32, #tpu.memory_space<hbm>>
    tpu.wait_dma2 semaphore(%arg43 : memref<!tpu.dma_semaphore, #tpu.memory_space<semaphore_mem>>) src(%arg16 : memref<8x1024xf32, #tpu.memory_space<vmem>>) dst(%dma_wait3A_1371 : memref<8x1024xf32, #tpu.memory_space<hbm>>)
    %add3A_1372 = arith.constant 0 : i32
    %add3A_1373 = arith.addi %add3A_1372, %mul3A_2 : i32
    %add3A_1374 = arith.constant 112 : i32
    %add3A_1375 = arith.addi %add3A_1373, %add3A_1374 : i32
    %dma_start3A_1376 = arith.constant 0 : i32
    %dma_start3A_1377 = tpu.memref_slice %arg2[%add3A_1375, %dma_start3A_1376] : memref<16384x1024xf32, #tpu.memory_space<hbm>> -> memref<8x1024xf32, #tpu.memory_space<hbm>>
    %dma_start3A_1378 = arith.constant 0 : i32
    %dma_start3A_1379 = tpu.memref_slice %arg2[%add3A_1375, %dma_start3A_1378] : memref<16384x1024xf32, #tpu.memory_space<hbm>> -> memref<8x1024xf32, #tpu.memory_space<hbm>>
    tpu.enqueue_dma source(%dma_start3A_1379 : memref<8x1024xf32, #tpu.memory_space<hbm>>) target(%arg16 : memref<8x1024xf32, #tpu.memory_space<vmem>>) target_semaphore(%arg31 : memref<!tpu.dma_semaphore, #tpu.memory_space<semaphore_mem>>)
    %dma_wait3A_1380 = arith.constant 0 : i32
    %dma_wait3A_1381 = tpu.memref_slice %arg4[%add3A_1347, %dma_wait3A_1380] : memref<16384x1024xf32, #tpu.memory_space<hbm>> -> memref<8x1024xf32, #tpu.memory_space<hbm>>
    %dma_wait3A_1382 = arith.constant 0 : i32
    %dma_wait3A_1383 = tpu.memref_slice %arg4[%add3A_1347, %dma_wait3A_1382] : memref<16384x1024xf32, #tpu.memory_space<hbm>> -> memref<8x1024xf32, #tpu.memory_space<hbm>>
    tpu.wait_dma2 semaphore(%arg44 : memref<!tpu.dma_semaphore, #tpu.memory_space<semaphore_mem>>) src(%arg17 : memref<8x1024xf32, #tpu.memory_space<vmem>>) dst(%dma_wait3A_1383 : memref<8x1024xf32, #tpu.memory_space<hbm>>)
    %add3A_1384 = arith.constant 4096 : i32
    %add3A_1385 = arith.addi %add3A_1384, %mul3A_2 : i32
    %add3A_1386 = arith.constant 112 : i32
    %add3A_1387 = arith.addi %add3A_1385, %add3A_1386 : i32
    %dma_start3A_1388 = arith.constant 0 : i32
    %dma_start3A_1389 = tpu.memref_slice %arg2[%add3A_1387, %dma_start3A_1388] : memref<16384x1024xf32, #tpu.memory_space<hbm>> -> memref<8x1024xf32, #tpu.memory_space<hbm>>
    %dma_start3A_1390 = arith.constant 0 : i32
    %dma_start3A_1391 = tpu.memref_slice %arg2[%add3A_1387, %dma_start3A_1390] : memref<16384x1024xf32, #tpu.memory_space<hbm>> -> memref<8x1024xf32, #tpu.memory_space<hbm>>
    tpu.enqueue_dma source(%dma_start3A_1391 : memref<8x1024xf32, #tpu.memory_space<hbm>>) target(%arg17 : memref<8x1024xf32, #tpu.memory_space<vmem>>) target_semaphore(%arg32 : memref<!tpu.dma_semaphore, #tpu.memory_space<semaphore_mem>>)
    %dma_wait3A_1392 = arith.constant 0 : i32
    %dma_wait3A_1393 = tpu.memref_slice %arg4[%add3A_1355, %dma_wait3A_1392] : memref<16384x1024xf32, #tpu.memory_space<hbm>> -> memref<8x1024xf32, #tpu.memory_space<hbm>>
    %dma_wait3A_1394 = arith.constant 0 : i32
    %dma_wait3A_1395 = tpu.memref_slice %arg4[%add3A_1355, %dma_wait3A_1394] : memref<16384x1024xf32, #tpu.memory_space<hbm>> -> memref<8x1024xf32, #tpu.memory_space<hbm>>
    tpu.wait_dma2 semaphore(%arg45 : memref<!tpu.dma_semaphore, #tpu.memory_space<semaphore_mem>>) src(%arg18 : memref<8x1024xf32, #tpu.memory_space<vmem>>) dst(%dma_wait3A_1395 : memref<8x1024xf32, #tpu.memory_space<hbm>>)
    %add3A_1396 = arith.constant 8192 : i32
    %add3A_1397 = arith.addi %add3A_1396, %mul3A_2 : i32
    %add3A_1398 = arith.constant 112 : i32
    %add3A_1399 = arith.addi %add3A_1397, %add3A_1398 : i32
    %dma_start3A_1400 = arith.constant 0 : i32
    %dma_start3A_1401 = tpu.memref_slice %arg2[%add3A_1399, %dma_start3A_1400] : memref<16384x1024xf32, #tpu.memory_space<hbm>> -> memref<8x1024xf32, #tpu.memory_space<hbm>>
    %dma_start3A_1402 = arith.constant 0 : i32
    %dma_start3A_1403 = tpu.memref_slice %arg2[%add3A_1399, %dma_start3A_1402] : memref<16384x1024xf32, #tpu.memory_space<hbm>> -> memref<8x1024xf32, #tpu.memory_space<hbm>>
    tpu.enqueue_dma source(%dma_start3A_1403 : memref<8x1024xf32, #tpu.memory_space<hbm>>) target(%arg18 : memref<8x1024xf32, #tpu.memory_space<vmem>>) target_semaphore(%arg33 : memref<!tpu.dma_semaphore, #tpu.memory_space<semaphore_mem>>)
    %dma_wait3A_1404 = arith.constant 0 : i32
    %dma_wait3A_1405 = tpu.memref_slice %arg4[%add3A_1363, %dma_wait3A_1404] : memref<16384x1024xf32, #tpu.memory_space<hbm>> -> memref<8x1024xf32, #tpu.memory_space<hbm>>
    %dma_wait3A_1406 = arith.constant 0 : i32
    %dma_wait3A_1407 = tpu.memref_slice %arg4[%add3A_1363, %dma_wait3A_1406] : memref<16384x1024xf32, #tpu.memory_space<hbm>> -> memref<8x1024xf32, #tpu.memory_space<hbm>>
    tpu.wait_dma2 semaphore(%arg46 : memref<!tpu.dma_semaphore, #tpu.memory_space<semaphore_mem>>) src(%arg19 : memref<8x1024xf32, #tpu.memory_space<vmem>>) dst(%dma_wait3A_1407 : memref<8x1024xf32, #tpu.memory_space<hbm>>)
    %add3A_1408 = arith.constant 12288 : i32
    %add3A_1409 = arith.addi %add3A_1408, %mul3A_2 : i32
    %add3A_1410 = arith.constant 112 : i32
    %add3A_1411 = arith.addi %add3A_1409, %add3A_1410 : i32
    %dma_start3A_1412 = arith.constant 0 : i32
    %dma_start3A_1413 = tpu.memref_slice %arg2[%add3A_1411, %dma_start3A_1412] : memref<16384x1024xf32, #tpu.memory_space<hbm>> -> memref<8x1024xf32, #tpu.memory_space<hbm>>
    %dma_start3A_1414 = arith.constant 0 : i32
    %dma_start3A_1415 = tpu.memref_slice %arg2[%add3A_1411, %dma_start3A_1414] : memref<16384x1024xf32, #tpu.memory_space<hbm>> -> memref<8x1024xf32, #tpu.memory_space<hbm>>
    tpu.enqueue_dma source(%dma_start3A_1415 : memref<8x1024xf32, #tpu.memory_space<hbm>>) target(%arg19 : memref<8x1024xf32, #tpu.memory_space<vmem>>) target_semaphore(%arg34 : memref<!tpu.dma_semaphore, #tpu.memory_space<semaphore_mem>>)
    %add3A_1416 = arith.constant 112 : i32
    %add3A_1417 = arith.addi %mul3A_2, %add3A_1416 : i32
    %dma_start3A_1418 = arith.constant 0 : i32
    %dma_start3A_1419 = tpu.memref_slice %arg3[%add3A_1417, %dma_start3A_1418] : memref<4096x1024xf32, #tpu.memory_space<hbm>> -> memref<8x1024xf32, #tpu.memory_space<hbm>>
    %dma_start3A_1420 = arith.constant 0 : i32
    %dma_start3A_1421 = tpu.memref_slice %arg3[%add3A_1417, %dma_start3A_1420] : memref<4096x1024xf32, #tpu.memory_space<hbm>> -> memref<8x1024xf32, #tpu.memory_space<hbm>>
    tpu.enqueue_dma source(%dma_start3A_1421 : memref<8x1024xf32, #tpu.memory_space<hbm>>) target(%arg7 : memref<8x1024xf32, #tpu.memory_space<vmem>>) target_semaphore(%arg22 : memref<!tpu.dma_semaphore, #tpu.memory_space<semaphore_mem>>)
    %dma_wait3A_1422 = arith.constant 0 : i32
    %dma_wait3A_1423 = tpu.memref_slice %arg3[%add3A_1199, %dma_wait3A_1422] : memref<4096x1024xf32, #tpu.memory_space<hbm>> -> memref<8x1024xf32, #tpu.memory_space<hbm>>
    %dma_wait3A_1424 = arith.constant 0 : i32
    %dma_wait3A_1425 = tpu.memref_slice %arg3[%add3A_1199, %dma_wait3A_1424] : memref<4096x1024xf32, #tpu.memory_space<hbm>> -> memref<8x1024xf32, #tpu.memory_space<hbm>>
    tpu.wait_dma2 semaphore(%arg20 : memref<!tpu.dma_semaphore, #tpu.memory_space<semaphore_mem>>) src(%dma_wait3A_1425 : memref<8x1024xf32, #tpu.memory_space<hbm>>) dst(%arg5 : memref<8x1024xf32, #tpu.memory_space<vmem>>)
    %dma_wait3A_1426 = arith.constant 0 : i32
    %dma_wait3A_1427 = tpu.memref_slice %arg2[%add3A_1157, %dma_wait3A_1426] : memref<16384x1024xf32, #tpu.memory_space<hbm>> -> memref<8x1024xf32, #tpu.memory_space<hbm>>
    %dma_wait3A_1428 = arith.constant 0 : i32
    %dma_wait3A_1429 = tpu.memref_slice %arg2[%add3A_1157, %dma_wait3A_1428] : memref<16384x1024xf32, #tpu.memory_space<hbm>> -> memref<8x1024xf32, #tpu.memory_space<hbm>>
    tpu.wait_dma2 semaphore(%arg23 : memref<!tpu.dma_semaphore, #tpu.memory_space<semaphore_mem>>) src(%dma_wait3A_1429 : memref<8x1024xf32, #tpu.memory_space<hbm>>) dst(%arg8 : memref<8x1024xf32, #tpu.memory_space<vmem>>)
    %dma_wait3A_1430 = arith.constant 0 : i32
    %dma_wait3A_1431 = tpu.memref_slice %arg2[%add3A_1169, %dma_wait3A_1430] : memref<16384x1024xf32, #tpu.memory_space<hbm>> -> memref<8x1024xf32, #tpu.memory_space<hbm>>
    %dma_wait3A_1432 = arith.constant 0 : i32
    %dma_wait3A_1433 = tpu.memref_slice %arg2[%add3A_1169, %dma_wait3A_1432] : memref<16384x1024xf32, #tpu.memory_space<hbm>> -> memref<8x1024xf32, #tpu.memory_space<hbm>>
    tpu.wait_dma2 semaphore(%arg24 : memref<!tpu.dma_semaphore, #tpu.memory_space<semaphore_mem>>) src(%dma_wait3A_1433 : memref<8x1024xf32, #tpu.memory_space<hbm>>) dst(%arg9 : memref<8x1024xf32, #tpu.memory_space<vmem>>)
    %dma_wait3A_1434 = arith.constant 0 : i32
    %dma_wait3A_1435 = tpu.memref_slice %arg2[%add3A_1181, %dma_wait3A_1434] : memref<16384x1024xf32, #tpu.memory_space<hbm>> -> memref<8x1024xf32, #tpu.memory_space<hbm>>
    %dma_wait3A_1436 = arith.constant 0 : i32
    %dma_wait3A_1437 = tpu.memref_slice %arg2[%add3A_1181, %dma_wait3A_1436] : memref<16384x1024xf32, #tpu.memory_space<hbm>> -> memref<8x1024xf32, #tpu.memory_space<hbm>>
    tpu.wait_dma2 semaphore(%arg25 : memref<!tpu.dma_semaphore, #tpu.memory_space<semaphore_mem>>) src(%dma_wait3A_1437 : memref<8x1024xf32, #tpu.memory_space<hbm>>) dst(%arg10 : memref<8x1024xf32, #tpu.memory_space<vmem>>)
    %dma_wait3A_1438 = arith.constant 0 : i32
    %dma_wait3A_1439 = tpu.memref_slice %arg2[%add3A_1193, %dma_wait3A_1438] : memref<16384x1024xf32, #tpu.memory_space<hbm>> -> memref<8x1024xf32, #tpu.memory_space<hbm>>
    %dma_wait3A_1440 = arith.constant 0 : i32
    %dma_wait3A_1441 = tpu.memref_slice %arg2[%add3A_1193, %dma_wait3A_1440] : memref<16384x1024xf32, #tpu.memory_space<hbm>> -> memref<8x1024xf32, #tpu.memory_space<hbm>>
    tpu.wait_dma2 semaphore(%arg26 : memref<!tpu.dma_semaphore, #tpu.memory_space<semaphore_mem>>) src(%dma_wait3A_1441 : memref<8x1024xf32, #tpu.memory_space<hbm>>) dst(%arg11 : memref<8x1024xf32, #tpu.memory_space<vmem>>)
    %parallel_loop3A_1442 = arith.constant 0 : i32
    %parallel_loop3A_1443 = arith.constant 512 : i32
    %parallel_loop3A_1444 = arith.constant 1 : i32
    scf.for %parallel_loop3A_1744 = %parallel_loop3A_1442 to %parallel_loop3A_1443 step %parallel_loop3A_1444  : i32 {
      %parallel_loop3A_1745 = arith.constant 64 : i32
      %parallel_loop3A_1746 = arith.divsi %parallel_loop3A_1744, %parallel_loop3A_1745 : i32
      %parallel_loop3A_1747 = arith.constant 0 : i32
      %parallel_loop3A_1748 = arith.cmpi sgt, %parallel_loop3A_1744, %parallel_loop3A_1747 : i32
      %parallel_loop3A_1749 = arith.extui %parallel_loop3A_1748 : i1 to i32
      %parallel_loop3A_1750 = arith.constant 0 : i32
      %parallel_loop3A_1751 = arith.cmpi slt, %parallel_loop3A_1744, %parallel_loop3A_1750 : i32
      %parallel_loop3A_1752 = arith.extui %parallel_loop3A_1751 : i1 to i32
      %parallel_loop3A_1753 = arith.subi %parallel_loop3A_1749, %parallel_loop3A_1752 : i32
      %parallel_loop3A_1754 = arith.constant 0 : i32
      %parallel_loop3A_1755 = arith.cmpi sgt, %parallel_loop3A_1745, %parallel_loop3A_1754 : i32
      %parallel_loop3A_1756 = arith.extui %parallel_loop3A_1755 : i1 to i32
      %parallel_loop3A_1757 = arith.constant 0 : i32
      %parallel_loop3A_1758 = arith.cmpi slt, %parallel_loop3A_1745, %parallel_loop3A_1757 : i32
      %parallel_loop3A_1759 = arith.extui %parallel_loop3A_1758 : i1 to i32
      %parallel_loop3A_1760 = arith.subi %parallel_loop3A_1756, %parallel_loop3A_1759 : i32
      %parallel_loop3A_1761 = arith.cmpi ne, %parallel_loop3A_1753, %parallel_loop3A_1760 : i32
      %parallel_loop3A_1762 = arith.remsi %parallel_loop3A_1744, %parallel_loop3A_1745 : i32
      %parallel_loop3A_1763 = arith.constant 0 : i32
      %parallel_loop3A_1764 = arith.cmpi ne, %parallel_loop3A_1762, %parallel_loop3A_1763 : i32
      %parallel_loop3A_1765 = arith.andi %parallel_loop3A_1761, %parallel_loop3A_1764 : i1
      %parallel_loop3A_1766 = arith.constant 1 : i32
      %parallel_loop3A_1767 = arith.subi %parallel_loop3A_1746, %parallel_loop3A_1766 : i32
      %parallel_loop3A_1768 = arith.select %parallel_loop3A_1765, %parallel_loop3A_1767, %parallel_loop3A_1746 : i32
      %parallel_loop3A_1769 = arith.constant 64 : i32
      %parallel_loop3A_1770 = arith.constant 0 : i32
      %parallel_loop3A_1771 = arith.cmpi eq, %parallel_loop3A_1769, %parallel_loop3A_1770 : i32
      %parallel_loop3A_1772 = arith.constant 1 : i32
      %parallel_loop3A_1773 = arith.select %parallel_loop3A_1771, %parallel_loop3A_1772, %parallel_loop3A_1769 : i32
      %parallel_loop3A_1774 = arith.remsi %parallel_loop3A_1744, %parallel_loop3A_1773 : i32
      %parallel_loop3A_1775 = arith.constant 0 : i32
      %parallel_loop3A_1776 = arith.cmpi ne, %parallel_loop3A_1774, %parallel_loop3A_1775 : i32
      %parallel_loop3A_1777 = arith.constant 0 : i32
      %parallel_loop3A_1778 = arith.cmpi slt, %parallel_loop3A_1774, %parallel_loop3A_1777 : i32
      %parallel_loop3A_1779 = arith.constant 0 : i32
      %parallel_loop3A_1780 = arith.cmpi slt, %parallel_loop3A_1773, %parallel_loop3A_1779 : i32
      %parallel_loop3A_1781 = arith.xori %parallel_loop3A_1778, %parallel_loop3A_1780 : i1
      %parallel_loop3A_1782 = arith.andi %parallel_loop3A_1781, %parallel_loop3A_1776 : i1
      %parallel_loop3A_1783 = arith.addi %parallel_loop3A_1774, %parallel_loop3A_1773 : i32
      %parallel_loop3A_1784 = arith.select %parallel_loop3A_1782, %parallel_loop3A_1783, %parallel_loop3A_1774 : i32
      %parallel_loop3A_1785 = arith.constant 16 : i32
      %parallel_loop3A_1786 = arith.muli %parallel_loop3A_1784, %parallel_loop3A_1785 : i32
      %parallel_loop3A_1787 = arith.index_cast %parallel_loop3A_1768 : i32 to index
      %parallel_loop3A_1788 = arith.index_cast %parallel_loop3A_1786 : i32 to index
      %parallel_loop3A_1789 = tpu.vector_load %arg5[%parallel_loop3A_1787, %parallel_loop3A_1788] {strides = array<i32>} : memref<8x1024xf32, #tpu.memory_space<vmem>>, vector<1x16xf32>,
      %parallel_loop3A_1790 = vector.shape_cast %parallel_loop3A_1789 : vector<1x16xf32> to vector<16xf32>
      %parallel_loop3A_1791 = arith.index_cast %parallel_loop3A_1768 : i32 to index
      %parallel_loop3A_1792 = arith.index_cast %parallel_loop3A_1786 : i32 to index
      %parallel_loop3A_1793 = tpu.vector_load %arg8[%parallel_loop3A_1791, %parallel_loop3A_1792] {strides = array<i32>} : memref<8x1024xf32, #tpu.memory_space<vmem>>, vector<1x16xf32>,
      %parallel_loop3A_1794 = vector.shape_cast %parallel_loop3A_1793 : vector<1x16xf32> to vector<16xf32>
      %parallel_loop3A_1795 = vector.shape_cast %parallel_loop3A_1790 : vector<16xf32> to vector<1x16xf32>
      tpu.vector_store %arg8[%parallel_loop3A_1791, %parallel_loop3A_1792], %parallel_loop3A_1795 {add = true, strides = array<i32>} : memref<8x1024xf32, #tpu.memory_space<vmem>>, vector<1x16xf32>,
      %parallel_loop3A_1796 = arith.index_cast %parallel_loop3A_1768 : i32 to index
      %parallel_loop3A_1797 = arith.index_cast %parallel_loop3A_1786 : i32 to index
      %parallel_loop3A_1798 = tpu.vector_load %arg9[%parallel_loop3A_1796, %parallel_loop3A_1797] {strides = array<i32>} : memref<8x1024xf32, #tpu.memory_space<vmem>>, vector<1x16xf32>,
      %parallel_loop3A_1799 = vector.shape_cast %parallel_loop3A_1798 : vector<1x16xf32> to vector<16xf32>
      %parallel_loop3A_1800 = vector.shape_cast %parallel_loop3A_1790 : vector<16xf32> to vector<1x16xf32>
      tpu.vector_store %arg9[%parallel_loop3A_1796, %parallel_loop3A_1797], %parallel_loop3A_1800 {add = true, strides = array<i32>} : memref<8x1024xf32, #tpu.memory_space<vmem>>, vector<1x16xf32>,
      %parallel_loop3A_1801 = arith.index_cast %parallel_loop3A_1768 : i32 to index
      %parallel_loop3A_1802 = arith.index_cast %parallel_loop3A_1786 : i32 to index
      %parallel_loop3A_1803 = tpu.vector_load %arg10[%parallel_loop3A_1801, %parallel_loop3A_1802] {strides = array<i32>} : memref<8x1024xf32, #tpu.memory_space<vmem>>, vector<1x16xf32>,
      %parallel_loop3A_1804 = vector.shape_cast %parallel_loop3A_1803 : vector<1x16xf32> to vector<16xf32>
      %parallel_loop3A_1805 = vector.shape_cast %parallel_loop3A_1790 : vector<16xf32> to vector<1x16xf32>
      tpu.vector_store %arg10[%parallel_loop3A_1801, %parallel_loop3A_1802], %parallel_loop3A_1805 {add = true, strides = array<i32>} : memref<8x1024xf32, #tpu.memory_space<vmem>>, vector<1x16xf32>,
      %parallel_loop3A_1806 = arith.index_cast %parallel_loop3A_1768 : i32 to index
      %parallel_loop3A_1807 = arith.index_cast %parallel_loop3A_1786 : i32 to index
      %parallel_loop3A_1808 = tpu.vector_load %arg11[%parallel_loop3A_1806, %parallel_loop3A_1807] {strides = array<i32>} : memref<8x1024xf32, #tpu.memory_space<vmem>>, vector<1x16xf32>,
      %parallel_loop3A_1809 = vector.shape_cast %parallel_loop3A_1808 : vector<1x16xf32> to vector<16xf32>
      %parallel_loop3A_1810 = vector.shape_cast %parallel_loop3A_1790 : vector<16xf32> to vector<1x16xf32>
      tpu.vector_store %arg11[%parallel_loop3A_1806, %parallel_loop3A_1807], %parallel_loop3A_1810 {add = true, strides = array<i32>} : memref<8x1024xf32, #tpu.memory_space<vmem>>, vector<1x16xf32>,
    } {sc.loop_unroll_factor = 4 : i64, sc.parallel_access}
    %add3A_1445 = arith.constant 0 : i32
    %add3A_1446 = arith.addi %add3A_1445, %mul3A_2 : i32
    %add3A_1447 = arith.constant 96 : i32
    %add3A_1448 = arith.addi %add3A_1446, %add3A_1447 : i32
    %dma_start3A_1449 = arith.constant 0 : i32
    %dma_start3A_1450 = tpu.memref_slice %arg4[%add3A_1448, %dma_start3A_1449] : memref<16384x1024xf32, #tpu.memory_space<hbm>> -> memref<8x1024xf32, #tpu.memory_space<hbm>>
    %dma_start3A_1451 = arith.constant 0 : i32
    %dma_start3A_1452 = tpu.memref_slice %arg4[%add3A_1448, %dma_start3A_1451] : memref<16384x1024xf32, #tpu.memory_space<hbm>> -> memref<8x1024xf32, #tpu.memory_space<hbm>>
    tpu.enqueue_dma source(%arg8 : memref<8x1024xf32, #tpu.memory_space<vmem>>) target(%dma_start3A_1452 : memref<8x1024xf32, #tpu.memory_space<hbm>>) target_semaphore(%arg35 : memref<!tpu.dma_semaphore, #tpu.memory_space<semaphore_mem>>)
    %add3A_1453 = arith.constant 4096 : i32
    %add3A_1454 = arith.addi %add3A_1453, %mul3A_2 : i32
    %add3A_1455 = arith.constant 96 : i32
    %add3A_1456 = arith.addi %add3A_1454, %add3A_1455 : i32
    %dma_start3A_1457 = arith.constant 0 : i32
    %dma_start3A_1458 = tpu.memref_slice %arg4[%add3A_1456, %dma_start3A_1457] : memref<16384x1024xf32, #tpu.memory_space<hbm>> -> memref<8x1024xf32, #tpu.memory_space<hbm>>
    %dma_start3A_1459 = arith.constant 0 : i32
    %dma_start3A_1460 = tpu.memref_slice %arg4[%add3A_1456, %dma_start3A_1459] : memref<16384x1024xf32, #tpu.memory_space<hbm>> -> memref<8x1024xf32, #tpu.memory_space<hbm>>
    tpu.enqueue_dma source(%arg9 : memref<8x1024xf32, #tpu.memory_space<vmem>>) target(%dma_start3A_1460 : memref<8x1024xf32, #tpu.memory_space<hbm>>) target_semaphore(%arg36 : memref<!tpu.dma_semaphore, #tpu.memory_space<semaphore_mem>>)
    %add3A_1461 = arith.constant 8192 : i32
    %add3A_1462 = arith.addi %add3A_1461, %mul3A_2 : i32
    %add3A_1463 = arith.constant 96 : i32
    %add3A_1464 = arith.addi %add3A_1462, %add3A_1463 : i32
    %dma_start3A_1465 = arith.constant 0 : i32
    %dma_start3A_1466 = tpu.memref_slice %arg4[%add3A_1464, %dma_start3A_1465] : memref<16384x1024xf32, #tpu.memory_space<hbm>> -> memref<8x1024xf32, #tpu.memory_space<hbm>>
    %dma_start3A_1467 = arith.constant 0 : i32
    %dma_start3A_1468 = tpu.memref_slice %arg4[%add3A_1464, %dma_start3A_1467] : memref<16384x1024xf32, #tpu.memory_space<hbm>> -> memref<8x1024xf32, #tpu.memory_space<hbm>>
    tpu.enqueue_dma source(%arg10 : memref<8x1024xf32, #tpu.memory_space<vmem>>) target(%dma_start3A_1468 : memref<8x1024xf32, #tpu.memory_space<hbm>>) target_semaphore(%arg37 : memref<!tpu.dma_semaphore, #tpu.memory_space<semaphore_mem>>)
    %add3A_1469 = arith.constant 12288 : i32
    %add3A_1470 = arith.addi %add3A_1469, %mul3A_2 : i32
    %add3A_1471 = arith.constant 96 : i32
    %add3A_1472 = arith.addi %add3A_1470, %add3A_1471 : i32
    %dma_start3A_1473 = arith.constant 0 : i32
    %dma_start3A_1474 = tpu.memref_slice %arg4[%add3A_1472, %dma_start3A_1473] : memref<16384x1024xf32, #tpu.memory_space<hbm>> -> memref<8x1024xf32, #tpu.memory_space<hbm>>
    %dma_start3A_1475 = arith.constant 0 : i32
    %dma_start3A_1476 = tpu.memref_slice %arg4[%add3A_1472, %dma_start3A_1475] : memref<16384x1024xf32, #tpu.memory_space<hbm>> -> memref<8x1024xf32, #tpu.memory_space<hbm>>
    tpu.enqueue_dma source(%arg11 : memref<8x1024xf32, #tpu.memory_space<vmem>>) target(%dma_start3A_1476 : memref<8x1024xf32, #tpu.memory_space<hbm>>) target_semaphore(%arg38 : memref<!tpu.dma_semaphore, #tpu.memory_space<semaphore_mem>>)
    %dma_wait3A_1477 = arith.constant 0 : i32
    %dma_wait3A_1478 = tpu.memref_slice %arg4[%add3A_1448, %dma_wait3A_1477] : memref<16384x1024xf32, #tpu.memory_space<hbm>> -> memref<8x1024xf32, #tpu.memory_space<hbm>>
    %dma_wait3A_1479 = arith.constant 0 : i32
    %dma_wait3A_1480 = tpu.memref_slice %arg4[%add3A_1448, %dma_wait3A_1479] : memref<16384x1024xf32, #tpu.memory_space<hbm>> -> memref<8x1024xf32, #tpu.memory_space<hbm>>
    tpu.wait_dma2 semaphore(%arg35 : memref<!tpu.dma_semaphore, #tpu.memory_space<semaphore_mem>>) src(%arg8 : memref<8x1024xf32, #tpu.memory_space<vmem>>) dst(%dma_wait3A_1480 : memref<8x1024xf32, #tpu.memory_space<hbm>>)
    %add3A_1481 = arith.constant 0 : i32
    %add3A_1482 = arith.addi %add3A_1481, %mul3A_2 : i32
    %add3A_1483 = arith.constant 120 : i32
    %add3A_1484 = arith.addi %add3A_1482, %add3A_1483 : i32
    %dma_start3A_1485 = arith.constant 0 : i32
    %dma_start3A_1486 = tpu.memref_slice %arg2[%add3A_1484, %dma_start3A_1485] : memref<16384x1024xf32, #tpu.memory_space<hbm>> -> memref<8x1024xf32, #tpu.memory_space<hbm>>
    %dma_start3A_1487 = arith.constant 0 : i32
    %dma_start3A_1488 = tpu.memref_slice %arg2[%add3A_1484, %dma_start3A_1487] : memref<16384x1024xf32, #tpu.memory_space<hbm>> -> memref<8x1024xf32, #tpu.memory_space<hbm>>
    tpu.enqueue_dma source(%dma_start3A_1488 : memref<8x1024xf32, #tpu.memory_space<hbm>>) target(%arg8 : memref<8x1024xf32, #tpu.memory_space<vmem>>) target_semaphore(%arg23 : memref<!tpu.dma_semaphore, #tpu.memory_space<semaphore_mem>>)
    %dma_wait3A_1489 = arith.constant 0 : i32
    %dma_wait3A_1490 = tpu.memref_slice %arg4[%add3A_1456, %dma_wait3A_1489] : memref<16384x1024xf32, #tpu.memory_space<hbm>> -> memref<8x1024xf32, #tpu.memory_space<hbm>>
    %dma_wait3A_1491 = arith.constant 0 : i32
    %dma_wait3A_1492 = tpu.memref_slice %arg4[%add3A_1456, %dma_wait3A_1491] : memref<16384x1024xf32, #tpu.memory_space<hbm>> -> memref<8x1024xf32, #tpu.memory_space<hbm>>
    tpu.wait_dma2 semaphore(%arg36 : memref<!tpu.dma_semaphore, #tpu.memory_space<semaphore_mem>>) src(%arg9 : memref<8x1024xf32, #tpu.memory_space<vmem>>) dst(%dma_wait3A_1492 : memref<8x1024xf32, #tpu.memory_space<hbm>>)
    %add3A_1493 = arith.constant 4096 : i32
    %add3A_1494 = arith.addi %add3A_1493, %mul3A_2 : i32
    %add3A_1495 = arith.constant 120 : i32
    %add3A_1496 = arith.addi %add3A_1494, %add3A_1495 : i32
    %dma_start3A_1497 = arith.constant 0 : i32
    %dma_start3A_1498 = tpu.memref_slice %arg2[%add3A_1496, %dma_start3A_1497] : memref<16384x1024xf32, #tpu.memory_space<hbm>> -> memref<8x1024xf32, #tpu.memory_space<hbm>>
    %dma_start3A_1499 = arith.constant 0 : i32
    %dma_start3A_1500 = tpu.memref_slice %arg2[%add3A_1496, %dma_start3A_1499] : memref<16384x1024xf32, #tpu.memory_space<hbm>> -> memref<8x1024xf32, #tpu.memory_space<hbm>>
    tpu.enqueue_dma source(%dma_start3A_1500 : memref<8x1024xf32, #tpu.memory_space<hbm>>) target(%arg9 : memref<8x1024xf32, #tpu.memory_space<vmem>>) target_semaphore(%arg24 : memref<!tpu.dma_semaphore, #tpu.memory_space<semaphore_mem>>)
    %dma_wait3A_1501 = arith.constant 0 : i32
    %dma_wait3A_1502 = tpu.memref_slice %arg4[%add3A_1464, %dma_wait3A_1501] : memref<16384x1024xf32, #tpu.memory_space<hbm>> -> memref<8x1024xf32, #tpu.memory_space<hbm>>
    %dma_wait3A_1503 = arith.constant 0 : i32
    %dma_wait3A_1504 = tpu.memref_slice %arg4[%add3A_1464, %dma_wait3A_1503] : memref<16384x1024xf32, #tpu.memory_space<hbm>> -> memref<8x1024xf32, #tpu.memory_space<hbm>>
    tpu.wait_dma2 semaphore(%arg37 : memref<!tpu.dma_semaphore, #tpu.memory_space<semaphore_mem>>) src(%arg10 : memref<8x1024xf32, #tpu.memory_space<vmem>>) dst(%dma_wait3A_1504 : memref<8x1024xf32, #tpu.memory_space<hbm>>)
    %add3A_1505 = arith.constant 8192 : i32
    %add3A_1506 = arith.addi %add3A_1505, %mul3A_2 : i32
    %add3A_1507 = arith.constant 120 : i32
    %add3A_1508 = arith.addi %add3A_1506, %add3A_1507 : i32
    %dma_start3A_1509 = arith.constant 0 : i32
    %dma_start3A_1510 = tpu.memref_slice %arg2[%add3A_1508, %dma_start3A_1509] : memref<16384x1024xf32, #tpu.memory_space<hbm>> -> memref<8x1024xf32, #tpu.memory_space<hbm>>
    %dma_start3A_1511 = arith.constant 0 : i32
    %dma_start3A_1512 = tpu.memref_slice %arg2[%add3A_1508, %dma_start3A_1511] : memref<16384x1024xf32, #tpu.memory_space<hbm>> -> memref<8x1024xf32, #tpu.memory_space<hbm>>
    tpu.enqueue_dma source(%dma_start3A_1512 : memref<8x1024xf32, #tpu.memory_space<hbm>>) target(%arg10 : memref<8x1024xf32, #tpu.memory_space<vmem>>) target_semaphore(%arg25 : memref<!tpu.dma_semaphore, #tpu.memory_space<semaphore_mem>>)
    %dma_wait3A_1513 = arith.constant 0 : i32
    %dma_wait3A_1514 = tpu.memref_slice %arg4[%add3A_1472, %dma_wait3A_1513] : memref<16384x1024xf32, #tpu.memory_space<hbm>> -> memref<8x1024xf32, #tpu.memory_space<hbm>>
    %dma_wait3A_1515 = arith.constant 0 : i32
    %dma_wait3A_1516 = tpu.memref_slice %arg4[%add3A_1472, %dma_wait3A_1515] : memref<16384x1024xf32, #tpu.memory_space<hbm>> -> memref<8x1024xf32, #tpu.memory_space<hbm>>
    tpu.wait_dma2 semaphore(%arg38 : memref<!tpu.dma_semaphore, #tpu.memory_space<semaphore_mem>>) src(%arg11 : memref<8x1024xf32, #tpu.memory_space<vmem>>) dst(%dma_wait3A_1516 : memref<8x1024xf32, #tpu.memory_space<hbm>>)
    %add3A_1517 = arith.constant 12288 : i32
    %add3A_1518 = arith.addi %add3A_1517, %mul3A_2 : i32
    %add3A_1519 = arith.constant 120 : i32
    %add3A_1520 = arith.addi %add3A_1518, %add3A_1519 : i32
    %dma_start3A_1521 = arith.constant 0 : i32
    %dma_start3A_1522 = tpu.memref_slice %arg2[%add3A_1520, %dma_start3A_1521] : memref<16384x1024xf32, #tpu.memory_space<hbm>> -> memref<8x1024xf32, #tpu.memory_space<hbm>>
    %dma_start3A_1523 = arith.constant 0 : i32
    %dma_start3A_1524 = tpu.memref_slice %arg2[%add3A_1520, %dma_start3A_1523] : memref<16384x1024xf32, #tpu.memory_space<hbm>> -> memref<8x1024xf32, #tpu.memory_space<hbm>>
    tpu.enqueue_dma source(%dma_start3A_1524 : memref<8x1024xf32, #tpu.memory_space<hbm>>) target(%arg11 : memref<8x1024xf32, #tpu.memory_space<vmem>>) target_semaphore(%arg26 : memref<!tpu.dma_semaphore, #tpu.memory_space<semaphore_mem>>)
    %add3A_1525 = arith.constant 120 : i32
    %add3A_1526 = arith.addi %mul3A_2, %add3A_1525 : i32
    %dma_start3A_1527 = arith.constant 0 : i32
    %dma_start3A_1528 = tpu.memref_slice %arg3[%add3A_1526, %dma_start3A_1527] : memref<4096x1024xf32, #tpu.memory_space<hbm>> -> memref<8x1024xf32, #tpu.memory_space<hbm>>
    %dma_start3A_1529 = arith.constant 0 : i32
    %dma_start3A_1530 = tpu.memref_slice %arg3[%add3A_1526, %dma_start3A_1529] : memref<4096x1024xf32, #tpu.memory_space<hbm>> -> memref<8x1024xf32, #tpu.memory_space<hbm>>
    tpu.enqueue_dma source(%dma_start3A_1530 : memref<8x1024xf32, #tpu.memory_space<hbm>>) target(%arg5 : memref<8x1024xf32, #tpu.memory_space<vmem>>) target_semaphore(%arg20 : memref<!tpu.dma_semaphore, #tpu.memory_space<semaphore_mem>>)
    %dma_wait3A_1531 = arith.constant 0 : i32
    %dma_wait3A_1532 = tpu.memref_slice %arg3[%add3A_1308, %dma_wait3A_1531] : memref<4096x1024xf32, #tpu.memory_space<hbm>> -> memref<8x1024xf32, #tpu.memory_space<hbm>>
    %dma_wait3A_1533 = arith.constant 0 : i32
    %dma_wait3A_1534 = tpu.memref_slice %arg3[%add3A_1308, %dma_wait3A_1533] : memref<4096x1024xf32, #tpu.memory_space<hbm>> -> memref<8x1024xf32, #tpu.memory_space<hbm>>
    tpu.wait_dma2 semaphore(%arg21 : memref<!tpu.dma_semaphore, #tpu.memory_space<semaphore_mem>>) src(%dma_wait3A_1534 : memref<8x1024xf32, #tpu.memory_space<hbm>>) dst(%arg6 : memref<8x1024xf32, #tpu.memory_space<vmem>>)
    %dma_wait3A_1535 = arith.constant 0 : i32
    %dma_wait3A_1536 = tpu.memref_slice %arg2[%add3A_1266, %dma_wait3A_1535] : memref<16384x1024xf32, #tpu.memory_space<hbm>> -> memref<8x1024xf32, #tpu.memory_space<hbm>>
    %dma_wait3A_1537 = arith.constant 0 : i32
    %dma_wait3A_1538 = tpu.memref_slice %arg2[%add3A_1266, %dma_wait3A_1537] : memref<16384x1024xf32, #tpu.memory_space<hbm>> -> memref<8x1024xf32, #tpu.memory_space<hbm>>
    tpu.wait_dma2 semaphore(%arg27 : memref<!tpu.dma_semaphore, #tpu.memory_space<semaphore_mem>>) src(%dma_wait3A_1538 : memref<8x1024xf32, #tpu.memory_space<hbm>>) dst(%arg12 : memref<8x1024xf32, #tpu.memory_space<vmem>>)
    %dma_wait3A_1539 = arith.constant 0 : i32
    %dma_wait3A_1540 = tpu.memref_slice %arg2[%add3A_1278, %dma_wait3A_1539] : memref<16384x1024xf32, #tpu.memory_space<hbm>> -> memref<8x1024xf32, #tpu.memory_space<hbm>>
    %dma_wait3A_1541 = arith.constant 0 : i32
    %dma_wait3A_1542 = tpu.memref_slice %arg2[%add3A_1278, %dma_wait3A_1541] : memref<16384x1024xf32, #tpu.memory_space<hbm>> -> memref<8x1024xf32, #tpu.memory_space<hbm>>
    tpu.wait_dma2 semaphore(%arg28 : memref<!tpu.dma_semaphore, #tpu.memory_space<semaphore_mem>>) src(%dma_wait3A_1542 : memref<8x1024xf32, #tpu.memory_space<hbm>>) dst(%arg13 : memref<8x1024xf32, #tpu.memory_space<vmem>>)
    %dma_wait3A_1543 = arith.constant 0 : i32
    %dma_wait3A_1544 = tpu.memref_slice %arg2[%add3A_1290, %dma_wait3A_1543] : memref<16384x1024xf32, #tpu.memory_space<hbm>> -> memref<8x1024xf32, #tpu.memory_space<hbm>>
    %dma_wait3A_1545 = arith.constant 0 : i32
    %dma_wait3A_1546 = tpu.memref_slice %arg2[%add3A_1290, %dma_wait3A_1545] : memref<16384x1024xf32, #tpu.memory_space<hbm>> -> memref<8x1024xf32, #tpu.memory_space<hbm>>
    tpu.wait_dma2 semaphore(%arg29 : memref<!tpu.dma_semaphore, #tpu.memory_space<semaphore_mem>>) src(%dma_wait3A_1546 : memref<8x1024xf32, #tpu.memory_space<hbm>>) dst(%arg14 : memref<8x1024xf32, #tpu.memory_space<vmem>>)
    %dma_wait3A_1547 = arith.constant 0 : i32
    %dma_wait3A_1548 = tpu.memref_slice %arg2[%add3A_1302, %dma_wait3A_1547] : memref<16384x1024xf32, #tpu.memory_space<hbm>> -> memref<8x1024xf32, #tpu.memory_space<hbm>>
    %dma_wait3A_1549 = arith.constant 0 : i32
    %dma_wait3A_1550 = tpu.memref_slice %arg2[%add3A_1302, %dma_wait3A_1549] : memref<16384x1024xf32, #tpu.memory_space<hbm>> -> memref<8x1024xf32, #tpu.memory_space<hbm>>
    tpu.wait_dma2 semaphore(%arg30 : memref<!tpu.dma_semaphore, #tpu.memory_space<semaphore_mem>>) src(%dma_wait3A_1550 : memref<8x1024xf32, #tpu.memory_space<hbm>>) dst(%arg15 : memref<8x1024xf32, #tpu.memory_space<vmem>>)
    %parallel_loop3A_1551 = arith.constant 0 : i32
    %parallel_loop3A_1552 = arith.constant 512 : i32
    %parallel_loop3A_1553 = arith.constant 1 : i32
    scf.for %parallel_loop3A_1744 = %parallel_loop3A_1551 to %parallel_loop3A_1552 step %parallel_loop3A_1553  : i32 {
      %parallel_loop3A_1745 = arith.constant 64 : i32
      %parallel_loop3A_1746 = arith.divsi %parallel_loop3A_1744, %parallel_loop3A_1745 : i32
      %parallel_loop3A_1747 = arith.constant 0 : i32
      %parallel_loop3A_1748 = arith.cmpi sgt, %parallel_loop3A_1744, %parallel_loop3A_1747 : i32
      %parallel_loop3A_1749 = arith.extui %parallel_loop3A_1748 : i1 to i32
      %parallel_loop3A_1750 = arith.constant 0 : i32
      %parallel_loop3A_1751 = arith.cmpi slt, %parallel_loop3A_1744, %parallel_loop3A_1750 : i32
      %parallel_loop3A_1752 = arith.extui %parallel_loop3A_1751 : i1 to i32
      %parallel_loop3A_1753 = arith.subi %parallel_loop3A_1749, %parallel_loop3A_1752 : i32
      %parallel_loop3A_1754 = arith.constant 0 : i32
      %parallel_loop3A_1755 = arith.cmpi sgt, %parallel_loop3A_1745, %parallel_loop3A_1754 : i32
      %parallel_loop3A_1756 = arith.extui %parallel_loop3A_1755 : i1 to i32
      %parallel_loop3A_1757 = arith.constant 0 : i32
      %parallel_loop3A_1758 = arith.cmpi slt, %parallel_loop3A_1745, %parallel_loop3A_1757 : i32
      %parallel_loop3A_1759 = arith.extui %parallel_loop3A_1758 : i1 to i32
      %parallel_loop3A_1760 = arith.subi %parallel_loop3A_1756, %parallel_loop3A_1759 : i32
      %parallel_loop3A_1761 = arith.cmpi ne, %parallel_loop3A_1753, %parallel_loop3A_1760 : i32
      %parallel_loop3A_1762 = arith.remsi %parallel_loop3A_1744, %parallel_loop3A_1745 : i32
      %parallel_loop3A_1763 = arith.constant 0 : i32
      %parallel_loop3A_1764 = arith.cmpi ne, %parallel_loop3A_1762, %parallel_loop3A_1763 : i32
      %parallel_loop3A_1765 = arith.andi %parallel_loop3A_1761, %parallel_loop3A_1764 : i1
      %parallel_loop3A_1766 = arith.constant 1 : i32
      %parallel_loop3A_1767 = arith.subi %parallel_loop3A_1746, %parallel_loop3A_1766 : i32
      %parallel_loop3A_1768 = arith.select %parallel_loop3A_1765, %parallel_loop3A_1767, %parallel_loop3A_1746 : i32
      %parallel_loop3A_1769 = arith.constant 64 : i32
      %parallel_loop3A_1770 = arith.constant 0 : i32
      %parallel_loop3A_1771 = arith.cmpi eq, %parallel_loop3A_1769, %parallel_loop3A_1770 : i32
      %parallel_loop3A_1772 = arith.constant 1 : i32
      %parallel_loop3A_1773 = arith.select %parallel_loop3A_1771, %parallel_loop3A_1772, %parallel_loop3A_1769 : i32
      %parallel_loop3A_1774 = arith.remsi %parallel_loop3A_1744, %parallel_loop3A_1773 : i32
      %parallel_loop3A_1775 = arith.constant 0 : i32
      %parallel_loop3A_1776 = arith.cmpi ne, %parallel_loop3A_1774, %parallel_loop3A_1775 : i32
      %parallel_loop3A_1777 = arith.constant 0 : i32
      %parallel_loop3A_1778 = arith.cmpi slt, %parallel_loop3A_1774, %parallel_loop3A_1777 : i32
      %parallel_loop3A_1779 = arith.constant 0 : i32
      %parallel_loop3A_1780 = arith.cmpi slt, %parallel_loop3A_1773, %parallel_loop3A_1779 : i32
      %parallel_loop3A_1781 = arith.xori %parallel_loop3A_1778, %parallel_loop3A_1780 : i1
      %parallel_loop3A_1782 = arith.andi %parallel_loop3A_1781, %parallel_loop3A_1776 : i1
      %parallel_loop3A_1783 = arith.addi %parallel_loop3A_1774, %parallel_loop3A_1773 : i32
      %parallel_loop3A_1784 = arith.select %parallel_loop3A_1782, %parallel_loop3A_1783, %parallel_loop3A_1774 : i32
      %parallel_loop3A_1785 = arith.constant 16 : i32
      %parallel_loop3A_1786 = arith.muli %parallel_loop3A_1784, %parallel_loop3A_1785 : i32
      %parallel_loop3A_1787 = arith.index_cast %parallel_loop3A_1768 : i32 to index
      %parallel_loop3A_1788 = arith.index_cast %parallel_loop3A_1786 : i32 to index
      %parallel_loop3A_1789 = tpu.vector_load %arg6[%parallel_loop3A_1787, %parallel_loop3A_1788] {strides = array<i32>} : memref<8x1024xf32, #tpu.memory_space<vmem>>, vector<1x16xf32>,
      %parallel_loop3A_1790 = vector.shape_cast %parallel_loop3A_1789 : vector<1x16xf32> to vector<16xf32>
      %parallel_loop3A_1791 = arith.index_cast %parallel_loop3A_1768 : i32 to index
      %parallel_loop3A_1792 = arith.index_cast %parallel_loop3A_1786 : i32 to index
      %parallel_loop3A_1793 = tpu.vector_load %arg12[%parallel_loop3A_1791, %parallel_loop3A_1792] {strides = array<i32>} : memref<8x1024xf32, #tpu.memory_space<vmem>>, vector<1x16xf32>,
      %parallel_loop3A_1794 = vector.shape_cast %parallel_loop3A_1793 : vector<1x16xf32> to vector<16xf32>
      %parallel_loop3A_1795 = vector.shape_cast %parallel_loop3A_1790 : vector<16xf32> to vector<1x16xf32>
      tpu.vector_store %arg12[%parallel_loop3A_1791, %parallel_loop3A_1792], %parallel_loop3A_1795 {add = true, strides = array<i32>} : memref<8x1024xf32, #tpu.memory_space<vmem>>, vector<1x16xf32>,
      %parallel_loop3A_1796 = arith.index_cast %parallel_loop3A_1768 : i32 to index
      %parallel_loop3A_1797 = arith.index_cast %parallel_loop3A_1786 : i32 to index
      %parallel_loop3A_1798 = tpu.vector_load %arg13[%parallel_loop3A_1796, %parallel_loop3A_1797] {strides = array<i32>} : memref<8x1024xf32, #tpu.memory_space<vmem>>, vector<1x16xf32>,
      %parallel_loop3A_1799 = vector.shape_cast %parallel_loop3A_1798 : vector<1x16xf32> to vector<16xf32>
      %parallel_loop3A_1800 = vector.shape_cast %parallel_loop3A_1790 : vector<16xf32> to vector<1x16xf32>
      tpu.vector_store %arg13[%parallel_loop3A_1796, %parallel_loop3A_1797], %parallel_loop3A_1800 {add = true, strides = array<i32>} : memref<8x1024xf32, #tpu.memory_space<vmem>>, vector<1x16xf32>,
      %parallel_loop3A_1801 = arith.index_cast %parallel_loop3A_1768 : i32 to index
      %parallel_loop3A_1802 = arith.index_cast %parallel_loop3A_1786 : i32 to index
      %parallel_loop3A_1803 = tpu.vector_load %arg14[%parallel_loop3A_1801, %parallel_loop3A_1802] {strides = array<i32>} : memref<8x1024xf32, #tpu.memory_space<vmem>>, vector<1x16xf32>,
      %parallel_loop3A_1804 = vector.shape_cast %parallel_loop3A_1803 : vector<1x16xf32> to vector<16xf32>
      %parallel_loop3A_1805 = vector.shape_cast %parallel_loop3A_1790 : vector<16xf32> to vector<1x16xf32>
      tpu.vector_store %arg14[%parallel_loop3A_1801, %parallel_loop3A_1802], %parallel_loop3A_1805 {add = true, strides = array<i32>} : memref<8x1024xf32, #tpu.memory_space<vmem>>, vector<1x16xf32>,
      %parallel_loop3A_1806 = arith.index_cast %parallel_loop3A_1768 : i32 to index
      %parallel_loop3A_1807 = arith.index_cast %parallel_loop3A_1786 : i32 to index
      %parallel_loop3A_1808 = tpu.vector_load %arg15[%parallel_loop3A_1806, %parallel_loop3A_1807] {strides = array<i32>} : memref<8x1024xf32, #tpu.memory_space<vmem>>, vector<1x16xf32>,
      %parallel_loop3A_1809 = vector.shape_cast %parallel_loop3A_1808 : vector<1x16xf32> to vector<16xf32>
      %parallel_loop3A_1810 = vector.shape_cast %parallel_loop3A_1790 : vector<16xf32> to vector<1x16xf32>
      tpu.vector_store %arg15[%parallel_loop3A_1806, %parallel_loop3A_1807], %parallel_loop3A_1810 {add = true, strides = array<i32>} : memref<8x1024xf32, #tpu.memory_space<vmem>>, vector<1x16xf32>,
    } {sc.loop_unroll_factor = 4 : i64, sc.parallel_access}
    %add3A_1554 = arith.constant 0 : i32
    %add3A_1555 = arith.addi %add3A_1554, %mul3A_2 : i32
    %add3A_1556 = arith.constant 104 : i32
    %add3A_1557 = arith.addi %add3A_1555, %add3A_1556 : i32
    %dma_start3A_1558 = arith.constant 0 : i32
    %dma_start3A_1559 = tpu.memref_slice %arg4[%add3A_1557, %dma_start3A_1558] : memref<16384x1024xf32, #tpu.memory_space<hbm>> -> memref<8x1024xf32, #tpu.memory_space<hbm>>
    %dma_start3A_1560 = arith.constant 0 : i32
    %dma_start3A_1561 = tpu.memref_slice %arg4[%add3A_1557, %dma_start3A_1560] : memref<16384x1024xf32, #tpu.memory_space<hbm>> -> memref<8x1024xf32, #tpu.memory_space<hbm>>
    tpu.enqueue_dma source(%arg12 : memref<8x1024xf32, #tpu.memory_space<vmem>>) target(%dma_start3A_1561 : memref<8x1024xf32, #tpu.memory_space<hbm>>) target_semaphore(%arg39 : memref<!tpu.dma_semaphore, #tpu.memory_space<semaphore_mem>>)
    %add3A_1562 = arith.constant 4096 : i32
    %add3A_1563 = arith.addi %add3A_1562, %mul3A_2 : i32
    %add3A_1564 = arith.constant 104 : i32
    %add3A_1565 = arith.addi %add3A_1563, %add3A_1564 : i32
    %dma_start3A_1566 = arith.constant 0 : i32
    %dma_start3A_1567 = tpu.memref_slice %arg4[%add3A_1565, %dma_start3A_1566] : memref<16384x1024xf32, #tpu.memory_space<hbm>> -> memref<8x1024xf32, #tpu.memory_space<hbm>>
    %dma_start3A_1568 = arith.constant 0 : i32
    %dma_start3A_1569 = tpu.memref_slice %arg4[%add3A_1565, %dma_start3A_1568] : memref<16384x1024xf32, #tpu.memory_space<hbm>> -> memref<8x1024xf32, #tpu.memory_space<hbm>>
    tpu.enqueue_dma source(%arg13 : memref<8x1024xf32, #tpu.memory_space<vmem>>) target(%dma_start3A_1569 : memref<8x1024xf32, #tpu.memory_space<hbm>>) target_semaphore(%arg40 : memref<!tpu.dma_semaphore, #tpu.memory_space<semaphore_mem>>)
    %add3A_1570 = arith.constant 8192 : i32
    %add3A_1571 = arith.addi %add3A_1570, %mul3A_2 : i32
    %add3A_1572 = arith.constant 104 : i32
    %add3A_1573 = arith.addi %add3A_1571, %add3A_1572 : i32
    %dma_start3A_1574 = arith.constant 0 : i32
    %dma_start3A_1575 = tpu.memref_slice %arg4[%add3A_1573, %dma_start3A_1574] : memref<16384x1024xf32, #tpu.memory_space<hbm>> -> memref<8x1024xf32, #tpu.memory_space<hbm>>
    %dma_start3A_1576 = arith.constant 0 : i32
    %dma_start3A_1577 = tpu.memref_slice %arg4[%add3A_1573, %dma_start3A_1576] : memref<16384x1024xf32, #tpu.memory_space<hbm>> -> memref<8x1024xf32, #tpu.memory_space<hbm>>
    tpu.enqueue_dma source(%arg14 : memref<8x1024xf32, #tpu.memory_space<vmem>>) target(%dma_start3A_1577 : memref<8x1024xf32, #tpu.memory_space<hbm>>) target_semaphore(%arg41 : memref<!tpu.dma_semaphore, #tpu.memory_space<semaphore_mem>>)
    %add3A_1578 = arith.constant 12288 : i32
    %add3A_1579 = arith.addi %add3A_1578, %mul3A_2 : i32
    %add3A_1580 = arith.constant 104 : i32
    %add3A_1581 = arith.addi %add3A_1579, %add3A_1580 : i32
    %dma_start3A_1582 = arith.constant 0 : i32
    %dma_start3A_1583 = tpu.memref_slice %arg4[%add3A_1581, %dma_start3A_1582] : memref<16384x1024xf32, #tpu.memory_space<hbm>> -> memref<8x1024xf32, #tpu.memory_space<hbm>>
    %dma_start3A_1584 = arith.constant 0 : i32
    %dma_start3A_1585 = tpu.memref_slice %arg4[%add3A_1581, %dma_start3A_1584] : memref<16384x1024xf32, #tpu.memory_space<hbm>> -> memref<8x1024xf32, #tpu.memory_space<hbm>>
    tpu.enqueue_dma source(%arg15 : memref<8x1024xf32, #tpu.memory_space<vmem>>) target(%dma_start3A_1585 : memref<8x1024xf32, #tpu.memory_space<hbm>>) target_semaphore(%arg42 : memref<!tpu.dma_semaphore, #tpu.memory_space<semaphore_mem>>)
    %dma_wait3A_1586 = arith.constant 0 : i32
    %dma_wait3A_1587 = tpu.memref_slice %arg3[%add3A_1417, %dma_wait3A_1586] : memref<4096x1024xf32, #tpu.memory_space<hbm>> -> memref<8x1024xf32, #tpu.memory_space<hbm>>
    %dma_wait3A_1588 = arith.constant 0 : i32
    %dma_wait3A_1589 = tpu.memref_slice %arg3[%add3A_1417, %dma_wait3A_1588] : memref<4096x1024xf32, #tpu.memory_space<hbm>> -> memref<8x1024xf32, #tpu.memory_space<hbm>>
    tpu.wait_dma2 semaphore(%arg22 : memref<!tpu.dma_semaphore, #tpu.memory_space<semaphore_mem>>) src(%dma_wait3A_1589 : memref<8x1024xf32, #tpu.memory_space<hbm>>) dst(%arg7 : memref<8x1024xf32, #tpu.memory_space<vmem>>)
    %dma_wait3A_1590 = arith.constant 0 : i32
    %dma_wait3A_1591 = tpu.memref_slice %arg2[%add3A_1375, %dma_wait3A_1590] : memref<16384x1024xf32, #tpu.memory_space<hbm>> -> memref<8x1024xf32, #tpu.memory_space<hbm>>
    %dma_wait3A_1592 = arith.constant 0 : i32
    %dma_wait3A_1593 = tpu.memref_slice %arg2[%add3A_1375, %dma_wait3A_1592] : memref<16384x1024xf32, #tpu.memory_space<hbm>> -> memref<8x1024xf32, #tpu.memory_space<hbm>>
    tpu.wait_dma2 semaphore(%arg31 : memref<!tpu.dma_semaphore, #tpu.memory_space<semaphore_mem>>) src(%dma_wait3A_1593 : memref<8x1024xf32, #tpu.memory_space<hbm>>) dst(%arg16 : memref<8x1024xf32, #tpu.memory_space<vmem>>)
    %dma_wait3A_1594 = arith.constant 0 : i32
    %dma_wait3A_1595 = tpu.memref_slice %arg2[%add3A_1387, %dma_wait3A_1594] : memref<16384x1024xf32, #tpu.memory_space<hbm>> -> memref<8x1024xf32, #tpu.memory_space<hbm>>
    %dma_wait3A_1596 = arith.constant 0 : i32
    %dma_wait3A_1597 = tpu.memref_slice %arg2[%add3A_1387, %dma_wait3A_1596] : memref<16384x1024xf32, #tpu.memory_space<hbm>> -> memref<8x1024xf32, #tpu.memory_space<hbm>>
    tpu.wait_dma2 semaphore(%arg32 : memref<!tpu.dma_semaphore, #tpu.memory_space<semaphore_mem>>) src(%dma_wait3A_1597 : memref<8x1024xf32, #tpu.memory_space<hbm>>) dst(%arg17 : memref<8x1024xf32, #tpu.memory_space<vmem>>)
    %dma_wait3A_1598 = arith.constant 0 : i32
    %dma_wait3A_1599 = tpu.memref_slice %arg2[%add3A_1399, %dma_wait3A_1598] : memref<16384x1024xf32, #tpu.memory_space<hbm>> -> memref<8x1024xf32, #tpu.memory_space<hbm>>
    %dma_wait3A_1600 = arith.constant 0 : i32
    %dma_wait3A_1601 = tpu.memref_slice %arg2[%add3A_1399, %dma_wait3A_1600] : memref<16384x1024xf32, #tpu.memory_space<hbm>> -> memref<8x1024xf32, #tpu.memory_space<hbm>>
    tpu.wait_dma2 semaphore(%arg33 : memref<!tpu.dma_semaphore, #tpu.memory_space<semaphore_mem>>) src(%dma_wait3A_1601 : memref<8x1024xf32, #tpu.memory_space<hbm>>) dst(%arg18 : memref<8x1024xf32, #tpu.memory_space<vmem>>)
    %dma_wait3A_1602 = arith.constant 0 : i32
    %dma_wait3A_1603 = tpu.memref_slice %arg2[%add3A_1411, %dma_wait3A_1602] : memref<16384x1024xf32, #tpu.memory_space<hbm>> -> memref<8x1024xf32, #tpu.memory_space<hbm>>
    %dma_wait3A_1604 = arith.constant 0 : i32
    %dma_wait3A_1605 = tpu.memref_slice %arg2[%add3A_1411, %dma_wait3A_1604] : memref<16384x1024xf32, #tpu.memory_space<hbm>> -> memref<8x1024xf32, #tpu.memory_space<hbm>>
    tpu.wait_dma2 semaphore(%arg34 : memref<!tpu.dma_semaphore, #tpu.memory_space<semaphore_mem>>) src(%dma_wait3A_1605 : memref<8x1024xf32, #tpu.memory_space<hbm>>) dst(%arg19 : memref<8x1024xf32, #tpu.memory_space<vmem>>)
    %parallel_loop3A_1606 = arith.constant 0 : i32
    %parallel_loop3A_1607 = arith.constant 512 : i32
    %parallel_loop3A_1608 = arith.constant 1 : i32
    scf.for %parallel_loop3A_1744 = %parallel_loop3A_1606 to %parallel_loop3A_1607 step %parallel_loop3A_1608  : i32 {
      %parallel_loop3A_1745 = arith.constant 64 : i32
      %parallel_loop3A_1746 = arith.divsi %parallel_loop3A_1744, %parallel_loop3A_1745 : i32
      %parallel_loop3A_1747 = arith.constant 0 : i32
      %parallel_loop3A_1748 = arith.cmpi sgt, %parallel_loop3A_1744, %parallel_loop3A_1747 : i32
      %parallel_loop3A_1749 = arith.extui %parallel_loop3A_1748 : i1 to i32
      %parallel_loop3A_1750 = arith.constant 0 : i32
      %parallel_loop3A_1751 = arith.cmpi slt, %parallel_loop3A_1744, %parallel_loop3A_1750 : i32
      %parallel_loop3A_1752 = arith.extui %parallel_loop3A_1751 : i1 to i32
      %parallel_loop3A_1753 = arith.subi %parallel_loop3A_1749, %parallel_loop3A_1752 : i32
      %parallel_loop3A_1754 = arith.constant 0 : i32
      %parallel_loop3A_1755 = arith.cmpi sgt, %parallel_loop3A_1745, %parallel_loop3A_1754 : i32
      %parallel_loop3A_1756 = arith.extui %parallel_loop3A_1755 : i1 to i32
      %parallel_loop3A_1757 = arith.constant 0 : i32
      %parallel_loop3A_1758 = arith.cmpi slt, %parallel_loop3A_1745, %parallel_loop3A_1757 : i32
      %parallel_loop3A_1759 = arith.extui %parallel_loop3A_1758 : i1 to i32
      %parallel_loop3A_1760 = arith.subi %parallel_loop3A_1756, %parallel_loop3A_1759 : i32
      %parallel_loop3A_1761 = arith.cmpi ne, %parallel_loop3A_1753, %parallel_loop3A_1760 : i32
      %parallel_loop3A_1762 = arith.remsi %parallel_loop3A_1744, %parallel_loop3A_1745 : i32
      %parallel_loop3A_1763 = arith.constant 0 : i32
      %parallel_loop3A_1764 = arith.cmpi ne, %parallel_loop3A_1762, %parallel_loop3A_1763 : i32
      %parallel_loop3A_1765 = arith.andi %parallel_loop3A_1761, %parallel_loop3A_1764 : i1
      %parallel_loop3A_1766 = arith.constant 1 : i32
      %parallel_loop3A_1767 = arith.subi %parallel_loop3A_1746, %parallel_loop3A_1766 : i32
      %parallel_loop3A_1768 = arith.select %parallel_loop3A_1765, %parallel_loop3A_1767, %parallel_loop3A_1746 : i32
      %parallel_loop3A_1769 = arith.constant 64 : i32
      %parallel_loop3A_1770 = arith.constant 0 : i32
      %parallel_loop3A_1771 = arith.cmpi eq, %parallel_loop3A_1769, %parallel_loop3A_1770 : i32
      %parallel_loop3A_1772 = arith.constant 1 : i32
      %parallel_loop3A_1773 = arith.select %parallel_loop3A_1771, %parallel_loop3A_1772, %parallel_loop3A_1769 : i32
      %parallel_loop3A_1774 = arith.remsi %parallel_loop3A_1744, %parallel_loop3A_1773 : i32
      %parallel_loop3A_1775 = arith.constant 0 : i32
      %parallel_loop3A_1776 = arith.cmpi ne, %parallel_loop3A_1774, %parallel_loop3A_1775 : i32
      %parallel_loop3A_1777 = arith.constant 0 : i32
      %parallel_loop3A_1778 = arith.cmpi slt, %parallel_loop3A_1774, %parallel_loop3A_1777 : i32
      %parallel_loop3A_1779 = arith.constant 0 : i32
      %parallel_loop3A_1780 = arith.cmpi slt, %parallel_loop3A_1773, %parallel_loop3A_1779 : i32
      %parallel_loop3A_1781 = arith.xori %parallel_loop3A_1778, %parallel_loop3A_1780 : i1
      %parallel_loop3A_1782 = arith.andi %parallel_loop3A_1781, %parallel_loop3A_1776 : i1
      %parallel_loop3A_1783 = arith.addi %parallel_loop3A_1774, %parallel_loop3A_1773 : i32
      %parallel_loop3A_1784 = arith.select %parallel_loop3A_1782, %parallel_loop3A_1783, %parallel_loop3A_1774 : i32
      %parallel_loop3A_1785 = arith.constant 16 : i32
      %parallel_loop3A_1786 = arith.muli %parallel_loop3A_1784, %parallel_loop3A_1785 : i32
      %parallel_loop3A_1787 = arith.index_cast %parallel_loop3A_1768 : i32 to index
      %parallel_loop3A_1788 = arith.index_cast %parallel_loop3A_1786 : i32 to index
      %parallel_loop3A_1789 = tpu.vector_load %arg7[%parallel_loop3A_1787, %parallel_loop3A_1788] {strides = array<i32>} : memref<8x1024xf32, #tpu.memory_space<vmem>>, vector<1x16xf32>,
      %parallel_loop3A_1790 = vector.shape_cast %parallel_loop3A_1789 : vector<1x16xf32> to vector<16xf32>
      %parallel_loop3A_1791 = arith.index_cast %parallel_loop3A_1768 : i32 to index
      %parallel_loop3A_1792 = arith.index_cast %parallel_loop3A_1786 : i32 to index
      %parallel_loop3A_1793 = tpu.vector_load %arg16[%parallel_loop3A_1791, %parallel_loop3A_1792] {strides = array<i32>} : memref<8x1024xf32, #tpu.memory_space<vmem>>, vector<1x16xf32>,
      %parallel_loop3A_1794 = vector.shape_cast %parallel_loop3A_1793 : vector<1x16xf32> to vector<16xf32>
      %parallel_loop3A_1795 = vector.shape_cast %parallel_loop3A_1790 : vector<16xf32> to vector<1x16xf32>
      tpu.vector_store %arg16[%parallel_loop3A_1791, %parallel_loop3A_1792], %parallel_loop3A_1795 {add = true, strides = array<i32>} : memref<8x1024xf32, #tpu.memory_space<vmem>>, vector<1x16xf32>,
      %parallel_loop3A_1796 = arith.index_cast %parallel_loop3A_1768 : i32 to index
      %parallel_loop3A_1797 = arith.index_cast %parallel_loop3A_1786 : i32 to index
      %parallel_loop3A_1798 = tpu.vector_load %arg17[%parallel_loop3A_1796, %parallel_loop3A_1797] {strides = array<i32>} : memref<8x1024xf32, #tpu.memory_space<vmem>>, vector<1x16xf32>,
      %parallel_loop3A_1799 = vector.shape_cast %parallel_loop3A_1798 : vector<1x16xf32> to vector<16xf32>
      %parallel_loop3A_1800 = vector.shape_cast %parallel_loop3A_1790 : vector<16xf32> to vector<1x16xf32>
      tpu.vector_store %arg17[%parallel_loop3A_1796, %parallel_loop3A_1797], %parallel_loop3A_1800 {add = true, strides = array<i32>} : memref<8x1024xf32, #tpu.memory_space<vmem>>, vector<1x16xf32>,
      %parallel_loop3A_1801 = arith.index_cast %parallel_loop3A_1768 : i32 to index
      %parallel_loop3A_1802 = arith.index_cast %parallel_loop3A_1786 : i32 to index
      %parallel_loop3A_1803 = tpu.vector_load %arg18[%parallel_loop3A_1801, %parallel_loop3A_1802] {strides = array<i32>} : memref<8x1024xf32, #tpu.memory_space<vmem>>, vector<1x16xf32>,
      %parallel_loop3A_1804 = vector.shape_cast %parallel_loop3A_1803 : vector<1x16xf32> to vector<16xf32>
      %parallel_loop3A_1805 = vector.shape_cast %parallel_loop3A_1790 : vector<16xf32> to vector<1x16xf32>
      tpu.vector_store %arg18[%parallel_loop3A_1801, %parallel_loop3A_1802], %parallel_loop3A_1805 {add = true, strides = array<i32>} : memref<8x1024xf32, #tpu.memory_space<vmem>>, vector<1x16xf32>,
      %parallel_loop3A_1806 = arith.index_cast %parallel_loop3A_1768 : i32 to index
      %parallel_loop3A_1807 = arith.index_cast %parallel_loop3A_1786 : i32 to index
      %parallel_loop3A_1808 = tpu.vector_load %arg19[%parallel_loop3A_1806, %parallel_loop3A_1807] {strides = array<i32>} : memref<8x1024xf32, #tpu.memory_space<vmem>>, vector<1x16xf32>,
      %parallel_loop3A_1809 = vector.shape_cast %parallel_loop3A_1808 : vector<1x16xf32> to vector<16xf32>
      %parallel_loop3A_1810 = vector.shape_cast %parallel_loop3A_1790 : vector<16xf32> to vector<1x16xf32>
      tpu.vector_store %arg19[%parallel_loop3A_1806, %parallel_loop3A_1807], %parallel_loop3A_1810 {add = true, strides = array<i32>} : memref<8x1024xf32, #tpu.memory_space<vmem>>, vector<1x16xf32>,
    } {sc.loop_unroll_factor = 4 : i64, sc.parallel_access}
    %add3A_1609 = arith.constant 0 : i32
    %add3A_1610 = arith.addi %add3A_1609, %mul3A_2 : i32
    %add3A_1611 = arith.constant 112 : i32
    %add3A_1612 = arith.addi %add3A_1610, %add3A_1611 : i32
    %dma_start3A_1613 = arith.constant 0 : i32
    %dma_start3A_1614 = tpu.memref_slice %arg4[%add3A_1612, %dma_start3A_1613] : memref<16384x1024xf32, #tpu.memory_space<hbm>> -> memref<8x1024xf32, #tpu.memory_space<hbm>>
    %dma_start3A_1615 = arith.constant 0 : i32
    %dma_start3A_1616 = tpu.memref_slice %arg4[%add3A_1612, %dma_start3A_1615] : memref<16384x1024xf32, #tpu.memory_space<hbm>> -> memref<8x1024xf32, #tpu.memory_space<hbm>>
    tpu.enqueue_dma source(%arg16 : memref<8x1024xf32, #tpu.memory_space<vmem>>) target(%dma_start3A_1616 : memref<8x1024xf32, #tpu.memory_space<hbm>>) target_semaphore(%arg43 : memref<!tpu.dma_semaphore, #tpu.memory_space<semaphore_mem>>)
    %add3A_1617 = arith.constant 4096 : i32
    %add3A_1618 = arith.addi %add3A_1617, %mul3A_2 : i32
    %add3A_1619 = arith.constant 112 : i32
    %add3A_1620 = arith.addi %add3A_1618, %add3A_1619 : i32
    %dma_start3A_1621 = arith.constant 0 : i32
    %dma_start3A_1622 = tpu.memref_slice %arg4[%add3A_1620, %dma_start3A_1621] : memref<16384x1024xf32, #tpu.memory_space<hbm>> -> memref<8x1024xf32, #tpu.memory_space<hbm>>
    %dma_start3A_1623 = arith.constant 0 : i32
    %dma_start3A_1624 = tpu.memref_slice %arg4[%add3A_1620, %dma_start3A_1623] : memref<16384x1024xf32, #tpu.memory_space<hbm>> -> memref<8x1024xf32, #tpu.memory_space<hbm>>
    tpu.enqueue_dma source(%arg17 : memref<8x1024xf32, #tpu.memory_space<vmem>>) target(%dma_start3A_1624 : memref<8x1024xf32, #tpu.memory_space<hbm>>) target_semaphore(%arg44 : memref<!tpu.dma_semaphore, #tpu.memory_space<semaphore_mem>>)
    %add3A_1625 = arith.constant 8192 : i32
    %add3A_1626 = arith.addi %add3A_1625, %mul3A_2 : i32
    %add3A_1627 = arith.constant 112 : i32
    %add3A_1628 = arith.addi %add3A_1626, %add3A_1627 : i32
    %dma_start3A_1629 = arith.constant 0 : i32
    %dma_start3A_1630 = tpu.memref_slice %arg4[%add3A_1628, %dma_start3A_1629] : memref<16384x1024xf32, #tpu.memory_space<hbm>> -> memref<8x1024xf32, #tpu.memory_space<hbm>>
    %dma_start3A_1631 = arith.constant 0 : i32
    %dma_start3A_1632 = tpu.memref_slice %arg4[%add3A_1628, %dma_start3A_1631] : memref<16384x1024xf32, #tpu.memory_space<hbm>> -> memref<8x1024xf32, #tpu.memory_space<hbm>>
    tpu.enqueue_dma source(%arg18 : memref<8x1024xf32, #tpu.memory_space<vmem>>) target(%dma_start3A_1632 : memref<8x1024xf32, #tpu.memory_space<hbm>>) target_semaphore(%arg45 : memref<!tpu.dma_semaphore, #tpu.memory_space<semaphore_mem>>)
    %add3A_1633 = arith.constant 12288 : i32
    %add3A_1634 = arith.addi %add3A_1633, %mul3A_2 : i32
    %add3A_1635 = arith.constant 112 : i32
    %add3A_1636 = arith.addi %add3A_1634, %add3A_1635 : i32
    %dma_start3A_1637 = arith.constant 0 : i32
    %dma_start3A_1638 = tpu.memref_slice %arg4[%add3A_1636, %dma_start3A_1637] : memref<16384x1024xf32, #tpu.memory_space<hbm>> -> memref<8x1024xf32, #tpu.memory_space<hbm>>
    %dma_start3A_1639 = arith.constant 0 : i32
    %dma_start3A_1640 = tpu.memref_slice %arg4[%add3A_1636, %dma_start3A_1639] : memref<16384x1024xf32, #tpu.memory_space<hbm>> -> memref<8x1024xf32, #tpu.memory_space<hbm>>
    tpu.enqueue_dma source(%arg19 : memref<8x1024xf32, #tpu.memory_space<vmem>>) target(%dma_start3A_1640 : memref<8x1024xf32, #tpu.memory_space<hbm>>) target_semaphore(%arg46 : memref<!tpu.dma_semaphore, #tpu.memory_space<semaphore_mem>>)
    %dma_wait3A_1641 = arith.constant 0 : i32
    %dma_wait3A_1642 = tpu.memref_slice %arg3[%add3A_1526, %dma_wait3A_1641] : memref<4096x1024xf32, #tpu.memory_space<hbm>> -> memref<8x1024xf32, #tpu.memory_space<hbm>>
    %dma_wait3A_1643 = arith.constant 0 : i32
    %dma_wait3A_1644 = tpu.memref_slice %arg3[%add3A_1526, %dma_wait3A_1643] : memref<4096x1024xf32, #tpu.memory_space<hbm>> -> memref<8x1024xf32, #tpu.memory_space<hbm>>
    tpu.wait_dma2 semaphore(%arg20 : memref<!tpu.dma_semaphore, #tpu.memory_space<semaphore_mem>>) src(%dma_wait3A_1644 : memref<8x1024xf32, #tpu.memory_space<hbm>>) dst(%arg5 : memref<8x1024xf32, #tpu.memory_space<vmem>>)
    %dma_wait3A_1645 = arith.constant 0 : i32
    %dma_wait3A_1646 = tpu.memref_slice %arg2[%add3A_1484, %dma_wait3A_1645] : memref<16384x1024xf32, #tpu.memory_space<hbm>> -> memref<8x1024xf32, #tpu.memory_space<hbm>>
    %dma_wait3A_1647 = arith.constant 0 : i32
    %dma_wait3A_1648 = tpu.memref_slice %arg2[%add3A_1484, %dma_wait3A_1647] : memref<16384x1024xf32, #tpu.memory_space<hbm>> -> memref<8x1024xf32, #tpu.memory_space<hbm>>
    tpu.wait_dma2 semaphore(%arg23 : memref<!tpu.dma_semaphore, #tpu.memory_space<semaphore_mem>>) src(%dma_wait3A_1648 : memref<8x1024xf32, #tpu.memory_space<hbm>>) dst(%arg8 : memref<8x1024xf32, #tpu.memory_space<vmem>>)
    %dma_wait3A_1649 = arith.constant 0 : i32
    %dma_wait3A_1650 = tpu.memref_slice %arg2[%add3A_1496, %dma_wait3A_1649] : memref<16384x1024xf32, #tpu.memory_space<hbm>> -> memref<8x1024xf32, #tpu.memory_space<hbm>>
    %dma_wait3A_1651 = arith.constant 0 : i32
    %dma_wait3A_1652 = tpu.memref_slice %arg2[%add3A_1496, %dma_wait3A_1651] : memref<16384x1024xf32, #tpu.memory_space<hbm>> -> memref<8x1024xf32, #tpu.memory_space<hbm>>
    tpu.wait_dma2 semaphore(%arg24 : memref<!tpu.dma_semaphore, #tpu.memory_space<semaphore_mem>>) src(%dma_wait3A_1652 : memref<8x1024xf32, #tpu.memory_space<hbm>>) dst(%arg9 : memref<8x1024xf32, #tpu.memory_space<vmem>>)
    %dma_wait3A_1653 = arith.constant 0 : i32
    %dma_wait3A_1654 = tpu.memref_slice %arg2[%add3A_1508, %dma_wait3A_1653] : memref<16384x1024xf32, #tpu.memory_space<hbm>> -> memref<8x1024xf32, #tpu.memory_space<hbm>>
    %dma_wait3A_1655 = arith.constant 0 : i32
    %dma_wait3A_1656 = tpu.memref_slice %arg2[%add3A_1508, %dma_wait3A_1655] : memref<16384x1024xf32, #tpu.memory_space<hbm>> -> memref<8x1024xf32, #tpu.memory_space<hbm>>
    tpu.wait_dma2 semaphore(%arg25 : memref<!tpu.dma_semaphore, #tpu.memory_space<semaphore_mem>>) src(%dma_wait3A_1656 : memref<8x1024xf32, #tpu.memory_space<hbm>>) dst(%arg10 : memref<8x1024xf32, #tpu.memory_space<vmem>>)
    %dma_wait3A_1657 = arith.constant 0 : i32
    %dma_wait3A_1658 = tpu.memref_slice %arg2[%add3A_1520, %dma_wait3A_1657] : memref<16384x1024xf32, #tpu.memory_space<hbm>> -> memref<8x1024xf32, #tpu.memory_space<hbm>>
    %dma_wait3A_1659 = arith.constant 0 : i32
    %dma_wait3A_1660 = tpu.memref_slice %arg2[%add3A_1520, %dma_wait3A_1659] : memref<16384x1024xf32, #tpu.memory_space<hbm>> -> memref<8x1024xf32, #tpu.memory_space<hbm>>
    tpu.wait_dma2 semaphore(%arg26 : memref<!tpu.dma_semaphore, #tpu.memory_space<semaphore_mem>>) src(%dma_wait3A_1660 : memref<8x1024xf32, #tpu.memory_space<hbm>>) dst(%arg11 : memref<8x1024xf32, #tpu.memory_space<vmem>>)
    %parallel_loop3A_1661 = arith.constant 0 : i32
    %parallel_loop3A_1662 = arith.constant 512 : i32
    %parallel_loop3A_1663 = arith.constant 1 : i32
    scf.for %parallel_loop3A_1744 = %parallel_loop3A_1661 to %parallel_loop3A_1662 step %parallel_loop3A_1663  : i32 {
      %parallel_loop3A_1745 = arith.constant 64 : i32
      %parallel_loop3A_1746 = arith.divsi %parallel_loop3A_1744, %parallel_loop3A_1745 : i32
      %parallel_loop3A_1747 = arith.constant 0 : i32
      %parallel_loop3A_1748 = arith.cmpi sgt, %parallel_loop3A_1744, %parallel_loop3A_1747 : i32
      %parallel_loop3A_1749 = arith.extui %parallel_loop3A_1748 : i1 to i32
      %parallel_loop3A_1750 = arith.constant 0 : i32
      %parallel_loop3A_1751 = arith.cmpi slt, %parallel_loop3A_1744, %parallel_loop3A_1750 : i32
      %parallel_loop3A_1752 = arith.extui %parallel_loop3A_1751 : i1 to i32
      %parallel_loop3A_1753 = arith.subi %parallel_loop3A_1749, %parallel_loop3A_1752 : i32
      %parallel_loop3A_1754 = arith.constant 0 : i32
      %parallel_loop3A_1755 = arith.cmpi sgt, %parallel_loop3A_1745, %parallel_loop3A_1754 : i32
      %parallel_loop3A_1756 = arith.extui %parallel_loop3A_1755 : i1 to i32
      %parallel_loop3A_1757 = arith.constant 0 : i32
      %parallel_loop3A_1758 = arith.cmpi slt, %parallel_loop3A_1745, %parallel_loop3A_1757 : i32
      %parallel_loop3A_1759 = arith.extui %parallel_loop3A_1758 : i1 to i32
      %parallel_loop3A_1760 = arith.subi %parallel_loop3A_1756, %parallel_loop3A_1759 : i32
      %parallel_loop3A_1761 = arith.cmpi ne, %parallel_loop3A_1753, %parallel_loop3A_1760 : i32
      %parallel_loop3A_1762 = arith.remsi %parallel_loop3A_1744, %parallel_loop3A_1745 : i32
      %parallel_loop3A_1763 = arith.constant 0 : i32
      %parallel_loop3A_1764 = arith.cmpi ne, %parallel_loop3A_1762, %parallel_loop3A_1763 : i32
      %parallel_loop3A_1765 = arith.andi %parallel_loop3A_1761, %parallel_loop3A_1764 : i1
      %parallel_loop3A_1766 = arith.constant 1 : i32
      %parallel_loop3A_1767 = arith.subi %parallel_loop3A_1746, %parallel_loop3A_1766 : i32
      %parallel_loop3A_1768 = arith.select %parallel_loop3A_1765, %parallel_loop3A_1767, %parallel_loop3A_1746 : i32
      %parallel_loop3A_1769 = arith.constant 64 : i32
      %parallel_loop3A_1770 = arith.constant 0 : i32
      %parallel_loop3A_1771 = arith.cmpi eq, %parallel_loop3A_1769, %parallel_loop3A_1770 : i32
      %parallel_loop3A_1772 = arith.constant 1 : i32
      %parallel_loop3A_1773 = arith.select %parallel_loop3A_1771, %parallel_loop3A_1772, %parallel_loop3A_1769 : i32
      %parallel_loop3A_1774 = arith.remsi %parallel_loop3A_1744, %parallel_loop3A_1773 : i32
      %parallel_loop3A_1775 = arith.constant 0 : i32
      %parallel_loop3A_1776 = arith.cmpi ne, %parallel_loop3A_1774, %parallel_loop3A_1775 : i32
      %parallel_loop3A_1777 = arith.constant 0 : i32
      %parallel_loop3A_1778 = arith.cmpi slt, %parallel_loop3A_1774, %parallel_loop3A_1777 : i32
      %parallel_loop3A_1779 = arith.constant 0 : i32
      %parallel_loop3A_1780 = arith.cmpi slt, %parallel_loop3A_1773, %parallel_loop3A_1779 : i32
      %parallel_loop3A_1781 = arith.xori %parallel_loop3A_1778, %parallel_loop3A_1780 : i1
      %parallel_loop3A_1782 = arith.andi %parallel_loop3A_1781, %parallel_loop3A_1776 : i1
      %parallel_loop3A_1783 = arith.addi %parallel_loop3A_1774, %parallel_loop3A_1773 : i32
      %parallel_loop3A_1784 = arith.select %parallel_loop3A_1782, %parallel_loop3A_1783, %parallel_loop3A_1774 : i32
      %parallel_loop3A_1785 = arith.constant 16 : i32
      %parallel_loop3A_1786 = arith.muli %parallel_loop3A_1784, %parallel_loop3A_1785 : i32
      %parallel_loop3A_1787 = arith.index_cast %parallel_loop3A_1768 : i32 to index
      %parallel_loop3A_1788 = arith.index_cast %parallel_loop3A_1786 : i32 to index
      %parallel_loop3A_1789 = tpu.vector_load %arg5[%parallel_loop3A_1787, %parallel_loop3A_1788] {strides = array<i32>} : memref<8x1024xf32, #tpu.memory_space<vmem>>, vector<1x16xf32>,
      %parallel_loop3A_1790 = vector.shape_cast %parallel_loop3A_1789 : vector<1x16xf32> to vector<16xf32>
      %parallel_loop3A_1791 = arith.index_cast %parallel_loop3A_1768 : i32 to index
      %parallel_loop3A_1792 = arith.index_cast %parallel_loop3A_1786 : i32 to index
      %parallel_loop3A_1793 = tpu.vector_load %arg8[%parallel_loop3A_1791, %parallel_loop3A_1792] {strides = array<i32>} : memref<8x1024xf32, #tpu.memory_space<vmem>>, vector<1x16xf32>,
      %parallel_loop3A_1794 = vector.shape_cast %parallel_loop3A_1793 : vector<1x16xf32> to vector<16xf32>
      %parallel_loop3A_1795 = vector.shape_cast %parallel_loop3A_1790 : vector<16xf32> to vector<1x16xf32>
      tpu.vector_store %arg8[%parallel_loop3A_1791, %parallel_loop3A_1792], %parallel_loop3A_1795 {add = true, strides = array<i32>} : memref<8x1024xf32, #tpu.memory_space<vmem>>, vector<1x16xf32>,
      %parallel_loop3A_1796 = arith.index_cast %parallel_loop3A_1768 : i32 to index
      %parallel_loop3A_1797 = arith.index_cast %parallel_loop3A_1786 : i32 to index
      %parallel_loop3A_1798 = tpu.vector_load %arg9[%parallel_loop3A_1796, %parallel_loop3A_1797] {strides = array<i32>} : memref<8x1024xf32, #tpu.memory_space<vmem>>, vector<1x16xf32>,
      %parallel_loop3A_1799 = vector.shape_cast %parallel_loop3A_1798 : vector<1x16xf32> to vector<16xf32>
      %parallel_loop3A_1800 = vector.shape_cast %parallel_loop3A_1790 : vector<16xf32> to vector<1x16xf32>
      tpu.vector_store %arg9[%parallel_loop3A_1796, %parallel_loop3A_1797], %parallel_loop3A_1800 {add = true, strides = array<i32>} : memref<8x1024xf32, #tpu.memory_space<vmem>>, vector<1x16xf32>,
      %parallel_loop3A_1801 = arith.index_cast %parallel_loop3A_1768 : i32 to index
      %parallel_loop3A_1802 = arith.index_cast %parallel_loop3A_1786 : i32 to index
      %parallel_loop3A_1803 = tpu.vector_load %arg10[%parallel_loop3A_1801, %parallel_loop3A_1802] {strides = array<i32>} : memref<8x1024xf32, #tpu.memory_space<vmem>>, vector<1x16xf32>,
      %parallel_loop3A_1804 = vector.shape_cast %parallel_loop3A_1803 : vector<1x16xf32> to vector<16xf32>
      %parallel_loop3A_1805 = vector.shape_cast %parallel_loop3A_1790 : vector<16xf32> to vector<1x16xf32>
      tpu.vector_store %arg10[%parallel_loop3A_1801, %parallel_loop3A_1802], %parallel_loop3A_1805 {add = true, strides = array<i32>} : memref<8x1024xf32, #tpu.memory_space<vmem>>, vector<1x16xf32>,
      %parallel_loop3A_1806 = arith.index_cast %parallel_loop3A_1768 : i32 to index
      %parallel_loop3A_1807 = arith.index_cast %parallel_loop3A_1786 : i32 to index
      %parallel_loop3A_1808 = tpu.vector_load %arg11[%parallel_loop3A_1806, %parallel_loop3A_1807] {strides = array<i32>} : memref<8x1024xf32, #tpu.memory_space<vmem>>, vector<1x16xf32>,
      %parallel_loop3A_1809 = vector.shape_cast %parallel_loop3A_1808 : vector<1x16xf32> to vector<16xf32>
      %parallel_loop3A_1810 = vector.shape_cast %parallel_loop3A_1790 : vector<16xf32> to vector<1x16xf32>
      tpu.vector_store %arg11[%parallel_loop3A_1806, %parallel_loop3A_1807], %parallel_loop3A_1810 {add = true, strides = array<i32>} : memref<8x1024xf32, #tpu.memory_space<vmem>>, vector<1x16xf32>,
    } {sc.loop_unroll_factor = 4 : i64, sc.parallel_access}
    %add3A_1664 = arith.constant 0 : i32
    %add3A_1665 = arith.addi %add3A_1664, %mul3A_2 : i32
    %add3A_1666 = arith.constant 120 : i32
    %add3A_1667 = arith.addi %add3A_1665, %add3A_1666 : i32
    %dma_start3A_1668 = arith.constant 0 : i32
    %dma_start3A_1669 = tpu.memref_slice %arg4[%add3A_1667, %dma_start3A_1668] : memref<16384x1024xf32, #tpu.memory_space<hbm>> -> memref<8x1024xf32, #tpu.memory_space<hbm>>
    %dma_start3A_1670 = arith.constant 0 : i32
    %dma_start3A_1671 = tpu.memref_slice %arg4[%add3A_1667, %dma_start3A_1670] : memref<16384x1024xf32, #tpu.memory_space<hbm>> -> memref<8x1024xf32, #tpu.memory_space<hbm>>
    tpu.enqueue_dma source(%arg8 : memref<8x1024xf32, #tpu.memory_space<vmem>>) target(%dma_start3A_1671 : memref<8x1024xf32, #tpu.memory_space<hbm>>) target_semaphore(%arg35 : memref<!tpu.dma_semaphore, #tpu.memory_space<semaphore_mem>>)
    %add3A_1672 = arith.constant 4096 : i32
    %add3A_1673 = arith.addi %add3A_1672, %mul3A_2 : i32
    %add3A_1674 = arith.constant 120 : i32
    %add3A_1675 = arith.addi %add3A_1673, %add3A_1674 : i32
    %dma_start3A_1676 = arith.constant 0 : i32
    %dma_start3A_1677 = tpu.memref_slice %arg4[%add3A_1675, %dma_start3A_1676] : memref<16384x1024xf32, #tpu.memory_space<hbm>> -> memref<8x1024xf32, #tpu.memory_space<hbm>>
    %dma_start3A_1678 = arith.constant 0 : i32
    %dma_start3A_1679 = tpu.memref_slice %arg4[%add3A_1675, %dma_start3A_1678] : memref<16384x1024xf32, #tpu.memory_space<hbm>> -> memref<8x1024xf32, #tpu.memory_space<hbm>>
    tpu.enqueue_dma source(%arg9 : memref<8x1024xf32, #tpu.memory_space<vmem>>) target(%dma_start3A_1679 : memref<8x1024xf32, #tpu.memory_space<hbm>>) target_semaphore(%arg36 : memref<!tpu.dma_semaphore, #tpu.memory_space<semaphore_mem>>)
    %add3A_1680 = arith.constant 8192 : i32
    %add3A_1681 = arith.addi %add3A_1680, %mul3A_2 : i32
    %add3A_1682 = arith.constant 120 : i32
    %add3A_1683 = arith.addi %add3A_1681, %add3A_1682 : i32
    %dma_start3A_1684 = arith.constant 0 : i32
    %dma_start3A_1685 = tpu.memref_slice %arg4[%add3A_1683, %dma_start3A_1684] : memref<16384x1024xf32, #tpu.memory_space<hbm>> -> memref<8x1024xf32, #tpu.memory_space<hbm>>
    %dma_start3A_1686 = arith.constant 0 : i32
    %dma_start3A_1687 = tpu.memref_slice %arg4[%add3A_1683, %dma_start3A_1686] : memref<16384x1024xf32, #tpu.memory_space<hbm>> -> memref<8x1024xf32, #tpu.memory_space<hbm>>
    tpu.enqueue_dma source(%arg10 : memref<8x1024xf32, #tpu.memory_space<vmem>>) target(%dma_start3A_1687 : memref<8x1024xf32, #tpu.memory_space<hbm>>) target_semaphore(%arg37 : memref<!tpu.dma_semaphore, #tpu.memory_space<semaphore_mem>>)
    %add3A_1688 = arith.constant 12288 : i32
    %add3A_1689 = arith.addi %add3A_1688, %mul3A_2 : i32
    %add3A_1690 = arith.constant 120 : i32
    %add3A_1691 = arith.addi %add3A_1689, %add3A_1690 : i32
    %dma_start3A_1692 = arith.constant 0 : i32
    %dma_start3A_1693 = tpu.memref_slice %arg4[%add3A_1691, %dma_start3A_1692] : memref<16384x1024xf32, #tpu.memory_space<hbm>> -> memref<8x1024xf32, #tpu.memory_space<hbm>>
    %dma_start3A_1694 = arith.constant 0 : i32
    %dma_start3A_1695 = tpu.memref_slice %arg4[%add3A_1691, %dma_start3A_1694] : memref<16384x1024xf32, #tpu.memory_space<hbm>> -> memref<8x1024xf32, #tpu.memory_space<hbm>>
    tpu.enqueue_dma source(%arg11 : memref<8x1024xf32, #tpu.memory_space<vmem>>) target(%dma_start3A_1695 : memref<8x1024xf32, #tpu.memory_space<hbm>>) target_semaphore(%arg38 : memref<!tpu.dma_semaphore, #tpu.memory_space<semaphore_mem>>)
    %dma_wait3A_1696 = arith.constant 0 : i32
    %dma_wait3A_1697 = tpu.memref_slice %arg4[%add3A_1667, %dma_wait3A_1696] : memref<16384x1024xf32, #tpu.memory_space<hbm>> -> memref<8x1024xf32, #tpu.memory_space<hbm>>
    %dma_wait3A_1698 = arith.constant 0 : i32
    %dma_wait3A_1699 = tpu.memref_slice %arg4[%add3A_1667, %dma_wait3A_1698] : memref<16384x1024xf32, #tpu.memory_space<hbm>> -> memref<8x1024xf32, #tpu.memory_space<hbm>>
    tpu.wait_dma2 semaphore(%arg35 : memref<!tpu.dma_semaphore, #tpu.memory_space<semaphore_mem>>) src(%arg8 : memref<8x1024xf32, #tpu.memory_space<vmem>>) dst(%dma_wait3A_1699 : memref<8x1024xf32, #tpu.memory_space<hbm>>)
    %dma_wait3A_1700 = arith.constant 0 : i32
    %dma_wait3A_1701 = tpu.memref_slice %arg4[%add3A_1675, %dma_wait3A_1700] : memref<16384x1024xf32, #tpu.memory_space<hbm>> -> memref<8x1024xf32, #tpu.memory_space<hbm>>
    %dma_wait3A_1702 = arith.constant 0 : i32
    %dma_wait3A_1703 = tpu.memref_slice %arg4[%add3A_1675, %dma_wait3A_1702] : memref<16384x1024xf32, #tpu.memory_space<hbm>> -> memref<8x1024xf32, #tpu.memory_space<hbm>>
    tpu.wait_dma2 semaphore(%arg36 : memref<!tpu.dma_semaphore, #tpu.memory_space<semaphore_mem>>) src(%arg9 : memref<8x1024xf32, #tpu.memory_space<vmem>>) dst(%dma_wait3A_1703 : memref<8x1024xf32, #tpu.memory_space<hbm>>)
    %dma_wait3A_1704 = arith.constant 0 : i32
    %dma_wait3A_1705 = tpu.memref_slice %arg4[%add3A_1683, %dma_wait3A_1704] : memref<16384x1024xf32, #tpu.memory_space<hbm>> -> memref<8x1024xf32, #tpu.memory_space<hbm>>
    %dma_wait3A_1706 = arith.constant 0 : i32
    %dma_wait3A_1707 = tpu.memref_slice %arg4[%add3A_1683, %dma_wait3A_1706] : memref<16384x1024xf32, #tpu.memory_space<hbm>> -> memref<8x1024xf32, #tpu.memory_space<hbm>>
    tpu.wait_dma2 semaphore(%arg37 : memref<!tpu.dma_semaphore, #tpu.memory_space<semaphore_mem>>) src(%arg10 : memref<8x1024xf32, #tpu.memory_space<vmem>>) dst(%dma_wait3A_1707 : memref<8x1024xf32, #tpu.memory_space<hbm>>)
    %dma_wait3A_1708 = arith.constant 0 : i32
    %dma_wait3A_1709 = tpu.memref_slice %arg4[%add3A_1691, %dma_wait3A_1708] : memref<16384x1024xf32, #tpu.memory_space<hbm>> -> memref<8x1024xf32, #tpu.memory_space<hbm>>
    %dma_wait3A_1710 = arith.constant 0 : i32
    %dma_wait3A_1711 = tpu.memref_slice %arg4[%add3A_1691, %dma_wait3A_1710] : memref<16384x1024xf32, #tpu.memory_space<hbm>> -> memref<8x1024xf32, #tpu.memory_space<hbm>>
    tpu.wait_dma2 semaphore(%arg38 : memref<!tpu.dma_semaphore, #tpu.memory_space<semaphore_mem>>) src(%arg11 : memref<8x1024xf32, #tpu.memory_space<vmem>>) dst(%dma_wait3A_1711 : memref<8x1024xf32, #tpu.memory_space<hbm>>)
    %dma_wait3A_1712 = arith.constant 0 : i32
    %dma_wait3A_1713 = tpu.memref_slice %arg4[%add3A_1557, %dma_wait3A_1712] : memref<16384x1024xf32, #tpu.memory_space<hbm>> -> memref<8x1024xf32, #tpu.memory_space<hbm>>
    %dma_wait3A_1714 = arith.constant 0 : i32
    %dma_wait3A_1715 = tpu.memref_slice %arg4[%add3A_1557, %dma_wait3A_1714] : memref<16384x1024xf32, #tpu.memory_space<hbm>> -> memref<8x1024xf32, #tpu.memory_space<hbm>>
    tpu.wait_dma2 semaphore(%arg39 : memref<!tpu.dma_semaphore, #tpu.memory_space<semaphore_mem>>) src(%arg12 : memref<8x1024xf32, #tpu.memory_space<vmem>>) dst(%dma_wait3A_1715 : memref<8x1024xf32, #tpu.memory_space<hbm>>)
    %dma_wait3A_1716 = arith.constant 0 : i32
    %dma_wait3A_1717 = tpu.memref_slice %arg4[%add3A_1565, %dma_wait3A_1716] : memref<16384x1024xf32, #tpu.memory_space<hbm>> -> memref<8x1024xf32, #tpu.memory_space<hbm>>
    %dma_wait3A_1718 = arith.constant 0 : i32
    %dma_wait3A_1719 = tpu.memref_slice %arg4[%add3A_1565, %dma_wait3A_1718] : memref<16384x1024xf32, #tpu.memory_space<hbm>> -> memref<8x1024xf32, #tpu.memory_space<hbm>>
    tpu.wait_dma2 semaphore(%arg40 : memref<!tpu.dma_semaphore, #tpu.memory_space<semaphore_mem>>) src(%arg13 : memref<8x1024xf32, #tpu.memory_space<vmem>>) dst(%dma_wait3A_1719 : memref<8x1024xf32, #tpu.memory_space<hbm>>)
    %dma_wait3A_1720 = arith.constant 0 : i32
    %dma_wait3A_1721 = tpu.memref_slice %arg4[%add3A_1573, %dma_wait3A_1720] : memref<16384x1024xf32, #tpu.memory_space<hbm>> -> memref<8x1024xf32, #tpu.memory_space<hbm>>
    %dma_wait3A_1722 = arith.constant 0 : i32
    %dma_wait3A_1723 = tpu.memref_slice %arg4[%add3A_1573, %dma_wait3A_1722] : memref<16384x1024xf32, #tpu.memory_space<hbm>> -> memref<8x1024xf32, #tpu.memory_space<hbm>>
    tpu.wait_dma2 semaphore(%arg41 : memref<!tpu.dma_semaphore, #tpu.memory_space<semaphore_mem>>) src(%arg14 : memref<8x1024xf32, #tpu.memory_space<vmem>>) dst(%dma_wait3A_1723 : memref<8x1024xf32, #tpu.memory_space<hbm>>)
    %dma_wait3A_1724 = arith.constant 0 : i32
    %dma_wait3A_1725 = tpu.memref_slice %arg4[%add3A_1581, %dma_wait3A_1724] : memref<16384x1024xf32, #tpu.memory_space<hbm>> -> memref<8x1024xf32, #tpu.memory_space<hbm>>
    %dma_wait3A_1726 = arith.constant 0 : i32
    %dma_wait3A_1727 = tpu.memref_slice %arg4[%add3A_1581, %dma_wait3A_1726] : memref<16384x1024xf32, #tpu.memory_space<hbm>> -> memref<8x1024xf32, #tpu.memory_space<hbm>>
    tpu.wait_dma2 semaphore(%arg42 : memref<!tpu.dma_semaphore, #tpu.memory_space<semaphore_mem>>) src(%arg15 : memref<8x1024xf32, #tpu.memory_space<vmem>>) dst(%dma_wait3A_1727 : memref<8x1024xf32, #tpu.memory_space<hbm>>)
    %dma_wait3A_1728 = arith.constant 0 : i32
    %dma_wait3A_1729 = tpu.memref_slice %arg4[%add3A_1612, %dma_wait3A_1728] : memref<16384x1024xf32, #tpu.memory_space<hbm>> -> memref<8x1024xf32, #tpu.memory_space<hbm>>
    %dma_wait3A_1730 = arith.constant 0 : i32
    %dma_wait3A_1731 = tpu.memref_slice %arg4[%add3A_1612, %dma_wait3A_1730] : memref<16384x1024xf32, #tpu.memory_space<hbm>> -> memref<8x1024xf32, #tpu.memory_space<hbm>>
    tpu.wait_dma2 semaphore(%arg43 : memref<!tpu.dma_semaphore, #tpu.memory_space<semaphore_mem>>) src(%arg16 : memref<8x1024xf32, #tpu.memory_space<vmem>>) dst(%dma_wait3A_1731 : memref<8x1024xf32, #tpu.memory_space<hbm>>)
    %dma_wait3A_1732 = arith.constant 0 : i32
    %dma_wait3A_1733 = tpu.memref_slice %arg4[%add3A_1620, %dma_wait3A_1732] : memref<16384x1024xf32, #tpu.memory_space<hbm>> -> memref<8x1024xf32, #tpu.memory_space<hbm>>
    %dma_wait3A_1734 = arith.constant 0 : i32
    %dma_wait3A_1735 = tpu.memref_slice %arg4[%add3A_1620, %dma_wait3A_1734] : memref<16384x1024xf32, #tpu.memory_space<hbm>> -> memref<8x1024xf32, #tpu.memory_space<hbm>>
    tpu.wait_dma2 semaphore(%arg44 : memref<!tpu.dma_semaphore, #tpu.memory_space<semaphore_mem>>) src(%arg17 : memref<8x1024xf32, #tpu.memory_space<vmem>>) dst(%dma_wait3A_1735 : memref<8x1024xf32, #tpu.memory_space<hbm>>)
    %dma_wait3A_1736 = arith.constant 0 : i32
    %dma_wait3A_1737 = tpu.memref_slice %arg4[%add3A_1628, %dma_wait3A_1736] : memref<16384x1024xf32, #tpu.memory_space<hbm>> -> memref<8x1024xf32, #tpu.memory_space<hbm>>
    %dma_wait3A_1738 = arith.constant 0 : i32
    %dma_wait3A_1739 = tpu.memref_slice %arg4[%add3A_1628, %dma_wait3A_1738] : memref<16384x1024xf32, #tpu.memory_space<hbm>> -> memref<8x1024xf32, #tpu.memory_space<hbm>>
    tpu.wait_dma2 semaphore(%arg45 : memref<!tpu.dma_semaphore, #tpu.memory_space<semaphore_mem>>) src(%arg18 : memref<8x1024xf32, #tpu.memory_space<vmem>>) dst(%dma_wait3A_1739 : memref<8x1024xf32, #tpu.memory_space<hbm>>)
    %dma_wait3A_1740 = arith.constant 0 : i32
    %dma_wait3A_1741 = tpu.memref_slice %arg4[%add3A_1636, %dma_wait3A_1740] : memref<16384x1024xf32, #tpu.memory_space<hbm>> -> memref<8x1024xf32, #tpu.memory_space<hbm>>
    %dma_wait3A_1742 = arith.constant 0 : i32
    %dma_wait3A_1743 = tpu.memref_slice %arg4[%add3A_1636, %dma_wait3A_1742] : memref<16384x1024xf32, #tpu.memory_space<hbm>> -> memref<8x1024xf32, #tpu.memory_space<hbm>>
    tpu.wait_dma2 semaphore(%arg46 : memref<!tpu.dma_semaphore, #tpu.memory_space<semaphore_mem>>) src(%arg19 : memref<8x1024xf32, #tpu.memory_space<vmem>>) dst(%dma_wait3A_1743 : memref<8x1024xf32, #tpu.memory_space<hbm>>)
    return
  }
}

</mosaic_0001>

<sc_bundles>
// kernel: kernel.3.cloned.1.call-start
scs
__scs_entry_jumppad:
0x0: {  	(pc) =	sbr.rel $0x88, $3  }
0x1: {  	(tag) =	ssettag $0x0;
	lr =	simm.s32 $0x1  }
0x2: {  	[smem:$0x3F9F] =	sst lr;
	_ =	strace $0xD0000000  }
0x3: {  	_ = 	snop  }
0x4: {  	_ = 	snop  }
0x5: {  	_ = 	snop  }
0x6: {  	_ = 	snop  }
0x7: {  	_ = 	snop  }
__scs_overlays_trampoline_lowered:
0x8: {  	[smem:$0x3FAE] =	sst s0  }
0x9: {  	[smem:$0x3FAF] =	sst s1  }
0xa: {  	[smem:$0x3FB0] =	sst s2  }
0xb: {  	[smem:$0x3FB1] =	sst s3  }
0xc: {  	[smem:$0x3FB2] =	sst s4  }
0xd: {  	[smem:$0x3FB3] =	sst s5  }
0xe: {  	[smem:$0x3FB4] =	sst s6  }
0xf: {  	[smem:$0x3FB5] =	sst s7  }
0x10: {  	[smem:$0x3FB6] =	sst s8  }
0x11: {  	[smem:$0x3FB7] =	sst s9;
	s0 =	simm.s32 @!p0 $0x0  }
0x12: {  	s1 =	sld [smem:$0x3F9D];
	s0 =	simm.s32 @p0 $0x1  }
0x13: {  	[smem:$0x3FB8] =	sst s0;
	s0 =	simm.s32 @!p1 $0x0  }
0x14: {  	s2 =	sld [smem:$0x3F9C];
	s0 =	simm.s32 @p1 $0x1  }
0x15: {  	[smem:$0x3FB9] =	sst s0;
	s0 =	simm.s32 @!p2 $0x0  }
0x16: {  	s3 =	sld [smem:$0x3FDB];
	s0 =	simm.s32 @p2 $0x1  }
0x17: {  	s4 =	simm.s32 $0x1BF5;
	[smem:$0x3FBB] =	sst s0  }
0x18: {  	s0 =	sld [smem:$0x3F9E];
	_ =	swait.ge [sflag:s4], $0x0  }
0x19: {  	s7 =	sld [smem:$0x3F9F]  }
0x1a: {  	s8 =	sadd.s32 $0xFFFFE003, lr  }
0x1b: {  	s9 =	sadd.s32 $0xFFFFFEF7, lr;
	s5 =	simm.s32 $0xFFFFFFFF;
	p2 =	slt.u32 s8, $0xFFFFF086  }
0x1c: {  	p1 =	slt.u32 s9, $0xF7A;
	s5 =	simm.s32 @!p2 $0x0  }
0x1d: {  	s5 =	simm.s32 @p1 $0x1;
	p0 =	seq.s32 s7, s2  }
0x1e: {  	s7 =	smul.u32 @!p0 $0xF7A, s2;
	p2 =	seq.s32 @!p0 s5, $0x0  }
0x1f: {  	s9 =	smul.u32 $0xF7A, s1;
	s8 =	simm.s32 @!p0 $0x1BF5;
	p2 =	por !p2, p0  }
0x20: {  	[sflag:s8] =	ssyncset.s32 @!p0 $0xFFFFF086;
	s6 =	sadd.s32 @!p0 s3, s7;
	s7 =	simm.s32 @!p0 $0x108  }
0x21: {  	s3 =	sadd.s32 s3, s9;
	s6 =	sadd.s32 @!p0 $0x88, s6;
	s7 =	simm.s32 @p2 $0x1082  }
0x22: {  	[simem:s7], [sflag:s8] =	dma.local @!p0 [hbm:s6], $0xF7A  }
0x23: {  	s9 =	sor.u32 $0xD0000000, s2;
	s6 =	simm.s32 $0x108;
	_ =	swait.ge @!p0 [sflag:s8], $0x0  }
0x24: {  	s3 =	sadd.s32 $0x88, s3;
	s6 =	simm.s32 @!p1 $0x1082;
	[sflag:s4] =	ssyncset.s32 $0xFFFFF086  }
0x25: {  	[simem:s6], [sflag:s4] =	dma.local [hbm:s3], $0xF7A  }
0x26: {  	[smem:$0x3F9F] =	sst s1;
	(tag) =	ssettag s2;
	_ =	strace s9  }
0x27: {  	s1 =	sld [smem:$0x3FAF]  }
0x28: {  	s2 =	sld [smem:$0x3FB0]  }
0x29: {  	s4 =	sld [smem:$0x3FB2]  }
0x2a: {  	p0 =	seq.s32 s5, $0x0;
	s5 =	sld [smem:$0x3FB3]  }
0x2b: {  	s6 =	sld [smem:$0x3FB4]  }
0x2c: {  	s7 =	sld [smem:$0x3FB5]  }
0x2d: {  	s3 =	simm.s32 $0x108;
	s8 =	sld [smem:$0x3FB6]  }
0x2e: {  	s3 =	simm.s32 @!p0 $0x1082;
	s9 =	sld [smem:$0x3FB7]  }
0x2f: {  	lr =	sadd.s32 s0, s3;
	s0 =	sld [smem:$0x3FAE]  }
0x30: {  	s3 =	sld [smem:$0x3FB1]  }
0x31: {  	[smem:$0x3FBA] =	sst s10  }
0x32: {  	s10 =	sld [smem:$0x3FB8];
	_ =	sdelay $0x3  }
0x33: {  	p0 =	seq.s32 s10, $0x1;
	s10 =	sld [smem:$0x3FBA];
	_ =	sdelay $0x3  }
0x34: {  	[smem:$0x3FBA] =	sst s10  }
0x35: {  	s10 =	sld [smem:$0x3FB9];
	_ =	sdelay $0x3  }
0x36: {  	p1 =	seq.s32 s10, $0x1;
	s10 =	sld [smem:$0x3FBA];
	_ =	sdelay $0x3  }
0x37: {  	[smem:$0x3FBA] =	sst s10  }
0x38: {  	s10 =	sld [smem:$0x3FBB]  }
0x39: {  	_ = 	snop;
	(pc) =	sbr.ind lr, $3  }
0x3a: {  	_ = 	snop  }
0x3b: {  	_ = 	snop  }
0x3c: {  	p2 =	seq.s32 s10, $0x1;
	s10 =	sld [smem:$0x3FBA]  }
0x3d: {  	_ =	shalt  }
0x3e: {  	_ =	shalt  }
0x3f: {  	_ =	shalt  }
0x40: {  	_ =	shalt  }
0x41: {  	_ =	shalt  }
0x42: {  	_ =	shalt  }
0x43: {  	_ =	shalt  }
0x44: {  	_ =	shalt  }
0x45: {  	_ =	shalt  }
0x46: {  	_ =	shalt  }
0x47: {  	_ =	shalt  }
0x48: {  	_ =	shalt  }
0x49: {  	_ =	shalt  }
0x4a: {  	_ =	shalt  }
0x4b: {  	_ =	shalt  }
0x4c: {  	_ =	shalt  }
0x4d: {  	_ =	shalt  }
0x4e: {  	_ =	shalt  }
0x4f: {  	_ =	shalt  }
0x50: {  	_ =	shalt  }
0x51: {  	_ =	shalt  }
0x52: {  	_ =	shalt  }
0x53: {  	_ =	shalt  }
0x54: {  	_ =	shalt  }
0x55: {  	_ =	shalt  }
0x56: {  	_ =	shalt  }
0x57: {  	_ =	shalt  }
0x58: {  	_ =	shalt  }
0x59: {  	_ =	shalt  }
0x5a: {  	_ =	shalt  }
0x5b: {  	_ =	shalt  }
0x5c: {  	_ =	shalt  }
0x5d: {  	_ =	shalt  }
0x5e: {  	_ =	shalt  }
0x5f: {  	_ =	shalt  }
0x60: {  	_ =	shalt  }
0x61: {  	_ =	shalt  }
0x62: {  	_ =	shalt  }
0x63: {  	_ =	shalt  }
0x64: {  	_ =	shalt  }
0x65: {  	_ =	shalt  }
0x66: {  	_ =	shalt  }
0x67: {  	_ =	shalt  }
0x68: {  	_ =	shalt  }
0x69: {  	_ =	shalt  }
0x6a: {  	_ =	shalt  }
0x6b: {  	_ =	shalt  }
0x6c: {  	_ =	shalt  }
0x6d: {  	_ =	shalt  }
0x6e: {  	_ =	shalt  }
0x6f: {  	_ =	shalt  }
0x70: {  	_ =	shalt  }
0x71: {  	_ =	shalt  }
0x72: {  	_ =	shalt  }
0x73: {  	_ =	shalt  }
0x74: {  	_ =	shalt  }
0x75: {  	_ =	shalt  }
0x76: {  	_ =	shalt  }
0x77: {  	_ =	shalt  }
0x78: {  	_ =	shalt  }
0x79: {  	_ =	shalt  }
0x7a: {  	_ =	shalt  }
0x7b: {  	_ =	shalt  }
0x7c: {  	_ =	shalt  }
0x7d: {  	_ =	shalt  }
0x7e: {  	_ =	shalt  }
0x7f: {  	_ =	shalt  }
0x80: {  	_ =	shalt  }
0x81: {  	_ =	shalt  }
0x82: {  	_ =	shalt  }
0x83: {  	_ =	shalt  }
0x84: {  	_ =	shalt  }
0x85: {  	_ =	shalt  }
0x86: {  	_ =	shalt  }
0x87: {  	_ =	shalt  }
.Lfunc_end0:
.L_simem_size_0:
called_computation_lowered:
.L_overlay_start_0:
0x88: {  	s2 =	sld [smem:$0x3FD9]  }
0x89: {  	s3 =	sld [smem:$0x3FFE];
	_ =	sdelay $0x1  }
0x8a: {  	s1 =	srdreg.scid  }
0x8b: {  	s0 =	sand.u32 $0x1, s1  }
0x8c: {  	s18 =	sshll.u32 s0, $0xA;
	s2 =	sadd.s32 s3, s2  }
0x8d: {  	s2 =	sadd.s32 s2, s18  }
0x8e: {  	[smem:$0x3FC6] =	sst s2  }
0x8f: {  	_ = 	snop  }
0x90: {  	s2 =	sld [smem:$0x3FC9]  }
0x91: {  	s19 =	sld [smem:$0x3FC8]  }
0x92: {  	s4 =	sld [smem:$0x3FD0];
	(tm) =	ssettm $0x1  }
0x93: {  	s5 =	sld [smem:$0x3FFB];
	_ =	sdelay $0x3  }
0x94: {  	_ =	strace s5  }
0x95: {  	s5 =	sld [smem:$0x3FFC];
	_ =	sdelay $0x3  }
0x96: {  	_ =	strace s5  }
0x97: {  	s5 =	sld [smem:$0x3FFD];
	_ =	sdelay $0x3  }
0x98: {  	_ =	strace s5  }
0x99: {  	_ =	strace $0x8FFFFFFF  }
0x9a: {  	s20 =	sld [smem:$0x3FDB];
	_ =	sdelay $0x1  }
0x9b: {  	s6 =	simm.s32 $_scs_section_size  }
0x9c: {  	s7 =	simm.s32 $_size__tile_overlayer_lowered;
	s8 =	simm.s32 $_tile_overlayer_lowered  }
0x9d: {  	s23 =	simm.s32 $0x1BFF;
	s22 =	sshll.u32 s8, $0x1;
	s5 =	sadd.s32 s6, s20  }
0x9e: {  	s9 =	simm.s32 $0x0;
	s21 =	sshll.u32 s7, $0x1;
	s7 =	sadd.s32 s22, s5  }
0x9f: {  	[timem:s9], [sflag:s23] =	dma.local [hbm:s7], s21  }
0xa0: {  	_ =	swait.ge [sflag:s23], s21  }
0xa1: {  	s6 =	ssub.s32 $0x0, s21;
	[sflag:s23] =	ssyncset.done $0x0  }
0xa2: {  	[sflag:s23] =	ssyncadd.s32 s6;
	_ =	sdelay $0x1  }
0xa3: {  	s24 =	simm.s32 $0x1B8B  }
0xa4: {  	_ =	swait.ge [sflag:s24], $0x1  }
0xa5: {  	[sflag:s24] =	ssyncset.done $0x0  }
0xa6: {  	s25 =	simm.s32 $0x1B8E;
	[sflag:s24] =	ssyncadd.s32 $0xFFFFFFFF  }
0xa7: {  	s26 =	simm.s32 $execute0_lowered;
	[smem:$0x3FD2] =	sst s25  }
0xa8: {  	s6 =	sshll.u32 s26, $0x1;
	_ =	strace $0x80000046;
	[dreg:$0x1] =	wrdreg $0xFFFFFFFF  }
0xa9: {  	s28 =	simm.s32 $_size_execute0_lowered;
	s5 =	sadd.s32 s5, s6;
	[dreg:$0x0] =	wrdreg $0x0  }
0xaa: {  	s6 =	sshll.u32 s28, $0x1;
	[dreg:$0x2] =	wrdreg s5  }
0xab: {  	[dreg:$0x3] =	wrdreg s6  }
0xac: {  	[dreg:$0x4] =	wrdreg $0xC0  }
0xad: {  	_ =	task [dreg:s9], $0x5FFFF  }
0xae: {  	[dreg:$0x1] =	wrdreg $0xFFFFFFFF  }
0xaf: {  	[dreg:$0x0] =	wrdreg $0x60  }
0xb0: {  	[dreg:$0x2] =	wrdreg s2  }
0xb1: {  	[dreg:$0x3] =	wrdreg s19  }
0xb2: {  	[dreg:$0x4] =	wrdreg s4  }
0xb3: {  	[dreg:$0x5] =	wrdreg $0x9  }
0xb4: {  	_ =	task.clear_ibuf [dreg:s9], $0x6FFFF;
	_ =	strace $0x90000046  }
0xb5: {  	s29 =	simm.s32 $0x9;
	_ =	strace $0x80000048  }
0xb6: {  	_ =	swait.ge [sflag:s29], $0x1  }
0xb7: {  	[sflag:s29] =	ssyncadd.s32 $0xFFFFFFFF  }
0xb8: {  	_ =	strace $0x90000048  }
0xb9: {  	_ =	sfence  }
0xba: {  	s30 =	sld [smem:$0x0];
	_ =	sdelay $0x2  }
0xbb: {  	s31 =	sshll.u32 s1, $0xD;
	s1 =	sshrl.u32 s1, $0x2  }
0xbc: {  	s3 =	sand.u32 $0x4000, s31;
	s1 =	sadd.s32 s1, s30  }
0xbd: {  	s0 =	sor.u32 s3, s0;
	s1 =	sshll.u32 s1, $0x11  }
0xbe: {  	s0 =	sor.u32 s1, s0  }
0xbf: {  	s0 =	sadd.s32 $0x8F2B, s0  }
0xc0: {  	[sflag:s0] =	ssyncadd.remote.s32 $0x1  }
0xc1: {  	_ =	sfence.sel $0xFFFF  }
0xc2: {  	[dreg:$0x0] =	wrdreg $0xFFFFFFFF;
	(pc) =	sbr.abs _section_cstart, $3  }
0xc3: {  	[dreg:$0x1] =	wrdreg $0xFFFFFFFF  }
0xc4: {  	_ =	task.clear_ibuf [dreg:s9], $0x2FFFF;
	_ =	strace $0x9FFFFFFF  }
0xc5: {  	(tm) =	ssettm $0x7FFFFFFF  }
tec
execute0_lowered:
.L_overlay_start_1:
0x0: {  	(tag) =	ssettag $0x1  }
0x1: {  	s0 =	srdreg.scid  }
0x2: {  	s1 =	stileid.u32;
	s2 =	sand.u32 $0x1, s0  }
0x3: {  	s4 =	rddreg [dreg:$0x0];
	s5 =	sshll.u32 s1, $0xF;
	s6 =	sshll.u32 s2, $0xE  }
0x4: {  	s3 =	rddreg [dreg:$0x1];
	s5 =	sor.u32 s6, s5  }
0x5: {  	s0 =	rddreg [dreg:$0x2];
	s1 =	simm.s32 $0x0;
	s7 =	sor.u32 $0x80000, s5  }
0x6: {  	[smem:$0x7FF] =	sst s1;
	s21 =	sor.u32 $0x100000, s5;
	s20 =	sadd.s32 s4, s7  }
0x7: {  	s22 =	sor.u32 $0x180000, s5;
	s8 =	sadd.s32 s4, s21;
	[dreg:$0x4] =	wrdreg s20  }
0x8: {  	s9 =	sor.u32 $0x400, s5;
	s10 =	sadd.s32 s4, s22;
	[dreg:$0x5] =	wrdreg s8  }
0x9: {  	s23 =	sadd.s32 s3, s9;
	[dreg:$0x6] =	wrdreg s10  }
0xa: {  	s24 =	sor.u32 $0x80400, s5;
	s11 =	sadd.s32 s4, s9;
	[dreg:$0x7] =	wrdreg s23  }
0xb: {  	s26 =	sor.u32 $0x100400, s5;
	s25 =	sadd.s32 s4, s24;
	[dreg:$0x8] =	wrdreg s11  }
0xc: {  	s29 =	sor.u32 $0x180400, s5;
	s12 =	sadd.s32 s4, s26;
	[dreg:$0x9] =	wrdreg s25  }
0xd: {  	s13 =	sor.u32 $0x800, s5;
	s14 =	sadd.s32 s4, s29;
	[dreg:$0xa] =	wrdreg s12  }
0xe: {  	s30 =	sadd.s32 s4, s13;
	[dreg:$0xb] =	wrdreg s14  }
0xf: {  	s15 =	sadd.s32 s3, s13;
	[dreg:$0xc] =	wrdreg s30  }
0x10: {  	s7 =	sadd.s32 s0, s7;
	[dreg:$0xd] =	wrdreg s15  }
0x11: {  	s6 =	sadd.s32 s0, s21;
	[dreg:$0xe] =	wrdreg s7  }
0x12: {  	s2 =	ssub.s32 $0x2, s2;
	s16 =	sadd.s32 s0, s24;
	[dreg:$0xf] =	wrdreg s6  }
0x13: {  	s19 =	sshrl.u32 s2, $0x1;
	s17 =	sadd.s32 s0, s26;
	[dreg:$0x12] =	wrdreg s16  }
0x14: {  	s2 =	ssub.s32 s2, s19;
	s18 =	sadd.s32 s0, s29;
	[dreg:$0x13] =	wrdreg s17  }
0x15: {  	s31 =	sor.u32 $0x80800, s5;
	s19 =	sadd.s32 s0, s13;
	[dreg:$0x14] =	wrdreg s18  }
0x16: {  	s21 =	sadd.s32 s0, s31;
	[dreg:$0x15] =	wrdreg s19  }
0x17: {  	s8 =	sadd.s32 s0, s22;
	[dreg:$0x17] =	wrdreg s21  }
0x18: {  	s15 =	sadd.s32 s0, s9;
	[dreg:$0x10] =	wrdreg s8  }
0x19: {  	s24 =	sor.u32 $0x180800, s5;
	s20 =	sadd.s32 s4, s31;
	[dreg:$0x11] =	wrdreg s15  }
0x1a: {  	s26 =	sor.u32 $0xC00, s5;
	s25 =	sadd.s32 s4, s24;
	[dreg:$0x16] =	wrdreg s20  }
0x1b: {  	s29 =	sadd.s32 s4, s26;
	[dreg:$0x1a] =	wrdreg s25  }
0x1c: {  	s13 =	sor.u32 $0x1000, s5;
	s31 =	sadd.s32 s3, s26;
	[dreg:$0x1c] =	wrdreg s29  }
0x1d: {  	s22 =	sor.u32 $0x100800, s5;
	s14 =	sadd.s32 s4, s13;
	[dreg:$0x1d] =	wrdreg s31  }
0x1e: {  	s23 =	sadd.s32 s4, s22;
	[smem:$0x78E] =	sst s14  }
0x1f: {  	s30 =	sor.u32 $0x80C00, s5;
	s6 =	sadd.s32 s0, s22;
	[dreg:$0x18] =	wrdreg s23  }
0x20: {  	s8 =	sadd.s32 s4, s30;
	[dreg:$0x19] =	wrdreg s6  }
0x21: {  	s9 =	sor.u32 $0x100C00, s5;
	s7 =	sadd.s32 s0, s30;
	[dreg:$0x1f] =	wrdreg s8  }
0x22: {  	s11 =	sor.u32 $0x180C00, s5;
	s10 =	sadd.s32 s4, s9;
	[smem:$0x789] =	sst s7  }
0x23: {  	s12 =	sadd.s32 s4, s11;
	[smem:$0x78A] =	sst s10  }
0x24: {  	s16 =	sor.u32 $0x81000, s5;
	s15 =	sadd.s32 s3, s13;
	[smem:$0x78C] =	sst s12  }
0x25: {  	s17 =	sor.u32 $0x101000, s5;
	s18 =	sadd.s32 s4, s16;
	[smem:$0x78F] =	sst s15  }
0x26: {  	s19 =	sadd.s32 s4, s17;
	[smem:$0x791] =	sst s18  }
0x27: {  	s20 =	sadd.s32 s0, s17;
	[smem:$0x793] =	sst s19  }
0x28: {  	s6 =	sadd.s32 s0, s24;
	[smem:$0x794] =	sst s20  }
0x29: {  	s21 =	sor.u32 $0x181000, s5;
	s7 =	sadd.s32 s0, s11;
	[dreg:$0x1b] =	wrdreg s6  }
0x2a: {  	s22 =	sor.u32 $0x1400, s5;
	s23 =	sadd.s32 s4, s21;
	[smem:$0x78D] =	sst s7  }
0x2b: {  	s24 =	sadd.s32 s4, s22;
	[smem:$0x795] =	sst s23  }
0x2c: {  	s29 =	sor.u32 $0x81400, s5;
	s25 =	sadd.s32 s3, s22;
	[smem:$0x797] =	sst s24  }
0x2d: {  	s31 =	sor.u32 $0x101400, s5;
	s30 =	sadd.s32 s4, s29;
	[smem:$0x798] =	sst s25  }
0x2e: {  	s8 =	sadd.s32 s4, s31;
	[smem:$0x79A] =	sst s30  }
0x2f: {  	s6 =	sadd.s32 s0, s26;
	[smem:$0x79C] =	sst s8  }
0x30: {  	s11 =	sor.u32 $0x1800, s5;
	s26 =	sadd.s32 s0, s22;
	[dreg:$0x1e] =	wrdreg s6  }
0x31: {  	s12 =	sadd.s32 s4, s11;
	[smem:$0x799] =	sst s26  }
0x32: {  	s18 =	sor.u32 $0x181800, s5;
	s14 =	sadd.s32 s3, s11;
	[smem:$0x7A0] =	sst s12  }
0x33: {  	s20 =	sor.u32 $0x1C00, s5;
	s19 =	sadd.s32 s4, s18;
	[smem:$0x7A1] =	sst s14  }
0x34: {  	s22 =	sadd.s32 s3, s20;
	[smem:$0x7A7] =	sst s19  }
0x35: {  	s23 =	sor.u32 $0x81C00, s5;
	s6 =	sadd.s32 s0, s9;
	[smem:$0x7AA] =	sst s22  }
0x36: {  	s24 =	sor.u32 $0x101C00, s5;
	s25 =	sadd.s32 s4, s23;
	[smem:$0x78B] =	sst s6  }
0x37: {  	s26 =	sadd.s32 s4, s24;
	[smem:$0x7AC] =	sst s25  }
0x38: {  	s9 =	sor.u32 $0x181400, s5;
	s6 =	sadd.s32 s0, s13;
	[smem:$0x7AE] =	sst s26  }
0x39: {  	s19 =	sor.u32 $0x2400, s5;
	s10 =	sadd.s32 s4, s9;
	[smem:$0x790] =	sst s6  }
0x3a: {  	s22 =	sadd.s32 s3, s19;
	[smem:$0x79E] =	sst s10  }
0x3b: {  	s13 =	sor.u32 $0x81800, s5;
	s6 =	sadd.s32 s0, s16;
	[smem:$0x7BC] =	sst s22  }
0x3c: {  	s15 =	sadd.s32 s4, s13;
	[smem:$0x792] =	sst s6  }
0x3d: {  	s7 =	sadd.s32 s0, s13;
	[smem:$0x7A3] =	sst s15  }
0x3e: {  	s16 =	sor.u32 $0x101800, s5;
	s6 =	sadd.s32 s0, s21;
	[smem:$0x7A4] =	sst s7  }
0x3f: {  	s17 =	sadd.s32 s4, s16;
	[smem:$0x796] =	sst s6  }
0x40: {  	s7 =	sadd.s32 s0, s18;
	[smem:$0x7A5] =	sst s17  }
0x41: {  	s13 =	sor.u32 $0x82000, s5;
	s21 =	sadd.s32 s4, s20;
	[smem:$0x7A8] =	sst s7  }
0x42: {  	s14 =	sadd.s32 s4, s13;
	[smem:$0x7A9] =	sst s21  }
0x43: {  	s6 =	sadd.s32 s0, s29;
	[smem:$0x7B5] =	sst s14  }
0x44: {  	s29 =	sadd.s32 s0, s24;
	[smem:$0x79B] =	sst s6  }
0x45: {  	s17 =	sor.u32 $0x182000, s5;
	s6 =	sadd.s32 s0, s31;
	[smem:$0x7AF] =	sst s29  }
0x46: {  	s21 =	sor.u32 $0x82400, s5;
	s18 =	sadd.s32 s4, s17;
	[smem:$0x79D] =	sst s6  }
0x47: {  	s24 =	sor.u32 $0x102400, s5;
	s7 =	sadd.s32 s0, s21;
	[smem:$0x7B9] =	sst s18  }
0x48: {  	s26 =	sor.u32 $0x182400, s5;
	s25 =	sadd.s32 s4, s24;
	[smem:$0x7BF] =	sst s7  }
0x49: {  	s29 =	sadd.s32 s4, s26;
	[smem:$0x7C0] =	sst s25  }
0x4a: {  	s30 =	sor.u32 $0x181C00, s5;
	s6 =	sadd.s32 s0, s9;
	[smem:$0x7C2] =	sst s29  }
0x4b: {  	s31 =	sor.u32 $0x2000, s5;
	s9 =	sadd.s32 s4, s30;
	[smem:$0x79F] =	sst s6  }
0x4c: {  	s10 =	sadd.s32 s4, s31;
	[smem:$0x7B0] =	sst s9  }
0x4d: {  	s12 =	sadd.s32 s0, s31;
	[smem:$0x7B2] =	sst s10  }
0x4e: {  	s7 =	sadd.s32 s0, s26;
	[smem:$0x7B4] =	sst s12  }
0x4f: {  	s6 =	sadd.s32 s0, s11;
	[smem:$0x7C3] =	sst s7  }
0x50: {  	s26 =	sor.u32 $0x3000, s5;
	s11 =	sadd.s32 s3, s31;
	[smem:$0x7A2] =	sst s6  }
0x51: {  	s29 =	sadd.s32 s4, s26;
	[smem:$0x7B3] =	sst s11  }
0x52: {  	s15 =	sor.u32 $0x102000, s5;
	s6 =	sadd.s32 s0, s16;
	[smem:$0x7D6] =	sst s29  }
0x53: {  	s9 =	sor.u32 $0x82800, s5;
	s16 =	sadd.s32 s4, s15;
	[smem:$0x7A6] =	sst s6  }
0x54: {  	s10 =	sor.u32 $0x102800, s5;
	s11 =	sadd.s32 s4, s9;
	[smem:$0x7B7] =	sst s16  }
0x55: {  	s12 =	sadd.s32 s4, s10;
	[smem:$0x7C7] =	sst s11  }
0x56: {  	s6 =	sadd.s32 s0, s20;
	[smem:$0x7C9] =	sst s12  }
0x57: {  	s14 =	sor.u32 $0x182800, s5;
	s20 =	sadd.s32 s4, s19;
	[smem:$0x7AB] =	sst s6  }
0x58: {  	s16 =	sadd.s32 s4, s14;
	[smem:$0x7BB] =	sst s20  }
0x59: {  	s6 =	sadd.s32 s0, s23;
	[smem:$0x7CB] =	sst s16  }
0x5a: {  	s23 =	sadd.s32 s4, s21;
	[smem:$0x7AD] =	sst s6  }
0x5b: {  	s16 =	sadd.s32 s4, s5;
	[smem:$0x7BE] =	sst s23  }
0x5c: {  	s20 =	sor.u32 $0x82C00, s5;
	s6 =	sadd.s32 s0, s30;
	[smem:$0x7E0] =	sst s16  }
0x5d: {  	s22 =	sor.u32 $0x102C00, s5;
	s21 =	sadd.s32 s4, s20;
	[smem:$0x7B1] =	sst s6  }
0x5e: {  	s23 =	sadd.s32 s4, s22;
	[smem:$0x7D0] =	sst s21  }
0x5f: {  	s30 =	sor.u32 $0x2800, s5;
	s6 =	sadd.s32 s0, s13;
	[smem:$0x7D2] =	sst s23  }
0x60: {  	s31 =	sadd.s32 s4, s30;
	[smem:$0x7B6] =	sst s6  }
0x61: {  	s8 =	sadd.s32 s3, s30;
	[smem:$0x7C4] =	sst s31  }
0x62: {  	s13 =	sadd.s32 s0, s10;
	[smem:$0x7C5] =	sst s8  }
0x63: {  	s6 =	sadd.s32 s0, s15;
	[smem:$0x7CA] =	sst s13  }
0x64: {  	s10 =	sor.u32 $0x103000, s5;
	s31 =	sadd.s32 s3, s26;
	[smem:$0x7B8] =	sst s6  }
0x65: {  	s12 =	sor.u32 $0x183000, s5;
	s11 =	sadd.s32 s4, s10;
	[smem:$0x7D7] =	sst s31  }
0x66: {  	s13 =	sadd.s32 s4, s12;
	[smem:$0x7DB] =	sst s11  }
0x67: {  	s15 =	sor.u32 $0x2C00, s5;
	s6 =	sadd.s32 s0, s17;
	[smem:$0x7DD] =	sst s13  }
0x68: {  	s17 =	sadd.s32 s4, s15;
	[smem:$0x7BA] =	sst s6  }
0x69: {  	s18 =	sadd.s32 s3, s15;
	[smem:$0x7CD] =	sst s17  }
0x6a: {  	s6 =	sadd.s32 s0, s19;
	[smem:$0x7CE] =	sst s18  }
0x6b: {  	s19 =	sadd.s32 s0, s15;
	[smem:$0x7BD] =	sst s6  }
0x6c: {  	s15 =	sadd.s32 s3, s5;
	[smem:$0x7CF] =	sst s19  }
0x6d: {  	s17 =	sadd.s32 s0, s5;
	[smem:$0x7DF] =	sst s15  }
0x6e: {  	s18 =	sor.u32 $0x3400, s5;
	s6 =	sadd.s32 s0, s24;
	[smem:$0x7E1] =	sst s17  }
0x6f: {  	s17 =	sadd.s32 s4, s18;
	[smem:$0x7C1] =	sst s6  }
0x70: {  	s31 =	sadd.s32 s3, s18;
	[smem:$0x7E2] =	sst s17  }
0x71: {  	s18 =	sadd.s32 s0, s18;
	[smem:$0x7EE] =	sst s31  }
0x72: {  	s24 =	sor.u32 $0x182C00, s5;
	s6 =	sadd.s32 s0, s30;
	[smem:$0x7F1] =	sst s18  }
0x73: {  	s25 =	sadd.s32 s4, s24;
	[smem:$0x7C6] =	sst s6  }
0x74: {  	s30 =	sor.u32 $0x83000, s5;
	s6 =	sadd.s32 s0, s9;
	[smem:$0x7D4] =	sst s25  }
0x75: {  	s9 =	sadd.s32 s4, s30;
	[smem:$0x7C8] =	sst s6  }
0x76: {  	s13 =	sor.u32 $0x183800, s5;
	s7 =	sadd.s32 s0, s30;
	[smem:$0x7D9] =	sst s9  }
0x77: {  	s16 =	sor.u32 $0x103C00, s5;
	s25 =	sadd.s32 s4, s13;
	[smem:$0x7DA] =	sst s7  }
0x78: {  	s30 =	sadd.s32 s4, s16;
	[smem:$0x7E9] =	sst s25  }
0x79: {  	s6 =	sadd.s32 s0, s14;
	[smem:$0x7EC] =	sst s30  }
0x7a: {  	s14 =	sadd.s32 s0, s12;
	[smem:$0x7CC] =	sst s6  }
0x7b: {  	s25 =	sadd.s32 s0, s13;
	[smem:$0x7DE] =	sst s14  }
0x7c: {  	s30 =	sadd.s32 s0, s16;
	[smem:$0x7F8] =	sst s25  }
0x7d: {  	s7 =	sor.u32 $0x83400, s5;
	s6 =	sadd.s32 s0, s20;
	[smem:$0x7FB] =	sst s30  }
0x7e: {  	s8 =	sor.u32 $0x103400, s5;
	s19 =	sadd.s32 s4, s7;
	[smem:$0x7D1] =	sst s6  }
0x7f: {  	s9 =	sor.u32 $0x183400, s5;
	s20 =	sadd.s32 s4, s8;
	[smem:$0x7E3] =	sst s19  }
0x80: {  	s12 =	sor.u32 $0x83800, s5;
	s21 =	sadd.s32 s4, s9;
	[smem:$0x7E4] =	sst s20  }
0x81: {  	s23 =	sadd.s32 s4, s12;
	[smem:$0x7E5] =	sst s21  }
0x82: {  	s14 =	sor.u32 $0x83C00, s5;
	s6 =	sadd.s32 s0, s22;
	[smem:$0x7E7] =	sst s23  }
0x83: {  	s28 =	simm.s32 $0x16000;
	s29 =	sadd.s32 s4, s14;
	[smem:$0x7D3] =	sst s6  }
0x84: {  	s11 =	sor.u32 $0x103800, s5;
	s19 =	sadd.s32 s0, s7;
	[smem:$0x7EB] =	sst s29  }
0x85: {  	s15 =	sor.u32 $0x3C00, s5;
	s20 =	sadd.s32 s0, s8;
	[smem:$0x7F2] =	sst s19  }
0x86: {  	s31 =	smax.u32 s2, $0x1;
	s21 =	sadd.s32 s0, s9;
	[smem:$0x7F3] =	sst s20  }
0x87: {  	s2 =	simm.s32 $0x6000;
	s23 =	sadd.s32 s0, s12;
	[smem:$0x7F4] =	sst s21  }
0x88: {  	s18 =	simm.s32 $0x12;
	s6 =	sadd.s32 s0, s24;
	[smem:$0x7F6] =	sst s23  }
0x89: {  	s13 =	simm.s32 $0x5;
	s24 =	sadd.s32 s4, s11;
	[smem:$0x7D5] =	sst s6  }
0x8a: {  	s16 =	simm.s32 $0x10;
	s29 =	sadd.s32 s0, s14;
	[smem:$0x7E8] =	sst s24  }
0x8b: {  	s8 =	simm.s32 $0xE000;
	s6 =	sadd.s32 s0, s26;
	[smem:$0x7FA] =	sst s29  }
0x8c: {  	s9 =	simm.s32 $0x12000;
	s26 =	sadd.s32 s4, s15;
	[smem:$0x7D8] =	sst s6  }
0x8d: {  	s12 =	simm.s32 $0x4;
	s24 =	sadd.s32 s0, s11;
	[smem:$0x7EA] =	sst s26  }
0x8e: {  	s7 =	simm.s32 $0x0;
	s6 =	sadd.s32 s0, s10;
	[smem:$0x7F7] =	sst s24  }
0x8f: {  	s10 =	sor.u32 $0x3800, s5;
	s26 =	sadd.s32 s0, s15;
	[smem:$0x7DC] =	sst s6  }
0x90: {  	s5 =	sor.u32 $0x183C00, s5;
	s22 =	sadd.s32 s4, s10;
	[smem:$0x7F9] =	sst s26  }
0x91: {  	s14 =	simm.s32 $0x6;
	s4 =	sadd.s32 s4, s5;
	[smem:$0x7E6] =	sst s22  }
0x92: {  	s19 =	simm.s32 $0x13;
	s17 =	sadd.s32 s3, s10;
	[smem:$0x7ED] =	sst s4  }
0x93: {  	s11 =	simm.s32 $0x1A000;
	s3 =	sadd.s32 s3, s15;
	[smem:$0x7EF] =	sst s17  }
0x94: {  	s15 =	simm.s32 $0x7;
	[smem:$0x7F0] =	sst s3;
	s22 =	sadd.s32 s0, s10  }
0x95: {  	s0 =	sadd.s32 s0, s5;
	s3 =	simm.s32 $0x8000;
	[smem:$0x7F5] =	sst s22  }
0x96: {  	s4 =	simm.s32 $0xA000;
	s5 =	simm.s32 $0xC000;
	[smem:$0x7FC] =	sst s0  }
0x97: {  	s17 =	simm.s32 $0x11;
	_ =	strace $0x80000047;
	[smem:$0x7FD] =	sst s31  }
.LBB2_1:
0x98: {  	s0 =	sld [smem:$0x7DF];
	_ =	sdelay $0x1  }
0x99: {  	s25 =	sld [smem:$0x7E0]  }
0x9a: {  	[tilespmem:s1], [sflag:$0x1] =	stream.linear.gather [hbm4b:s0+s1], $0x2000, $0x38;
	[tilespmem:$0x1E000] =	vst v63  }
0x9b: {  	[smem:$0x788] =	sst s7  }
0x9c: {  	[tilespmem:s2], [sflag:$0x4] =	stream.linear.gather [hbm4b:s25+s1], $0x2000, $0x38;
	[tilespmem:$0x1E000] =	vst v63  }
0x9d: {  	s26 =	rddreg [dreg:$0x4]  }
0x9e: {  	[tilespmem:s3], [sflag:$0x5] =	stream.linear.gather [hbm4b:s26+s1], $0x2000, $0x38;
	[tilespmem:$0x1E000] =	vst v63  }
0x9f: {  	s2 =	rddreg [dreg:$0x5]  }
0xa0: {  	[tilespmem:s4], [sflag:$0x6] =	stream.linear.gather [hbm4b:s2+s1], $0x2000, $0x38;
	[tilespmem:$0x1E000] =	vst v63  }
0xa1: {  	s3 =	rddreg [dreg:$0x6]  }
0xa2: {  	[tilespmem:s5], [sflag:$0x7] =	stream.linear.gather [hbm4b:s3+s1], $0x2000, $0x38;
	[tilespmem:$0x1E000] =	vst v63  }
0xa3: {  	s4 =	rddreg [dreg:$0x7];
	s5 =	simm.s32 $0x2000  }
0xa4: {  	[tilespmem:s5], [sflag:$0x2] =	stream.linear.gather [hbm4b:s4+s1], $0x2000, $0x38;
	[tilespmem:$0x1E000] =	vst v63  }
0xa5: {  	s6 =	rddreg [dreg:$0x8]  }
0xa6: {  	[tilespmem:s8], [sflag:$0x8] =	stream.linear.gather [hbm4b:s6+s1], $0x2000, $0x38;
	[tilespmem:$0x1E000] =	vst v63  }
0xa7: {  	s7 =	rddreg [dreg:$0x9];
	s8 =	simm.s32 $0x10000  }
0xa8: {  	[tilespmem:s8], [sflag:$0x9] =	stream.linear.gather [hbm4b:s7+s1], $0x2000, $0x38;
	[tilespmem:$0x1E000] =	vst v63  }
0xa9: {  	s10 =	rddreg [dreg:$0xa]  }
0xaa: {  	[tilespmem:s9], [sflag:$0xA] =	stream.linear.gather [hbm4b:s10+s1], $0x2000, $0x38;
	[tilespmem:$0x1E000] =	vst v63  }
0xab: {  	s20 =	rddreg [dreg:$0xb];
	s9 =	simm.s32 $0x14000  }
0xac: {  	[tilespmem:s9], [sflag:$0xB] =	stream.linear.gather [hbm4b:s20+s1], $0x2000, $0x38;
	[tilespmem:$0x1E000] =	vst v63  }
0xad: {  	s21 =	rddreg [dreg:$0xc]  }
0xae: {  	[tilespmem:s28], [sflag:$0xC] =	stream.linear.gather [hbm4b:s21+s1], $0x2000, $0x38;
	[tilespmem:$0x1E000] =	vst v63  }
0xaf: {  	s22 =	rddreg [dreg:$0x16];
	s28 =	simm.s32 $0x18000  }
0xb0: {  	[tilespmem:s28], [sflag:$0xD] =	stream.linear.gather [hbm4b:s22+s1], $0x2000, $0x38;
	[tilespmem:$0x1E000] =	vst v63  }
0xb1: {  	s23 =	rddreg [dreg:$0x18]  }
0xb2: {  	[tilespmem:s11], [sflag:$0xE] =	stream.linear.gather [hbm4b:s23+s1], $0x2000, $0x38;
	[tilespmem:$0x1E000] =	vst v63  }
0xb3: {  	s24 =	rddreg [dreg:$0x1a];
	s11 =	simm.s32 $0x1C000  }
0xb4: {  	[tilespmem:s11], [sflag:$0xF] =	stream.linear.gather [hbm4b:s24+s1], $0x2000, $0x38;
	[tilespmem:$0x1E000] =	vst v63  }
0xb5: {  	s25 =	rddreg [dreg:$0xd];
	s26 =	simm.s32 $0x4000;
	s3 =	simm.s32 $0x1  }
0xb6: {  	[tilespmem:s26], [sflag:$0x3] =	stream.linear.gather [hbm4b:s25+s1], $0x2000, $0x38;
	[tilespmem:$0x1E000] =	vst v63  }
0xb7: {  	_ =	swait.ge [sflag:s3], $0x2000  }
0xb8: {  	[sflag:s3] =	ssyncset.done $0x0  }
0xb9: {  	[sflag:s3] =	ssyncadd.s32 $0xFFFFE000  }
0xba: {  	_ =	swait.ge [sflag:s12], $0x2000  }
0xbb: {  	[sflag:s12] =	ssyncset.done $0x0  }
0xbc: {  	[sflag:s12] =	ssyncadd.s32 $0xFFFFE000  }
0xbd: {  	_ =	swait.ge [sflag:s13], $0x2000  }
0xbe: {  	[sflag:s13] =	ssyncset.done $0x0  }
0xbf: {  	[sflag:s13] =	ssyncadd.s32 $0xFFFFE000  }
0xc0: {  	_ =	swait.ge [sflag:s14], $0x2000  }
0xc1: {  	[sflag:s14] =	ssyncset.done $0x0  }
0xc2: {  	[sflag:s14] =	ssyncadd.s32 $0xFFFFE000  }
0xc3: {  	s20 =	sand.u32 $0x1C00, s1;
	s21 =	sand.u32 $0x380, s1;
	_ =	swait.ge [sflag:s15], $0x2000  }
0xc4: {  	s20 =	sor.u32 s21, s20;
	s22 =	sand.u32 $0x40, s1;
	[sflag:s15] =	ssyncset.done $0x0  }
0xc5: {  	s20 =	sor.u32 s22, s20;
	[sflag:s15] =	ssyncadd.s32 $0xFFFFE000  }
0xc6: {  	v1 =	vld [tilespmem:s20+$0x30]  }
0xc7: {  	v2 =	vld [tilespmem:s20+$0x0]  }
0xc8: {  	v3 =	vld [tilespmem:s20+$0x10];
	_ =	sdelay $0x1  }
0xc9: {  	s4 =	sor.u32 $0x6030, s20;
	v0 =	vld [tilespmem:s20+$0x20]  }
0xca: {  	s22 =	sor.u32 $0x6000, s20;
	[tilespmem:s4+$0x0] =	vst.add.f32.msk $0xffff, v1  }
0xcb: {  	s25 =	sor.u32 $0x6010, s20;
	[tilespmem:s22+$0x0] =	vst.add.f32.msk $0xffff, v2  }
0xcc: {  	s5 =	sor.u32 $0x8030, s20;
	[tilespmem:s25+$0x0] =	vst.add.f32.msk $0xffff, v3  }
0xcd: {  	s10 =	sor.u32 $0x8000, s20;
	[tilespmem:s5+$0x0] =	vst.add.f32.msk $0xffff, v1  }
0xce: {  	s26 =	sor.u32 $0x8010, s20;
	[tilespmem:s10+$0x0] =	vst.add.f32.msk $0xffff, v2  }
0xcf: {  	s6 =	sor.u32 $0xA030, s20;
	[tilespmem:s26+$0x0] =	vst.add.f32.msk $0xffff, v3  }
0xd0: {  	s23 =	sor.u32 $0xA000, s20;
	[tilespmem:s6+$0x0] =	vst.add.f32.msk $0xffff, v1  }
0xd1: {  	s29 =	sor.u32 $0xA010, s20;
	[tilespmem:s23+$0x0] =	vst.add.f32.msk $0xffff, v2  }
0xd2: {  	s30 =	simm.s32 $0x0;
	s7 =	sor.u32 $0xC030, s20;
	[tilespmem:s29+$0x0] =	vst.add.f32.msk $0xffff, v3  }
0xd3: {  	s21 =	simm.s32 $0x0;
	s31 =	sor.u32 $0xC020, s20;
	s24 =	sor.u32 $0xC000, s20;
	[tilespmem:s7+$0x0] =	vst.add.f32.msk $0xffff, v1  }
0xd4: {  	s25 =	sor.u32 $0xC010, s20;
	s22 =	sor.u32 $0xA020, s20;
	s23 =	sor.u32 $0x8020, s20;
	[tilespmem:s24+$0x0] =	vst.add.f32.msk $0xffff, v2  }
0xd5: {  	s29 =	simm.s32 $0x200;
	s24 =	sor.u32 $0x6020, s20;
	[tilespmem:s25+$0x0] =	vst.add.f32.msk $0xffff, v3;
	s20 =	simm.s32 $0x8  }
.LBB2_2:
0xd6: {  	s25 =	sand.u32 $0x1C00, s29;
	s26 =	sand.u32 $0x380, s20;
	[tilespmem:s24+$0x0] =	vst.add.f32.msk $0xffff, v0;
	s21 =	sadd.s32 $0x40, s21  }
0xd7: {  	s24 =	sand.u32 $0x40, s21;
	s25 =	sor.u32 s26, s25;
	[tilespmem:s23+$0x0] =	vst.add.f32.msk $0xffff, v0  }
0xd8: {  	s25 =	sor.u32 s24, s25;
	[tilespmem:s22+$0x0] =	vst.add.f32.msk $0xffff, v0  }
0xd9: {  	s30 =	sadd.s32 $0x4, s30;
	s26 =	sor.u32 $0x6000, s25;
	s0 =	sor.u32 $0x8000, s25;
	v1 =	vld [tilespmem:s25+$0x30]  }
0xda: {  	p0 =	slt.u32 s30, $0x1FC;
	s10 =	sor.u32 $0xA000, s25;
	s2 =	sor.u32 $0xC000, s25;
	v2 =	vld [tilespmem:s25+$0x0]  }
0xdb: {  	s3 =	sor.u32 $0x6010, s25;
	s4 =	sor.u32 $0x8010, s25;
	s5 =	sor.u32 $0xA010, s25;
	v3 =	vld [tilespmem:s25+$0x10]  }
0xdc: {  	s6 =	sor.u32 $0xC010, s25;
	s24 =	sor.u32 $0x6020, s25;
	s23 =	sor.u32 $0x8020, s25;
	v4 =	vld [tilespmem:s25+$0x20]  }
0xdd: {  	s22 =	sor.u32 $0xA020, s25;
	s7 =	sor.u32 $0x6030, s25;
	[tilespmem:s31+$0x0] =	vst.add.f32.msk $0xffff, v0;
	s31 =	sor.u32 $0xC020, s25  }
0xde: {  	[tilespmem:s7+$0x0] =	vst.add.f32.msk $0xffff, v1;
	s7 =	sor.u32 $0x8030, s25  }
0xdf: {  	[tilespmem:s7+$0x0] =	vst.add.f32.msk $0xffff, v1;
	s7 =	sor.u32 $0xA030, s25  }
0xe0: {  	[tilespmem:s7+$0x0] =	vst.add.f32.msk $0xffff, v1;
	s7 =	sor.u32 $0xC030, s25  }
0xe1: {  	[tilespmem:s7+$0x0] =	vst.add.f32.msk $0xffff, v1;
	v0 =	vmov v4  }
0xe2: {  	[tilespmem:s26+$0x0] =	vst.add.f32.msk $0xffff, v2  }
0xe3: {  	[tilespmem:s0+$0x0] =	vst.add.f32.msk $0xffff, v2  }
0xe4: {  	[tilespmem:s10+$0x0] =	vst.add.f32.msk $0xffff, v2  }
.Ltmp0:
0xe5: {  	[tilespmem:s2+$0x0] =	vst.add.f32.msk $0xffff, v2;
	(pc) =	sbr.rel @p0 .LBB2_2-.Ltmp0, $4  }
0xe6: {  	[tilespmem:s3+$0x0] =	vst.add.f32.msk $0xffff, v3  }
0xe7: {  	[tilespmem:s4+$0x0] =	vst.add.f32.msk $0xffff, v3  }
0xe8: {  	[tilespmem:s5+$0x0] =	vst.add.f32.msk $0xffff, v3  }
0xe9: {  	s29 =	sadd.s32 $0x200, s29;
	s20 =	sadd.s32 $0x8, s20;
	[tilespmem:s6+$0x0] =	vst.add.f32.msk $0xffff, v3  }
0xea: {  	[tilespmem:s24+$0x0] =	vst.add.f32.msk $0xffff, v0  }
0xeb: {  	[tilespmem:s23+$0x0] =	vst.add.f32.msk $0xffff, v0  }
0xec: {  	[tilespmem:s22+$0x0] =	vst.add.f32.msk $0xffff, v0  }
0xed: {  	[tilespmem:s31+$0x0] =	vst.add.f32.msk $0xffff, v0  }
0xee: {  	s0 =	sld [smem:$0x7E1];
	_ =	sdelay $0x1  }
0xef: {  	s30 =	simm.s32 $0x0;
	s2 =	simm.s32 $0x6000  }
0xf0: {  	[hbm4b:s0+s30] =	stream.linear.scatter [tilespmem:s2], [sflag:$0x10], $0x2000, $0x38;
	[tilespmem:$0x1E000] =	vst v63  }
0xf1: {  	s3 =	simm.s32 $0x8000;
	s23 =	rddreg [dreg:$0xe]  }
0xf2: {  	[hbm4b:s23+s30] =	stream.linear.scatter [tilespmem:s3], [sflag:$0x11], $0x2000, $0x38;
	[tilespmem:$0x1E000] =	vst v63  }
0xf3: {  	s4 =	simm.s32 $0xA000;
	s24 =	rddreg [dreg:$0xf]  }
0xf4: {  	[hbm4b:s24+s30] =	stream.linear.scatter [tilespmem:s4], [sflag:$0x12], $0x2000, $0x38;
	[tilespmem:$0x1E000] =	vst v63  }
0xf5: {  	s5 =	simm.s32 $0xC000;
	s25 =	rddreg [dreg:$0x10]  }
0xf6: {  	[hbm4b:s25+s30] =	stream.linear.scatter [tilespmem:s5], [sflag:$0x13], $0x2000, $0x38;
	[tilespmem:$0x1E000] =	vst v63  }
0xf7: {  	_ =	swait.ge [sflag:s16], $0x2000  }
0xf8: {  	[sflag:s16] =	ssyncset.done $0x0  }
0xf9: {  	s26 =	rddreg [dreg:$0x1c];
	[sflag:s16] =	ssyncadd.s32 $0xFFFFE000  }
0xfa: {  	[tilespmem:s2], [sflag:$0x4] =	stream.linear.gather [hbm4b:s26+s30], $0x2000, $0x38;
	[tilespmem:$0x1E000] =	vst v63  }
0xfb: {  	_ =	swait.ge [sflag:s17], $0x2000  }
0xfc: {  	[sflag:s17] =	ssyncset.done $0x0  }
0xfd: {  	s2 =	rddreg [dreg:$0x1f];
	[sflag:s17] =	ssyncadd.s32 $0xFFFFE000  }
0xfe: {  	[tilespmem:s3], [sflag:$0x5] =	stream.linear.gather [hbm4b:s2+s30], $0x2000, $0x38;
	[tilespmem:$0x1E000] =	vst v63  }
0xff: {  	_ =	swait.ge [sflag:s18], $0x2000  }
0x100: {  	s3 =	sld [smem:$0x78A]  }
0x101: {  	[sflag:s18] =	ssyncset.done $0x0  }
0x102: {  	[sflag:s18] =	ssyncadd.s32 $0xFFFFE000  }
0x103: {  	[tilespmem:s4], [sflag:$0x6] =	stream.linear.gather [hbm4b:s3+s30], $0x2000, $0x38;
	[tilespmem:$0x1E000] =	vst v63  }
0x104: {  	_ =	swait.ge [sflag:s19], $0x2000  }
0x105: {  	s6 =	sld [smem:$0x78C]  }
0x106: {  	[sflag:s19] =	ssyncset.done $0x0  }
0x107: {  	[sflag:s19] =	ssyncadd.s32 $0xFFFFE000  }
0x108: {  	[tilespmem:s5], [sflag:$0x7] =	stream.linear.gather [hbm4b:s6+s30], $0x2000, $0x38;
	[tilespmem:$0x1E000] =	vst v63  }
0x109: {  	s10 =	simm.s32 $0x2;
	s7 =	rddreg [dreg:$0x1d]  }
0x10a: {  	[tilespmem:s30], [sflag:$0x1] =	stream.linear.gather [hbm4b:s7+s30], $0x2000, $0x38;
	[tilespmem:$0x1E000] =	vst v63  }
0x10b: {  	_ =	swait.ge [sflag:s10], $0x2000  }
0x10c: {  	[sflag:s10] =	ssyncset.done $0x0  }
0x10d: {  	s20 =	simm.s32 $0x8;
	[sflag:s10] =	ssyncadd.s32 $0xFFFFE000  }
0x10e: {  	_ =	swait.ge [sflag:s20], $0x2000  }
0x10f: {  	[sflag:s20] =	ssyncset.done $0x0  }
0x110: {  	s21 =	simm.s32 $0x9;
	[sflag:s20] =	ssyncadd.s32 $0xFFFFE000  }
0x111: {  	_ =	swait.ge [sflag:s21], $0x2000  }
0x112: {  	[sflag:s21] =	ssyncset.done $0x0  }
0x113: {  	s22 =	simm.s32 $0xA;
	[sflag:s21] =	ssyncadd.s32 $0xFFFFE000  }
0x114: {  	_ =	swait.ge [sflag:s22], $0x2000  }
0x115: {  	[sflag:s22] =	ssyncset.done $0x0  }
0x116: {  	s23 =	simm.s32 $0xB;
	[sflag:s22] =	ssyncadd.s32 $0xFFFFE000  }
0x117: {  	s24 =	sand.u32 $0x1C00, s30;
	s25 =	sand.u32 $0x380, s30;
	_ =	swait.ge [sflag:s23], $0x2000  }
0x118: {  	s0 =	sor.u32 s25, s24;
	s26 =	sand.u32 $0x40, s30;
	[sflag:s23] =	ssyncset.done $0x0  }
0x119: {  	s0 =	sor.u32 s26, s0;
	[sflag:s23] =	ssyncadd.s32 $0xFFFFE000  }
0x11a: {  	v1 =	vld [tilespmem:s0+$0x2030]  }
0x11b: {  	v2 =	vld [tilespmem:s0+$0x2000]  }
0x11c: {  	v3 =	vld [tilespmem:s0+$0x2010];
	_ =	sdelay $0x1  }
0x11d: {  	s5 =	sor.u32 $0xE030, s0;
	v0 =	vld [tilespmem:s0+$0x2020]  }
0x11e: {  	s3 =	sor.u32 $0xE000, s0;
	[tilespmem:s5+$0x0] =	vst.add.f32.msk $0xffff, v1  }
0x11f: {  	s23 =	sor.u32 $0xE010, s0;
	[tilespmem:s3+$0x0] =	vst.add.f32.msk $0xffff, v2  }
0x120: {  	s6 =	sor.u32 $0x10030, s0;
	[tilespmem:s23+$0x0] =	vst.add.f32.msk $0xffff, v3  }
0x121: {  	s20 =	sor.u32 $0x10000, s0;
	[tilespmem:s6+$0x0] =	vst.add.f32.msk $0xffff, v1  }
0x122: {  	s24 =	sor.u32 $0x10010, s0;
	[tilespmem:s20+$0x0] =	vst.add.f32.msk $0xffff, v2  }
0x123: {  	s7 =	sor.u32 $0x12030, s0;
	[tilespmem:s24+$0x0] =	vst.add.f32.msk $0xffff, v3  }
0x124: {  	s21 =	sor.u32 $0x12000, s0;
	[tilespmem:s7+$0x0] =	vst.add.f32.msk $0xffff, v1  }
0x125: {  	s25 =	sor.u32 $0x12010, s0;
	[tilespmem:s21+$0x0] =	vst.add.f32.msk $0xffff, v2  }
0x126: {  	s10 =	sor.u32 $0x14030, s0;
	[tilespmem:s25+$0x0] =	vst.add.f32.msk $0xffff, v3  }
0x127: {  	s31 =	simm.s32 $0x0;
	s26 =	sor.u32 $0x14010, s0;
	s22 =	sor.u32 $0x14000, s0;
	[tilespmem:s10+$0x0] =	vst.add.f32.msk $0xffff, v1  }
0x128: {  	s29 =	sor.u32 $0x14020, s0;
	s23 =	sor.u32 $0x10020, s0;
	s24 =	sor.u32 $0xE020, s0;
	[tilespmem:s22+$0x0] =	vst.add.f32.msk $0xffff, v2  }
0x129: {  	s20 =	simm.s32 $0x200;
	s21 =	simm.s32 $0x8;
	s22 =	sor.u32 $0x12020, s0;
	[tilespmem:s26+$0x0] =	vst.add.f32.msk $0xffff, v3  }
.LBB2_4:
0x12a: {  	s0 =	sand.u32 $0x1C00, s20;
	s2 =	sand.u32 $0x380, s21;
	[tilespmem:s24+$0x0] =	vst.add.f32.msk $0xffff, v0;
	s30 =	sadd.s32 $0x40, s30  }
0x12b: {  	s3 =	sand.u32 $0x40, s30;
	s0 =	sor.u32 s2, s0;
	[tilespmem:s23+$0x0] =	vst.add.f32.msk $0xffff, v0  }
0x12c: {  	s0 =	sor.u32 s3, s0;
	[tilespmem:s22+$0x0] =	vst.add.f32.msk $0xffff, v0  }
0x12d: {  	s31 =	sadd.s32 $0x4, s31;
	s2 =	sor.u32 $0xE000, s0;
	s3 =	sor.u32 $0x10000, s0;
	v1 =	vld [tilespmem:s0+$0x2030]  }
0x12e: {  	p0 =	slt.u32 s31, $0x1FC;
	s4 =	sor.u32 $0x12000, s0;
	s5 =	sor.u32 $0x14000, s0;
	v2 =	vld [tilespmem:s0+$0x2000]  }
0x12f: {  	s6 =	sor.u32 $0xE010, s0;
	s7 =	sor.u32 $0x10010, s0;
	s10 =	sor.u32 $0x12010, s0;
	v3 =	vld [tilespmem:s0+$0x2010]  }
0x130: {  	s25 =	sor.u32 $0x14010, s0;
	s24 =	sor.u32 $0xE020, s0;
	s23 =	sor.u32 $0x10020, s0;
	v4 =	vld [tilespmem:s0+$0x2020]  }
0x131: {  	s22 =	sor.u32 $0x12020, s0;
	s26 =	sor.u32 $0xE030, s0;
	[tilespmem:s29+$0x0] =	vst.add.f32.msk $0xffff, v0;
	s29 =	sor.u32 $0x14020, s0  }
0x132: {  	[tilespmem:s26+$0x0] =	vst.add.f32.msk $0xffff, v1;
	s26 =	sor.u32 $0x10030, s0  }
0x133: {  	[tilespmem:s26+$0x0] =	vst.add.f32.msk $0xffff, v1;
	s26 =	sor.u32 $0x12030, s0  }
0x134: {  	s0 =	sor.u32 $0x14030, s0;
	[tilespmem:s26+$0x0] =	vst.add.f32.msk $0xffff, v1  }
0x135: {  	[tilespmem:s0+$0x0] =	vst.add.f32.msk $0xffff, v1;
	v0 =	vmov v4  }
0x136: {  	[tilespmem:s2+$0x0] =	vst.add.f32.msk $0xffff, v2  }
0x137: {  	[tilespmem:s3+$0x0] =	vst.add.f32.msk $0xffff, v2  }
0x138: {  	[tilespmem:s4+$0x0] =	vst.add.f32.msk $0xffff, v2  }
.Ltmp1:
0x139: {  	[tilespmem:s5+$0x0] =	vst.add.f32.msk $0xffff, v2;
	(pc) =	sbr.rel @p0 .LBB2_4-.Ltmp1, $4  }
0x13a: {  	[tilespmem:s6+$0x0] =	vst.add.f32.msk $0xffff, v3  }
0x13b: {  	[tilespmem:s7+$0x0] =	vst.add.f32.msk $0xffff, v3  }
0x13c: {  	[tilespmem:s10+$0x0] =	vst.add.f32.msk $0xffff, v3  }
0x13d: {  	s20 =	sadd.s32 $0x200, s20;
	s21 =	sadd.s32 $0x8, s21;
	[tilespmem:s25+$0x0] =	vst.add.f32.msk $0xffff, v3  }
0x13e: {  	[tilespmem:s24+$0x0] =	vst.add.f32.msk $0xffff, v0  }
0x13f: {  	[tilespmem:s23+$0x0] =	vst.add.f32.msk $0xffff, v0  }
0x140: {  	[tilespmem:s22+$0x0] =	vst.add.f32.msk $0xffff, v0  }
0x141: {  	[tilespmem:s29+$0x0] =	vst.add.f32.msk $0xffff, v0  }
0x142: {  	s30 =	simm.s32 $0x0;
	s2 =	simm.s32 $0xE000;
	s0 =	rddreg [dreg:$0x11]  }
0x143: {  	[hbm4b:s0+s30] =	stream.linear.scatter [tilespmem:s2], [sflag:$0x14], $0x2000, $0x38;
	[tilespmem:$0x1E000] =	vst v63  }
0x144: {  	s20 =	rddreg [dreg:$0x12]  }
0x145: {  	[hbm4b:s20+s30] =	stream.linear.scatter [tilespmem:s8], [sflag:$0x15], $0x2000, $0x38;
	[tilespmem:$0x1E000] =	vst v63  }
0x146: {  	s3 =	simm.s32 $0x12000;
	s21 =	rddreg [dreg:$0x13]  }
0x147: {  	[hbm4b:s21+s30] =	stream.linear.scatter [tilespmem:s3], [sflag:$0x16], $0x2000, $0x38;
	[tilespmem:$0x1E000] =	vst v63  }
0x148: {  	s23 =	simm.s32 $0x14;
	s22 =	rddreg [dreg:$0x14]  }
0x149: {  	[hbm4b:s22+s30] =	stream.linear.scatter [tilespmem:s9], [sflag:$0x17], $0x2000, $0x38;
	[tilespmem:$0x1E000] =	vst v63  }
0x14a: {  	_ =	swait.ge [sflag:s23], $0x2000  }
0x14b: {  	s24 =	sld [smem:$0x78E]  }
0x14c: {  	[sflag:s23] =	ssyncset.done $0x0  }
0x14d: {  	s25 =	simm.s32 $0x15;
	[sflag:s23] =	ssyncadd.s32 $0xFFFFE000  }
0x14e: {  	[tilespmem:s2], [sflag:$0x8] =	stream.linear.gather [hbm4b:s24+s30], $0x2000, $0x38;
	[tilespmem:$0x1E000] =	vst v63  }
0x14f: {  	_ =	swait.ge [sflag:s25], $0x2000  }
0x150: {  	s26 =	sld [smem:$0x791]  }
0x151: {  	[sflag:s25] =	ssyncset.done $0x0  }
0x152: {  	s2 =	simm.s32 $0x16;
	[sflag:s25] =	ssyncadd.s32 $0xFFFFE000  }
0x153: {  	[tilespmem:s8], [sflag:$0x9] =	stream.linear.gather [hbm4b:s26+s30], $0x2000, $0x38;
	[tilespmem:$0x1E000] =	vst v63  }
0x154: {  	_ =	swait.ge [sflag:s2], $0x2000  }
0x155: {  	s4 =	sld [smem:$0x793]  }
0x156: {  	[sflag:s2] =	ssyncset.done $0x0  }
0x157: {  	s5 =	simm.s32 $0x17;
	[sflag:s2] =	ssyncadd.s32 $0xFFFFE000  }
0x158: {  	[tilespmem:s3], [sflag:$0xA] =	stream.linear.gather [hbm4b:s4+s30], $0x2000, $0x38;
	[tilespmem:$0x1E000] =	vst v63  }
0x159: {  	_ =	swait.ge [sflag:s5], $0x2000  }
0x15a: {  	s6 =	sld [smem:$0x795]  }
0x15b: {  	[sflag:s5] =	ssyncset.done $0x0  }
0x15c: {  	s7 =	sld [smem:$0x78F];
	[sflag:s5] =	ssyncadd.s32 $0xFFFFE000  }
0x15d: {  	[tilespmem:s9], [sflag:$0xB] =	stream.linear.gather [hbm4b:s6+s30], $0x2000, $0x38;
	[tilespmem:$0x1E000] =	vst v63  }
0x15e: {  	s10 =	simm.s32 $0x2000;
	s20 =	simm.s32 $0x3  }
0x15f: {  	[tilespmem:s10], [sflag:$0x2] =	stream.linear.gather [hbm4b:s7+s30], $0x2000, $0x38;
	[tilespmem:$0x1E000] =	vst v63  }
0x160: {  	_ =	swait.ge [sflag:s20], $0x2000  }
0x161: {  	[sflag:s20] =	ssyncset.done $0x0  }
0x162: {  	s21 =	simm.s32 $0xC;
	[sflag:s20] =	ssyncadd.s32 $0xFFFFE000  }
0x163: {  	_ =	swait.ge [sflag:s21], $0x2000  }
0x164: {  	[sflag:s21] =	ssyncset.done $0x0  }
0x165: {  	s22 =	simm.s32 $0xD;
	[sflag:s21] =	ssyncadd.s32 $0xFFFFE000  }
0x166: {  	_ =	swait.ge [sflag:s22], $0x2000  }
0x167: {  	[sflag:s22] =	ssyncset.done $0x0  }
0x168: {  	s23 =	simm.s32 $0xE;
	[sflag:s22] =	ssyncadd.s32 $0xFFFFE000  }
0x169: {  	_ =	swait.ge [sflag:s23], $0x2000  }
0x16a: {  	[sflag:s23] =	ssyncset.done $0x0  }
0x16b: {  	s4 =	simm.s32 $0xF;
	[sflag:s23] =	ssyncadd.s32 $0xFFFFE000  }
0x16c: {  	s24 =	sand.u32 $0x1C00, s30;
	s25 =	sand.u32 $0x380, s30;
	_ =	swait.ge [sflag:s4], $0x2000  }
0x16d: {  	s0 =	sor.u32 s25, s24;
	s26 =	sand.u32 $0x40, s30;
	[sflag:s4] =	ssyncset.done $0x0  }
0x16e: {  	s0 =	sor.u32 s26, s0;
	[sflag:s4] =	ssyncadd.s32 $0xFFFFE000  }
0x16f: {  	v1 =	vld [tilespmem:s0+$0x4030]  }
0x170: {  	v2 =	vld [tilespmem:s0+$0x4000]  }
0x171: {  	v3 =	vld [tilespmem:s0+$0x4010];
	_ =	sdelay $0x1  }
0x172: {  	s5 =	sor.u32 $0x16030, s0;
	v0 =	vld [tilespmem:s0+$0x4020]  }
0x173: {  	s3 =	sor.u32 $0x16000, s0;
	[tilespmem:s5+$0x0] =	vst.add.f32.msk $0xffff, v1  }
0x174: {  	s23 =	sor.u32 $0x16010, s0;
	[tilespmem:s3+$0x0] =	vst.add.f32.msk $0xffff, v2  }
0x175: {  	s6 =	sor.u32 $0x18030, s0;
	[tilespmem:s23+$0x0] =	vst.add.f32.msk $0xffff, v3  }
0x176: {  	s20 =	sor.u32 $0x18000, s0;
	[tilespmem:s6+$0x0] =	vst.add.f32.msk $0xffff, v1  }
0x177: {  	s24 =	sor.u32 $0x18010, s0;
	[tilespmem:s20+$0x0] =	vst.add.f32.msk $0xffff, v2  }
0x178: {  	s7 =	sor.u32 $0x1A030, s0;
	[tilespmem:s24+$0x0] =	vst.add.f32.msk $0xffff, v3  }
0x179: {  	s21 =	sor.u32 $0x1A000, s0;
	[tilespmem:s7+$0x0] =	vst.add.f32.msk $0xffff, v1  }
0x17a: {  	s25 =	sor.u32 $0x1A010, s0;
	[tilespmem:s21+$0x0] =	vst.add.f32.msk $0xffff, v2  }
0x17b: {  	s10 =	sor.u32 $0x1C030, s0;
	[tilespmem:s25+$0x0] =	vst.add.f32.msk $0xffff, v3  }
0x17c: {  	s31 =	simm.s32 $0x0;
	s26 =	sor.u32 $0x1C010, s0;
	s22 =	sor.u32 $0x1C000, s0;
	[tilespmem:s10+$0x0] =	vst.add.f32.msk $0xffff, v1  }
0x17d: {  	s29 =	sor.u32 $0x1C020, s0;
	s23 =	sor.u32 $0x18020, s0;
	s24 =	sor.u32 $0x16020, s0;
	[tilespmem:s22+$0x0] =	vst.add.f32.msk $0xffff, v2  }
0x17e: {  	s20 =	simm.s32 $0x200;
	s21 =	simm.s32 $0x8;
	s22 =	sor.u32 $0x1A020, s0;
	[tilespmem:s26+$0x0] =	vst.add.f32.msk $0xffff, v3  }
.LBB2_6:
0x17f: {  	s0 =	sand.u32 $0x1C00, s20;
	s2 =	sand.u32 $0x380, s21;
	[tilespmem:s24+$0x0] =	vst.add.f32.msk $0xffff, v0;
	s30 =	sadd.s32 $0x40, s30  }
0x180: {  	s3 =	sand.u32 $0x40, s30;
	s0 =	sor.u32 s2, s0;
	[tilespmem:s23+$0x0] =	vst.add.f32.msk $0xffff, v0  }
0x181: {  	s0 =	sor.u32 s3, s0;
	[tilespmem:s22+$0x0] =	vst.add.f32.msk $0xffff, v0  }
0x182: {  	s31 =	sadd.s32 $0x4, s31;
	s2 =	sor.u32 $0x16000, s0;
	s3 =	sor.u32 $0x18000, s0;
	v1 =	vld [tilespmem:s0+$0x4030]  }
0x183: {  	p0 =	slt.u32 s31, $0x1FC;
	s4 =	sor.u32 $0x1A000, s0;
	s5 =	sor.u32 $0x1C000, s0;
	v2 =	vld [tilespmem:s0+$0x4000]  }
0x184: {  	s6 =	sor.u32 $0x16010, s0;
	s7 =	sor.u32 $0x18010, s0;
	s10 =	sor.u32 $0x1A010, s0;
	v3 =	vld [tilespmem:s0+$0x4010]  }
0x185: {  	s25 =	sor.u32 $0x1C010, s0;
	s24 =	sor.u32 $0x16020, s0;
	s23 =	sor.u32 $0x18020, s0;
	v4 =	vld [tilespmem:s0+$0x4020]  }
0x186: {  	s22 =	sor.u32 $0x1A020, s0;
	s26 =	sor.u32 $0x16030, s0;
	[tilespmem:s29+$0x0] =	vst.add.f32.msk $0xffff, v0;
	s29 =	sor.u32 $0x1C020, s0  }
0x187: {  	[tilespmem:s26+$0x0] =	vst.add.f32.msk $0xffff, v1;
	s26 =	sor.u32 $0x18030, s0  }
0x188: {  	[tilespmem:s26+$0x0] =	vst.add.f32.msk $0xffff, v1;
	s26 =	sor.u32 $0x1A030, s0  }
0x189: {  	s0 =	sor.u32 $0x1C030, s0;
	[tilespmem:s26+$0x0] =	vst.add.f32.msk $0xffff, v1  }
0x18a: {  	[tilespmem:s0+$0x0] =	vst.add.f32.msk $0xffff, v1;
	v0 =	vmov v4  }
0x18b: {  	[tilespmem:s2+$0x0] =	vst.add.f32.msk $0xffff, v2  }
0x18c: {  	[tilespmem:s3+$0x0] =	vst.add.f32.msk $0xffff, v2  }
0x18d: {  	[tilespmem:s4+$0x0] =	vst.add.f32.msk $0xffff, v2  }
.Ltmp2:
0x18e: {  	[tilespmem:s5+$0x0] =	vst.add.f32.msk $0xffff, v2;
	(pc) =	sbr.rel @p0 .LBB2_6-.Ltmp2, $4  }
0x18f: {  	[tilespmem:s6+$0x0] =	vst.add.f32.msk $0xffff, v3  }
0x190: {  	[tilespmem:s7+$0x0] =	vst.add.f32.msk $0xffff, v3  }
0x191: {  	[tilespmem:s10+$0x0] =	vst.add.f32.msk $0xffff, v3  }
0x192: {  	s20 =	sadd.s32 $0x200, s20;
	s21 =	sadd.s32 $0x8, s21;
	[tilespmem:s25+$0x0] =	vst.add.f32.msk $0xffff, v3  }
0x193: {  	[tilespmem:s24+$0x0] =	vst.add.f32.msk $0xffff, v0  }
0x194: {  	[tilespmem:s23+$0x0] =	vst.add.f32.msk $0xffff, v0  }
0x195: {  	[tilespmem:s22+$0x0] =	vst.add.f32.msk $0xffff, v0  }
0x196: {  	[tilespmem:s29+$0x0] =	vst.add.f32.msk $0xffff, v0  }
0x197: {  	s30 =	simm.s32 $0x0;
	s2 =	simm.s32 $0x16000;
	s0 =	rddreg [dreg:$0x15]  }
0x198: {  	[hbm4b:s0+s30] =	stream.linear.scatter [tilespmem:s2], [sflag:$0x18], $0x2000, $0x38;
	[tilespmem:$0x1E000] =	vst v63  }
0x199: {  	s3 =	rddreg [dreg:$0x17]  }
0x19a: {  	[hbm4b:s3+s30] =	stream.linear.scatter [tilespmem:s28], [sflag:$0x19], $0x2000, $0x38;
	[tilespmem:$0x1E000] =	vst v63  }
0x19b: {  	s4 =	rddreg [dreg:$0x19];
	s3 =	simm.s32 $0x1A000  }
0x19c: {  	[hbm4b:s4+s30] =	stream.linear.scatter [tilespmem:s3], [sflag:$0x1A], $0x2000, $0x38;
	[tilespmem:$0x1E000] =	vst v63  }
0x19d: {  	s6 =	simm.s32 $0x18;
	s5 =	rddreg [dreg:$0x1b]  }
0x19e: {  	[hbm4b:s5+s30] =	stream.linear.scatter [tilespmem:s11], [sflag:$0x1B], $0x2000, $0x38;
	[tilespmem:$0x1E000] =	vst v63  }
0x19f: {  	_ =	swait.ge [sflag:s6], $0x2000  }
0x1a0: {  	s7 =	sld [smem:$0x797]  }
0x1a1: {  	[sflag:s6] =	ssyncset.done $0x0  }
0x1a2: {  	s10 =	simm.s32 $0x19;
	[sflag:s6] =	ssyncadd.s32 $0xFFFFE000  }
0x1a3: {  	[tilespmem:s2], [sflag:$0xC] =	stream.linear.gather [hbm4b:s7+s30], $0x2000, $0x38;
	[tilespmem:$0x1E000] =	vst v63  }
0x1a4: {  	_ =	swait.ge [sflag:s10], $0x2000  }
0x1a5: {  	s20 =	sld [smem:$0x79A]  }
0x1a6: {  	[sflag:s10] =	ssyncset.done $0x0  }
0x1a7: {  	s21 =	simm.s32 $0x1A;
	[sflag:s10] =	ssyncadd.s32 $0xFFFFE000  }
0x1a8: {  	[tilespmem:s28], [sflag:$0xD] =	stream.linear.gather [hbm4b:s20+s30], $0x2000, $0x38;
	[tilespmem:$0x1E000] =	vst v63  }
0x1a9: {  	_ =	swait.ge [sflag:s21], $0x2000  }
0x1aa: {  	s22 =	sld [smem:$0x79C]  }
0x1ab: {  	[sflag:s21] =	ssyncset.done $0x0  }
0x1ac: {  	s23 =	simm.s32 $0x1B;
	[sflag:s21] =	ssyncadd.s32 $0xFFFFE000  }
0x1ad: {  	[tilespmem:s3], [sflag:$0xE] =	stream.linear.gather [hbm4b:s22+s30], $0x2000, $0x38;
	[tilespmem:$0x1E000] =	vst v63  }
0x1ae: {  	_ =	swait.ge [sflag:s23], $0x2000  }
0x1af: {  	s24 =	sld [smem:$0x79E]  }
0x1b0: {  	[sflag:s23] =	ssyncset.done $0x0  }
0x1b1: {  	s25 =	sld [smem:$0x798];
	[sflag:s23] =	ssyncadd.s32 $0xFFFFE000  }
0x1b2: {  	[tilespmem:s11], [sflag:$0xF] =	stream.linear.gather [hbm4b:s24+s30], $0x2000, $0x38;
	[tilespmem:$0x1E000] =	vst v63  }
0x1b3: {  	s26 =	simm.s32 $0x4000;
	s2 =	simm.s32 $0x1  }
0x1b4: {  	[tilespmem:s26], [sflag:$0x3] =	stream.linear.gather [hbm4b:s25+s30], $0x2000, $0x38;
	[tilespmem:$0x1E000] =	vst v63  }
0x1b5: {  	_ =	swait.ge [sflag:s2], $0x2000  }
0x1b6: {  	[sflag:s2] =	ssyncset.done $0x0  }
0x1b7: {  	[sflag:s2] =	ssyncadd.s32 $0xFFFFE000  }
0x1b8: {  	_ =	swait.ge [sflag:s12], $0x2000  }
0x1b9: {  	[sflag:s12] =	ssyncset.done $0x0  }
0x1ba: {  	[sflag:s12] =	ssyncadd.s32 $0xFFFFE000  }
0x1bb: {  	_ =	swait.ge [sflag:s13], $0x2000  }
0x1bc: {  	[sflag:s13] =	ssyncset.done $0x0  }
0x1bd: {  	[sflag:s13] =	ssyncadd.s32 $0xFFFFE000  }
0x1be: {  	_ =	swait.ge [sflag:s14], $0x2000  }
0x1bf: {  	[sflag:s14] =	ssyncset.done $0x0  }
0x1c0: {  	[sflag:s14] =	ssyncadd.s32 $0xFFFFE000  }
0x1c1: {  	s4 =	sand.u32 $0x380, s30;
	s3 =	sand.u32 $0x1C00, s30;
	_ =	swait.ge [sflag:s15], $0x2000  }
0x1c2: {  	s5 =	sand.u32 $0x40, s30;
	s0 =	sor.u32 s4, s3;
	[sflag:s15] =	ssyncset.done $0x0  }
0x1c3: {  	s0 =	sor.u32 s5, s0;
	[sflag:s15] =	ssyncadd.s32 $0xFFFFE000  }
0x1c4: {  	v1 =	vld [tilespmem:s0+$0x30]  }
0x1c5: {  	v2 =	vld [tilespmem:s0+$0x0]  }
0x1c6: {  	v3 =	vld [tilespmem:s0+$0x10];
	_ =	sdelay $0x1  }
0x1c7: {  	s6 =	sor.u32 $0x6030, s0;
	v0 =	vld [tilespmem:s0+$0x20]  }
0x1c8: {  	s3 =	sor.u32 $0x6000, s0;
	[tilespmem:s6+$0x0] =	vst.add.f32.msk $0xffff, v1  }
0x1c9: {  	s24 =	sor.u32 $0x6010, s0;
	[tilespmem:s3+$0x0] =	vst.add.f32.msk $0xffff, v2  }
0x1ca: {  	s7 =	sor.u32 $0x8030, s0;
	[tilespmem:s24+$0x0] =	vst.add.f32.msk $0xffff, v3  }
0x1cb: {  	s21 =	sor.u32 $0x8000, s0;
	[tilespmem:s7+$0x0] =	vst.add.f32.msk $0xffff, v1  }
0x1cc: {  	s25 =	sor.u32 $0x8010, s0;
	[tilespmem:s21+$0x0] =	vst.add.f32.msk $0xffff, v2  }
0x1cd: {  	s10 =	sor.u32 $0xA030, s0;
	[tilespmem:s25+$0x0] =	vst.add.f32.msk $0xffff, v3  }
0x1ce: {  	s22 =	sor.u32 $0xA000, s0;
	[tilespmem:s10+$0x0] =	vst.add.f32.msk $0xffff, v1  }
0x1cf: {  	s26 =	sor.u32 $0xA010, s0;
	[tilespmem:s22+$0x0] =	vst.add.f32.msk $0xffff, v2  }
0x1d0: {  	s20 =	sor.u32 $0xC030, s0;
	[tilespmem:s26+$0x0] =	vst.add.f32.msk $0xffff, v3  }
0x1d1: {  	s31 =	simm.s32 $0x0;
	s23 =	sor.u32 $0xC000, s0;
	s4 =	sor.u32 $0xC010, s0;
	[tilespmem:s20+$0x0] =	vst.add.f32.msk $0xffff, v1  }
0x1d2: {  	s29 =	sor.u32 $0xC020, s0;
	s24 =	sor.u32 $0x6020, s0;
	s21 =	simm.s32 $0x8;
	[tilespmem:s23+$0x0] =	vst.add.f32.msk $0xffff, v2  }
0x1d3: {  	s22 =	sor.u32 $0xA020, s0;
	s23 =	sor.u32 $0x8020, s0;
	[tilespmem:s4+$0x0] =	vst.add.f32.msk $0xffff, v3;
	s20 =	simm.s32 $0x200  }
.LBB2_8:
0x1d4: {  	s0 =	sand.u32 $0x1C00, s20;
	s2 =	sand.u32 $0x380, s21;
	[tilespmem:s24+$0x0] =	vst.add.f32.msk $0xffff, v0;
	s30 =	sadd.s32 $0x40, s30  }
0x1d5: {  	s3 =	sand.u32 $0x40, s30;
	s0 =	sor.u32 s2, s0;
	[tilespmem:s23+$0x0] =	vst.add.f32.msk $0xffff, v0  }
0x1d6: {  	s0 =	sor.u32 s3, s0;
	[tilespmem:s22+$0x0] =	vst.add.f32.msk $0xffff, v0  }
0x1d7: {  	s31 =	sadd.s32 $0x4, s31;
	s2 =	sor.u32 $0x6000, s0;
	s3 =	sor.u32 $0x8000, s0;
	v1 =	vld [tilespmem:s0+$0x30]  }
0x1d8: {  	p0 =	slt.u32 s31, $0x1FC;
	s4 =	sor.u32 $0xA000, s0;
	s5 =	sor.u32 $0xC000, s0;
	v2 =	vld [tilespmem:s0+$0x0]  }
0x1d9: {  	s6 =	sor.u32 $0x6010, s0;
	s7 =	sor.u32 $0x8010, s0;
	s10 =	sor.u32 $0xA010, s0;
	v3 =	vld [tilespmem:s0+$0x10]  }
0x1da: {  	s25 =	sor.u32 $0xC010, s0;
	s24 =	sor.u32 $0x6020, s0;
	s23 =	sor.u32 $0x8020, s0;
	v4 =	vld [tilespmem:s0+$0x20]  }
0x1db: {  	s22 =	sor.u32 $0xA020, s0;
	s26 =	sor.u32 $0x6030, s0;
	[tilespmem:s29+$0x0] =	vst.add.f32.msk $0xffff, v0;
	s29 =	sor.u32 $0xC020, s0  }
0x1dc: {  	[tilespmem:s26+$0x0] =	vst.add.f32.msk $0xffff, v1;
	s26 =	sor.u32 $0x8030, s0  }
0x1dd: {  	[tilespmem:s26+$0x0] =	vst.add.f32.msk $0xffff, v1;
	s26 =	sor.u32 $0xA030, s0  }
0x1de: {  	s0 =	sor.u32 $0xC030, s0;
	[tilespmem:s26+$0x0] =	vst.add.f32.msk $0xffff, v1  }
0x1df: {  	[tilespmem:s0+$0x0] =	vst.add.f32.msk $0xffff, v1;
	v0 =	vmov v4  }
0x1e0: {  	[tilespmem:s2+$0x0] =	vst.add.f32.msk $0xffff, v2  }
0x1e1: {  	[tilespmem:s3+$0x0] =	vst.add.f32.msk $0xffff, v2  }
0x1e2: {  	[tilespmem:s4+$0x0] =	vst.add.f32.msk $0xffff, v2  }
.Ltmp3:
0x1e3: {  	[tilespmem:s5+$0x0] =	vst.add.f32.msk $0xffff, v2;
	(pc) =	sbr.rel @p0 .LBB2_8-.Ltmp3, $4  }
0x1e4: {  	[tilespmem:s6+$0x0] =	vst.add.f32.msk $0xffff, v3  }
0x1e5: {  	[tilespmem:s7+$0x0] =	vst.add.f32.msk $0xffff, v3  }
0x1e6: {  	[tilespmem:s10+$0x0] =	vst.add.f32.msk $0xffff, v3  }
0x1e7: {  	s20 =	sadd.s32 $0x200, s20;
	s21 =	sadd.s32 $0x8, s21;
	[tilespmem:s25+$0x0] =	vst.add.f32.msk $0xffff, v3  }
0x1e8: {  	[tilespmem:s24+$0x0] =	vst.add.f32.msk $0xffff, v0  }
0x1e9: {  	[tilespmem:s23+$0x0] =	vst.add.f32.msk $0xffff, v0  }
0x1ea: {  	[tilespmem:s22+$0x0] =	vst.add.f32.msk $0xffff, v0  }
0x1eb: {  	[tilespmem:s29+$0x0] =	vst.add.f32.msk $0xffff, v0  }
0x1ec: {  	s0 =	rddreg [dreg:$0x1e]  }
0x1ed: {  	s30 =	simm.s32 $0x0;
	s2 =	simm.s32 $0x6000;
	s23 =	sld [smem:$0x789]  }
0x1ee: {  	[hbm4b:s0+s30] =	stream.linear.scatter [tilespmem:s2], [sflag:$0x10], $0x2000, $0x38;
	[tilespmem:$0x1E000] =	vst v63  }
0x1ef: {  	s3 =	simm.s32 $0x8000;
	s24 =	sld [smem:$0x78B]  }
0x1f0: {  	[hbm4b:s23+s30] =	stream.linear.scatter [tilespmem:s3], [sflag:$0x11], $0x2000, $0x38;
	[tilespmem:$0x1E000] =	vst v63  }
0x1f1: {  	s4 =	simm.s32 $0xA000;
	s25 =	sld [smem:$0x78D]  }
0x1f2: {  	[hbm4b:s24+s30] =	stream.linear.scatter [tilespmem:s4], [sflag:$0x12], $0x2000, $0x38;
	[tilespmem:$0x1E000] =	vst v63  }
0x1f3: {  	s5 =	simm.s32 $0xC000  }
0x1f4: {  	[hbm4b:s25+s30] =	stream.linear.scatter [tilespmem:s5], [sflag:$0x13], $0x2000, $0x38;
	[tilespmem:$0x1E000] =	vst v63  }
0x1f5: {  	_ =	swait.ge [sflag:s16], $0x2000  }
0x1f6: {  	s26 =	sld [smem:$0x7A0]  }
0x1f7: {  	[sflag:s16] =	ssyncset.done $0x0  }
0x1f8: {  	[sflag:s16] =	ssyncadd.s32 $0xFFFFE000  }
0x1f9: {  	[tilespmem:s2], [sflag:$0x4] =	stream.linear.gather [hbm4b:s26+s30], $0x2000, $0x38;
	[tilespmem:$0x1E000] =	vst v63  }
0x1fa: {  	_ =	swait.ge [sflag:s17], $0x2000  }
0x1fb: {  	s2 =	sld [smem:$0x7A3]  }
0x1fc: {  	[sflag:s17] =	ssyncset.done $0x0  }
0x1fd: {  	[sflag:s17] =	ssyncadd.s32 $0xFFFFE000  }
0x1fe: {  	[tilespmem:s3], [sflag:$0x5] =	stream.linear.gather [hbm4b:s2+s30], $0x2000, $0x38;
	[tilespmem:$0x1E000] =	vst v63  }
0x1ff: {  	_ =	swait.ge [sflag:s18], $0x2000  }
0x200: {  	s3 =	sld [smem:$0x7A5]  }
0x201: {  	[sflag:s18] =	ssyncset.done $0x0  }
0x202: {  	[sflag:s18] =	ssyncadd.s32 $0xFFFFE000  }
0x203: {  	[tilespmem:s4], [sflag:$0x6] =	stream.linear.gather [hbm4b:s3+s30], $0x2000, $0x38;
	[tilespmem:$0x1E000] =	vst v63  }
0x204: {  	_ =	swait.ge [sflag:s19], $0x2000  }
0x205: {  	s6 =	sld [smem:$0x7A7]  }
0x206: {  	[sflag:s19] =	ssyncset.done $0x0  }
0x207: {  	s7 =	sld [smem:$0x7A1];
	[sflag:s19] =	ssyncadd.s32 $0xFFFFE000  }
0x208: {  	[tilespmem:s5], [sflag:$0x7] =	stream.linear.gather [hbm4b:s6+s30], $0x2000, $0x38;
	[tilespmem:$0x1E000] =	vst v63  }
0x209: {  	s10 =	simm.s32 $0x2  }
0x20a: {  	[tilespmem:s30], [sflag:$0x1] =	stream.linear.gather [hbm4b:s7+s30], $0x2000, $0x38;
	[tilespmem:$0x1E000] =	vst v63  }
0x20b: {  	_ =	swait.ge [sflag:s10], $0x2000  }
0x20c: {  	[sflag:s10] =	ssyncset.done $0x0  }
0x20d: {  	s20 =	simm.s32 $0x8;
	[sflag:s10] =	ssyncadd.s32 $0xFFFFE000  }
0x20e: {  	_ =	swait.ge [sflag:s20], $0x2000  }
0x20f: {  	[sflag:s20] =	ssyncset.done $0x0  }
0x210: {  	s21 =	simm.s32 $0x9;
	[sflag:s20] =	ssyncadd.s32 $0xFFFFE000  }
0x211: {  	_ =	swait.ge [sflag:s21], $0x2000  }
0x212: {  	[sflag:s21] =	ssyncset.done $0x0  }
0x213: {  	s22 =	simm.s32 $0xA;
	[sflag:s21] =	ssyncadd.s32 $0xFFFFE000  }
0x214: {  	_ =	swait.ge [sflag:s22], $0x2000  }
0x215: {  	[sflag:s22] =	ssyncset.done $0x0  }
0x216: {  	s23 =	simm.s32 $0xB;
	[sflag:s22] =	ssyncadd.s32 $0xFFFFE000  }
0x217: {  	s24 =	sand.u32 $0x1C00, s30;
	s25 =	sand.u32 $0x380, s30;
	_ =	swait.ge [sflag:s23], $0x2000  }
0x218: {  	s0 =	sor.u32 s25, s24;
	s26 =	sand.u32 $0x40, s30;
	[sflag:s23] =	ssyncset.done $0x0  }
0x219: {  	s0 =	sor.u32 s26, s0;
	[sflag:s23] =	ssyncadd.s32 $0xFFFFE000  }
0x21a: {  	v1 =	vld [tilespmem:s0+$0x2030]  }
0x21b: {  	v2 =	vld [tilespmem:s0+$0x2000]  }
0x21c: {  	v3 =	vld [tilespmem:s0+$0x2010];
	_ =	sdelay $0x1  }
0x21d: {  	s5 =	sor.u32 $0xE030, s0;
	v0 =	vld [tilespmem:s0+$0x2020]  }
0x21e: {  	s3 =	sor.u32 $0xE000, s0;
	[tilespmem:s5+$0x0] =	vst.add.f32.msk $0xffff, v1  }
0x21f: {  	s23 =	sor.u32 $0xE010, s0;
	[tilespmem:s3+$0x0] =	vst.add.f32.msk $0xffff, v2  }
0x220: {  	s6 =	sor.u32 $0x10030, s0;
	[tilespmem:s23+$0x0] =	vst.add.f32.msk $0xffff, v3  }
0x221: {  	s20 =	sor.u32 $0x10000, s0;
	[tilespmem:s6+$0x0] =	vst.add.f32.msk $0xffff, v1  }
0x222: {  	s24 =	sor.u32 $0x10010, s0;
	[tilespmem:s20+$0x0] =	vst.add.f32.msk $0xffff, v2  }
0x223: {  	s7 =	sor.u32 $0x12030, s0;
	[tilespmem:s24+$0x0] =	vst.add.f32.msk $0xffff, v3  }
0x224: {  	s21 =	sor.u32 $0x12000, s0;
	[tilespmem:s7+$0x0] =	vst.add.f32.msk $0xffff, v1  }
0x225: {  	s25 =	sor.u32 $0x12010, s0;
	[tilespmem:s21+$0x0] =	vst.add.f32.msk $0xffff, v2  }
0x226: {  	s10 =	sor.u32 $0x14030, s0;
	[tilespmem:s25+$0x0] =	vst.add.f32.msk $0xffff, v3  }
0x227: {  	s31 =	simm.s32 $0x0;
	s26 =	sor.u32 $0x14010, s0;
	s22 =	sor.u32 $0x14000, s0;
	[tilespmem:s10+$0x0] =	vst.add.f32.msk $0xffff, v1  }
0x228: {  	s29 =	sor.u32 $0x14020, s0;
	s23 =	sor.u32 $0x10020, s0;
	s24 =	sor.u32 $0xE020, s0;
	[tilespmem:s22+$0x0] =	vst.add.f32.msk $0xffff, v2  }
0x229: {  	s20 =	simm.s32 $0x200;
	s21 =	simm.s32 $0x8;
	s22 =	sor.u32 $0x12020, s0;
	[tilespmem:s26+$0x0] =	vst.add.f32.msk $0xffff, v3  }
.LBB2_10:
0x22a: {  	s0 =	sand.u32 $0x1C00, s20;
	s2 =	sand.u32 $0x380, s21;
	[tilespmem:s24+$0x0] =	vst.add.f32.msk $0xffff, v0;
	s30 =	sadd.s32 $0x40, s30  }
0x22b: {  	s3 =	sand.u32 $0x40, s30;
	s0 =	sor.u32 s2, s0;
	[tilespmem:s23+$0x0] =	vst.add.f32.msk $0xffff, v0  }
0x22c: {  	s0 =	sor.u32 s3, s0;
	[tilespmem:s22+$0x0] =	vst.add.f32.msk $0xffff, v0  }
0x22d: {  	s31 =	sadd.s32 $0x4, s31;
	s2 =	sor.u32 $0xE000, s0;
	s3 =	sor.u32 $0x10000, s0;
	v1 =	vld [tilespmem:s0+$0x2030]  }
0x22e: {  	p0 =	slt.u32 s31, $0x1FC;
	s4 =	sor.u32 $0x12000, s0;
	s5 =	sor.u32 $0x14000, s0;
	v2 =	vld [tilespmem:s0+$0x2000]  }
0x22f: {  	s6 =	sor.u32 $0xE010, s0;
	s7 =	sor.u32 $0x10010, s0;
	s10 =	sor.u32 $0x12010, s0;
	v3 =	vld [tilespmem:s0+$0x2010]  }
0x230: {  	s25 =	sor.u32 $0x14010, s0;
	s24 =	sor.u32 $0xE020, s0;
	s23 =	sor.u32 $0x10020, s0;
	v4 =	vld [tilespmem:s0+$0x2020]  }
0x231: {  	s22 =	sor.u32 $0x12020, s0;
	s26 =	sor.u32 $0xE030, s0;
	[tilespmem:s29+$0x0] =	vst.add.f32.msk $0xffff, v0;
	s29 =	sor.u32 $0x14020, s0  }
0x232: {  	[tilespmem:s26+$0x0] =	vst.add.f32.msk $0xffff, v1;
	s26 =	sor.u32 $0x10030, s0  }
0x233: {  	[tilespmem:s26+$0x0] =	vst.add.f32.msk $0xffff, v1;
	s26 =	sor.u32 $0x12030, s0  }
0x234: {  	s0 =	sor.u32 $0x14030, s0;
	[tilespmem:s26+$0x0] =	vst.add.f32.msk $0xffff, v1  }
0x235: {  	[tilespmem:s0+$0x0] =	vst.add.f32.msk $0xffff, v1;
	v0 =	vmov v4  }
0x236: {  	[tilespmem:s2+$0x0] =	vst.add.f32.msk $0xffff, v2  }
0x237: {  	[tilespmem:s3+$0x0] =	vst.add.f32.msk $0xffff, v2  }
0x238: {  	[tilespmem:s4+$0x0] =	vst.add.f32.msk $0xffff, v2  }
.Ltmp4:
0x239: {  	[tilespmem:s5+$0x0] =	vst.add.f32.msk $0xffff, v2;
	(pc) =	sbr.rel @p0 .LBB2_10-.Ltmp4, $4  }
0x23a: {  	[tilespmem:s6+$0x0] =	vst.add.f32.msk $0xffff, v3  }
0x23b: {  	[tilespmem:s7+$0x0] =	vst.add.f32.msk $0xffff, v3  }
0x23c: {  	[tilespmem:s10+$0x0] =	vst.add.f32.msk $0xffff, v3  }
0x23d: {  	s20 =	sadd.s32 $0x200, s20;
	s21 =	sadd.s32 $0x8, s21;
	[tilespmem:s25+$0x0] =	vst.add.f32.msk $0xffff, v3  }
0x23e: {  	[tilespmem:s24+$0x0] =	vst.add.f32.msk $0xffff, v0  }
0x23f: {  	[tilespmem:s23+$0x0] =	vst.add.f32.msk $0xffff, v0  }
0x240: {  	[tilespmem:s22+$0x0] =	vst.add.f32.msk $0xffff, v0  }
0x241: {  	[tilespmem:s29+$0x0] =	vst.add.f32.msk $0xffff, v0  }
0x242: {  	s0 =	sld [smem:$0x790];
	_ =	sdelay $0x1  }
0x243: {  	s30 =	simm.s32 $0x0;
	s2 =	simm.s32 $0xE000;
	s20 =	sld [smem:$0x792]  }
0x244: {  	[hbm4b:s0+s30] =	stream.linear.scatter [tilespmem:s2], [sflag:$0x14], $0x2000, $0x38;
	[tilespmem:$0x1E000] =	vst v63  }
0x245: {  	s21 =	sld [smem:$0x794]  }
0x246: {  	[hbm4b:s20+s30] =	stream.linear.scatter [tilespmem:s8], [sflag:$0x15], $0x2000, $0x38;
	[tilespmem:$0x1E000] =	vst v63  }
0x247: {  	s3 =	simm.s32 $0x12000;
	s22 =	sld [smem:$0x796]  }
0x248: {  	[hbm4b:s21+s30] =	stream.linear.scatter [tilespmem:s3], [sflag:$0x16], $0x2000, $0x38;
	[tilespmem:$0x1E000] =	vst v63  }
0x249: {  	s23 =	simm.s32 $0x14  }
0x24a: {  	[hbm4b:s22+s30] =	stream.linear.scatter [tilespmem:s9], [sflag:$0x17], $0x2000, $0x38;
	[tilespmem:$0x1E000] =	vst v63  }
0x24b: {  	_ =	swait.ge [sflag:s23], $0x2000  }
0x24c: {  	s24 =	sld [smem:$0x7A9]  }
0x24d: {  	[sflag:s23] =	ssyncset.done $0x0  }
0x24e: {  	s25 =	simm.s32 $0x15;
	[sflag:s23] =	ssyncadd.s32 $0xFFFFE000  }
0x24f: {  	[tilespmem:s2], [sflag:$0x8] =	stream.linear.gather [hbm4b:s24+s30], $0x2000, $0x38;
	[tilespmem:$0x1E000] =	vst v63  }
0x250: {  	_ =	swait.ge [sflag:s25], $0x2000  }
0x251: {  	s26 =	sld [smem:$0x7AC]  }
0x252: {  	[sflag:s25] =	ssyncset.done $0x0  }
0x253: {  	s2 =	simm.s32 $0x16;
	[sflag:s25] =	ssyncadd.s32 $0xFFFFE000  }
0x254: {  	[tilespmem:s8], [sflag:$0x9] =	stream.linear.gather [hbm4b:s26+s30], $0x2000, $0x38;
	[tilespmem:$0x1E000] =	vst v63  }
0x255: {  	_ =	swait.ge [sflag:s2], $0x2000  }
0x256: {  	s4 =	sld [smem:$0x7AE]  }
0x257: {  	[sflag:s2] =	ssyncset.done $0x0  }
0x258: {  	s5 =	simm.s32 $0x17;
	[sflag:s2] =	ssyncadd.s32 $0xFFFFE000  }
0x259: {  	[tilespmem:s3], [sflag:$0xA] =	stream.linear.gather [hbm4b:s4+s30], $0x2000, $0x38;
	[tilespmem:$0x1E000] =	vst v63  }
0x25a: {  	_ =	swait.ge [sflag:s5], $0x2000  }
0x25b: {  	s6 =	sld [smem:$0x7B0]  }
0x25c: {  	[sflag:s5] =	ssyncset.done $0x0  }
0x25d: {  	s7 =	sld [smem:$0x7AA];
	[sflag:s5] =	ssyncadd.s32 $0xFFFFE000  }
0x25e: {  	[tilespmem:s9], [sflag:$0xB] =	stream.linear.gather [hbm4b:s6+s30], $0x2000, $0x38;
	[tilespmem:$0x1E000] =	vst v63  }
0x25f: {  	s10 =	simm.s32 $0x2000;
	s20 =	simm.s32 $0x3  }
0x260: {  	[tilespmem:s10], [sflag:$0x2] =	stream.linear.gather [hbm4b:s7+s30], $0x2000, $0x38;
	[tilespmem:$0x1E000] =	vst v63  }
0x261: {  	_ =	swait.ge [sflag:s20], $0x2000  }
0x262: {  	[sflag:s20] =	ssyncset.done $0x0  }
0x263: {  	s21 =	simm.s32 $0xC;
	[sflag:s20] =	ssyncadd.s32 $0xFFFFE000  }
0x264: {  	_ =	swait.ge [sflag:s21], $0x2000  }
0x265: {  	[sflag:s21] =	ssyncset.done $0x0  }
0x266: {  	s22 =	simm.s32 $0xD;
	[sflag:s21] =	ssyncadd.s32 $0xFFFFE000  }
0x267: {  	_ =	swait.ge [sflag:s22], $0x2000  }
0x268: {  	[sflag:s22] =	ssyncset.done $0x0  }
0x269: {  	s23 =	simm.s32 $0xE;
	[sflag:s22] =	ssyncadd.s32 $0xFFFFE000  }
0x26a: {  	_ =	swait.ge [sflag:s23], $0x2000  }
0x26b: {  	[sflag:s23] =	ssyncset.done $0x0  }
0x26c: {  	s4 =	simm.s32 $0xF;
	[sflag:s23] =	ssyncadd.s32 $0xFFFFE000  }
0x26d: {  	s24 =	sand.u32 $0x1C00, s30;
	s25 =	sand.u32 $0x380, s30;
	_ =	swait.ge [sflag:s4], $0x2000  }
0x26e: {  	s0 =	sor.u32 s25, s24;
	s26 =	sand.u32 $0x40, s30;
	[sflag:s4] =	ssyncset.done $0x0  }
0x26f: {  	s0 =	sor.u32 s26, s0;
	[sflag:s4] =	ssyncadd.s32 $0xFFFFE000  }
0x270: {  	v1 =	vld [tilespmem:s0+$0x4030]  }
0x271: {  	v2 =	vld [tilespmem:s0+$0x4000]  }
0x272: {  	v3 =	vld [tilespmem:s0+$0x4010];
	_ =	sdelay $0x1  }
0x273: {  	s5 =	sor.u32 $0x16030, s0;
	v0 =	vld [tilespmem:s0+$0x4020]  }
0x274: {  	s3 =	sor.u32 $0x16000, s0;
	[tilespmem:s5+$0x0] =	vst.add.f32.msk $0xffff, v1  }
0x275: {  	s23 =	sor.u32 $0x16010, s0;
	[tilespmem:s3+$0x0] =	vst.add.f32.msk $0xffff, v2  }
0x276: {  	s6 =	sor.u32 $0x18030, s0;
	[tilespmem:s23+$0x0] =	vst.add.f32.msk $0xffff, v3  }
0x277: {  	s20 =	sor.u32 $0x18000, s0;
	[tilespmem:s6+$0x0] =	vst.add.f32.msk $0xffff, v1  }
0x278: {  	s24 =	sor.u32 $0x18010, s0;
	[tilespmem:s20+$0x0] =	vst.add.f32.msk $0xffff, v2  }
0x279: {  	s7 =	sor.u32 $0x1A030, s0;
	[tilespmem:s24+$0x0] =	vst.add.f32.msk $0xffff, v3  }
0x27a: {  	s21 =	sor.u32 $0x1A000, s0;
	[tilespmem:s7+$0x0] =	vst.add.f32.msk $0xffff, v1  }
0x27b: {  	s25 =	sor.u32 $0x1A010, s0;
	[tilespmem:s21+$0x0] =	vst.add.f32.msk $0xffff, v2  }
0x27c: {  	s10 =	sor.u32 $0x1C030, s0;
	[tilespmem:s25+$0x0] =	vst.add.f32.msk $0xffff, v3  }
0x27d: {  	s31 =	simm.s32 $0x0;
	s26 =	sor.u32 $0x1C010, s0;
	s22 =	sor.u32 $0x1C000, s0;
	[tilespmem:s10+$0x0] =	vst.add.f32.msk $0xffff, v1  }
0x27e: {  	s29 =	sor.u32 $0x1C020, s0;
	s23 =	sor.u32 $0x18020, s0;
	s24 =	sor.u32 $0x16020, s0;
	[tilespmem:s22+$0x0] =	vst.add.f32.msk $0xffff, v2  }
0x27f: {  	s20 =	simm.s32 $0x200;
	s21 =	simm.s32 $0x8;
	s22 =	sor.u32 $0x1A020, s0;
	[tilespmem:s26+$0x0] =	vst.add.f32.msk $0xffff, v3  }
.LBB2_12:
0x280: {  	s0 =	sand.u32 $0x1C00, s20;
	s2 =	sand.u32 $0x380, s21;
	[tilespmem:s24+$0x0] =	vst.add.f32.msk $0xffff, v0;
	s30 =	sadd.s32 $0x40, s30  }
0x281: {  	s3 =	sand.u32 $0x40, s30;
	s0 =	sor.u32 s2, s0;
	[tilespmem:s23+$0x0] =	vst.add.f32.msk $0xffff, v0  }
0x282: {  	s0 =	sor.u32 s3, s0;
	[tilespmem:s22+$0x0] =	vst.add.f32.msk $0xffff, v0  }
0x283: {  	s31 =	sadd.s32 $0x4, s31;
	s2 =	sor.u32 $0x16000, s0;
	s3 =	sor.u32 $0x18000, s0;
	v1 =	vld [tilespmem:s0+$0x4030]  }
0x284: {  	p0 =	slt.u32 s31, $0x1FC;
	s4 =	sor.u32 $0x1A000, s0;
	s5 =	sor.u32 $0x1C000, s0;
	v2 =	vld [tilespmem:s0+$0x4000]  }
0x285: {  	s6 =	sor.u32 $0x16010, s0;
	s7 =	sor.u32 $0x18010, s0;
	s10 =	sor.u32 $0x1A010, s0;
	v3 =	vld [tilespmem:s0+$0x4010]  }
0x286: {  	s25 =	sor.u32 $0x1C010, s0;
	s24 =	sor.u32 $0x16020, s0;
	s23 =	sor.u32 $0x18020, s0;
	v4 =	vld [tilespmem:s0+$0x4020]  }
0x287: {  	s22 =	sor.u32 $0x1A020, s0;
	s26 =	sor.u32 $0x16030, s0;
	[tilespmem:s29+$0x0] =	vst.add.f32.msk $0xffff, v0;
	s29 =	sor.u32 $0x1C020, s0  }
0x288: {  	[tilespmem:s26+$0x0] =	vst.add.f32.msk $0xffff, v1;
	s26 =	sor.u32 $0x18030, s0  }
0x289: {  	[tilespmem:s26+$0x0] =	vst.add.f32.msk $0xffff, v1;
	s26 =	sor.u32 $0x1A030, s0  }
0x28a: {  	s0 =	sor.u32 $0x1C030, s0;
	[tilespmem:s26+$0x0] =	vst.add.f32.msk $0xffff, v1  }
0x28b: {  	[tilespmem:s0+$0x0] =	vst.add.f32.msk $0xffff, v1;
	v0 =	vmov v4  }
0x28c: {  	[tilespmem:s2+$0x0] =	vst.add.f32.msk $0xffff, v2  }
0x28d: {  	[tilespmem:s3+$0x0] =	vst.add.f32.msk $0xffff, v2  }
0x28e: {  	[tilespmem:s4+$0x0] =	vst.add.f32.msk $0xffff, v2  }
.Ltmp5:
0x28f: {  	[tilespmem:s5+$0x0] =	vst.add.f32.msk $0xffff, v2;
	(pc) =	sbr.rel @p0 .LBB2_12-.Ltmp5, $4  }
0x290: {  	[tilespmem:s6+$0x0] =	vst.add.f32.msk $0xffff, v3  }
0x291: {  	[tilespmem:s7+$0x0] =	vst.add.f32.msk $0xffff, v3  }
0x292: {  	[tilespmem:s10+$0x0] =	vst.add.f32.msk $0xffff, v3  }
0x293: {  	s20 =	sadd.s32 $0x200, s20;
	s21 =	sadd.s32 $0x8, s21;
	[tilespmem:s25+$0x0] =	vst.add.f32.msk $0xffff, v3  }
0x294: {  	[tilespmem:s24+$0x0] =	vst.add.f32.msk $0xffff, v0  }
0x295: {  	[tilespmem:s23+$0x0] =	vst.add.f32.msk $0xffff, v0  }
0x296: {  	[tilespmem:s22+$0x0] =	vst.add.f32.msk $0xffff, v0  }
0x297: {  	[tilespmem:s29+$0x0] =	vst.add.f32.msk $0xffff, v0  }
0x298: {  	s0 =	sld [smem:$0x799];
	_ =	sdelay $0x1  }
0x299: {  	s30 =	simm.s32 $0x0;
	s2 =	simm.s32 $0x16000;
	s3 =	sld [smem:$0x79B]  }
0x29a: {  	[hbm4b:s0+s30] =	stream.linear.scatter [tilespmem:s2], [sflag:$0x18], $0x2000, $0x38;
	[tilespmem:$0x1E000] =	vst v63  }
0x29b: {  	s4 =	sld [smem:$0x79D]  }
0x29c: {  	[hbm4b:s3+s30] =	stream.linear.scatter [tilespmem:s28], [sflag:$0x19], $0x2000, $0x38;
	[tilespmem:$0x1E000] =	vst v63  }
0x29d: {  	s5 =	sld [smem:$0x79F];
	s3 =	simm.s32 $0x1A000  }
0x29e: {  	[hbm4b:s4+s30] =	stream.linear.scatter [tilespmem:s3], [sflag:$0x1A], $0x2000, $0x38;
	[tilespmem:$0x1E000] =	vst v63  }
0x29f: {  	s6 =	simm.s32 $0x18  }
0x2a0: {  	[hbm4b:s5+s30] =	stream.linear.scatter [tilespmem:s11], [sflag:$0x1B], $0x2000, $0x38;
	[tilespmem:$0x1E000] =	vst v63  }
0x2a1: {  	_ =	swait.ge [sflag:s6], $0x2000  }
0x2a2: {  	s7 =	sld [smem:$0x7B2]  }
0x2a3: {  	[sflag:s6] =	ssyncset.done $0x0  }
0x2a4: {  	s10 =	simm.s32 $0x19;
	[sflag:s6] =	ssyncadd.s32 $0xFFFFE000  }
0x2a5: {  	[tilespmem:s2], [sflag:$0xC] =	stream.linear.gather [hbm4b:s7+s30], $0x2000, $0x38;
	[tilespmem:$0x1E000] =	vst v63  }
0x2a6: {  	_ =	swait.ge [sflag:s10], $0x2000  }
0x2a7: {  	s20 =	sld [smem:$0x7B5]  }
0x2a8: {  	[sflag:s10] =	ssyncset.done $0x0  }
0x2a9: {  	s21 =	simm.s32 $0x1A;
	[sflag:s10] =	ssyncadd.s32 $0xFFFFE000  }
0x2aa: {  	[tilespmem:s28], [sflag:$0xD] =	stream.linear.gather [hbm4b:s20+s30], $0x2000, $0x38;
	[tilespmem:$0x1E000] =	vst v63  }
0x2ab: {  	_ =	swait.ge [sflag:s21], $0x2000  }
0x2ac: {  	s22 =	sld [smem:$0x7B7]  }
0x2ad: {  	[sflag:s21] =	ssyncset.done $0x0  }
0x2ae: {  	s23 =	simm.s32 $0x1B;
	[sflag:s21] =	ssyncadd.s32 $0xFFFFE000  }
0x2af: {  	[tilespmem:s3], [sflag:$0xE] =	stream.linear.gather [hbm4b:s22+s30], $0x2000, $0x38;
	[tilespmem:$0x1E000] =	vst v63  }
0x2b0: {  	_ =	swait.ge [sflag:s23], $0x2000  }
0x2b1: {  	s24 =	sld [smem:$0x7B9]  }
0x2b2: {  	[sflag:s23] =	ssyncset.done $0x0  }
0x2b3: {  	s25 =	sld [smem:$0x7B3];
	[sflag:s23] =	ssyncadd.s32 $0xFFFFE000  }
0x2b4: {  	[tilespmem:s11], [sflag:$0xF] =	stream.linear.gather [hbm4b:s24+s30], $0x2000, $0x38;
	[tilespmem:$0x1E000] =	vst v63  }
0x2b5: {  	s26 =	simm.s32 $0x4000;
	s2 =	simm.s32 $0x1  }
0x2b6: {  	[tilespmem:s26], [sflag:$0x3] =	stream.linear.gather [hbm4b:s25+s30], $0x2000, $0x38;
	[tilespmem:$0x1E000] =	vst v63  }
0x2b7: {  	_ =	swait.ge [sflag:s2], $0x2000  }
0x2b8: {  	[sflag:s2] =	ssyncset.done $0x0  }
0x2b9: {  	[sflag:s2] =	ssyncadd.s32 $0xFFFFE000  }
0x2ba: {  	_ =	swait.ge [sflag:s12], $0x2000  }
0x2bb: {  	[sflag:s12] =	ssyncset.done $0x0  }
0x2bc: {  	[sflag:s12] =	ssyncadd.s32 $0xFFFFE000  }
0x2bd: {  	_ =	swait.ge [sflag:s13], $0x2000  }
0x2be: {  	[sflag:s13] =	ssyncset.done $0x0  }
0x2bf: {  	[sflag:s13] =	ssyncadd.s32 $0xFFFFE000  }
0x2c0: {  	_ =	swait.ge [sflag:s14], $0x2000  }
0x2c1: {  	[sflag:s14] =	ssyncset.done $0x0  }
0x2c2: {  	[sflag:s14] =	ssyncadd.s32 $0xFFFFE000  }
0x2c3: {  	s4 =	sand.u32 $0x380, s30;
	s3 =	sand.u32 $0x1C00, s30;
	_ =	swait.ge [sflag:s15], $0x2000  }
0x2c4: {  	s5 =	sand.u32 $0x40, s30;
	s0 =	sor.u32 s4, s3;
	[sflag:s15] =	ssyncset.done $0x0  }
0x2c5: {  	s0 =	sor.u32 s5, s0;
	[sflag:s15] =	ssyncadd.s32 $0xFFFFE000  }
0x2c6: {  	v1 =	vld [tilespmem:s0+$0x30]  }
0x2c7: {  	v2 =	vld [tilespmem:s0+$0x0]  }
0x2c8: {  	v3 =	vld [tilespmem:s0+$0x10];
	_ =	sdelay $0x1  }
0x2c9: {  	s6 =	sor.u32 $0x6030, s0;
	v0 =	vld [tilespmem:s0+$0x20]  }
0x2ca: {  	s3 =	sor.u32 $0x6000, s0;
	[tilespmem:s6+$0x0] =	vst.add.f32.msk $0xffff, v1  }
0x2cb: {  	s24 =	sor.u32 $0x6010, s0;
	[tilespmem:s3+$0x0] =	vst.add.f32.msk $0xffff, v2  }
0x2cc: {  	s7 =	sor.u32 $0x8030, s0;
	[tilespmem:s24+$0x0] =	vst.add.f32.msk $0xffff, v3  }
0x2cd: {  	s21 =	sor.u32 $0x8000, s0;
	[tilespmem:s7+$0x0] =	vst.add.f32.msk $0xffff, v1  }
0x2ce: {  	s25 =	sor.u32 $0x8010, s0;
	[tilespmem:s21+$0x0] =	vst.add.f32.msk $0xffff, v2  }
0x2cf: {  	s10 =	sor.u32 $0xA030, s0;
	[tilespmem:s25+$0x0] =	vst.add.f32.msk $0xffff, v3  }
0x2d0: {  	s22 =	sor.u32 $0xA000, s0;
	[tilespmem:s10+$0x0] =	vst.add.f32.msk $0xffff, v1  }
0x2d1: {  	s26 =	sor.u32 $0xA010, s0;
	[tilespmem:s22+$0x0] =	vst.add.f32.msk $0xffff, v2  }
0x2d2: {  	s20 =	sor.u32 $0xC030, s0;
	[tilespmem:s26+$0x0] =	vst.add.f32.msk $0xffff, v3  }
0x2d3: {  	s31 =	simm.s32 $0x0;
	s23 =	sor.u32 $0xC000, s0;
	s4 =	sor.u32 $0xC010, s0;
	[tilespmem:s20+$0x0] =	vst.add.f32.msk $0xffff, v1  }
0x2d4: {  	s29 =	sor.u32 $0xC020, s0;
	s24 =	sor.u32 $0x6020, s0;
	s21 =	simm.s32 $0x8;
	[tilespmem:s23+$0x0] =	vst.add.f32.msk $0xffff, v2  }
0x2d5: {  	s22 =	sor.u32 $0xA020, s0;
	s23 =	sor.u32 $0x8020, s0;
	[tilespmem:s4+$0x0] =	vst.add.f32.msk $0xffff, v3;
	s20 =	simm.s32 $0x200  }
.LBB2_14:
0x2d6: {  	s0 =	sand.u32 $0x1C00, s20;
	s2 =	sand.u32 $0x380, s21;
	[tilespmem:s24+$0x0] =	vst.add.f32.msk $0xffff, v0;
	s30 =	sadd.s32 $0x40, s30  }
0x2d7: {  	s3 =	sand.u32 $0x40, s30;
	s0 =	sor.u32 s2, s0;
	[tilespmem:s23+$0x0] =	vst.add.f32.msk $0xffff, v0  }
0x2d8: {  	s0 =	sor.u32 s3, s0;
	[tilespmem:s22+$0x0] =	vst.add.f32.msk $0xffff, v0  }
0x2d9: {  	s31 =	sadd.s32 $0x4, s31;
	s2 =	sor.u32 $0x6000, s0;
	s3 =	sor.u32 $0x8000, s0;
	v1 =	vld [tilespmem:s0+$0x30]  }
0x2da: {  	p0 =	slt.u32 s31, $0x1FC;
	s4 =	sor.u32 $0xA000, s0;
	s5 =	sor.u32 $0xC000, s0;
	v2 =	vld [tilespmem:s0+$0x0]  }
0x2db: {  	s6 =	sor.u32 $0x6010, s0;
	s7 =	sor.u32 $0x8010, s0;
	s10 =	sor.u32 $0xA010, s0;
	v3 =	vld [tilespmem:s0+$0x10]  }
0x2dc: {  	s25 =	sor.u32 $0xC010, s0;
	s24 =	sor.u32 $0x6020, s0;
	s23 =	sor.u32 $0x8020, s0;
	v4 =	vld [tilespmem:s0+$0x20]  }
0x2dd: {  	s22 =	sor.u32 $0xA020, s0;
	s26 =	sor.u32 $0x6030, s0;
	[tilespmem:s29+$0x0] =	vst.add.f32.msk $0xffff, v0;
	s29 =	sor.u32 $0xC020, s0  }
0x2de: {  	[tilespmem:s26+$0x0] =	vst.add.f32.msk $0xffff, v1;
	s26 =	sor.u32 $0x8030, s0  }
0x2df: {  	[tilespmem:s26+$0x0] =	vst.add.f32.msk $0xffff, v1;
	s26 =	sor.u32 $0xA030, s0  }
0x2e0: {  	s0 =	sor.u32 $0xC030, s0;
	[tilespmem:s26+$0x0] =	vst.add.f32.msk $0xffff, v1  }
0x2e1: {  	[tilespmem:s0+$0x0] =	vst.add.f32.msk $0xffff, v1;
	v0 =	vmov v4  }
0x2e2: {  	[tilespmem:s2+$0x0] =	vst.add.f32.msk $0xffff, v2  }
0x2e3: {  	[tilespmem:s3+$0x0] =	vst.add.f32.msk $0xffff, v2  }
0x2e4: {  	[tilespmem:s4+$0x0] =	vst.add.f32.msk $0xffff, v2  }
.Ltmp6:
0x2e5: {  	[tilespmem:s5+$0x0] =	vst.add.f32.msk $0xffff, v2;
	(pc) =	sbr.rel @p0 .LBB2_14-.Ltmp6, $4  }
0x2e6: {  	[tilespmem:s6+$0x0] =	vst.add.f32.msk $0xffff, v3  }
0x2e7: {  	[tilespmem:s7+$0x0] =	vst.add.f32.msk $0xffff, v3  }
0x2e8: {  	[tilespmem:s10+$0x0] =	vst.add.f32.msk $0xffff, v3  }
0x2e9: {  	s20 =	sadd.s32 $0x200, s20;
	s21 =	sadd.s32 $0x8, s21;
	[tilespmem:s25+$0x0] =	vst.add.f32.msk $0xffff, v3  }
0x2ea: {  	[tilespmem:s24+$0x0] =	vst.add.f32.msk $0xffff, v0  }
0x2eb: {  	[tilespmem:s23+$0x0] =	vst.add.f32.msk $0xffff, v0  }
0x2ec: {  	[tilespmem:s22+$0x0] =	vst.add.f32.msk $0xffff, v0  }
0x2ed: {  	[tilespmem:s29+$0x0] =	vst.add.f32.msk $0xffff, v0  }
0x2ee: {  	s0 =	sld [smem:$0x7A2];
	_ =	sdelay $0x1  }
0x2ef: {  	s30 =	simm.s32 $0x0;
	s2 =	simm.s32 $0x6000;
	s23 =	sld [smem:$0x7A4]  }
0x2f0: {  	[hbm4b:s0+s30] =	stream.linear.scatter [tilespmem:s2], [sflag:$0x10], $0x2000, $0x38;
	[tilespmem:$0x1E000] =	vst v63  }
0x2f1: {  	s3 =	simm.s32 $0x8000;
	s24 =	sld [smem:$0x7A6]  }
0x2f2: {  	[hbm4b:s23+s30] =	stream.linear.scatter [tilespmem:s3], [sflag:$0x11], $0x2000, $0x38;
	[tilespmem:$0x1E000] =	vst v63  }
0x2f3: {  	s4 =	simm.s32 $0xA000;
	s25 =	sld [smem:$0x7A8]  }
0x2f4: {  	[hbm4b:s24+s30] =	stream.linear.scatter [tilespmem:s4], [sflag:$0x12], $0x2000, $0x38;
	[tilespmem:$0x1E000] =	vst v63  }
0x2f5: {  	s5 =	simm.s32 $0xC000  }
0x2f6: {  	[hbm4b:s25+s30] =	stream.linear.scatter [tilespmem:s5], [sflag:$0x13], $0x2000, $0x38;
	[tilespmem:$0x1E000] =	vst v63  }
0x2f7: {  	_ =	swait.ge [sflag:s16], $0x2000  }
0x2f8: {  	s26 =	sld [smem:$0x7BB]  }
0x2f9: {  	[sflag:s16] =	ssyncset.done $0x0  }
0x2fa: {  	[sflag:s16] =	ssyncadd.s32 $0xFFFFE000  }
0x2fb: {  	[tilespmem:s2], [sflag:$0x4] =	stream.linear.gather [hbm4b:s26+s30], $0x2000, $0x38;
	[tilespmem:$0x1E000] =	vst v63  }
0x2fc: {  	_ =	swait.ge [sflag:s17], $0x2000  }
0x2fd: {  	s2 =	sld [smem:$0x7BE]  }
0x2fe: {  	[sflag:s17] =	ssyncset.done $0x0  }
0x2ff: {  	[sflag:s17] =	ssyncadd.s32 $0xFFFFE000  }
0x300: {  	[tilespmem:s3], [sflag:$0x5] =	stream.linear.gather [hbm4b:s2+s30], $0x2000, $0x38;
	[tilespmem:$0x1E000] =	vst v63  }
0x301: {  	_ =	swait.ge [sflag:s18], $0x2000  }
0x302: {  	s3 =	sld [smem:$0x7C0]  }
0x303: {  	[sflag:s18] =	ssyncset.done $0x0  }
0x304: {  	[sflag:s18] =	ssyncadd.s32 $0xFFFFE000  }
0x305: {  	[tilespmem:s4], [sflag:$0x6] =	stream.linear.gather [hbm4b:s3+s30], $0x2000, $0x38;
	[tilespmem:$0x1E000] =	vst v63  }
0x306: {  	_ =	swait.ge [sflag:s19], $0x2000  }
0x307: {  	s6 =	sld [smem:$0x7C2]  }
0x308: {  	[sflag:s19] =	ssyncset.done $0x0  }
0x309: {  	s7 =	sld [smem:$0x7BC];
	[sflag:s19] =	ssyncadd.s32 $0xFFFFE000  }
0x30a: {  	[tilespmem:s5], [sflag:$0x7] =	stream.linear.gather [hbm4b:s6+s30], $0x2000, $0x38;
	[tilespmem:$0x1E000] =	vst v63  }
0x30b: {  	s10 =	simm.s32 $0x2  }
0x30c: {  	[tilespmem:s30], [sflag:$0x1] =	stream.linear.gather [hbm4b:s7+s30], $0x2000, $0x38;
	[tilespmem:$0x1E000] =	vst v63  }
0x30d: {  	_ =	swait.ge [sflag:s10], $0x2000  }
0x30e: {  	[sflag:s10] =	ssyncset.done $0x0  }
0x30f: {  	s20 =	simm.s32 $0x8;
	[sflag:s10] =	ssyncadd.s32 $0xFFFFE000  }
0x310: {  	_ =	swait.ge [sflag:s20], $0x2000  }
0x311: {  	[sflag:s20] =	ssyncset.done $0x0  }
0x312: {  	s21 =	simm.s32 $0x9;
	[sflag:s20] =	ssyncadd.s32 $0xFFFFE000  }
0x313: {  	_ =	swait.ge [sflag:s21], $0x2000  }
0x314: {  	[sflag:s21] =	ssyncset.done $0x0  }
0x315: {  	s22 =	simm.s32 $0xA;
	[sflag:s21] =	ssyncadd.s32 $0xFFFFE000  }
0x316: {  	_ =	swait.ge [sflag:s22], $0x2000  }
0x317: {  	[sflag:s22] =	ssyncset.done $0x0  }
0x318: {  	s23 =	simm.s32 $0xB;
	[sflag:s22] =	ssyncadd.s32 $0xFFFFE000  }
0x319: {  	s24 =	sand.u32 $0x1C00, s30;
	s25 =	sand.u32 $0x380, s30;
	_ =	swait.ge [sflag:s23], $0x2000  }
0x31a: {  	s0 =	sor.u32 s25, s24;
	s26 =	sand.u32 $0x40, s30;
	[sflag:s23] =	ssyncset.done $0x0  }
0x31b: {  	s0 =	sor.u32 s26, s0;
	[sflag:s23] =	ssyncadd.s32 $0xFFFFE000  }
0x31c: {  	v1 =	vld [tilespmem:s0+$0x2030]  }
0x31d: {  	v2 =	vld [tilespmem:s0+$0x2000]  }
0x31e: {  	v3 =	vld [tilespmem:s0+$0x2010];
	_ =	sdelay $0x1  }
0x31f: {  	s5 =	sor.u32 $0xE030, s0;
	v0 =	vld [tilespmem:s0+$0x2020]  }
0x320: {  	s3 =	sor.u32 $0xE000, s0;
	[tilespmem:s5+$0x0] =	vst.add.f32.msk $0xffff, v1  }
0x321: {  	s23 =	sor.u32 $0xE010, s0;
	[tilespmem:s3+$0x0] =	vst.add.f32.msk $0xffff, v2  }
0x322: {  	s6 =	sor.u32 $0x10030, s0;
	[tilespmem:s23+$0x0] =	vst.add.f32.msk $0xffff, v3  }
0x323: {  	s20 =	sor.u32 $0x10000, s0;
	[tilespmem:s6+$0x0] =	vst.add.f32.msk $0xffff, v1  }
0x324: {  	s24 =	sor.u32 $0x10010, s0;
	[tilespmem:s20+$0x0] =	vst.add.f32.msk $0xffff, v2  }
0x325: {  	s7 =	sor.u32 $0x12030, s0;
	[tilespmem:s24+$0x0] =	vst.add.f32.msk $0xffff, v3  }
0x326: {  	s21 =	sor.u32 $0x12000, s0;
	[tilespmem:s7+$0x0] =	vst.add.f32.msk $0xffff, v1  }
0x327: {  	s25 =	sor.u32 $0x12010, s0;
	[tilespmem:s21+$0x0] =	vst.add.f32.msk $0xffff, v2  }
0x328: {  	s10 =	sor.u32 $0x14030, s0;
	[tilespmem:s25+$0x0] =	vst.add.f32.msk $0xffff, v3  }
0x329: {  	s31 =	simm.s32 $0x0;
	s26 =	sor.u32 $0x14010, s0;
	s22 =	sor.u32 $0x14000, s0;
	[tilespmem:s10+$0x0] =	vst.add.f32.msk $0xffff, v1  }
0x32a: {  	s29 =	sor.u32 $0x14020, s0;
	s23 =	sor.u32 $0x10020, s0;
	s24 =	sor.u32 $0xE020, s0;
	[tilespmem:s22+$0x0] =	vst.add.f32.msk $0xffff, v2  }
0x32b: {  	s20 =	simm.s32 $0x200;
	s21 =	simm.s32 $0x8;
	s22 =	sor.u32 $0x12020, s0;
	[tilespmem:s26+$0x0] =	vst.add.f32.msk $0xffff, v3  }
.LBB2_16:
0x32c: {  	s0 =	sand.u32 $0x1C00, s20;
	s2 =	sand.u32 $0x380, s21;
	[tilespmem:s24+$0x0] =	vst.add.f32.msk $0xffff, v0;
	s30 =	sadd.s32 $0x40, s30  }
0x32d: {  	s3 =	sand.u32 $0x40, s30;
	s0 =	sor.u32 s2, s0;
	[tilespmem:s23+$0x0] =	vst.add.f32.msk $0xffff, v0  }
0x32e: {  	s0 =	sor.u32 s3, s0;
	[tilespmem:s22+$0x0] =	vst.add.f32.msk $0xffff, v0  }
0x32f: {  	s31 =	sadd.s32 $0x4, s31;
	s2 =	sor.u32 $0xE000, s0;
	s3 =	sor.u32 $0x10000, s0;
	v1 =	vld [tilespmem:s0+$0x2030]  }
0x330: {  	p0 =	slt.u32 s31, $0x1FC;
	s4 =	sor.u32 $0x12000, s0;
	s5 =	sor.u32 $0x14000, s0;
	v2 =	vld [tilespmem:s0+$0x2000]  }
0x331: {  	s6 =	sor.u32 $0xE010, s0;
	s7 =	sor.u32 $0x10010, s0;
	s10 =	sor.u32 $0x12010, s0;
	v3 =	vld [tilespmem:s0+$0x2010]  }
0x332: {  	s25 =	sor.u32 $0x14010, s0;
	s24 =	sor.u32 $0xE020, s0;
	s23 =	sor.u32 $0x10020, s0;
	v4 =	vld [tilespmem:s0+$0x2020]  }
0x333: {  	s22 =	sor.u32 $0x12020, s0;
	s26 =	sor.u32 $0xE030, s0;
	[tilespmem:s29+$0x0] =	vst.add.f32.msk $0xffff, v0;
	s29 =	sor.u32 $0x14020, s0  }
0x334: {  	[tilespmem:s26+$0x0] =	vst.add.f32.msk $0xffff, v1;
	s26 =	sor.u32 $0x10030, s0  }
0x335: {  	[tilespmem:s26+$0x0] =	vst.add.f32.msk $0xffff, v1;
	s26 =	sor.u32 $0x12030, s0  }
0x336: {  	s0 =	sor.u32 $0x14030, s0;
	[tilespmem:s26+$0x0] =	vst.add.f32.msk $0xffff, v1  }
0x337: {  	[tilespmem:s0+$0x0] =	vst.add.f32.msk $0xffff, v1;
	v0 =	vmov v4  }
0x338: {  	[tilespmem:s2+$0x0] =	vst.add.f32.msk $0xffff, v2  }
0x339: {  	[tilespmem:s3+$0x0] =	vst.add.f32.msk $0xffff, v2  }
0x33a: {  	[tilespmem:s4+$0x0] =	vst.add.f32.msk $0xffff, v2  }
.Ltmp7:
0x33b: {  	[tilespmem:s5+$0x0] =	vst.add.f32.msk $0xffff, v2;
	(pc) =	sbr.rel @p0 .LBB2_16-.Ltmp7, $4  }
0x33c: {  	[tilespmem:s6+$0x0] =	vst.add.f32.msk $0xffff, v3  }
0x33d: {  	[tilespmem:s7+$0x0] =	vst.add.f32.msk $0xffff, v3  }
0x33e: {  	[tilespmem:s10+$0x0] =	vst.add.f32.msk $0xffff, v3  }
0x33f: {  	s20 =	sadd.s32 $0x200, s20;
	s21 =	sadd.s32 $0x8, s21;
	[tilespmem:s25+$0x0] =	vst.add.f32.msk $0xffff, v3  }
0x340: {  	[tilespmem:s24+$0x0] =	vst.add.f32.msk $0xffff, v0  }
0x341: {  	[tilespmem:s23+$0x0] =	vst.add.f32.msk $0xffff, v0  }
0x342: {  	[tilespmem:s22+$0x0] =	vst.add.f32.msk $0xffff, v0  }
0x343: {  	[tilespmem:s29+$0x0] =	vst.add.f32.msk $0xffff, v0  }
0x344: {  	s0 =	sld [smem:$0x7AB];
	_ =	sdelay $0x1  }
0x345: {  	s30 =	simm.s32 $0x0;
	s2 =	simm.s32 $0xE000;
	s20 =	sld [smem:$0x7AD]  }
0x346: {  	[hbm4b:s0+s30] =	stream.linear.scatter [tilespmem:s2], [sflag:$0x14], $0x2000, $0x38;
	[tilespmem:$0x1E000] =	vst v63  }
0x347: {  	s21 =	sld [smem:$0x7AF]  }
0x348: {  	[hbm4b:s20+s30] =	stream.linear.scatter [tilespmem:s8], [sflag:$0x15], $0x2000, $0x38;
	[tilespmem:$0x1E000] =	vst v63  }
0x349: {  	s3 =	simm.s32 $0x12000;
	s22 =	sld [smem:$0x7B1]  }
0x34a: {  	[hbm4b:s21+s30] =	stream.linear.scatter [tilespmem:s3], [sflag:$0x16], $0x2000, $0x38;
	[tilespmem:$0x1E000] =	vst v63  }
0x34b: {  	s23 =	simm.s32 $0x14  }
0x34c: {  	[hbm4b:s22+s30] =	stream.linear.scatter [tilespmem:s9], [sflag:$0x17], $0x2000, $0x38;
	[tilespmem:$0x1E000] =	vst v63  }
0x34d: {  	_ =	swait.ge [sflag:s23], $0x2000  }
0x34e: {  	s24 =	sld [smem:$0x7C4]  }
0x34f: {  	[sflag:s23] =	ssyncset.done $0x0  }
0x350: {  	s25 =	simm.s32 $0x15;
	[sflag:s23] =	ssyncadd.s32 $0xFFFFE000  }
0x351: {  	[tilespmem:s2], [sflag:$0x8] =	stream.linear.gather [hbm4b:s24+s30], $0x2000, $0x38;
	[tilespmem:$0x1E000] =	vst v63  }
0x352: {  	_ =	swait.ge [sflag:s25], $0x2000  }
0x353: {  	s26 =	sld [smem:$0x7C7]  }
0x354: {  	[sflag:s25] =	ssyncset.done $0x0  }
0x355: {  	s2 =	simm.s32 $0x16;
	[sflag:s25] =	ssyncadd.s32 $0xFFFFE000  }
0x356: {  	[tilespmem:s8], [sflag:$0x9] =	stream.linear.gather [hbm4b:s26+s30], $0x2000, $0x38;
	[tilespmem:$0x1E000] =	vst v63  }
0x357: {  	_ =	swait.ge [sflag:s2], $0x2000  }
0x358: {  	s4 =	sld [smem:$0x7C9]  }
0x359: {  	[sflag:s2] =	ssyncset.done $0x0  }
0x35a: {  	s5 =	simm.s32 $0x17;
	[sflag:s2] =	ssyncadd.s32 $0xFFFFE000  }
0x35b: {  	[tilespmem:s3], [sflag:$0xA] =	stream.linear.gather [hbm4b:s4+s30], $0x2000, $0x38;
	[tilespmem:$0x1E000] =	vst v63  }
0x35c: {  	_ =	swait.ge [sflag:s5], $0x2000  }
0x35d: {  	s6 =	sld [smem:$0x7CB]  }
0x35e: {  	[sflag:s5] =	ssyncset.done $0x0  }
0x35f: {  	s7 =	sld [smem:$0x7C5];
	[sflag:s5] =	ssyncadd.s32 $0xFFFFE000  }
0x360: {  	[tilespmem:s9], [sflag:$0xB] =	stream.linear.gather [hbm4b:s6+s30], $0x2000, $0x38;
	[tilespmem:$0x1E000] =	vst v63  }
0x361: {  	s10 =	simm.s32 $0x2000;
	s20 =	simm.s32 $0x3  }
0x362: {  	[tilespmem:s10], [sflag:$0x2] =	stream.linear.gather [hbm4b:s7+s30], $0x2000, $0x38;
	[tilespmem:$0x1E000] =	vst v63  }
0x363: {  	_ =	swait.ge [sflag:s20], $0x2000  }
0x364: {  	[sflag:s20] =	ssyncset.done $0x0  }
0x365: {  	s21 =	simm.s32 $0xC;
	[sflag:s20] =	ssyncadd.s32 $0xFFFFE000  }
0x366: {  	_ =	swait.ge [sflag:s21], $0x2000  }
0x367: {  	[sflag:s21] =	ssyncset.done $0x0  }
0x368: {  	s22 =	simm.s32 $0xD;
	[sflag:s21] =	ssyncadd.s32 $0xFFFFE000  }
0x369: {  	_ =	swait.ge [sflag:s22], $0x2000  }
0x36a: {  	[sflag:s22] =	ssyncset.done $0x0  }
0x36b: {  	s23 =	simm.s32 $0xE;
	[sflag:s22] =	ssyncadd.s32 $0xFFFFE000  }
0x36c: {  	_ =	swait.ge [sflag:s23], $0x2000  }
0x36d: {  	[sflag:s23] =	ssyncset.done $0x0  }
0x36e: {  	s4 =	simm.s32 $0xF;
	[sflag:s23] =	ssyncadd.s32 $0xFFFFE000  }
0x36f: {  	s24 =	sand.u32 $0x1C00, s30;
	s25 =	sand.u32 $0x380, s30;
	_ =	swait.ge [sflag:s4], $0x2000  }
0x370: {  	s0 =	sor.u32 s25, s24;
	s26 =	sand.u32 $0x40, s30;
	[sflag:s4] =	ssyncset.done $0x0  }
0x371: {  	s0 =	sor.u32 s26, s0;
	[sflag:s4] =	ssyncadd.s32 $0xFFFFE000  }
0x372: {  	v1 =	vld [tilespmem:s0+$0x4030]  }
0x373: {  	v2 =	vld [tilespmem:s0+$0x4000]  }
0x374: {  	v3 =	vld [tilespmem:s0+$0x4010];
	_ =	sdelay $0x1  }
0x375: {  	s5 =	sor.u32 $0x16030, s0;
	v0 =	vld [tilespmem:s0+$0x4020]  }
0x376: {  	s3 =	sor.u32 $0x16000, s0;
	[tilespmem:s5+$0x0] =	vst.add.f32.msk $0xffff, v1  }
0x377: {  	s23 =	sor.u32 $0x16010, s0;
	[tilespmem:s3+$0x0] =	vst.add.f32.msk $0xffff, v2  }
0x378: {  	s6 =	sor.u32 $0x18030, s0;
	[tilespmem:s23+$0x0] =	vst.add.f32.msk $0xffff, v3  }
0x379: {  	s20 =	sor.u32 $0x18000, s0;
	[tilespmem:s6+$0x0] =	vst.add.f32.msk $0xffff, v1  }
0x37a: {  	s24 =	sor.u32 $0x18010, s0;
	[tilespmem:s20+$0x0] =	vst.add.f32.msk $0xffff, v2  }
0x37b: {  	s7 =	sor.u32 $0x1A030, s0;
	[tilespmem:s24+$0x0] =	vst.add.f32.msk $0xffff, v3  }
0x37c: {  	s21 =	sor.u32 $0x1A000, s0;
	[tilespmem:s7+$0x0] =	vst.add.f32.msk $0xffff, v1  }
0x37d: {  	s25 =	sor.u32 $0x1A010, s0;
	[tilespmem:s21+$0x0] =	vst.add.f32.msk $0xffff, v2  }
0x37e: {  	s10 =	sor.u32 $0x1C030, s0;
	[tilespmem:s25+$0x0] =	vst.add.f32.msk $0xffff, v3  }
0x37f: {  	s31 =	simm.s32 $0x0;
	s26 =	sor.u32 $0x1C010, s0;
	s22 =	sor.u32 $0x1C000, s0;
	[tilespmem:s10+$0x0] =	vst.add.f32.msk $0xffff, v1  }
0x380: {  	s29 =	sor.u32 $0x1C020, s0;
	s23 =	sor.u32 $0x18020, s0;
	s24 =	sor.u32 $0x16020, s0;
	[tilespmem:s22+$0x0] =	vst.add.f32.msk $0xffff, v2  }
0x381: {  	s20 =	simm.s32 $0x200;
	s21 =	simm.s32 $0x8;
	s22 =	sor.u32 $0x1A020, s0;
	[tilespmem:s26+$0x0] =	vst.add.f32.msk $0xffff, v3  }
.LBB2_18:
0x382: {  	s0 =	sand.u32 $0x1C00, s20;
	s2 =	sand.u32 $0x380, s21;
	[tilespmem:s24+$0x0] =	vst.add.f32.msk $0xffff, v0;
	s30 =	sadd.s32 $0x40, s30  }
0x383: {  	s3 =	sand.u32 $0x40, s30;
	s0 =	sor.u32 s2, s0;
	[tilespmem:s23+$0x0] =	vst.add.f32.msk $0xffff, v0  }
0x384: {  	s0 =	sor.u32 s3, s0;
	[tilespmem:s22+$0x0] =	vst.add.f32.msk $0xffff, v0  }
0x385: {  	s31 =	sadd.s32 $0x4, s31;
	s2 =	sor.u32 $0x16000, s0;
	s3 =	sor.u32 $0x18000, s0;
	v1 =	vld [tilespmem:s0+$0x4030]  }
0x386: {  	p0 =	slt.u32 s31, $0x1FC;
	s4 =	sor.u32 $0x1A000, s0;
	s5 =	sor.u32 $0x1C000, s0;
	v2 =	vld [tilespmem:s0+$0x4000]  }
0x387: {  	s6 =	sor.u32 $0x16010, s0;
	s7 =	sor.u32 $0x18010, s0;
	s10 =	sor.u32 $0x1A010, s0;
	v3 =	vld [tilespmem:s0+$0x4010]  }
0x388: {  	s25 =	sor.u32 $0x1C010, s0;
	s24 =	sor.u32 $0x16020, s0;
	s23 =	sor.u32 $0x18020, s0;
	v4 =	vld [tilespmem:s0+$0x4020]  }
0x389: {  	s22 =	sor.u32 $0x1A020, s0;
	s26 =	sor.u32 $0x16030, s0;
	[tilespmem:s29+$0x0] =	vst.add.f32.msk $0xffff, v0;
	s29 =	sor.u32 $0x1C020, s0  }
0x38a: {  	[tilespmem:s26+$0x0] =	vst.add.f32.msk $0xffff, v1;
	s26 =	sor.u32 $0x18030, s0  }
0x38b: {  	[tilespmem:s26+$0x0] =	vst.add.f32.msk $0xffff, v1;
	s26 =	sor.u32 $0x1A030, s0  }
0x38c: {  	s0 =	sor.u32 $0x1C030, s0;
	[tilespmem:s26+$0x0] =	vst.add.f32.msk $0xffff, v1  }
0x38d: {  	[tilespmem:s0+$0x0] =	vst.add.f32.msk $0xffff, v1;
	v0 =	vmov v4  }
0x38e: {  	[tilespmem:s2+$0x0] =	vst.add.f32.msk $0xffff, v2  }
0x38f: {  	[tilespmem:s3+$0x0] =	vst.add.f32.msk $0xffff, v2  }
0x390: {  	[tilespmem:s4+$0x0] =	vst.add.f32.msk $0xffff, v2  }
.Ltmp8:
0x391: {  	[tilespmem:s5+$0x0] =	vst.add.f32.msk $0xffff, v2;
	(pc) =	sbr.rel @p0 .LBB2_18-.Ltmp8, $4  }
0x392: {  	[tilespmem:s6+$0x0] =	vst.add.f32.msk $0xffff, v3  }
0x393: {  	[tilespmem:s7+$0x0] =	vst.add.f32.msk $0xffff, v3  }
0x394: {  	[tilespmem:s10+$0x0] =	vst.add.f32.msk $0xffff, v3  }
0x395: {  	s20 =	sadd.s32 $0x200, s20;
	s21 =	sadd.s32 $0x8, s21;
	[tilespmem:s25+$0x0] =	vst.add.f32.msk $0xffff, v3  }
0x396: {  	[tilespmem:s24+$0x0] =	vst.add.f32.msk $0xffff, v0  }
0x397: {  	[tilespmem:s23+$0x0] =	vst.add.f32.msk $0xffff, v0  }
0x398: {  	[tilespmem:s22+$0x0] =	vst.add.f32.msk $0xffff, v0  }
0x399: {  	[tilespmem:s29+$0x0] =	vst.add.f32.msk $0xffff, v0  }
0x39a: {  	s0 =	sld [smem:$0x7B4];
	_ =	sdelay $0x1  }
0x39b: {  	s30 =	simm.s32 $0x0;
	s2 =	simm.s32 $0x16000;
	s3 =	sld [smem:$0x7B6]  }
0x39c: {  	[hbm4b:s0+s30] =	stream.linear.scatter [tilespmem:s2], [sflag:$0x18], $0x2000, $0x38;
	[tilespmem:$0x1E000] =	vst v63  }
0x39d: {  	s4 =	sld [smem:$0x7B8]  }
0x39e: {  	[hbm4b:s3+s30] =	stream.linear.scatter [tilespmem:s28], [sflag:$0x19], $0x2000, $0x38;
	[tilespmem:$0x1E000] =	vst v63  }
0x39f: {  	s5 =	sld [smem:$0x7BA];
	s3 =	simm.s32 $0x1A000  }
0x3a0: {  	[hbm4b:s4+s30] =	stream.linear.scatter [tilespmem:s3], [sflag:$0x1A], $0x2000, $0x38;
	[tilespmem:$0x1E000] =	vst v63  }
0x3a1: {  	s6 =	simm.s32 $0x18  }
0x3a2: {  	[hbm4b:s5+s30] =	stream.linear.scatter [tilespmem:s11], [sflag:$0x1B], $0x2000, $0x38;
	[tilespmem:$0x1E000] =	vst v63  }
0x3a3: {  	_ =	swait.ge [sflag:s6], $0x2000  }
0x3a4: {  	s7 =	sld [smem:$0x7CD]  }
0x3a5: {  	[sflag:s6] =	ssyncset.done $0x0  }
0x3a6: {  	s10 =	simm.s32 $0x19;
	[sflag:s6] =	ssyncadd.s32 $0xFFFFE000  }
0x3a7: {  	[tilespmem:s2], [sflag:$0xC] =	stream.linear.gather [hbm4b:s7+s30], $0x2000, $0x38;
	[tilespmem:$0x1E000] =	vst v63  }
0x3a8: {  	_ =	swait.ge [sflag:s10], $0x2000  }
0x3a9: {  	s20 =	sld [smem:$0x7D0]  }
0x3aa: {  	[sflag:s10] =	ssyncset.done $0x0  }
0x3ab: {  	s21 =	simm.s32 $0x1A;
	[sflag:s10] =	ssyncadd.s32 $0xFFFFE000  }
0x3ac: {  	[tilespmem:s28], [sflag:$0xD] =	stream.linear.gather [hbm4b:s20+s30], $0x2000, $0x38;
	[tilespmem:$0x1E000] =	vst v63  }
0x3ad: {  	_ =	swait.ge [sflag:s21], $0x2000  }
0x3ae: {  	s22 =	sld [smem:$0x7D2]  }
0x3af: {  	[sflag:s21] =	ssyncset.done $0x0  }
0x3b0: {  	s23 =	simm.s32 $0x1B;
	[sflag:s21] =	ssyncadd.s32 $0xFFFFE000  }
0x3b1: {  	[tilespmem:s3], [sflag:$0xE] =	stream.linear.gather [hbm4b:s22+s30], $0x2000, $0x38;
	[tilespmem:$0x1E000] =	vst v63  }
0x3b2: {  	_ =	swait.ge [sflag:s23], $0x2000  }
0x3b3: {  	s24 =	sld [smem:$0x7D4]  }
0x3b4: {  	[sflag:s23] =	ssyncset.done $0x0  }
0x3b5: {  	s25 =	sld [smem:$0x7CE];
	[sflag:s23] =	ssyncadd.s32 $0xFFFFE000  }
0x3b6: {  	[tilespmem:s11], [sflag:$0xF] =	stream.linear.gather [hbm4b:s24+s30], $0x2000, $0x38;
	[tilespmem:$0x1E000] =	vst v63  }
0x3b7: {  	s26 =	simm.s32 $0x4000;
	s2 =	simm.s32 $0x1  }
0x3b8: {  	[tilespmem:s26], [sflag:$0x3] =	stream.linear.gather [hbm4b:s25+s30], $0x2000, $0x38;
	[tilespmem:$0x1E000] =	vst v63  }
0x3b9: {  	_ =	swait.ge [sflag:s2], $0x2000  }
0x3ba: {  	[sflag:s2] =	ssyncset.done $0x0  }
0x3bb: {  	[sflag:s2] =	ssyncadd.s32 $0xFFFFE000  }
0x3bc: {  	_ =	swait.ge [sflag:s12], $0x2000  }
0x3bd: {  	[sflag:s12] =	ssyncset.done $0x0  }
0x3be: {  	[sflag:s12] =	ssyncadd.s32 $0xFFFFE000  }
0x3bf: {  	_ =	swait.ge [sflag:s13], $0x2000  }
0x3c0: {  	[sflag:s13] =	ssyncset.done $0x0  }
0x3c1: {  	[sflag:s13] =	ssyncadd.s32 $0xFFFFE000  }
0x3c2: {  	_ =	swait.ge [sflag:s14], $0x2000  }
0x3c3: {  	[sflag:s14] =	ssyncset.done $0x0  }
0x3c4: {  	[sflag:s14] =	ssyncadd.s32 $0xFFFFE000  }
0x3c5: {  	s4 =	sand.u32 $0x380, s30;
	s3 =	sand.u32 $0x1C00, s30;
	_ =	swait.ge [sflag:s15], $0x2000  }
0x3c6: {  	s5 =	sand.u32 $0x40, s30;
	s0 =	sor.u32 s4, s3;
	[sflag:s15] =	ssyncset.done $0x0  }
0x3c7: {  	s0 =	sor.u32 s5, s0;
	[sflag:s15] =	ssyncadd.s32 $0xFFFFE000  }
0x3c8: {  	v1 =	vld [tilespmem:s0+$0x30]  }
0x3c9: {  	v2 =	vld [tilespmem:s0+$0x0]  }
0x3ca: {  	v3 =	vld [tilespmem:s0+$0x10];
	_ =	sdelay $0x1  }
0x3cb: {  	s6 =	sor.u32 $0x6030, s0;
	v0 =	vld [tilespmem:s0+$0x20]  }
0x3cc: {  	s3 =	sor.u32 $0x6000, s0;
	[tilespmem:s6+$0x0] =	vst.add.f32.msk $0xffff, v1  }
0x3cd: {  	s24 =	sor.u32 $0x6010, s0;
	[tilespmem:s3+$0x0] =	vst.add.f32.msk $0xffff, v2  }
0x3ce: {  	s7 =	sor.u32 $0x8030, s0;
	[tilespmem:s24+$0x0] =	vst.add.f32.msk $0xffff, v3  }
0x3cf: {  	s21 =	sor.u32 $0x8000, s0;
	[tilespmem:s7+$0x0] =	vst.add.f32.msk $0xffff, v1  }
0x3d0: {  	s25 =	sor.u32 $0x8010, s0;
	[tilespmem:s21+$0x0] =	vst.add.f32.msk $0xffff, v2  }
0x3d1: {  	s10 =	sor.u32 $0xA030, s0;
	[tilespmem:s25+$0x0] =	vst.add.f32.msk $0xffff, v3  }
0x3d2: {  	s22 =	sor.u32 $0xA000, s0;
	[tilespmem:s10+$0x0] =	vst.add.f32.msk $0xffff, v1  }
0x3d3: {  	s26 =	sor.u32 $0xA010, s0;
	[tilespmem:s22+$0x0] =	vst.add.f32.msk $0xffff, v2  }
0x3d4: {  	s20 =	sor.u32 $0xC030, s0;
	[tilespmem:s26+$0x0] =	vst.add.f32.msk $0xffff, v3  }
0x3d5: {  	s31 =	simm.s32 $0x0;
	s23 =	sor.u32 $0xC000, s0;
	s4 =	sor.u32 $0xC010, s0;
	[tilespmem:s20+$0x0] =	vst.add.f32.msk $0xffff, v1  }
0x3d6: {  	s29 =	sor.u32 $0xC020, s0;
	s24 =	sor.u32 $0x6020, s0;
	s21 =	simm.s32 $0x8;
	[tilespmem:s23+$0x0] =	vst.add.f32.msk $0xffff, v2  }
0x3d7: {  	s22 =	sor.u32 $0xA020, s0;
	s23 =	sor.u32 $0x8020, s0;
	[tilespmem:s4+$0x0] =	vst.add.f32.msk $0xffff, v3;
	s20 =	simm.s32 $0x200  }
.LBB2_20:
0x3d8: {  	s0 =	sand.u32 $0x1C00, s20;
	s2 =	sand.u32 $0x380, s21;
	[tilespmem:s24+$0x0] =	vst.add.f32.msk $0xffff, v0;
	s30 =	sadd.s32 $0x40, s30  }
0x3d9: {  	s3 =	sand.u32 $0x40, s30;
	s0 =	sor.u32 s2, s0;
	[tilespmem:s23+$0x0] =	vst.add.f32.msk $0xffff, v0  }
0x3da: {  	s0 =	sor.u32 s3, s0;
	[tilespmem:s22+$0x0] =	vst.add.f32.msk $0xffff, v0  }
0x3db: {  	s31 =	sadd.s32 $0x4, s31;
	s2 =	sor.u32 $0x6000, s0;
	s3 =	sor.u32 $0x8000, s0;
	v1 =	vld [tilespmem:s0+$0x30]  }
0x3dc: {  	p0 =	slt.u32 s31, $0x1FC;
	s4 =	sor.u32 $0xA000, s0;
	s5 =	sor.u32 $0xC000, s0;
	v2 =	vld [tilespmem:s0+$0x0]  }
0x3dd: {  	s6 =	sor.u32 $0x6010, s0;
	s7 =	sor.u32 $0x8010, s0;
	s10 =	sor.u32 $0xA010, s0;
	v3 =	vld [tilespmem:s0+$0x10]  }
0x3de: {  	s25 =	sor.u32 $0xC010, s0;
	s24 =	sor.u32 $0x6020, s0;
	s23 =	sor.u32 $0x8020, s0;
	v4 =	vld [tilespmem:s0+$0x20]  }
0x3df: {  	s22 =	sor.u32 $0xA020, s0;
	s26 =	sor.u32 $0x6030, s0;
	[tilespmem:s29+$0x0] =	vst.add.f32.msk $0xffff, v0;
	s29 =	sor.u32 $0xC020, s0  }
0x3e0: {  	[tilespmem:s26+$0x0] =	vst.add.f32.msk $0xffff, v1;
	s26 =	sor.u32 $0x8030, s0  }
0x3e1: {  	[tilespmem:s26+$0x0] =	vst.add.f32.msk $0xffff, v1;
	s26 =	sor.u32 $0xA030, s0  }
0x3e2: {  	s0 =	sor.u32 $0xC030, s0;
	[tilespmem:s26+$0x0] =	vst.add.f32.msk $0xffff, v1  }
0x3e3: {  	[tilespmem:s0+$0x0] =	vst.add.f32.msk $0xffff, v1;
	v0 =	vmov v4  }
0x3e4: {  	[tilespmem:s2+$0x0] =	vst.add.f32.msk $0xffff, v2  }
0x3e5: {  	[tilespmem:s3+$0x0] =	vst.add.f32.msk $0xffff, v2  }
0x3e6: {  	[tilespmem:s4+$0x0] =	vst.add.f32.msk $0xffff, v2  }
.Ltmp9:
0x3e7: {  	[tilespmem:s5+$0x0] =	vst.add.f32.msk $0xffff, v2;
	(pc) =	sbr.rel @p0 .LBB2_20-.Ltmp9, $4  }
0x3e8: {  	[tilespmem:s6+$0x0] =	vst.add.f32.msk $0xffff, v3  }
0x3e9: {  	[tilespmem:s7+$0x0] =	vst.add.f32.msk $0xffff, v3  }
0x3ea: {  	[tilespmem:s10+$0x0] =	vst.add.f32.msk $0xffff, v3  }
0x3eb: {  	s20 =	sadd.s32 $0x200, s20;
	s21 =	sadd.s32 $0x8, s21;
	[tilespmem:s25+$0x0] =	vst.add.f32.msk $0xffff, v3  }
0x3ec: {  	[tilespmem:s24+$0x0] =	vst.add.f32.msk $0xffff, v0  }
0x3ed: {  	[tilespmem:s23+$0x0] =	vst.add.f32.msk $0xffff, v0  }
0x3ee: {  	[tilespmem:s22+$0x0] =	vst.add.f32.msk $0xffff, v0  }
0x3ef: {  	[tilespmem:s29+$0x0] =	vst.add.f32.msk $0xffff, v0  }
0x3f0: {  	s0 =	sld [smem:$0x7BD];
	_ =	sdelay $0x1  }
0x3f1: {  	s30 =	simm.s32 $0x0;
	s2 =	simm.s32 $0x6000;
	s23 =	sld [smem:$0x7BF]  }
0x3f2: {  	[hbm4b:s0+s30] =	stream.linear.scatter [tilespmem:s2], [sflag:$0x10], $0x2000, $0x38;
	[tilespmem:$0x1E000] =	vst v63  }
0x3f3: {  	s3 =	simm.s32 $0x8000;
	s24 =	sld [smem:$0x7C1]  }
0x3f4: {  	[hbm4b:s23+s30] =	stream.linear.scatter [tilespmem:s3], [sflag:$0x11], $0x2000, $0x38;
	[tilespmem:$0x1E000] =	vst v63  }
0x3f5: {  	s4 =	simm.s32 $0xA000;
	s25 =	sld [smem:$0x7C3]  }
0x3f6: {  	[hbm4b:s24+s30] =	stream.linear.scatter [tilespmem:s4], [sflag:$0x12], $0x2000, $0x38;
	[tilespmem:$0x1E000] =	vst v63  }
0x3f7: {  	s5 =	simm.s32 $0xC000  }
0x3f8: {  	[hbm4b:s25+s30] =	stream.linear.scatter [tilespmem:s5], [sflag:$0x13], $0x2000, $0x38;
	[tilespmem:$0x1E000] =	vst v63  }
0x3f9: {  	_ =	swait.ge [sflag:s16], $0x2000  }
0x3fa: {  	s26 =	sld [smem:$0x7D6]  }
0x3fb: {  	[sflag:s16] =	ssyncset.done $0x0  }
0x3fc: {  	[sflag:s16] =	ssyncadd.s32 $0xFFFFE000  }
0x3fd: {  	[tilespmem:s2], [sflag:$0x4] =	stream.linear.gather [hbm4b:s26+s30], $0x2000, $0x38;
	[tilespmem:$0x1E000] =	vst v63  }
0x3fe: {  	_ =	swait.ge [sflag:s17], $0x2000  }
0x3ff: {  	s2 =	sld [smem:$0x7D9]  }
0x400: {  	[sflag:s17] =	ssyncset.done $0x0  }
0x401: {  	[sflag:s17] =	ssyncadd.s32 $0xFFFFE000  }
0x402: {  	[tilespmem:s3], [sflag:$0x5] =	stream.linear.gather [hbm4b:s2+s30], $0x2000, $0x38;
	[tilespmem:$0x1E000] =	vst v63  }
0x403: {  	_ =	swait.ge [sflag:s18], $0x2000  }
0x404: {  	s3 =	sld [smem:$0x7DB]  }
0x405: {  	[sflag:s18] =	ssyncset.done $0x0  }
0x406: {  	[sflag:s18] =	ssyncadd.s32 $0xFFFFE000  }
0x407: {  	[tilespmem:s4], [sflag:$0x6] =	stream.linear.gather [hbm4b:s3+s30], $0x2000, $0x38;
	[tilespmem:$0x1E000] =	vst v63  }
0x408: {  	_ =	swait.ge [sflag:s19], $0x2000  }
0x409: {  	s6 =	sld [smem:$0x7DD]  }
0x40a: {  	[sflag:s19] =	ssyncset.done $0x0  }
0x40b: {  	s7 =	sld [smem:$0x7D7];
	[sflag:s19] =	ssyncadd.s32 $0xFFFFE000  }
0x40c: {  	[tilespmem:s5], [sflag:$0x7] =	stream.linear.gather [hbm4b:s6+s30], $0x2000, $0x38;
	[tilespmem:$0x1E000] =	vst v63  }
0x40d: {  	s10 =	simm.s32 $0x2  }
0x40e: {  	[tilespmem:s30], [sflag:$0x1] =	stream.linear.gather [hbm4b:s7+s30], $0x2000, $0x38;
	[tilespmem:$0x1E000] =	vst v63  }
0x40f: {  	_ =	swait.ge [sflag:s10], $0x2000  }
0x410: {  	[sflag:s10] =	ssyncset.done $0x0  }
0x411: {  	s20 =	simm.s32 $0x8;
	[sflag:s10] =	ssyncadd.s32 $0xFFFFE000  }
0x412: {  	_ =	swait.ge [sflag:s20], $0x2000  }
0x413: {  	[sflag:s20] =	ssyncset.done $0x0  }
0x414: {  	s21 =	simm.s32 $0x9;
	[sflag:s20] =	ssyncadd.s32 $0xFFFFE000  }
0x415: {  	_ =	swait.ge [sflag:s21], $0x2000  }
0x416: {  	[sflag:s21] =	ssyncset.done $0x0  }
0x417: {  	s22 =	simm.s32 $0xA;
	[sflag:s21] =	ssyncadd.s32 $0xFFFFE000  }
0x418: {  	_ =	swait.ge [sflag:s22], $0x2000  }
0x419: {  	[sflag:s22] =	ssyncset.done $0x0  }
0x41a: {  	s23 =	simm.s32 $0xB;
	[sflag:s22] =	ssyncadd.s32 $0xFFFFE000  }
0x41b: {  	s24 =	sand.u32 $0x1C00, s30;
	s25 =	sand.u32 $0x380, s30;
	_ =	swait.ge [sflag:s23], $0x2000  }
0x41c: {  	s0 =	sor.u32 s25, s24;
	s26 =	sand.u32 $0x40, s30;
	[sflag:s23] =	ssyncset.done $0x0  }
0x41d: {  	s0 =	sor.u32 s26, s0;
	[sflag:s23] =	ssyncadd.s32 $0xFFFFE000  }
0x41e: {  	v1 =	vld [tilespmem:s0+$0x2030]  }
0x41f: {  	v2 =	vld [tilespmem:s0+$0x2000]  }
0x420: {  	v3 =	vld [tilespmem:s0+$0x2010];
	_ =	sdelay $0x1  }
0x421: {  	s5 =	sor.u32 $0xE030, s0;
	v0 =	vld [tilespmem:s0+$0x2020]  }
0x422: {  	s3 =	sor.u32 $0xE000, s0;
	[tilespmem:s5+$0x0] =	vst.add.f32.msk $0xffff, v1  }
0x423: {  	s23 =	sor.u32 $0xE010, s0;
	[tilespmem:s3+$0x0] =	vst.add.f32.msk $0xffff, v2  }
0x424: {  	s6 =	sor.u32 $0x10030, s0;
	[tilespmem:s23+$0x0] =	vst.add.f32.msk $0xffff, v3  }
0x425: {  	s20 =	sor.u32 $0x10000, s0;
	[tilespmem:s6+$0x0] =	vst.add.f32.msk $0xffff, v1  }
0x426: {  	s24 =	sor.u32 $0x10010, s0;
	[tilespmem:s20+$0x0] =	vst.add.f32.msk $0xffff, v2  }
0x427: {  	s7 =	sor.u32 $0x12030, s0;
	[tilespmem:s24+$0x0] =	vst.add.f32.msk $0xffff, v3  }
0x428: {  	s21 =	sor.u32 $0x12000, s0;
	[tilespmem:s7+$0x0] =	vst.add.f32.msk $0xffff, v1  }
0x429: {  	s25 =	sor.u32 $0x12010, s0;
	[tilespmem:s21+$0x0] =	vst.add.f32.msk $0xffff, v2  }
0x42a: {  	s10 =	sor.u32 $0x14030, s0;
	[tilespmem:s25+$0x0] =	vst.add.f32.msk $0xffff, v3  }
0x42b: {  	s31 =	simm.s32 $0x0;
	s26 =	sor.u32 $0x14010, s0;
	s22 =	sor.u32 $0x14000, s0;
	[tilespmem:s10+$0x0] =	vst.add.f32.msk $0xffff, v1  }
0x42c: {  	s29 =	sor.u32 $0x14020, s0;
	s23 =	sor.u32 $0x10020, s0;
	s24 =	sor.u32 $0xE020, s0;
	[tilespmem:s22+$0x0] =	vst.add.f32.msk $0xffff, v2  }
0x42d: {  	s20 =	simm.s32 $0x200;
	s21 =	simm.s32 $0x8;
	s22 =	sor.u32 $0x12020, s0;
	[tilespmem:s26+$0x0] =	vst.add.f32.msk $0xffff, v3  }
.LBB2_22:
0x42e: {  	s0 =	sand.u32 $0x1C00, s20;
	s2 =	sand.u32 $0x380, s21;
	[tilespmem:s24+$0x0] =	vst.add.f32.msk $0xffff, v0;
	s30 =	sadd.s32 $0x40, s30  }
0x42f: {  	s3 =	sand.u32 $0x40, s30;
	s0 =	sor.u32 s2, s0;
	[tilespmem:s23+$0x0] =	vst.add.f32.msk $0xffff, v0  }
0x430: {  	s0 =	sor.u32 s3, s0;
	[tilespmem:s22+$0x0] =	vst.add.f32.msk $0xffff, v0  }
0x431: {  	s31 =	sadd.s32 $0x4, s31;
	s2 =	sor.u32 $0xE000, s0;
	s3 =	sor.u32 $0x10000, s0;
	v1 =	vld [tilespmem:s0+$0x2030]  }
0x432: {  	p0 =	slt.u32 s31, $0x1FC;
	s4 =	sor.u32 $0x12000, s0;
	s5 =	sor.u32 $0x14000, s0;
	v2 =	vld [tilespmem:s0+$0x2000]  }
0x433: {  	s6 =	sor.u32 $0xE010, s0;
	s7 =	sor.u32 $0x10010, s0;
	s10 =	sor.u32 $0x12010, s0;
	v3 =	vld [tilespmem:s0+$0x2010]  }
0x434: {  	s25 =	sor.u32 $0x14010, s0;
	s24 =	sor.u32 $0xE020, s0;
	s23 =	sor.u32 $0x10020, s0;
	v4 =	vld [tilespmem:s0+$0x2020]  }
0x435: {  	s22 =	sor.u32 $0x12020, s0;
	s26 =	sor.u32 $0xE030, s0;
	[tilespmem:s29+$0x0] =	vst.add.f32.msk $0xffff, v0;
	s29 =	sor.u32 $0x14020, s0  }
0x436: {  	[tilespmem:s26+$0x0] =	vst.add.f32.msk $0xffff, v1;
	s26 =	sor.u32 $0x10030, s0  }
0x437: {  	[tilespmem:s26+$0x0] =	vst.add.f32.msk $0xffff, v1;
	s26 =	sor.u32 $0x12030, s0  }
0x438: {  	s0 =	sor.u32 $0x14030, s0;
	[tilespmem:s26+$0x0] =	vst.add.f32.msk $0xffff, v1  }
0x439: {  	[tilespmem:s0+$0x0] =	vst.add.f32.msk $0xffff, v1;
	v0 =	vmov v4  }
0x43a: {  	[tilespmem:s2+$0x0] =	vst.add.f32.msk $0xffff, v2  }
0x43b: {  	[tilespmem:s3+$0x0] =	vst.add.f32.msk $0xffff, v2  }
0x43c: {  	[tilespmem:s4+$0x0] =	vst.add.f32.msk $0xffff, v2  }
.Ltmp10:
0x43d: {  	[tilespmem:s5+$0x0] =	vst.add.f32.msk $0xffff, v2;
	(pc) =	sbr.rel @p0 .LBB2_22-.Ltmp10, $4  }
0x43e: {  	[tilespmem:s6+$0x0] =	vst.add.f32.msk $0xffff, v3  }
0x43f: {  	[tilespmem:s7+$0x0] =	vst.add.f32.msk $0xffff, v3  }
0x440: {  	[tilespmem:s10+$0x0] =	vst.add.f32.msk $0xffff, v3  }
0x441: {  	s20 =	sadd.s32 $0x200, s20;
	s21 =	sadd.s32 $0x8, s21;
	[tilespmem:s25+$0x0] =	vst.add.f32.msk $0xffff, v3  }
0x442: {  	[tilespmem:s24+$0x0] =	vst.add.f32.msk $0xffff, v0  }
0x443: {  	[tilespmem:s23+$0x0] =	vst.add.f32.msk $0xffff, v0  }
0x444: {  	[tilespmem:s22+$0x0] =	vst.add.f32.msk $0xffff, v0  }
0x445: {  	[tilespmem:s29+$0x0] =	vst.add.f32.msk $0xffff, v0  }
0x446: {  	s0 =	sld [smem:$0x7C6];
	_ =	sdelay $0x1  }
0x447: {  	s30 =	simm.s32 $0x0;
	s2 =	simm.s32 $0xE000;
	s10 =	sld [smem:$0x7C8]  }
0x448: {  	[hbm4b:s0+s30] =	stream.linear.scatter [tilespmem:s2], [sflag:$0x14], $0x2000, $0x38;
	[tilespmem:$0x1E000] =	vst v63  }
0x449: {  	s20 =	sld [smem:$0x7CA]  }
0x44a: {  	[hbm4b:s10+s30] =	stream.linear.scatter [tilespmem:s8], [sflag:$0x15], $0x2000, $0x38;
	[tilespmem:$0x1E000] =	vst v63  }
0x44b: {  	s4 =	simm.s32 $0x12000;
	s21 =	sld [smem:$0x7CC]  }
0x44c: {  	[hbm4b:s20+s30] =	stream.linear.scatter [tilespmem:s4], [sflag:$0x16], $0x2000, $0x38;
	[tilespmem:$0x1E000] =	vst v63  }
0x44d: {  	s22 =	simm.s32 $0x14  }
0x44e: {  	[hbm4b:s21+s30] =	stream.linear.scatter [tilespmem:s9], [sflag:$0x17], $0x2000, $0x38;
	[tilespmem:$0x1E000] =	vst v63  }
0x44f: {  	_ =	swait.ge [sflag:s22], $0x2000  }
0x450: {  	s23 =	sld [smem:$0x7E2]  }
0x451: {  	[sflag:s22] =	ssyncset.done $0x0  }
0x452: {  	s24 =	simm.s32 $0x15;
	[sflag:s22] =	ssyncadd.s32 $0xFFFFE000  }
0x453: {  	[tilespmem:s2], [sflag:$0x8] =	stream.linear.gather [hbm4b:s23+s30], $0x2000, $0x38;
	[tilespmem:$0x1E000] =	vst v63  }
0x454: {  	_ =	swait.ge [sflag:s24], $0x2000  }
0x455: {  	s25 =	sld [smem:$0x7E3]  }
0x456: {  	[sflag:s24] =	ssyncset.done $0x0  }
0x457: {  	s3 =	simm.s32 $0x10000;
	s26 =	simm.s32 $0x16;
	[sflag:s24] =	ssyncadd.s32 $0xFFFFE000  }
0x458: {  	[tilespmem:s3], [sflag:$0x9] =	stream.linear.gather [hbm4b:s25+s30], $0x2000, $0x38;
	[tilespmem:$0x1E000] =	vst v63  }
0x459: {  	_ =	swait.ge [sflag:s26], $0x2000  }
0x45a: {  	s2 =	sld [smem:$0x7E4]  }
0x45b: {  	[sflag:s26] =	ssyncset.done $0x0  }
0x45c: {  	[sflag:s26] =	ssyncadd.s32 $0xFFFFE000  }
0x45d: {  	[tilespmem:s4], [sflag:$0xA] =	stream.linear.gather [hbm4b:s2+s30], $0x2000, $0x38;
	[tilespmem:$0x1E000] =	vst v63  }
0x45e: {  	s4 =	simm.s32 $0x17  }
0x45f: {  	_ =	swait.ge [sflag:s4], $0x2000  }
0x460: {  	s5 =	sld [smem:$0x7E5]  }
0x461: {  	[sflag:s4] =	ssyncset.done $0x0  }
0x462: {  	s3 =	simm.s32 $0x14000;
	s6 =	sld [smem:$0x7EE];
	[sflag:s4] =	ssyncadd.s32 $0xFFFFE000  }
0x463: {  	[tilespmem:s3], [sflag:$0xB] =	stream.linear.gather [hbm4b:s5+s30], $0x2000, $0x38;
	[tilespmem:$0x1E000] =	vst v63  }
0x464: {  	s7 =	simm.s32 $0x2000;
	s10 =	simm.s32 $0x3  }
0x465: {  	[tilespmem:s7], [sflag:$0x2] =	stream.linear.gather [hbm4b:s6+s30], $0x2000, $0x38;
	[tilespmem:$0x1E000] =	vst v63  }
0x466: {  	_ =	swait.ge [sflag:s10], $0x2000  }
0x467: {  	[sflag:s10] =	ssyncset.done $0x0  }
0x468: {  	s20 =	simm.s32 $0xC;
	[sflag:s10] =	ssyncadd.s32 $0xFFFFE000  }
0x469: {  	_ =	swait.ge [sflag:s20], $0x2000  }
0x46a: {  	[sflag:s20] =	ssyncset.done $0x0  }
0x46b: {  	s21 =	simm.s32 $0xD;
	[sflag:s20] =	ssyncadd.s32 $0xFFFFE000  }
0x46c: {  	_ =	swait.ge [sflag:s21], $0x2000  }
0x46d: {  	[sflag:s21] =	ssyncset.done $0x0  }
0x46e: {  	s22 =	simm.s32 $0xE;
	[sflag:s21] =	ssyncadd.s32 $0xFFFFE000  }
0x46f: {  	_ =	swait.ge [sflag:s22], $0x2000  }
0x470: {  	[sflag:s22] =	ssyncset.done $0x0  }
0x471: {  	s23 =	simm.s32 $0xF;
	[sflag:s22] =	ssyncadd.s32 $0xFFFFE000  }
0x472: {  	s24 =	sand.u32 $0x1C00, s30;
	s25 =	sand.u32 $0x380, s30;
	_ =	swait.ge [sflag:s23], $0x2000  }
0x473: {  	s0 =	sor.u32 s25, s24;
	s26 =	sand.u32 $0x40, s30;
	[sflag:s23] =	ssyncset.done $0x0  }
0x474: {  	s0 =	sor.u32 s26, s0;
	[sflag:s23] =	ssyncadd.s32 $0xFFFFE000  }
0x475: {  	v1 =	vld [tilespmem:s0+$0x4030]  }
0x476: {  	v2 =	vld [tilespmem:s0+$0x4000]  }
0x477: {  	v3 =	vld [tilespmem:s0+$0x4010];
	_ =	sdelay $0x1  }
0x478: {  	s5 =	sor.u32 $0x16030, s0;
	v0 =	vld [tilespmem:s0+$0x4020]  }
0x479: {  	s3 =	sor.u32 $0x16000, s0;
	[tilespmem:s5+$0x0] =	vst.add.f32.msk $0xffff, v1  }
0x47a: {  	s23 =	sor.u32 $0x16010, s0;
	[tilespmem:s3+$0x0] =	vst.add.f32.msk $0xffff, v2  }
0x47b: {  	s6 =	sor.u32 $0x18030, s0;
	[tilespmem:s23+$0x0] =	vst.add.f32.msk $0xffff, v3  }
0x47c: {  	s20 =	sor.u32 $0x18000, s0;
	[tilespmem:s6+$0x0] =	vst.add.f32.msk $0xffff, v1  }
0x47d: {  	s24 =	sor.u32 $0x18010, s0;
	[tilespmem:s20+$0x0] =	vst.add.f32.msk $0xffff, v2  }
0x47e: {  	s7 =	sor.u32 $0x1A030, s0;
	[tilespmem:s24+$0x0] =	vst.add.f32.msk $0xffff, v3  }
0x47f: {  	s21 =	sor.u32 $0x1A000, s0;
	[tilespmem:s7+$0x0] =	vst.add.f32.msk $0xffff, v1  }
0x480: {  	s25 =	sor.u32 $0x1A010, s0;
	[tilespmem:s21+$0x0] =	vst.add.f32.msk $0xffff, v2  }
0x481: {  	s31 =	simm.s32 $0x0;
	s8 =	simm.s32 $0xE000;
	s10 =	sor.u32 $0x1C030, s0;
	[tilespmem:s25+$0x0] =	vst.add.f32.msk $0xffff, v3  }
0x482: {  	s9 =	simm.s32 $0x12000;
	s26 =	sor.u32 $0x1C010, s0;
	s22 =	sor.u32 $0x1C000, s0;
	[tilespmem:s10+$0x0] =	vst.add.f32.msk $0xffff, v1  }
0x483: {  	s29 =	sor.u32 $0x1C020, s0;
	s23 =	sor.u32 $0x18020, s0;
	s24 =	sor.u32 $0x16020, s0;
	[tilespmem:s22+$0x0] =	vst.add.f32.msk $0xffff, v2  }
0x484: {  	s20 =	simm.s32 $0x200;
	s21 =	simm.s32 $0x8;
	s22 =	sor.u32 $0x1A020, s0;
	[tilespmem:s26+$0x0] =	vst.add.f32.msk $0xffff, v3  }
.LBB2_24:
0x485: {  	s0 =	sand.u32 $0x1C00, s20;
	s2 =	sand.u32 $0x380, s21;
	[tilespmem:s24+$0x0] =	vst.add.f32.msk $0xffff, v0;
	s30 =	sadd.s32 $0x40, s30  }
0x486: {  	s3 =	sand.u32 $0x40, s30;
	s0 =	sor.u32 s2, s0;
	[tilespmem:s23+$0x0] =	vst.add.f32.msk $0xffff, v0  }
0x487: {  	s0 =	sor.u32 s3, s0;
	[tilespmem:s22+$0x0] =	vst.add.f32.msk $0xffff, v0  }
0x488: {  	s31 =	sadd.s32 $0x4, s31;
	s2 =	sor.u32 $0x16000, s0;
	s3 =	sor.u32 $0x18000, s0;
	v1 =	vld [tilespmem:s0+$0x4030]  }
0x489: {  	p0 =	slt.u32 s31, $0x1FC;
	s4 =	sor.u32 $0x1A000, s0;
	s5 =	sor.u32 $0x1C000, s0;
	v2 =	vld [tilespmem:s0+$0x4000]  }
0x48a: {  	s6 =	sor.u32 $0x16010, s0;
	s7 =	sor.u32 $0x18010, s0;
	s10 =	sor.u32 $0x1A010, s0;
	v3 =	vld [tilespmem:s0+$0x4010]  }
0x48b: {  	s25 =	sor.u32 $0x1C010, s0;
	s24 =	sor.u32 $0x16020, s0;
	s23 =	sor.u32 $0x18020, s0;
	v4 =	vld [tilespmem:s0+$0x4020]  }
0x48c: {  	s22 =	sor.u32 $0x1A020, s0;
	s26 =	sor.u32 $0x16030, s0;
	[tilespmem:s29+$0x0] =	vst.add.f32.msk $0xffff, v0;
	s29 =	sor.u32 $0x1C020, s0  }
0x48d: {  	[tilespmem:s26+$0x0] =	vst.add.f32.msk $0xffff, v1;
	s26 =	sor.u32 $0x18030, s0  }
0x48e: {  	[tilespmem:s26+$0x0] =	vst.add.f32.msk $0xffff, v1;
	s26 =	sor.u32 $0x1A030, s0  }
0x48f: {  	s0 =	sor.u32 $0x1C030, s0;
	[tilespmem:s26+$0x0] =	vst.add.f32.msk $0xffff, v1  }
0x490: {  	[tilespmem:s0+$0x0] =	vst.add.f32.msk $0xffff, v1;
	v0 =	vmov v4  }
0x491: {  	[tilespmem:s2+$0x0] =	vst.add.f32.msk $0xffff, v2  }
0x492: {  	[tilespmem:s3+$0x0] =	vst.add.f32.msk $0xffff, v2  }
0x493: {  	[tilespmem:s4+$0x0] =	vst.add.f32.msk $0xffff, v2  }
.Ltmp11:
0x494: {  	[tilespmem:s5+$0x0] =	vst.add.f32.msk $0xffff, v2;
	(pc) =	sbr.rel @p0 .LBB2_24-.Ltmp11, $4  }
0x495: {  	[tilespmem:s6+$0x0] =	vst.add.f32.msk $0xffff, v3  }
0x496: {  	[tilespmem:s7+$0x0] =	vst.add.f32.msk $0xffff, v3  }
0x497: {  	[tilespmem:s10+$0x0] =	vst.add.f32.msk $0xffff, v3  }
0x498: {  	s20 =	sadd.s32 $0x200, s20;
	s21 =	sadd.s32 $0x8, s21;
	[tilespmem:s25+$0x0] =	vst.add.f32.msk $0xffff, v3  }
0x499: {  	[tilespmem:s24+$0x0] =	vst.add.f32.msk $0xffff, v0  }
0x49a: {  	[tilespmem:s23+$0x0] =	vst.add.f32.msk $0xffff, v0  }
0x49b: {  	[tilespmem:s22+$0x0] =	vst.add.f32.msk $0xffff, v0  }
0x49c: {  	[tilespmem:s29+$0x0] =	vst.add.f32.msk $0xffff, v0  }
0x49d: {  	s0 =	sld [smem:$0x7CF];
	_ =	sdelay $0x1  }
0x49e: {  	s30 =	simm.s32 $0x0;
	s2 =	simm.s32 $0x16000;
	s25 =	sld [smem:$0x7D1]  }
0x49f: {  	[hbm4b:s0+s30] =	stream.linear.scatter [tilespmem:s2], [sflag:$0x18], $0x2000, $0x38;
	[tilespmem:$0x1E000] =	vst v63  }
0x4a0: {  	s26 =	sld [smem:$0x7D3]  }
0x4a1: {  	[hbm4b:s25+s30] =	stream.linear.scatter [tilespmem:s28], [sflag:$0x19], $0x2000, $0x38;
	[tilespmem:$0x1E000] =	vst v63  }
0x4a2: {  	s4 =	simm.s32 $0x1A000;
	s3 =	sld [smem:$0x7D5]  }
0x4a3: {  	[hbm4b:s26+s30] =	stream.linear.scatter [tilespmem:s4], [sflag:$0x1A], $0x2000, $0x38;
	[tilespmem:$0x1E000] =	vst v63  }
0x4a4: {  	s5 =	simm.s32 $0x18  }
0x4a5: {  	[hbm4b:s3+s30] =	stream.linear.scatter [tilespmem:s11], [sflag:$0x1B], $0x2000, $0x38;
	[tilespmem:$0x1E000] =	vst v63  }
0x4a6: {  	_ =	swait.ge [sflag:s5], $0x2000  }
0x4a7: {  	s6 =	sld [smem:$0x7E6]  }
0x4a8: {  	[sflag:s5] =	ssyncset.done $0x0  }
0x4a9: {  	s7 =	simm.s32 $0x19;
	[sflag:s5] =	ssyncadd.s32 $0xFFFFE000  }
0x4aa: {  	[tilespmem:s2], [sflag:$0xC] =	stream.linear.gather [hbm4b:s6+s30], $0x2000, $0x38;
	[tilespmem:$0x1E000] =	vst v63  }
0x4ab: {  	_ =	swait.ge [sflag:s7], $0x2000  }
0x4ac: {  	s10 =	sld [smem:$0x7E7]  }
0x4ad: {  	[sflag:s7] =	ssyncset.done $0x0  }
0x4ae: {  	s3 =	simm.s32 $0x18000;
	s11 =	simm.s32 $0x1A;
	[sflag:s7] =	ssyncadd.s32 $0xFFFFE000  }
0x4af: {  	[tilespmem:s3], [sflag:$0xD] =	stream.linear.gather [hbm4b:s10+s30], $0x2000, $0x38;
	[tilespmem:$0x1E000] =	vst v63  }
0x4b0: {  	_ =	swait.ge [sflag:s11], $0x2000  }
0x4b1: {  	s20 =	sld [smem:$0x7E8]  }
0x4b2: {  	[sflag:s11] =	ssyncset.done $0x0  }
0x4b3: {  	s22 =	simm.s32 $0x1B;
	[sflag:s11] =	ssyncadd.s32 $0xFFFFE000  }
0x4b4: {  	[tilespmem:s4], [sflag:$0xE] =	stream.linear.gather [hbm4b:s20+s30], $0x2000, $0x38;
	[tilespmem:$0x1E000] =	vst v63  }
0x4b5: {  	_ =	swait.ge [sflag:s22], $0x2000  }
0x4b6: {  	s23 =	sld [smem:$0x7E9]  }
0x4b7: {  	[sflag:s22] =	ssyncset.done $0x0  }
0x4b8: {  	s21 =	simm.s32 $0x1C000;
	s24 =	sld [smem:$0x7EF];
	[sflag:s22] =	ssyncadd.s32 $0xFFFFE000  }
0x4b9: {  	[tilespmem:s21], [sflag:$0xF] =	stream.linear.gather [hbm4b:s23+s30], $0x2000, $0x38;
	[tilespmem:$0x1E000] =	vst v63  }
0x4ba: {  	s25 =	simm.s32 $0x4000;
	s26 =	simm.s32 $0x1  }
0x4bb: {  	[tilespmem:s25], [sflag:$0x3] =	stream.linear.gather [hbm4b:s24+s30], $0x2000, $0x38;
	[tilespmem:$0x1E000] =	vst v63  }
0x4bc: {  	_ =	swait.ge [sflag:s26], $0x2000  }
0x4bd: {  	[sflag:s26] =	ssyncset.done $0x0  }
0x4be: {  	[sflag:s26] =	ssyncadd.s32 $0xFFFFE000  }
0x4bf: {  	_ =	swait.ge [sflag:s12], $0x2000  }
0x4c0: {  	[sflag:s12] =	ssyncset.done $0x0  }
0x4c1: {  	[sflag:s12] =	ssyncadd.s32 $0xFFFFE000  }
0x4c2: {  	_ =	swait.ge [sflag:s13], $0x2000  }
0x4c3: {  	[sflag:s13] =	ssyncset.done $0x0  }
0x4c4: {  	[sflag:s13] =	ssyncadd.s32 $0xFFFFE000  }
0x4c5: {  	_ =	swait.ge [sflag:s14], $0x2000  }
0x4c6: {  	[sflag:s14] =	ssyncset.done $0x0  }
0x4c7: {  	[sflag:s14] =	ssyncadd.s32 $0xFFFFE000  }
0x4c8: {  	s2 =	sand.u32 $0x1C00, s30;
	s3 =	sand.u32 $0x380, s30;
	_ =	swait.ge [sflag:s15], $0x2000  }
0x4c9: {  	s0 =	sor.u32 s3, s2;
	s4 =	sand.u32 $0x40, s30;
	[sflag:s15] =	ssyncset.done $0x0  }
0x4ca: {  	s0 =	sor.u32 s4, s0;
	[sflag:s15] =	ssyncadd.s32 $0xFFFFE000  }
0x4cb: {  	v1 =	vld [tilespmem:s0+$0x30]  }
0x4cc: {  	v2 =	vld [tilespmem:s0+$0x0]  }
0x4cd: {  	v3 =	vld [tilespmem:s0+$0x10];
	_ =	sdelay $0x1  }
0x4ce: {  	s5 =	sor.u32 $0x6030, s0;
	v0 =	vld [tilespmem:s0+$0x20]  }
0x4cf: {  	s3 =	sor.u32 $0x6000, s0;
	[tilespmem:s5+$0x0] =	vst.add.f32.msk $0xffff, v1  }
0x4d0: {  	s23 =	sor.u32 $0x6010, s0;
	[tilespmem:s3+$0x0] =	vst.add.f32.msk $0xffff, v2  }
0x4d1: {  	s6 =	sor.u32 $0x8030, s0;
	[tilespmem:s23+$0x0] =	vst.add.f32.msk $0xffff, v3  }
0x4d2: {  	s20 =	sor.u32 $0x8000, s0;
	[tilespmem:s6+$0x0] =	vst.add.f32.msk $0xffff, v1  }
0x4d3: {  	s24 =	sor.u32 $0x8010, s0;
	[tilespmem:s20+$0x0] =	vst.add.f32.msk $0xffff, v2  }
0x4d4: {  	s7 =	sor.u32 $0xA030, s0;
	[tilespmem:s24+$0x0] =	vst.add.f32.msk $0xffff, v3  }
0x4d5: {  	s21 =	sor.u32 $0xA000, s0;
	[tilespmem:s7+$0x0] =	vst.add.f32.msk $0xffff, v1  }
0x4d6: {  	s25 =	sor.u32 $0xA010, s0;
	[tilespmem:s21+$0x0] =	vst.add.f32.msk $0xffff, v2  }
0x4d7: {  	s31 =	simm.s32 $0x0;
	s28 =	simm.s32 $0x16000;
	s10 =	sor.u32 $0xC030, s0;
	[tilespmem:s25+$0x0] =	vst.add.f32.msk $0xffff, v3  }
0x4d8: {  	s11 =	simm.s32 $0x1A000;
	s29 =	sor.u32 $0xC020, s0;
	s22 =	sor.u32 $0xC000, s0;
	[tilespmem:s10+$0x0] =	vst.add.f32.msk $0xffff, v1  }
0x4d9: {  	s26 =	sor.u32 $0xC010, s0;
	s23 =	sor.u32 $0x8020, s0;
	s24 =	sor.u32 $0x6020, s0;
	[tilespmem:s22+$0x0] =	vst.add.f32.msk $0xffff, v2  }
0x4da: {  	s20 =	simm.s32 $0x200;
	s21 =	simm.s32 $0x8;
	s22 =	sor.u32 $0xA020, s0;
	[tilespmem:s26+$0x0] =	vst.add.f32.msk $0xffff, v3  }
.LBB2_26:
0x4db: {  	s0 =	sand.u32 $0x1C00, s20;
	s2 =	sand.u32 $0x380, s21;
	[tilespmem:s24+$0x0] =	vst.add.f32.msk $0xffff, v0;
	s30 =	sadd.s32 $0x40, s30  }
0x4dc: {  	s3 =	sand.u32 $0x40, s30;
	s0 =	sor.u32 s2, s0;
	[tilespmem:s23+$0x0] =	vst.add.f32.msk $0xffff, v0  }
0x4dd: {  	s0 =	sor.u32 s3, s0;
	[tilespmem:s22+$0x0] =	vst.add.f32.msk $0xffff, v0  }
0x4de: {  	s31 =	sadd.s32 $0x4, s31;
	s2 =	sor.u32 $0x6000, s0;
	s3 =	sor.u32 $0x8000, s0;
	v1 =	vld [tilespmem:s0+$0x30]  }
0x4df: {  	p0 =	slt.u32 s31, $0x1FC;
	s4 =	sor.u32 $0xA000, s0;
	s5 =	sor.u32 $0xC000, s0;
	v2 =	vld [tilespmem:s0+$0x0]  }
0x4e0: {  	s6 =	sor.u32 $0x6010, s0;
	s7 =	sor.u32 $0x8010, s0;
	s10 =	sor.u32 $0xA010, s0;
	v3 =	vld [tilespmem:s0+$0x10]  }
0x4e1: {  	s25 =	sor.u32 $0xC010, s0;
	s24 =	sor.u32 $0x6020, s0;
	s23 =	sor.u32 $0x8020, s0;
	v4 =	vld [tilespmem:s0+$0x20]  }
0x4e2: {  	s22 =	sor.u32 $0xA020, s0;
	s26 =	sor.u32 $0x6030, s0;
	[tilespmem:s29+$0x0] =	vst.add.f32.msk $0xffff, v0;
	s29 =	sor.u32 $0xC020, s0  }
0x4e3: {  	[tilespmem:s26+$0x0] =	vst.add.f32.msk $0xffff, v1;
	s26 =	sor.u32 $0x8030, s0  }
0x4e4: {  	[tilespmem:s26+$0x0] =	vst.add.f32.msk $0xffff, v1;
	s26 =	sor.u32 $0xA030, s0  }
0x4e5: {  	s0 =	sor.u32 $0xC030, s0;
	[tilespmem:s26+$0x0] =	vst.add.f32.msk $0xffff, v1  }
0x4e6: {  	[tilespmem:s0+$0x0] =	vst.add.f32.msk $0xffff, v1;
	v0 =	vmov v4  }
0x4e7: {  	[tilespmem:s2+$0x0] =	vst.add.f32.msk $0xffff, v2  }
0x4e8: {  	[tilespmem:s3+$0x0] =	vst.add.f32.msk $0xffff, v2  }
0x4e9: {  	[tilespmem:s4+$0x0] =	vst.add.f32.msk $0xffff, v2  }
.Ltmp12:
0x4ea: {  	[tilespmem:s5+$0x0] =	vst.add.f32.msk $0xffff, v2;
	(pc) =	sbr.rel @p0 .LBB2_26-.Ltmp12, $4  }
0x4eb: {  	[tilespmem:s6+$0x0] =	vst.add.f32.msk $0xffff, v3  }
0x4ec: {  	[tilespmem:s7+$0x0] =	vst.add.f32.msk $0xffff, v3  }
0x4ed: {  	[tilespmem:s10+$0x0] =	vst.add.f32.msk $0xffff, v3  }
0x4ee: {  	s20 =	sadd.s32 $0x200, s20;
	s21 =	sadd.s32 $0x8, s21;
	[tilespmem:s25+$0x0] =	vst.add.f32.msk $0xffff, v3  }
0x4ef: {  	[tilespmem:s24+$0x0] =	vst.add.f32.msk $0xffff, v0  }
0x4f0: {  	[tilespmem:s23+$0x0] =	vst.add.f32.msk $0xffff, v0  }
0x4f1: {  	[tilespmem:s22+$0x0] =	vst.add.f32.msk $0xffff, v0  }
0x4f2: {  	[tilespmem:s29+$0x0] =	vst.add.f32.msk $0xffff, v0  }
0x4f3: {  	s0 =	sld [smem:$0x7D8];
	_ =	sdelay $0x1  }
0x4f4: {  	s30 =	simm.s32 $0x0;
	s2 =	simm.s32 $0x6000;
	s23 =	sld [smem:$0x7DA]  }
0x4f5: {  	[hbm4b:s0+s30] =	stream.linear.scatter [tilespmem:s2], [sflag:$0x10], $0x2000, $0x38;
	[tilespmem:$0x1E000] =	vst v63  }
0x4f6: {  	s3 =	simm.s32 $0x8000;
	s24 =	sld [smem:$0x7DC]  }
0x4f7: {  	[hbm4b:s23+s30] =	stream.linear.scatter [tilespmem:s3], [sflag:$0x11], $0x2000, $0x38;
	[tilespmem:$0x1E000] =	vst v63  }
0x4f8: {  	s4 =	simm.s32 $0xA000;
	s25 =	sld [smem:$0x7DE]  }
0x4f9: {  	[hbm4b:s24+s30] =	stream.linear.scatter [tilespmem:s4], [sflag:$0x12], $0x2000, $0x38;
	[tilespmem:$0x1E000] =	vst v63  }
0x4fa: {  	s5 =	simm.s32 $0xC000  }
0x4fb: {  	[hbm4b:s25+s30] =	stream.linear.scatter [tilespmem:s5], [sflag:$0x13], $0x2000, $0x38;
	[tilespmem:$0x1E000] =	vst v63  }
0x4fc: {  	_ =	swait.ge [sflag:s16], $0x2000  }
0x4fd: {  	s26 =	sld [smem:$0x7EA]  }
0x4fe: {  	[sflag:s16] =	ssyncset.done $0x0  }
0x4ff: {  	[sflag:s16] =	ssyncadd.s32 $0xFFFFE000  }
0x500: {  	[tilespmem:s2], [sflag:$0x4] =	stream.linear.gather [hbm4b:s26+s30], $0x2000, $0x38;
	[tilespmem:$0x1E000] =	vst v63  }
0x501: {  	_ =	swait.ge [sflag:s17], $0x2000  }
0x502: {  	s2 =	sld [smem:$0x7EB]  }
0x503: {  	[sflag:s17] =	ssyncset.done $0x0  }
0x504: {  	[sflag:s17] =	ssyncadd.s32 $0xFFFFE000  }
0x505: {  	[tilespmem:s3], [sflag:$0x5] =	stream.linear.gather [hbm4b:s2+s30], $0x2000, $0x38;
	[tilespmem:$0x1E000] =	vst v63  }
0x506: {  	_ =	swait.ge [sflag:s18], $0x2000  }
0x507: {  	s3 =	sld [smem:$0x7EC]  }
0x508: {  	[sflag:s18] =	ssyncset.done $0x0  }
0x509: {  	[sflag:s18] =	ssyncadd.s32 $0xFFFFE000  }
0x50a: {  	[tilespmem:s4], [sflag:$0x6] =	stream.linear.gather [hbm4b:s3+s30], $0x2000, $0x38;
	[tilespmem:$0x1E000] =	vst v63  }
0x50b: {  	_ =	swait.ge [sflag:s19], $0x2000  }
0x50c: {  	s6 =	sld [smem:$0x7ED]  }
0x50d: {  	[sflag:s19] =	ssyncset.done $0x0  }
0x50e: {  	s7 =	sld [smem:$0x7F0];
	[sflag:s19] =	ssyncadd.s32 $0xFFFFE000  }
0x50f: {  	[tilespmem:s5], [sflag:$0x7] =	stream.linear.gather [hbm4b:s6+s30], $0x2000, $0x38;
	[tilespmem:$0x1E000] =	vst v63  }
0x510: {  	s10 =	simm.s32 $0x2  }
0x511: {  	[tilespmem:s30], [sflag:$0x1] =	stream.linear.gather [hbm4b:s7+s30], $0x2000, $0x38;
	[tilespmem:$0x1E000] =	vst v63  }
0x512: {  	_ =	swait.ge [sflag:s10], $0x2000  }
0x513: {  	[sflag:s10] =	ssyncset.done $0x0  }
0x514: {  	s20 =	simm.s32 $0x8;
	[sflag:s10] =	ssyncadd.s32 $0xFFFFE000  }
0x515: {  	_ =	swait.ge [sflag:s20], $0x2000  }
0x516: {  	[sflag:s20] =	ssyncset.done $0x0  }
0x517: {  	s21 =	simm.s32 $0x9;
	[sflag:s20] =	ssyncadd.s32 $0xFFFFE000  }
0x518: {  	_ =	swait.ge [sflag:s21], $0x2000  }
0x519: {  	[sflag:s21] =	ssyncset.done $0x0  }
0x51a: {  	s22 =	simm.s32 $0xA;
	[sflag:s21] =	ssyncadd.s32 $0xFFFFE000  }
0x51b: {  	_ =	swait.ge [sflag:s22], $0x2000  }
0x51c: {  	[sflag:s22] =	ssyncset.done $0x0  }
0x51d: {  	s23 =	simm.s32 $0xB;
	[sflag:s22] =	ssyncadd.s32 $0xFFFFE000  }
0x51e: {  	s24 =	sand.u32 $0x1C00, s30;
	s25 =	sand.u32 $0x380, s30;
	_ =	swait.ge [sflag:s23], $0x2000  }
0x51f: {  	s0 =	sor.u32 s25, s24;
	s26 =	sand.u32 $0x40, s30;
	[sflag:s23] =	ssyncset.done $0x0  }
0x520: {  	s0 =	sor.u32 s26, s0;
	[sflag:s23] =	ssyncadd.s32 $0xFFFFE000  }
0x521: {  	v1 =	vld [tilespmem:s0+$0x2030]  }
0x522: {  	v2 =	vld [tilespmem:s0+$0x2000]  }
0x523: {  	v3 =	vld [tilespmem:s0+$0x2010];
	_ =	sdelay $0x1  }
0x524: {  	s5 =	sor.u32 $0xE030, s0;
	v0 =	vld [tilespmem:s0+$0x2020]  }
0x525: {  	s3 =	sor.u32 $0xE000, s0;
	[tilespmem:s5+$0x0] =	vst.add.f32.msk $0xffff, v1  }
0x526: {  	s23 =	sor.u32 $0xE010, s0;
	[tilespmem:s3+$0x0] =	vst.add.f32.msk $0xffff, v2  }
0x527: {  	s6 =	sor.u32 $0x10030, s0;
	[tilespmem:s23+$0x0] =	vst.add.f32.msk $0xffff, v3  }
0x528: {  	s20 =	sor.u32 $0x10000, s0;
	[tilespmem:s6+$0x0] =	vst.add.f32.msk $0xffff, v1  }
0x529: {  	s24 =	sor.u32 $0x10010, s0;
	[tilespmem:s20+$0x0] =	vst.add.f32.msk $0xffff, v2  }
0x52a: {  	s7 =	sor.u32 $0x12030, s0;
	[tilespmem:s24+$0x0] =	vst.add.f32.msk $0xffff, v3  }
0x52b: {  	s21 =	sor.u32 $0x12000, s0;
	[tilespmem:s7+$0x0] =	vst.add.f32.msk $0xffff, v1  }
0x52c: {  	s25 =	sor.u32 $0x12010, s0;
	[tilespmem:s21+$0x0] =	vst.add.f32.msk $0xffff, v2  }
0x52d: {  	s10 =	sor.u32 $0x14030, s0;
	[tilespmem:s25+$0x0] =	vst.add.f32.msk $0xffff, v3  }
0x52e: {  	s31 =	simm.s32 $0x0;
	s26 =	sor.u32 $0x14010, s0;
	s22 =	sor.u32 $0x14000, s0;
	[tilespmem:s10+$0x0] =	vst.add.f32.msk $0xffff, v1  }
0x52f: {  	s29 =	sor.u32 $0x14020, s0;
	s23 =	sor.u32 $0x10020, s0;
	s24 =	sor.u32 $0xE020, s0;
	[tilespmem:s22+$0x0] =	vst.add.f32.msk $0xffff, v2  }
0x530: {  	s20 =	simm.s32 $0x200;
	s21 =	simm.s32 $0x8;
	s22 =	sor.u32 $0x12020, s0;
	[tilespmem:s26+$0x0] =	vst.add.f32.msk $0xffff, v3  }
.LBB2_28:
0x531: {  	s0 =	sand.u32 $0x1C00, s20;
	s2 =	sand.u32 $0x380, s21;
	[tilespmem:s24+$0x0] =	vst.add.f32.msk $0xffff, v0;
	s30 =	sadd.s32 $0x40, s30  }
0x532: {  	s3 =	sand.u32 $0x40, s30;
	s0 =	sor.u32 s2, s0;
	[tilespmem:s23+$0x0] =	vst.add.f32.msk $0xffff, v0  }
0x533: {  	s0 =	sor.u32 s3, s0;
	[tilespmem:s22+$0x0] =	vst.add.f32.msk $0xffff, v0  }
0x534: {  	s31 =	sadd.s32 $0x4, s31;
	s2 =	sor.u32 $0xE000, s0;
	s3 =	sor.u32 $0x10000, s0;
	v1 =	vld [tilespmem:s0+$0x2030]  }
0x535: {  	p0 =	slt.u32 s31, $0x1FC;
	s4 =	sor.u32 $0x12000, s0;
	s5 =	sor.u32 $0x14000, s0;
	v2 =	vld [tilespmem:s0+$0x2000]  }
0x536: {  	s6 =	sor.u32 $0xE010, s0;
	s7 =	sor.u32 $0x10010, s0;
	s10 =	sor.u32 $0x12010, s0;
	v3 =	vld [tilespmem:s0+$0x2010]  }
0x537: {  	s25 =	sor.u32 $0x14010, s0;
	s24 =	sor.u32 $0xE020, s0;
	s23 =	sor.u32 $0x10020, s0;
	v4 =	vld [tilespmem:s0+$0x2020]  }
0x538: {  	s22 =	sor.u32 $0x12020, s0;
	s26 =	sor.u32 $0xE030, s0;
	[tilespmem:s29+$0x0] =	vst.add.f32.msk $0xffff, v0;
	s29 =	sor.u32 $0x14020, s0  }
0x539: {  	[tilespmem:s26+$0x0] =	vst.add.f32.msk $0xffff, v1;
	s26 =	sor.u32 $0x10030, s0  }
0x53a: {  	[tilespmem:s26+$0x0] =	vst.add.f32.msk $0xffff, v1;
	s26 =	sor.u32 $0x12030, s0  }
0x53b: {  	s0 =	sor.u32 $0x14030, s0;
	[tilespmem:s26+$0x0] =	vst.add.f32.msk $0xffff, v1  }
0x53c: {  	[tilespmem:s0+$0x0] =	vst.add.f32.msk $0xffff, v1;
	v0 =	vmov v4  }
0x53d: {  	[tilespmem:s2+$0x0] =	vst.add.f32.msk $0xffff, v2  }
0x53e: {  	[tilespmem:s3+$0x0] =	vst.add.f32.msk $0xffff, v2  }
0x53f: {  	[tilespmem:s4+$0x0] =	vst.add.f32.msk $0xffff, v2  }
.Ltmp13:
0x540: {  	[tilespmem:s5+$0x0] =	vst.add.f32.msk $0xffff, v2;
	(pc) =	sbr.rel @p0 .LBB2_28-.Ltmp13, $4  }
0x541: {  	[tilespmem:s6+$0x0] =	vst.add.f32.msk $0xffff, v3  }
0x542: {  	[tilespmem:s7+$0x0] =	vst.add.f32.msk $0xffff, v3  }
0x543: {  	[tilespmem:s10+$0x0] =	vst.add.f32.msk $0xffff, v3  }
0x544: {  	s20 =	sadd.s32 $0x200, s20;
	s21 =	sadd.s32 $0x8, s21;
	[tilespmem:s25+$0x0] =	vst.add.f32.msk $0xffff, v3  }
0x545: {  	[tilespmem:s24+$0x0] =	vst.add.f32.msk $0xffff, v0  }
0x546: {  	[tilespmem:s23+$0x0] =	vst.add.f32.msk $0xffff, v0  }
0x547: {  	[tilespmem:s22+$0x0] =	vst.add.f32.msk $0xffff, v0  }
0x548: {  	[tilespmem:s29+$0x0] =	vst.add.f32.msk $0xffff, v0  }
0x549: {  	s0 =	sld [smem:$0x7F1];
	_ =	sdelay $0x1  }
0x54a: {  	s30 =	simm.s32 $0x0;
	s6 =	sld [smem:$0x7F2]  }
0x54b: {  	[hbm4b:s0+s30] =	stream.linear.scatter [tilespmem:s8], [sflag:$0x14], $0x2000, $0x38;
	[tilespmem:$0x1E000] =	vst v63  }
0x54c: {  	s2 =	simm.s32 $0x10000;
	s7 =	sld [smem:$0x7F3]  }
0x54d: {  	[hbm4b:s6+s30] =	stream.linear.scatter [tilespmem:s2], [sflag:$0x15], $0x2000, $0x38;
	[tilespmem:$0x1E000] =	vst v63  }
0x54e: {  	s10 =	sld [smem:$0x7F4]  }
0x54f: {  	[hbm4b:s7+s30] =	stream.linear.scatter [tilespmem:s9], [sflag:$0x16], $0x2000, $0x38;
	[tilespmem:$0x1E000] =	vst v63  }
0x550: {  	s20 =	simm.s32 $0x14000;
	s21 =	simm.s32 $0x3  }
0x551: {  	[hbm4b:s10+s30] =	stream.linear.scatter [tilespmem:s20], [sflag:$0x17], $0x2000, $0x38;
	[tilespmem:$0x1E000] =	vst v63  }
0x552: {  	_ =	swait.ge [sflag:s21], $0x2000  }
0x553: {  	[sflag:s21] =	ssyncset.done $0x0  }
0x554: {  	s22 =	simm.s32 $0xC;
	[sflag:s21] =	ssyncadd.s32 $0xFFFFE000  }
0x555: {  	_ =	swait.ge [sflag:s22], $0x2000  }
0x556: {  	[sflag:s22] =	ssyncset.done $0x0  }
0x557: {  	s23 =	simm.s32 $0xD;
	[sflag:s22] =	ssyncadd.s32 $0xFFFFE000  }
0x558: {  	_ =	swait.ge [sflag:s23], $0x2000  }
0x559: {  	[sflag:s23] =	ssyncset.done $0x0  }
0x55a: {  	s24 =	simm.s32 $0xE;
	[sflag:s23] =	ssyncadd.s32 $0xFFFFE000  }
0x55b: {  	_ =	swait.ge [sflag:s24], $0x2000  }
0x55c: {  	[sflag:s24] =	ssyncset.done $0x0  }
0x55d: {  	s4 =	simm.s32 $0xF;
	[sflag:s24] =	ssyncadd.s32 $0xFFFFE000  }
0x55e: {  	s25 =	sand.u32 $0x1C00, s30;
	s26 =	sand.u32 $0x380, s30;
	_ =	swait.ge [sflag:s4], $0x2000  }
0x55f: {  	s3 =	sand.u32 $0x40, s30;
	s0 =	sor.u32 s26, s25;
	[sflag:s4] =	ssyncset.done $0x0  }
0x560: {  	s0 =	sor.u32 s3, s0;
	[sflag:s4] =	ssyncadd.s32 $0xFFFFE000  }
0x561: {  	v1 =	vld [tilespmem:s0+$0x4030]  }
0x562: {  	v2 =	vld [tilespmem:s0+$0x4000]  }
0x563: {  	v3 =	vld [tilespmem:s0+$0x4010];
	_ =	sdelay $0x1  }
0x564: {  	s5 =	sor.u32 $0x16030, s0;
	v0 =	vld [tilespmem:s0+$0x4020]  }
0x565: {  	s3 =	sor.u32 $0x16000, s0;
	[tilespmem:s5+$0x0] =	vst.add.f32.msk $0xffff, v1  }
0x566: {  	s23 =	sor.u32 $0x16010, s0;
	[tilespmem:s3+$0x0] =	vst.add.f32.msk $0xffff, v2  }
0x567: {  	s6 =	sor.u32 $0x18030, s0;
	[tilespmem:s23+$0x0] =	vst.add.f32.msk $0xffff, v3  }
0x568: {  	s20 =	sor.u32 $0x18000, s0;
	[tilespmem:s6+$0x0] =	vst.add.f32.msk $0xffff, v1  }
0x569: {  	s24 =	sor.u32 $0x18010, s0;
	[tilespmem:s20+$0x0] =	vst.add.f32.msk $0xffff, v2  }
0x56a: {  	s7 =	sor.u32 $0x1A030, s0;
	[tilespmem:s24+$0x0] =	vst.add.f32.msk $0xffff, v3  }
0x56b: {  	s21 =	sor.u32 $0x1A000, s0;
	[tilespmem:s7+$0x0] =	vst.add.f32.msk $0xffff, v1  }
0x56c: {  	s25 =	sor.u32 $0x1A010, s0;
	[tilespmem:s21+$0x0] =	vst.add.f32.msk $0xffff, v2  }
0x56d: {  	s10 =	sor.u32 $0x1C030, s0;
	[tilespmem:s25+$0x0] =	vst.add.f32.msk $0xffff, v3  }
0x56e: {  	s31 =	simm.s32 $0x0;
	s26 =	sor.u32 $0x1C010, s0;
	s22 =	sor.u32 $0x1C000, s0;
	[tilespmem:s10+$0x0] =	vst.add.f32.msk $0xffff, v1  }
0x56f: {  	s29 =	sor.u32 $0x1C020, s0;
	s23 =	sor.u32 $0x18020, s0;
	s24 =	sor.u32 $0x16020, s0;
	[tilespmem:s22+$0x0] =	vst.add.f32.msk $0xffff, v2  }
0x570: {  	s20 =	simm.s32 $0x200;
	s21 =	simm.s32 $0x8;
	s22 =	sor.u32 $0x1A020, s0;
	[tilespmem:s26+$0x0] =	vst.add.f32.msk $0xffff, v3  }
.LBB2_30:
0x571: {  	s0 =	sand.u32 $0x1C00, s20;
	s2 =	sand.u32 $0x380, s21;
	[tilespmem:s24+$0x0] =	vst.add.f32.msk $0xffff, v0;
	s30 =	sadd.s32 $0x40, s30  }
0x572: {  	s3 =	sand.u32 $0x40, s30;
	s0 =	sor.u32 s2, s0;
	[tilespmem:s23+$0x0] =	vst.add.f32.msk $0xffff, v0  }
0x573: {  	s0 =	sor.u32 s3, s0;
	[tilespmem:s22+$0x0] =	vst.add.f32.msk $0xffff, v0  }
0x574: {  	s31 =	sadd.s32 $0x4, s31;
	s2 =	sor.u32 $0x16000, s0;
	s3 =	sor.u32 $0x18000, s0;
	v1 =	vld [tilespmem:s0+$0x4030]  }
0x575: {  	p0 =	slt.u32 s31, $0x1FC;
	s4 =	sor.u32 $0x1A000, s0;
	s5 =	sor.u32 $0x1C000, s0;
	v2 =	vld [tilespmem:s0+$0x4000]  }
0x576: {  	s6 =	sor.u32 $0x16010, s0;
	s7 =	sor.u32 $0x18010, s0;
	s10 =	sor.u32 $0x1A010, s0;
	v3 =	vld [tilespmem:s0+$0x4010]  }
0x577: {  	s25 =	sor.u32 $0x1C010, s0;
	s24 =	sor.u32 $0x16020, s0;
	s23 =	sor.u32 $0x18020, s0;
	v4 =	vld [tilespmem:s0+$0x4020]  }
0x578: {  	s22 =	sor.u32 $0x1A020, s0;
	s26 =	sor.u32 $0x16030, s0;
	[tilespmem:s29+$0x0] =	vst.add.f32.msk $0xffff, v0;
	s29 =	sor.u32 $0x1C020, s0  }
0x579: {  	[tilespmem:s26+$0x0] =	vst.add.f32.msk $0xffff, v1;
	s26 =	sor.u32 $0x18030, s0  }
0x57a: {  	[tilespmem:s26+$0x0] =	vst.add.f32.msk $0xffff, v1;
	s26 =	sor.u32 $0x1A030, s0  }
0x57b: {  	s0 =	sor.u32 $0x1C030, s0;
	[tilespmem:s26+$0x0] =	vst.add.f32.msk $0xffff, v1  }
0x57c: {  	[tilespmem:s0+$0x0] =	vst.add.f32.msk $0xffff, v1;
	v0 =	vmov v4  }
0x57d: {  	[tilespmem:s2+$0x0] =	vst.add.f32.msk $0xffff, v2  }
0x57e: {  	[tilespmem:s3+$0x0] =	vst.add.f32.msk $0xffff, v2  }
0x57f: {  	[tilespmem:s4+$0x0] =	vst.add.f32.msk $0xffff, v2  }
.Ltmp14:
0x580: {  	[tilespmem:s5+$0x0] =	vst.add.f32.msk $0xffff, v2;
	(pc) =	sbr.rel @p0 .LBB2_30-.Ltmp14, $4  }
0x581: {  	[tilespmem:s6+$0x0] =	vst.add.f32.msk $0xffff, v3  }
0x582: {  	[tilespmem:s7+$0x0] =	vst.add.f32.msk $0xffff, v3  }
0x583: {  	[tilespmem:s10+$0x0] =	vst.add.f32.msk $0xffff, v3  }
0x584: {  	s20 =	sadd.s32 $0x200, s20;
	s21 =	sadd.s32 $0x8, s21;
	[tilespmem:s25+$0x0] =	vst.add.f32.msk $0xffff, v3  }
0x585: {  	[tilespmem:s24+$0x0] =	vst.add.f32.msk $0xffff, v0  }
0x586: {  	[tilespmem:s23+$0x0] =	vst.add.f32.msk $0xffff, v0  }
0x587: {  	[tilespmem:s22+$0x0] =	vst.add.f32.msk $0xffff, v0  }
0x588: {  	[tilespmem:s29+$0x0] =	vst.add.f32.msk $0xffff, v0  }
0x589: {  	s0 =	sld [smem:$0x7F5];
	_ =	sdelay $0x1  }
0x58a: {  	s30 =	simm.s32 $0x0;
	s23 =	sld [smem:$0x7F6]  }
0x58b: {  	[hbm4b:s0+s30] =	stream.linear.scatter [tilespmem:s28], [sflag:$0x18], $0x2000, $0x38;
	[tilespmem:$0x1E000] =	vst v63  }
0x58c: {  	s2 =	simm.s32 $0x18000;
	s24 =	sld [smem:$0x7F7]  }
0x58d: {  	[hbm4b:s23+s30] =	stream.linear.scatter [tilespmem:s2], [sflag:$0x19], $0x2000, $0x38;
	[tilespmem:$0x1E000] =	vst v63  }
0x58e: {  	s25 =	sld [smem:$0x7F8]  }
0x58f: {  	[hbm4b:s24+s30] =	stream.linear.scatter [tilespmem:s11], [sflag:$0x1A], $0x2000, $0x38;
	[tilespmem:$0x1E000] =	vst v63  }
0x590: {  	s26 =	simm.s32 $0x1C000;
	s3 =	simm.s32 $0x1  }
0x591: {  	[hbm4b:s25+s30] =	stream.linear.scatter [tilespmem:s26], [sflag:$0x1B], $0x2000, $0x38;
	[tilespmem:$0x1E000] =	vst v63  }
0x592: {  	_ =	swait.ge [sflag:s3], $0x2000  }
0x593: {  	[sflag:s3] =	ssyncset.done $0x0  }
0x594: {  	[sflag:s3] =	ssyncadd.s32 $0xFFFFE000  }
0x595: {  	_ =	swait.ge [sflag:s12], $0x2000  }
0x596: {  	[sflag:s12] =	ssyncset.done $0x0  }
0x597: {  	[sflag:s12] =	ssyncadd.s32 $0xFFFFE000  }
0x598: {  	_ =	swait.ge [sflag:s13], $0x2000  }
0x599: {  	[sflag:s13] =	ssyncset.done $0x0  }
0x59a: {  	[sflag:s13] =	ssyncadd.s32 $0xFFFFE000  }
0x59b: {  	_ =	swait.ge [sflag:s14], $0x2000  }
0x59c: {  	[sflag:s14] =	ssyncset.done $0x0  }
0x59d: {  	[sflag:s14] =	ssyncadd.s32 $0xFFFFE000  }
0x59e: {  	s4 =	sand.u32 $0x1C00, s30;
	s5 =	sand.u32 $0x380, s30;
	_ =	swait.ge [sflag:s15], $0x2000  }
0x59f: {  	s0 =	sor.u32 s5, s4;
	s3 =	sand.u32 $0x40, s30;
	[sflag:s15] =	ssyncset.done $0x0  }
0x5a0: {  	s0 =	sor.u32 s3, s0;
	[sflag:s15] =	ssyncadd.s32 $0xFFFFE000  }
0x5a1: {  	v1 =	vld [tilespmem:s0+$0x30]  }
0x5a2: {  	v2 =	vld [tilespmem:s0+$0x0]  }
0x5a3: {  	v3 =	vld [tilespmem:s0+$0x10];
	_ =	sdelay $0x1  }
0x5a4: {  	s6 =	sor.u32 $0x6030, s0;
	v0 =	vld [tilespmem:s0+$0x20]  }
0x5a5: {  	s3 =	sor.u32 $0x6000, s0;
	[tilespmem:s6+$0x0] =	vst.add.f32.msk $0xffff, v1  }
0x5a6: {  	s24 =	sor.u32 $0x6010, s0;
	[tilespmem:s3+$0x0] =	vst.add.f32.msk $0xffff, v2  }
0x5a7: {  	s7 =	sor.u32 $0x8030, s0;
	[tilespmem:s24+$0x0] =	vst.add.f32.msk $0xffff, v3  }
0x5a8: {  	s21 =	sor.u32 $0x8000, s0;
	[tilespmem:s7+$0x0] =	vst.add.f32.msk $0xffff, v1  }
0x5a9: {  	s25 =	sor.u32 $0x8010, s0;
	[tilespmem:s21+$0x0] =	vst.add.f32.msk $0xffff, v2  }
0x5aa: {  	s10 =	sor.u32 $0xA030, s0;
	[tilespmem:s25+$0x0] =	vst.add.f32.msk $0xffff, v3  }
0x5ab: {  	s22 =	sor.u32 $0xA000, s0;
	[tilespmem:s10+$0x0] =	vst.add.f32.msk $0xffff, v1  }
0x5ac: {  	s26 =	sor.u32 $0xA010, s0;
	[tilespmem:s22+$0x0] =	vst.add.f32.msk $0xffff, v2  }
0x5ad: {  	s20 =	sor.u32 $0xC030, s0;
	[tilespmem:s26+$0x0] =	vst.add.f32.msk $0xffff, v3  }
0x5ae: {  	s31 =	simm.s32 $0x0;
	s23 =	sor.u32 $0xC000, s0;
	s4 =	sor.u32 $0xC010, s0;
	[tilespmem:s20+$0x0] =	vst.add.f32.msk $0xffff, v1  }
0x5af: {  	s29 =	sor.u32 $0xC020, s0;
	s24 =	sor.u32 $0x6020, s0;
	s21 =	simm.s32 $0x8;
	[tilespmem:s23+$0x0] =	vst.add.f32.msk $0xffff, v2  }
0x5b0: {  	s22 =	sor.u32 $0xA020, s0;
	s23 =	sor.u32 $0x8020, s0;
	[tilespmem:s4+$0x0] =	vst.add.f32.msk $0xffff, v3;
	s20 =	simm.s32 $0x200  }
.LBB2_32:
0x5b1: {  	s0 =	sand.u32 $0x1C00, s20;
	s2 =	sand.u32 $0x380, s21;
	[tilespmem:s24+$0x0] =	vst.add.f32.msk $0xffff, v0;
	s30 =	sadd.s32 $0x40, s30  }
0x5b2: {  	s3 =	sand.u32 $0x40, s30;
	s0 =	sor.u32 s2, s0;
	[tilespmem:s23+$0x0] =	vst.add.f32.msk $0xffff, v0  }
0x5b3: {  	s0 =	sor.u32 s3, s0;
	[tilespmem:s22+$0x0] =	vst.add.f32.msk $0xffff, v0  }
0x5b4: {  	s31 =	sadd.s32 $0x4, s31;
	s2 =	sor.u32 $0x6000, s0;
	s3 =	sor.u32 $0x8000, s0;
	v1 =	vld [tilespmem:s0+$0x30]  }
0x5b5: {  	p0 =	slt.u32 s31, $0x1FC;
	s4 =	sor.u32 $0xA000, s0;
	s5 =	sor.u32 $0xC000, s0;
	v2 =	vld [tilespmem:s0+$0x0]  }
0x5b6: {  	s6 =	sor.u32 $0x6010, s0;
	s7 =	sor.u32 $0x8010, s0;
	s10 =	sor.u32 $0xA010, s0;
	v3 =	vld [tilespmem:s0+$0x10]  }
0x5b7: {  	s25 =	sor.u32 $0xC010, s0;
	s24 =	sor.u32 $0x6020, s0;
	s23 =	sor.u32 $0x8020, s0;
	v4 =	vld [tilespmem:s0+$0x20]  }
0x5b8: {  	s22 =	sor.u32 $0xA020, s0;
	s26 =	sor.u32 $0x6030, s0;
	[tilespmem:s29+$0x0] =	vst.add.f32.msk $0xffff, v0;
	s29 =	sor.u32 $0xC020, s0  }
0x5b9: {  	[tilespmem:s26+$0x0] =	vst.add.f32.msk $0xffff, v1;
	s26 =	sor.u32 $0x8030, s0  }
0x5ba: {  	[tilespmem:s26+$0x0] =	vst.add.f32.msk $0xffff, v1;
	s26 =	sor.u32 $0xA030, s0  }
0x5bb: {  	s0 =	sor.u32 $0xC030, s0;
	[tilespmem:s26+$0x0] =	vst.add.f32.msk $0xffff, v1  }
0x5bc: {  	[tilespmem:s0+$0x0] =	vst.add.f32.msk $0xffff, v1;
	v0 =	vmov v4  }
0x5bd: {  	[tilespmem:s2+$0x0] =	vst.add.f32.msk $0xffff, v2  }
0x5be: {  	[tilespmem:s3+$0x0] =	vst.add.f32.msk $0xffff, v2  }
0x5bf: {  	[tilespmem:s4+$0x0] =	vst.add.f32.msk $0xffff, v2  }
.Ltmp15:
0x5c0: {  	[tilespmem:s5+$0x0] =	vst.add.f32.msk $0xffff, v2;
	(pc) =	sbr.rel @p0 .LBB2_32-.Ltmp15, $4  }
0x5c1: {  	[tilespmem:s6+$0x0] =	vst.add.f32.msk $0xffff, v3  }
0x5c2: {  	[tilespmem:s7+$0x0] =	vst.add.f32.msk $0xffff, v3  }
0x5c3: {  	[tilespmem:s10+$0x0] =	vst.add.f32.msk $0xffff, v3  }
0x5c4: {  	s20 =	sadd.s32 $0x200, s20;
	s21 =	sadd.s32 $0x8, s21;
	[tilespmem:s25+$0x0] =	vst.add.f32.msk $0xffff, v3  }
0x5c5: {  	[tilespmem:s24+$0x0] =	vst.add.f32.msk $0xffff, v0  }
0x5c6: {  	[tilespmem:s23+$0x0] =	vst.add.f32.msk $0xffff, v0  }
0x5c7: {  	[tilespmem:s22+$0x0] =	vst.add.f32.msk $0xffff, v0  }
0x5c8: {  	[tilespmem:s29+$0x0] =	vst.add.f32.msk $0xffff, v0  }
0x5c9: {  	s0 =	sld [smem:$0x7F9];
	_ =	sdelay $0x1  }
0x5ca: {  	s2 =	simm.s32 $0x6000;
	s10 =	sld [smem:$0x7FA]  }
0x5cb: {  	[hbm4b:s0+s1] =	stream.linear.scatter [tilespmem:s2], [sflag:$0x10], $0x2000, $0x38;
	[tilespmem:$0x1E000] =	vst v63  }
0x5cc: {  	s3 =	simm.s32 $0x8000;
	s20 =	sld [smem:$0x7FB]  }
0x5cd: {  	[hbm4b:s10+s1] =	stream.linear.scatter [tilespmem:s3], [sflag:$0x11], $0x2000, $0x38;
	[tilespmem:$0x1E000] =	vst v63  }
0x5ce: {  	s4 =	simm.s32 $0xA000;
	s21 =	sld [smem:$0x7FC]  }
0x5cf: {  	[hbm4b:s20+s1] =	stream.linear.scatter [tilespmem:s4], [sflag:$0x12], $0x2000, $0x38;
	[tilespmem:$0x1E000] =	vst v63  }
0x5d0: {  	s5 =	simm.s32 $0xC000  }
0x5d1: {  	[hbm4b:s21+s1] =	stream.linear.scatter [tilespmem:s5], [sflag:$0x13], $0x2000, $0x38;
	[tilespmem:$0x1E000] =	vst v63  }
0x5d2: {  	_ =	swait.ge [sflag:s16], $0x2000  }
0x5d3: {  	[sflag:s16] =	ssyncset.done $0x0  }
0x5d4: {  	[sflag:s16] =	ssyncadd.s32 $0xFFFFE000  }
0x5d5: {  	_ =	swait.ge [sflag:s17], $0x2000  }
0x5d6: {  	[sflag:s17] =	ssyncset.done $0x0  }
0x5d7: {  	[sflag:s17] =	ssyncadd.s32 $0xFFFFE000  }
0x5d8: {  	_ =	swait.ge [sflag:s18], $0x2000  }
0x5d9: {  	[sflag:s18] =	ssyncset.done $0x0  }
0x5da: {  	[sflag:s18] =	ssyncadd.s32 $0xFFFFE000  }
0x5db: {  	_ =	swait.ge [sflag:s19], $0x2000  }
0x5dc: {  	[sflag:s19] =	ssyncset.done $0x0  }
0x5dd: {  	s22 =	simm.s32 $0x14;
	[sflag:s19] =	ssyncadd.s32 $0xFFFFE000  }
0x5de: {  	_ =	swait.ge [sflag:s22], $0x2000  }
0x5df: {  	[sflag:s22] =	ssyncset.done $0x0  }
0x5e0: {  	s23 =	simm.s32 $0x15;
	[sflag:s22] =	ssyncadd.s32 $0xFFFFE000  }
0x5e1: {  	_ =	swait.ge [sflag:s23], $0x2000  }
0x5e2: {  	[sflag:s23] =	ssyncset.done $0x0  }
0x5e3: {  	s24 =	simm.s32 $0x16;
	[sflag:s23] =	ssyncadd.s32 $0xFFFFE000  }
0x5e4: {  	_ =	swait.ge [sflag:s24], $0x2000  }
0x5e5: {  	[sflag:s24] =	ssyncset.done $0x0  }
0x5e6: {  	s25 =	simm.s32 $0x17;
	[sflag:s24] =	ssyncadd.s32 $0xFFFFE000  }
0x5e7: {  	_ =	swait.ge [sflag:s25], $0x2000  }
0x5e8: {  	[sflag:s25] =	ssyncset.done $0x0  }
0x5e9: {  	s26 =	simm.s32 $0x18;
	[sflag:s25] =	ssyncadd.s32 $0xFFFFE000  }
0x5ea: {  	_ =	swait.ge [sflag:s26], $0x2000  }
0x5eb: {  	[sflag:s26] =	ssyncset.done $0x0  }
0x5ec: {  	s29 =	simm.s32 $0x19;
	[sflag:s26] =	ssyncadd.s32 $0xFFFFE000  }
0x5ed: {  	_ =	swait.ge [sflag:s29], $0x2000  }
0x5ee: {  	[sflag:s29] =	ssyncset.done $0x0  }
0x5ef: {  	s30 =	simm.s32 $0x1A;
	[sflag:s29] =	ssyncadd.s32 $0xFFFFE000  }
0x5f0: {  	_ =	swait.ge [sflag:s30], $0x2000  }
0x5f1: {  	[sflag:s30] =	ssyncset.done $0x0  }
0x5f2: {  	s6 =	simm.s32 $0x1B;
	[sflag:s30] =	ssyncadd.s32 $0xFFFFE000  }
0x5f3: {  	_ =	swait.ge [sflag:s6], $0x2000  }
0x5f4: {  	s7 =	sld [smem:$0x788]  }
0x5f5: {  	s31 =	sld [smem:$0x7FD];
	_ =	sdelay $0x1  }
0x5f6: {  	s7 =	sadd.s32 $0x1, s7  }
0x5f7: {  	p0 =	sne.s32 s7, s31  }
.Ltmp16:
0x5f8: {  	_ = 	snop;
	(pc) =	sbr.rel @p0 .LBB2_1-.Ltmp16, $3  }
0x5f9: {  	_ =	sdelay $0x1  }
0x5fa: {  	[sflag:s6] =	ssyncset.done $0x0  }
0x5fb: {  	[sflag:s6] =	ssyncadd.s32 $0xFFFFE000  }
0x5fc: {  	_ =	sfence.sel $0x180000  }
0x5fd: {  	[bflag:$0x0] =	sbarrier.arrive $0xFFFF  }
0x5fe: {  	_ =	strace $0x90000047  }
0x5ff: {  	s0 =	stileid.u32;
	[bflag:$0x2] =	sbarrier.arrive $0xFFFF  }
0x600: {  	p0 =	sne.s32 s0, $0x0;
	s0 =	rddreg [dreg:$0x3]  }
0x601: {  	s0 =	sadd.s32 @!p0 $0x100000, s0  }
0x602: {  	[sflag:s0] =	ssyncadd.tile.s32 @!p0 $0x1;
	_ =	shalt  }
.Lfunc_end2:
_tile_overlayer_lowered:
.L_overlay_start_2:
0x603: {  	(tag) =	ssettag $0x2  }
0x604: {  	s0 =	rddreg [dreg:$0x0];
	s2 =	stileid.u32  }
0x605: {  	s1 =	rddreg [dreg:$0x1];
	p0 =	sne.s32 s2, $0x0  }
0x606: {  	s3 =	rddreg [dreg:$0x2];
	[bflag:$0x3] =	sbarrier.arrive $0xFFFF;
	s2 =	simm.s32 @!p0 $0x1C1C  }
0x607: {  	[timem:s3], [sflag:s2] =	dma.local @!p0 [hbm:s0], s1  }
0x608: {  	s0 =	simm.s32 @!p0 $0x1C  }
0x609: {  	_ =	swait.ge @!p0 [sflag:s0], s1  }
0x60a: {  	s1 =	ssub.s32 @!p0 $0x0, s1;
	[sflag:s0] =	ssyncset.done @!p0 $0x0  }
0x60b: {  	[sflag:s0] =	ssyncadd.s32 @!p0 s1  }
0x60c: {  	[bflag:$0x3] =	sbarrier.arrive $0xFFFF  }
0x60d: {  	_ =	shalt  }

</sc_bundles>
